<compile_context>
chip_gen: v7x
topology: tpu7x:2x2x1
jax: 0.10.2.dev20260603
libtpu: 0.0.44.dev20260713+nightly
codegen_flags: <defaults>
</compile_context>

<pallas_src>
import functools

import jax
import jax.numpy as jnp
from jax import lax
from jax.experimental import pallas as pl
from jax.experimental.pallas import tpu as pltpu
from jax.experimental.pallas import tpu_sc as plsc

_N = 10000
_D = 128
_E = 320000
_R = 3
_K = 96
_NC = 2
_NS = 16
_NW = _NC * _NS
_EPT = _E // _NW
_FC = _EPT // _K
_REM = _EPT - _FC * _K
_NB = 3
_NG = 34
_ZR = 400
_CQ = _N // _ZR


def _sc_aggregate(x, e0, e1, e2, zeros):
    mesh = plsc.VectorSubcoreMesh(core_axis_name="c", subcore_axis_name="s")

    @functools.partial(
        pl.kernel,
        mesh=mesh,
        out_type=(
            jax.ShapeDtypeStruct((_R, _NC, _N, _D), jnp.float32),
            jax.ShapeDtypeStruct((_R * _CQ * _NW * _ZR,), jnp.float32),
        ),
        scratch_types=[
            [pltpu.VMEM((_K, _D), jnp.float32) for _ in range(_NB)],
            [pltpu.VMEM((_K,), jnp.int32) for _ in range(_NB)],
            [pltpu.VMEM((_K,), jnp.int32) for _ in range(_NB)],
            [pltpu.VMEM((_K,), jnp.int32) for _ in range(_NB)],
            pltpu.VMEM((_REM,), jnp.int32),
            pltpu.VMEM((_REM,), jnp.int32),
            pltpu.VMEM((_N,), jnp.float32),
            pltpu.VMEM_SHARED((_N, _D), jnp.float32),
            [pltpu.SemaphoreType.DMA for _ in range(_NB)],
            [pltpu.SemaphoreType.DMA for _ in range(_NB)],
            [pltpu.SemaphoreType.DMA for _ in range(_NB)],
            pltpu.SemaphoreType.DMA,
        ],
        compiler_params=pltpu.CompilerParams(needs_layout_passes=False),
    )
    def body(x_hbm, e0_hbm, e1_hbm, e2_hbm, zeros_hbm, agg_out, deg_out,
             rows, srcb, dstraw, dstb, src_rem, dst_rem, deg_v,
             agg_sh, sem_g, sem_s, sem_i, sem_z):
        c = lax.axis_index("c")
        s = lax.axis_index("s")
        wid = s * _NC + c
        z16 = jnp.zeros((16,), jnp.float32)
        one16 = jnp.ones((16,), jnp.float32)

        for r, e_hbm in enumerate((e0_hbm, e1_hbm, e2_hbm)):
            sbase = pl.multiple_of(wid * _EPT, 8)
            dbase = pl.multiple_of(_E + wid * _EPT, 8)

            def _idx_start(k, b):
                so = pl.multiple_of(sbase + k * _K, 8)
                do = pl.multiple_of(dbase + k * _K, 8)
                pltpu.async_copy(e_hbm.at[pl.ds(so, _K)], srcb[b], sem_i[b])
                pltpu.async_copy(e_hbm.at[pl.ds(do, _K)], dstraw[b], sem_i[b])

            def _idx_wait(k, b):
                so = pl.multiple_of(sbase + k * _K, 8)
                do = pl.multiple_of(dbase + k * _K, 8)
                pltpu.make_async_copy(e_hbm.at[pl.ds(so, _K)], srcb[b],
                                      sem_i[b]).wait()
                pltpu.make_async_copy(e_hbm.at[pl.ds(do, _K)], dstraw[b],
                                      sem_i[b]).wait()

            def _gather(b):
                pltpu.async_copy(x_hbm.at[srcb[b]], rows[b], sem_g[b])

            def _gather_wait(b):
                pltpu.make_async_copy(x_hbm.at[srcb[b]], rows[b],
                                      sem_g[b]).wait()

            def _scatter_wait(b):
                pltpu.make_async_copy(rows[b], agg_sh.at[dstb[b]],
                                      sem_s[b]).wait()

            def _stage(b):
                for j in range(_K // 16):
                    dj = dstraw[b][pl.ds(j * 16, 16)]
                    plsc.addupdate_scatter(deg_v, [dj], one16)
                    dstb[b][pl.ds(j * 16, 16)] = dj

            for b in range(_NB):
                _idx_start(b, b)
            _idx_wait(0, 0)
            _gather(0)

            for cq in range(2):
                q = cq * _NS + s

                @pl.when(q < _CQ)
                def _():
                    row = pl.multiple_of(q * _ZR, _ZR)
                    pltpu.async_copy(zeros_hbm, agg_sh.at[pl.ds(row, _ZR)],
                                     sem_z)

            def _zero_deg(i, carry):
                deg_v[pl.ds(i * 16, 16)] = z16
                return carry

            lax.fori_loop(0, _N // 16, _zero_deg, 0)
            for cq in range(2):
                q = cq * _NS + s

                @pl.when(q < _CQ)
                def _():
                    row = pl.multiple_of(q * _ZR, _ZR)
                    pltpu.make_async_copy(zeros_hbm,
                                          agg_sh.at[pl.ds(row, _ZR)],
                                          sem_z).wait()
            plsc.subcore_barrier()

            def _phase(k, b, g):
                nb = (b + 1) % _NB
                if b == 2:
                    _scatter_wait(nb)
                else:

                    @pl.when(g > 0)
                    def _():
                        _scatter_wait(nb)

                _idx_wait(k + 1, nb)
                _gather(nb)
                _gather_wait(b)
                _stage(b)
                pltpu.async_copy(rows[b], agg_sh.at[dstb[b]], sem_s[b],
                                 add=True)
                if b == 2:

                    @pl.when(g + 1 < _NG)
                    def _():
                        _idx_start(k + 3, b)
                else:
                    _idx_start(k + 3, b)

            def _group(g, carry):
                for b in range(_NB):
                    _phase(3 * g + b, b, g)
                return carry

            lax.fori_loop(0, _NG, _group, 0)

            ke = _NG * _NB
            _scatter_wait(1)
            _idx_wait(ke + 1, 1)
            _gather(1)
            _gather_wait(0)
            _stage(0)
            pltpu.async_copy(rows[0], agg_sh.at[dstb[0]], sem_s[0], add=True)
            _scatter_wait(2)
            _gather_wait(1)
            _stage(1)
            pltpu.async_copy(rows[1], agg_sh.at[dstb[1]], sem_s[1], add=True)
            _scatter_wait(0)
            roffs = pl.multiple_of(sbase + _FC * _K, 8)
            roffd = pl.multiple_of(dbase + _FC * _K, 8)
            pltpu.sync_copy(e_hbm.at[pl.ds(roffs, _REM)], src_rem)
            pltpu.sync_copy(e_hbm.at[pl.ds(roffd, _REM)], dst_rem)
            rows_rem = rows[2].at[pl.ds(0, _REM)]
            pltpu.async_copy(x_hbm.at[src_rem], rows_rem, sem_g[2]).wait()
            dj = dst_rem[...]
            plsc.addupdate_scatter(deg_v, [dj], one16)
            pltpu.async_copy(rows_rem, agg_sh.at[dst_rem], sem_s[2], add=True)
            _scatter_wait(1)
            pltpu.make_async_copy(rows_rem, agg_sh.at[dst_rem],
                                  sem_s[2]).wait()
            plsc.subcore_barrier()

            for cq in range(2):
                q = cq * _NS + s

                @pl.when(q < _CQ)
                def _():
                    row = pl.multiple_of(q * _ZR, _ZR)
                    pltpu.async_copy(agg_sh.at[pl.ds(row, _ZR)],
                                     agg_out.at[r, c, pl.ds(row, _ZR)],
                                     sem_z)

            for q in range(_CQ):
                off = pl.multiple_of(((r * _CQ + q) * _NW + wid) * _ZR, 8)
                pltpu.async_copy(deg_v.at[pl.ds(q * _ZR, _ZR)],
                                 deg_out.at[pl.ds(off, _ZR)], sem_z)
            for cq in range(2):
                q = cq * _NS + s

                @pl.when(q < _CQ)
                def _():
                    row = pl.multiple_of(q * _ZR, _ZR)
                    pltpu.make_async_copy(agg_sh.at[pl.ds(row, _ZR)],
                                          agg_out.at[r, c, pl.ds(row, _ZR)],
                                          sem_z).wait()
            for q in range(_CQ):
                off = pl.multiple_of(((r * _CQ + q) * _NW + wid) * _ZR, 8)
                pltpu.make_async_copy(deg_v.at[pl.ds(q * _ZR, _ZR)],
                                      deg_out.at[pl.ds(off, _ZR)],
                                      sem_z).wait()

    return body(x, e0, e1, e2, zeros)


_BN = 400
_GB = _N // _BN


def _tc_dense(x, agg, deg, ws0, ws1, ws2, wn0, wn1, wn2, b0, b1, b2):
    def body(x_ref, agg_ref, deg_ref, ws0_r, ws1_r, ws2_r,
             wn0_r, wn1_r, wn2_r, b0_r, b1_r, b2_r, out_ref):
        xb = x_ref[...]
        acc = jnp.dot(xb, ws0_r[...] + ws1_r[...] + ws2_r[...],
                      preferred_element_type=jnp.float32)
        degs = jnp.sum(deg_ref[...], axis=(1, 2))
        inv = 1.0 / jnp.maximum(degs, 1.0)
        ag = agg_ref[...]
        for r, wn_r in enumerate((wn0_r, wn1_r, wn2_r)):
            h = (ag[r, 0] + ag[r, 1]) * inv[r][:, None]
            acc = acc + jnp.dot(h, wn_r[...],
                                preferred_element_type=jnp.float32)
        acc = acc + (b0_r[...] + b1_r[...] + b2_r[...])[None, :]
        out_ref[...] = acc

    wspec = pl.BlockSpec((_D, _D), lambda i: (0, 0))
    bspec = pl.BlockSpec((_D,), lambda i: (0,))
    return pl.pallas_call(
        body,
        grid=(_GB,),
        in_specs=[
            pl.BlockSpec((_BN, _D), lambda i: (i, 0)),
            pl.BlockSpec((_R, _NC, _BN, _D), lambda i: (0, 0, i, 0)),
            pl.BlockSpec((_R, 1, _NW, _ZR), lambda i: (0, i, 0, 0)),
            wspec, wspec, wspec, wspec, wspec, wspec,
            bspec, bspec, bspec,
        ],
        out_specs=pl.BlockSpec((_BN, _D), lambda i: (i, 0)),
        out_shape=jax.ShapeDtypeStruct((_N, _D), jnp.float32),
    )(x, agg, deg, ws0, ws1, ws2, wn0, wn1, wn2, b0, b1, b2)


def kernel(x, edge_index_r0, edge_index_r1, edge_index_r2,
           W_self_r0, W_neigh_r0, b_r0,
           W_self_r1, W_neigh_r1, b_r1,
           W_self_r2, W_neigh_r2, b_r2):
    e0 = edge_index_r0.reshape(-1)
    e1 = edge_index_r1.reshape(-1)
    e2 = edge_index_r2.reshape(-1)
    zeros = jnp.zeros((_ZR, _D), jnp.float32)
    agg, deg_flat = _sc_aggregate(x, e0, e1, e2, zeros)
    deg = deg_flat.reshape(_R, _CQ, _NW, _ZR)
    return _tc_dense(x, agg, deg, W_self_r0, W_self_r1, W_self_r2,
                     W_neigh_r0, W_neigh_r1, W_neigh_r2, b_r0, b_r1, b_r2)

# --- scband reference (transcript-rebuilt; emitter-appended) ---
"""Pipeline reference for scband-rsage-layer-5729486373122 (READ-ONLY COPY).

The authoritative reference and input builder live on the scoring server;
editing this copy changes nothing except your own understanding.
"""

import jax, jax.numpy as jnp
import numpy as np

N = 10000
E = 320000
D = 128
RELS = ["r0", "r1", "r2"]


def setup_inputs(seed: int = 0) -> dict:
    key = jax.random.key(seed)
    ks = jax.random.split(key, 16)
    inp = {}
    inp["x"] = jax.random.normal(ks[0], (N, D), dtype=jnp.float32)
    for i, r in enumerate(RELS):
        inp[f"edge_index_{r}"] = jax.random.randint(ks[1 + i], (2, E), 0, N, dtype=jnp.int32)
    # SAGEConv params per relation: fc_self (no bias), fc_neigh (no bias), shared bias vector
    scale = 1.0 / np.sqrt(D)
    for i, r in enumerate(RELS):
        inp[f"W_self_{r}"] = jax.random.normal(ks[4 + 3 * i], (D, D), dtype=jnp.float32) * scale
        inp[f"W_neigh_{r}"] = jax.random.normal(ks[5 + 3 * i], (D, D), dtype=jnp.float32) * scale
        inp[f"b_{r}"] = jnp.zeros((D,), dtype=jnp.float32)
    return inp


def _sage_rel(x, edge_index, W_self, W_neigh, b):
    # DGL SAGEConv, aggregator_type='mean':
    #   h_neigh = mean_{u in N(v)} x_u  (0 for isolated dst nodes)
    #   out = fc_self(x_v) + fc_neigh(h_neigh) + bias
    src = edge_index[0]
    dst = edge_index[1]
    msg = jnp.take(x, src, axis=0)                       # gather  [E, D]
    agg = jax.ops.segment_sum(msg, dst, num_segments=N)  # scatter-add [N, D]
    deg = jax.ops.segment_sum(jnp.ones((edge_index.shape[1],), jnp.float32), dst, num_segments=N)
    h_neigh = agg / jnp.clip(deg, 1.0, None)[:, None]
    return x @ W_self + h_neigh @ W_neigh + b


def reference(x,
              edge_index_r0, edge_index_r1, edge_index_r2,
              W_self_r0, W_neigh_r0, b_r0,
              W_self_r1, W_neigh_r1, b_r1,
              W_self_r2, W_neigh_r2, b_r2):
    # HeteroGraphConv with default 'sum' cross-relation aggregation, single node type.
    out = _sage_rel(x, edge_index_r0, W_self_r0, W_neigh_r0, b_r0)
    out = out + _sage_rel(x, edge_index_r1, W_self_r1, W_neigh_r1, b_r1)
    out = out + _sage_rel(x, edge_index_r2, W_self_r2, W_neigh_r2, b_r2)
    # dropout p=0.0 and activation=None are no-ops; .squeeze() is a no-op on [N, D]
    return out

if __name__ == "__main__":
    import jax
    _d = setup_inputs()
    print(jax.jit(kernel)(*tuple(_d.values())))

</pallas_src>

<mosaic_0001>
#map = affine_map<(d0, d1) -> (0, 0)>
#map1 = affine_map<(d0, d1) -> (0)>
#map2 = affine_map<(d0, d1) -> (0, 0, 0, 0)>
module attributes {stable_mosaic.version = 14 : i64} {
  func.func @body(%arg0: i32, %arg1: i32, %arg2: memref<10000x128xf32, #tpu.memory_space<hbm>>, %arg3: memref<640000xi32, #tpu.memory_space<hbm>>, %arg4: memref<640000xi32, #tpu.memory_space<hbm>>, %arg5: memref<640000xi32, #tpu.memory_space<hbm>>, %arg6: memref<400x128xf32, #tpu.memory_space<hbm>>, %arg7: memref<3x2x10000x128xf32, #tpu.memory_space<hbm>>, %arg8: memref<960000xf32, #tpu.memory_space<hbm>>, %arg9: memref<96x128xf32, #tpu.memory_space<vmem>>, %arg10: memref<96x128xf32, #tpu.memory_space<vmem>>, %arg11: memref<96x128xf32, #tpu.memory_space<vmem>>, %arg12: memref<96xi32, #tpu.memory_space<vmem>>, %arg13: memref<96xi32, #tpu.memory_space<vmem>>, %arg14: memref<96xi32, #tpu.memory_space<vmem>>, %arg15: memref<96xi32, #tpu.memory_space<vmem>>, %arg16: memref<96xi32, #tpu.memory_space<vmem>>, %arg17: memref<96xi32, #tpu.memory_space<vmem>>, %arg18: memref<96xi32, #tpu.memory_space<vmem>>, %arg19: memref<96xi32, #tpu.memory_space<vmem>>, %arg20: memref<96xi32, #tpu.memory_space<vmem>>, %arg21: memref<16xi32, #tpu.memory_space<vmem>>, %arg22: memref<16xi32, #tpu.memory_space<vmem>>, %arg23: memref<10000xf32, #tpu.memory_space<vmem>>, %arg24: memref<10000x128xf32, #tpu.memory_space<vmem_shared>>, %arg25: memref<!tpu.dma_semaphore, #tpu.memory_space<semaphore_mem>>, %arg26: memref<!tpu.dma_semaphore, #tpu.memory_space<semaphore_mem>>, %arg27: memref<!tpu.dma_semaphore, #tpu.memory_space<semaphore_mem>>, %arg28: memref<!tpu.dma_semaphore, #tpu.memory_space<semaphore_mem>>, %arg29: memref<!tpu.dma_semaphore, #tpu.memory_space<semaphore_mem>>, %arg30: memref<!tpu.dma_semaphore, #tpu.memory_space<semaphore_mem>>, %arg31: memref<!tpu.dma_semaphore, #tpu.memory_space<semaphore_mem>>, %arg32: memref<!tpu.dma_semaphore, #tpu.memory_space<semaphore_mem>>, %arg33: memref<!tpu.dma_semaphore, #tpu.memory_space<semaphore_mem>>, %arg34: memref<!tpu.dma_semaphore, #tpu.memory_space<semaphore_mem>>) attributes {dimension_semantics = [#tpu.dimension_semantics<core_parallel>, #tpu.dimension_semantics<subcore_parallel>], iteration_bounds = array<i64: 2, 16>, scalar_prefetch = 0 : i64, scratch_operands = 26 : i64, tpu.core_type = #tpu.core_type<sc_vector_subcore>, window_params = [{transform_indices = #map}, {transform_indices = #map1}, {transform_indices = #map1}, {transform_indices = #map1}, {transform_indices = #map}, {transform_indices = #map2}, {transform_indices = #map1}]} {
    %mul3A = arith.constant 2 : i32
    %mul3A_0 = arith.muli %arg1, %mul3A : i32
    %add3A = arith.addi %mul3A_0, %arg0 : i32
    %broadcast_in_dim3A = arith.constant 0.000000e+00 : f32
    %broadcast_in_dim3A_1 = vector.broadcast %broadcast_in_dim3A : f32 to vector<16xf32>
    %broadcast_in_dim3A_2 = arith.constant 1.000000e+00 : f32
    %broadcast_in_dim3A_3 = vector.broadcast %broadcast_in_dim3A_2 : f32 to vector<16xf32>
    %mul3A_4 = arith.constant 10000 : i32
    %mul3A_5 = arith.muli %add3A, %mul3A_4 : i32
    %multiple_of3A = tpu.assume_multiple %mul3A_5, 8 : i32
    %mul3A_6 = arith.constant 10000 : i32
    %mul3A_7 = arith.muli %add3A, %mul3A_6 : i32
    %add3A_8 = arith.constant 320000 : i32
    %add3A_9 = arith.addi %add3A_8, %mul3A_7 : i32
    %multiple_of3A_10 = tpu.assume_multiple %add3A_9, 8 : i32
    %add3A_11 = arith.constant 0 : i32
    %add3A_12 = arith.addi %multiple_of3A, %add3A_11 : i32
    %multiple_of3A_13 = tpu.assume_multiple %add3A_12, 8 : i32
    %add3A_14 = arith.constant 0 : i32
    %add3A_15 = arith.addi %multiple_of3A_10, %add3A_14 : i32
    %multiple_of3A_16 = tpu.assume_multiple %add3A_15, 8 : i32
    %dma_start3A = tpu.memref_slice %arg3[%multiple_of3A_13] : memref<640000xi32, #tpu.memory_space<hbm>> -> memref<96xi32, #tpu.memory_space<hbm>>
    %dma_start3A_17 = tpu.memref_slice %arg3[%multiple_of3A_13] : memref<640000xi32, #tpu.memory_space<hbm>> -> memref<96xi32, #tpu.memory_space<hbm>>
    tpu.enqueue_dma source(%dma_start3A_17 : memref<96xi32, #tpu.memory_space<hbm>>) target(%arg12 : memref<96xi32, #tpu.memory_space<vmem>>) target_semaphore(%arg31 : memref<!tpu.dma_semaphore, #tpu.memory_space<semaphore_mem>>)
    %dma_start3A_18 = tpu.memref_slice %arg3[%multiple_of3A_16] : memref<640000xi32, #tpu.memory_space<hbm>> -> memref<96xi32, #tpu.memory_space<hbm>>
    %dma_start3A_19 = tpu.memref_slice %arg3[%multiple_of3A_16] : memref<640000xi32, #tpu.memory_space<hbm>> -> memref<96xi32, #tpu.memory_space<hbm>>
    tpu.enqueue_dma source(%dma_start3A_19 : memref<96xi32, #tpu.memory_space<hbm>>) target(%arg15 : memref<96xi32, #tpu.memory_space<vmem>>) target_semaphore(%arg31 : memref<!tpu.dma_semaphore, #tpu.memory_space<semaphore_mem>>)
    %add3A_20 = arith.constant 96 : i32
    %add3A_21 = arith.addi %multiple_of3A, %add3A_20 : i32
    %multiple_of3A_22 = tpu.assume_multiple %add3A_21, 8 : i32
    %add3A_23 = arith.constant 96 : i32
    %add3A_24 = arith.addi %multiple_of3A_10, %add3A_23 : i32
    %multiple_of3A_25 = tpu.assume_multiple %add3A_24, 8 : i32
    %dma_start3A_26 = tpu.memref_slice %arg3[%multiple_of3A_22] : memref<640000xi32, #tpu.memory_space<hbm>> -> memref<96xi32, #tpu.memory_space<hbm>>
    %dma_start3A_27 = tpu.memref_slice %arg3[%multiple_of3A_22] : memref<640000xi32, #tpu.memory_space<hbm>> -> memref<96xi32, #tpu.memory_space<hbm>>
    tpu.enqueue_dma source(%dma_start3A_27 : memref<96xi32, #tpu.memory_space<hbm>>) target(%arg13 : memref<96xi32, #tpu.memory_space<vmem>>) target_semaphore(%arg32 : memref<!tpu.dma_semaphore, #tpu.memory_space<semaphore_mem>>)
    %dma_start3A_28 = tpu.memref_slice %arg3[%multiple_of3A_25] : memref<640000xi32, #tpu.memory_space<hbm>> -> memref<96xi32, #tpu.memory_space<hbm>>
    %dma_start3A_29 = tpu.memref_slice %arg3[%multiple_of3A_25] : memref<640000xi32, #tpu.memory_space<hbm>> -> memref<96xi32, #tpu.memory_space<hbm>>
    tpu.enqueue_dma source(%dma_start3A_29 : memref<96xi32, #tpu.memory_space<hbm>>) target(%arg16 : memref<96xi32, #tpu.memory_space<vmem>>) target_semaphore(%arg32 : memref<!tpu.dma_semaphore, #tpu.memory_space<semaphore_mem>>)
    %add3A_30 = arith.constant 192 : i32
    %add3A_31 = arith.addi %multiple_of3A, %add3A_30 : i32
    %multiple_of3A_32 = tpu.assume_multiple %add3A_31, 8 : i32
    %add3A_33 = arith.constant 192 : i32
    %add3A_34 = arith.addi %multiple_of3A_10, %add3A_33 : i32
    %multiple_of3A_35 = tpu.assume_multiple %add3A_34, 8 : i32
    %dma_start3A_36 = tpu.memref_slice %arg3[%multiple_of3A_32] : memref<640000xi32, #tpu.memory_space<hbm>> -> memref<96xi32, #tpu.memory_space<hbm>>
    %dma_start3A_37 = tpu.memref_slice %arg3[%multiple_of3A_32] : memref<640000xi32, #tpu.memory_space<hbm>> -> memref<96xi32, #tpu.memory_space<hbm>>
    tpu.enqueue_dma source(%dma_start3A_37 : memref<96xi32, #tpu.memory_space<hbm>>) target(%arg14 : memref<96xi32, #tpu.memory_space<vmem>>) target_semaphore(%arg33 : memref<!tpu.dma_semaphore, #tpu.memory_space<semaphore_mem>>)
    %dma_start3A_38 = tpu.memref_slice %arg3[%multiple_of3A_35] : memref<640000xi32, #tpu.memory_space<hbm>> -> memref<96xi32, #tpu.memory_space<hbm>>
    %dma_start3A_39 = tpu.memref_slice %arg3[%multiple_of3A_35] : memref<640000xi32, #tpu.memory_space<hbm>> -> memref<96xi32, #tpu.memory_space<hbm>>
    tpu.enqueue_dma source(%dma_start3A_39 : memref<96xi32, #tpu.memory_space<hbm>>) target(%arg17 : memref<96xi32, #tpu.memory_space<vmem>>) target_semaphore(%arg33 : memref<!tpu.dma_semaphore, #tpu.memory_space<semaphore_mem>>)
    %add3A_40 = arith.constant 0 : i32
    %add3A_41 = arith.addi %multiple_of3A, %add3A_40 : i32
    %multiple_of3A_42 = tpu.assume_multiple %add3A_41, 8 : i32
    %add3A_43 = arith.constant 0 : i32
    %add3A_44 = arith.addi %multiple_of3A_10, %add3A_43 : i32
    %multiple_of3A_45 = tpu.assume_multiple %add3A_44, 8 : i32
    %dma_wait3A = tpu.memref_slice %arg3[%multiple_of3A_42] : memref<640000xi32, #tpu.memory_space<hbm>> -> memref<96xi32, #tpu.memory_space<hbm>>
    %dma_wait3A_46 = tpu.memref_slice %arg3[%multiple_of3A_42] : memref<640000xi32, #tpu.memory_space<hbm>> -> memref<96xi32, #tpu.memory_space<hbm>>
    tpu.wait_dma2 semaphore(%arg31 : memref<!tpu.dma_semaphore, #tpu.memory_space<semaphore_mem>>) src(%dma_wait3A_46 : memref<96xi32, #tpu.memory_space<hbm>>) dst(%arg12 : memref<96xi32, #tpu.memory_space<vmem>>)
    %dma_wait3A_47 = tpu.memref_slice %arg3[%multiple_of3A_45] : memref<640000xi32, #tpu.memory_space<hbm>> -> memref<96xi32, #tpu.memory_space<hbm>>
    %dma_wait3A_48 = tpu.memref_slice %arg3[%multiple_of3A_45] : memref<640000xi32, #tpu.memory_space<hbm>> -> memref<96xi32, #tpu.memory_space<hbm>>
    tpu.wait_dma2 semaphore(%arg31 : memref<!tpu.dma_semaphore, #tpu.memory_space<semaphore_mem>>) src(%dma_wait3A_48 : memref<96xi32, #tpu.memory_space<hbm>>) dst(%arg15 : memref<96xi32, #tpu.memory_space<vmem>>)
    %dma_start3A_49 = arith.constant 0 : i32
    %dma_start3A_50 = arith.constant 0 : i32
    %dma_start3A_51 = tpu.memref_slice %arg2[%dma_start3A_49, %dma_start3A_50] : memref<10000x128xf32, #tpu.memory_space<hbm>> -> memref<10000x128xf32, #tpu.memory_space<hbm>>
    tpu.enqueue_indirect_dma source(%dma_start3A_51 : memref<10000x128xf32, #tpu.memory_space<hbm>>) target(%arg9 : memref<96x128xf32, #tpu.memory_space<vmem>>) offsets(%arg12 : memref<96xi32, #tpu.memory_space<vmem>>) semaphore(%arg25 : memref<!tpu.dma_semaphore, #tpu.memory_space<semaphore_mem>>)
    %add3A_52 = arith.constant 0 : i32
    %add3A_53 = arith.addi %add3A_52, %arg1 : i32
    %lt3A = arith.constant 25 : i32
    %lt3A_54 = arith.cmpi slt, %add3A_53, %lt3A : i32
    %convert_element_type3A = arith.extui %lt3A_54 : i1 to i32
    %cond3A = arith.constant 0 : i32
    %cond3A_55 = arith.cmpi ne, %convert_element_type3A, %cond3A : i32
    scf.if %cond3A_55 {
      %mul3A_2358 = arith.constant 400 : i32
      %mul3A_2359 = arith.muli %add3A_53, %mul3A_2358 : i32
      %multiple_of3A_2360 = tpu.assume_multiple %mul3A_2359, 400 : i32
      %dma_start3A_2361 = arith.constant 0 : i32
      %dma_start3A_2362 = tpu.memref_slice %arg24[%multiple_of3A_2360, %dma_start3A_2361] : memref<10000x128xf32, #tpu.memory_space<vmem_shared>> -> memref<400x128xf32, #tpu.memory_space<vmem_shared>>
      tpu.enqueue_dma source(%arg6 : memref<400x128xf32, #tpu.memory_space<hbm>>) target(%dma_start3A_2362 : memref<400x128xf32, #tpu.memory_space<vmem_shared>>) target_semaphore(%arg34 : memref<!tpu.dma_semaphore, #tpu.memory_space<semaphore_mem>>)
    } else {
    }
    %add3A_56 = arith.constant 16 : i32
    %add3A_57 = arith.addi %add3A_56, %arg1 : i32
    %lt3A_58 = arith.constant 25 : i32
    %lt3A_59 = arith.cmpi slt, %add3A_57, %lt3A_58 : i32
    %convert_element_type3A_60 = arith.extui %lt3A_59 : i1 to i32
    %cond3A_61 = arith.constant 0 : i32
    %cond3A_62 = arith.cmpi ne, %convert_element_type3A_60, %cond3A_61 : i32
    scf.if %cond3A_62 {
      %mul3A_2358 = arith.constant 400 : i32
      %mul3A_2359 = arith.muli %add3A_57, %mul3A_2358 : i32
      %multiple_of3A_2360 = tpu.assume_multiple %mul3A_2359, 400 : i32
      %dma_start3A_2361 = arith.constant 0 : i32
      %dma_start3A_2362 = tpu.memref_slice %arg24[%multiple_of3A_2360, %dma_start3A_2361] : memref<10000x128xf32, #tpu.memory_space<vmem_shared>> -> memref<400x128xf32, #tpu.memory_space<vmem_shared>>
      tpu.enqueue_dma source(%arg6 : memref<400x128xf32, #tpu.memory_space<hbm>>) target(%dma_start3A_2362 : memref<400x128xf32, #tpu.memory_space<vmem_shared>>) target_semaphore(%arg34 : memref<!tpu.dma_semaphore, #tpu.memory_space<semaphore_mem>>)
    } else {
    }
    %scan3A = arith.constant 0 : i32
    %scan3A_63 = arith.constant 0 : i32
    %scan3A_64 = arith.constant 625 : i32
    %scan3A_65 = arith.addi %scan3A_63, %scan3A_64 : i32
    %scan3A_66 = arith.constant 1 : i32
    scf.for %scan3A_2358 = %scan3A_63 to %scan3A_65 step %scan3A_66  : i32 {
      %mul3A_2359 = arith.constant 16 : i32
      %mul3A_2360 = arith.muli %scan3A_2358, %mul3A_2359 : i32
      %swap3A_2361 = arith.index_cast %mul3A_2360 : i32 to index
      %swap3A_2362 = tpu.vector_load %arg23[%swap3A_2361] {strides = array<i32>} : memref<10000xf32, #tpu.memory_space<vmem>>, vector<16xf32>,
      tpu.vector_store %arg23[%swap3A_2361], %broadcast_in_dim3A_1 {strides = array<i32>} : memref<10000xf32, #tpu.memory_space<vmem>>, vector<16xf32>,
    }
    %scan3A_67 = arith.constant 625 : i32
    %add3A_68 = arith.constant 0 : i32
    %add3A_69 = arith.addi %add3A_68, %arg1 : i32
    %lt3A_70 = arith.constant 25 : i32
    %lt3A_71 = arith.cmpi slt, %add3A_69, %lt3A_70 : i32
    %convert_element_type3A_72 = arith.extui %lt3A_71 : i1 to i32
    %cond3A_73 = arith.constant 0 : i32
    %cond3A_74 = arith.cmpi ne, %convert_element_type3A_72, %cond3A_73 : i32
    scf.if %cond3A_74 {
      %mul3A_2358 = arith.constant 400 : i32
      %mul3A_2359 = arith.muli %add3A_69, %mul3A_2358 : i32
      %multiple_of3A_2360 = tpu.assume_multiple %mul3A_2359, 400 : i32
      %dma_wait3A_2361 = arith.constant 0 : i32
      %dma_wait3A_2362 = tpu.memref_slice %arg24[%multiple_of3A_2360, %dma_wait3A_2361] : memref<10000x128xf32, #tpu.memory_space<vmem_shared>> -> memref<400x128xf32, #tpu.memory_space<vmem_shared>>
      tpu.wait_dma2 semaphore(%arg34 : memref<!tpu.dma_semaphore, #tpu.memory_space<semaphore_mem>>) src(%arg6 : memref<400x128xf32, #tpu.memory_space<hbm>>) dst(%dma_wait3A_2362 : memref<400x128xf32, #tpu.memory_space<vmem_shared>>)
    } else {
    }
    %add3A_75 = arith.constant 16 : i32
    %add3A_76 = arith.addi %add3A_75, %arg1 : i32
    %lt3A_77 = arith.constant 25 : i32
    %lt3A_78 = arith.cmpi slt, %add3A_76, %lt3A_77 : i32
    %convert_element_type3A_79 = arith.extui %lt3A_78 : i1 to i32
    %cond3A_80 = arith.constant 0 : i32
    %cond3A_81 = arith.cmpi ne, %convert_element_type3A_79, %cond3A_80 : i32
    scf.if %cond3A_81 {
      %mul3A_2358 = arith.constant 400 : i32
      %mul3A_2359 = arith.muli %add3A_76, %mul3A_2358 : i32
      %multiple_of3A_2360 = tpu.assume_multiple %mul3A_2359, 400 : i32
      %dma_wait3A_2361 = arith.constant 0 : i32
      %dma_wait3A_2362 = tpu.memref_slice %arg24[%multiple_of3A_2360, %dma_wait3A_2361] : memref<10000x128xf32, #tpu.memory_space<vmem_shared>> -> memref<400x128xf32, #tpu.memory_space<vmem_shared>>
      tpu.wait_dma2 semaphore(%arg34 : memref<!tpu.dma_semaphore, #tpu.memory_space<semaphore_mem>>) src(%arg6 : memref<400x128xf32, #tpu.memory_space<hbm>>) dst(%dma_wait3A_2362 : memref<400x128xf32, #tpu.memory_space<vmem_shared>>)
    } else {
    }
    %barrier3A = arith.constant 0 : index
    tpu.barrier barrier_id(%barrier3A)
    %scan3A_82 = arith.constant 0 : i32
    %scan3A_83 = arith.constant 0 : i32
    %scan3A_84 = arith.constant 34 : i32
    %scan3A_85 = arith.addi %scan3A_83, %scan3A_84 : i32
    %scan3A_86 = arith.constant 1 : i32
    scf.for %scan3A_2358 = %scan3A_83 to %scan3A_85 step %scan3A_86  : i32 {
      %mul3A_2359 = arith.constant 3 : i32
      %mul3A_2360 = arith.muli %mul3A_2359, %scan3A_2358 : i32
      %add3A_2361 = arith.constant 0 : i32
      %add3A_2362 = arith.addi %mul3A_2360, %add3A_2361 : i32
      %gt3A = arith.constant 0 : i32
      %gt3A_2363 = arith.cmpi sgt, %scan3A_2358, %gt3A : i32
      %convert_element_type3A_2364 = arith.extui %gt3A_2363 : i1 to i32
      %cond3A_2365 = arith.constant 0 : i32
      %cond3A_2366 = arith.cmpi ne, %convert_element_type3A_2364, %cond3A_2365 : i32
      scf.if %cond3A_2366 {
        %dma_wait3A_2559 = arith.constant 0 : i32
        %dma_wait3A_2560 = arith.constant 0 : i32
        %dma_wait3A_2561 = tpu.memref_slice %arg24[%dma_wait3A_2559, %dma_wait3A_2560] : memref<10000x128xf32, #tpu.memory_space<vmem_shared>> -> memref<10000x128xf32, #tpu.memory_space<vmem_shared>>
        tpu.wait_indirect_dma semaphore(%arg29 : memref<!tpu.dma_semaphore, #tpu.memory_space<semaphore_mem>>) src(%arg10 : memref<96x128xf32, #tpu.memory_space<vmem>>) dst(%dma_wait3A_2561 : memref<10000x128xf32, #tpu.memory_space<vmem_shared>>)
      } else {
      }
      %add3A_2367 = arith.constant 1 : i32
      %add3A_2368 = arith.addi %add3A_2362, %add3A_2367 : i32
      %mul3A_2369 = arith.constant 96 : i32
      %mul3A_2370 = arith.muli %add3A_2368, %mul3A_2369 : i32
      %add3A_2371 = arith.addi %multiple_of3A, %mul3A_2370 : i32
      %multiple_of3A_2372 = tpu.assume_multiple %add3A_2371, 8 : i32
      %mul3A_2373 = arith.constant 96 : i32
      %mul3A_2374 = arith.muli %add3A_2368, %mul3A_2373 : i32
      %add3A_2375 = arith.addi %multiple_of3A_10, %mul3A_2374 : i32
      %multiple_of3A_2376 = tpu.assume_multiple %add3A_2375, 8 : i32
      %dma_wait3A_2377 = tpu.memref_slice %arg3[%multiple_of3A_2372] : memref<640000xi32, #tpu.memory_space<hbm>> -> memref<96xi32, #tpu.memory_space<hbm>>
      %dma_wait3A_2378 = tpu.memref_slice %arg3[%multiple_of3A_2372] : memref<640000xi32, #tpu.memory_space<hbm>> -> memref<96xi32, #tpu.memory_space<hbm>>
      tpu.wait_dma2 semaphore(%arg32 : memref<!tpu.dma_semaphore, #tpu.memory_space<semaphore_mem>>) src(%dma_wait3A_2378 : memref<96xi32, #tpu.memory_space<hbm>>) dst(%arg13 : memref<96xi32, #tpu.memory_space<vmem>>)
      %dma_wait3A_2379 = tpu.memref_slice %arg3[%multiple_of3A_2376] : memref<640000xi32, #tpu.memory_space<hbm>> -> memref<96xi32, #tpu.memory_space<hbm>>
      %dma_wait3A_2380 = tpu.memref_slice %arg3[%multiple_of3A_2376] : memref<640000xi32, #tpu.memory_space<hbm>> -> memref<96xi32, #tpu.memory_space<hbm>>
      tpu.wait_dma2 semaphore(%arg32 : memref<!tpu.dma_semaphore, #tpu.memory_space<semaphore_mem>>) src(%dma_wait3A_2380 : memref<96xi32, #tpu.memory_space<hbm>>) dst(%arg16 : memref<96xi32, #tpu.memory_space<vmem>>)
      %dma_start3A_2381 = arith.constant 0 : i32
      %dma_start3A_2382 = arith.constant 0 : i32
      %dma_start3A_2383 = tpu.memref_slice %arg2[%dma_start3A_2381, %dma_start3A_2382] : memref<10000x128xf32, #tpu.memory_space<hbm>> -> memref<10000x128xf32, #tpu.memory_space<hbm>>
      tpu.enqueue_indirect_dma source(%dma_start3A_2383 : memref<10000x128xf32, #tpu.memory_space<hbm>>) target(%arg10 : memref<96x128xf32, #tpu.memory_space<vmem>>) offsets(%arg13 : memref<96xi32, #tpu.memory_space<vmem>>) semaphore(%arg26 : memref<!tpu.dma_semaphore, #tpu.memory_space<semaphore_mem>>)
      %dma_wait3A_2384 = arith.constant 0 : i32
      %dma_wait3A_2385 = arith.constant 0 : i32
      %dma_wait3A_2386 = tpu.memref_slice %arg2[%dma_wait3A_2384, %dma_wait3A_2385] : memref<10000x128xf32, #tpu.memory_space<hbm>> -> memref<10000x128xf32, #tpu.memory_space<hbm>>
      tpu.wait_indirect_dma semaphore(%arg25 : memref<!tpu.dma_semaphore, #tpu.memory_space<semaphore_mem>>) src(%dma_wait3A_2386 : memref<10000x128xf32, #tpu.memory_space<hbm>>) dst(%arg9 : memref<96x128xf32, #tpu.memory_space<vmem>>)
      %get3A_2387 = arith.constant 0 : index
      %get3A_2388 = tpu.vector_load %arg15[%get3A_2387] {strides = array<i32>} : memref<96xi32, #tpu.memory_space<vmem>>, vector<16xi32>,
      tpu.vector_store_idx %arg23[%get3A_2388], %broadcast_in_dim3A_3 {add = true} : memref<10000xf32, #tpu.memory_space<vmem>>[vector<16xi32>], vector<16xf32>,
      %swap3A_2389 = arith.constant 0 : index
      %swap3A_2390 = tpu.vector_load %arg18[%swap3A_2389] {strides = array<i32>} : memref<96xi32, #tpu.memory_space<vmem>>, vector<16xi32>,
      tpu.vector_store %arg18[%swap3A_2389], %get3A_2388 {strides = array<i32>} : memref<96xi32, #tpu.memory_space<vmem>>, vector<16xi32>,
      %get3A_2391 = arith.constant 16 : index
      %get3A_2392 = tpu.vector_load %arg15[%get3A_2391] {strides = array<i32>} : memref<96xi32, #tpu.memory_space<vmem>>, vector<16xi32>,
      tpu.vector_store_idx %arg23[%get3A_2392], %broadcast_in_dim3A_3 {add = true} : memref<10000xf32, #tpu.memory_space<vmem>>[vector<16xi32>], vector<16xf32>,
      %swap3A_2393 = arith.constant 16 : index
      %swap3A_2394 = tpu.vector_load %arg18[%swap3A_2393] {strides = array<i32>} : memref<96xi32, #tpu.memory_space<vmem>>, vector<16xi32>,
      tpu.vector_store %arg18[%swap3A_2393], %get3A_2392 {strides = array<i32>} : memref<96xi32, #tpu.memory_space<vmem>>, vector<16xi32>,
      %get3A_2395 = arith.constant 32 : index
      %get3A_2396 = tpu.vector_load %arg15[%get3A_2395] {strides = array<i32>} : memref<96xi32, #tpu.memory_space<vmem>>, vector<16xi32>,
      tpu.vector_store_idx %arg23[%get3A_2396], %broadcast_in_dim3A_3 {add = true} : memref<10000xf32, #tpu.memory_space<vmem>>[vector<16xi32>], vector<16xf32>,
      %swap3A_2397 = arith.constant 32 : index
      %swap3A_2398 = tpu.vector_load %arg18[%swap3A_2397] {strides = array<i32>} : memref<96xi32, #tpu.memory_space<vmem>>, vector<16xi32>,
      tpu.vector_store %arg18[%swap3A_2397], %get3A_2396 {strides = array<i32>} : memref<96xi32, #tpu.memory_space<vmem>>, vector<16xi32>,
      %get3A_2399 = arith.constant 48 : index
      %get3A_2400 = tpu.vector_load %arg15[%get3A_2399] {strides = array<i32>} : memref<96xi32, #tpu.memory_space<vmem>>, vector<16xi32>,
      tpu.vector_store_idx %arg23[%get3A_2400], %broadcast_in_dim3A_3 {add = true} : memref<10000xf32, #tpu.memory_space<vmem>>[vector<16xi32>], vector<16xf32>,
      %swap3A_2401 = arith.constant 48 : index
      %swap3A_2402 = tpu.vector_load %arg18[%swap3A_2401] {strides = array<i32>} : memref<96xi32, #tpu.memory_space<vmem>>, vector<16xi32>,
      tpu.vector_store %arg18[%swap3A_2401], %get3A_2400 {strides = array<i32>} : memref<96xi32, #tpu.memory_space<vmem>>, vector<16xi32>,
      %get3A_2403 = arith.constant 64 : index
      %get3A_2404 = tpu.vector_load %arg15[%get3A_2403] {strides = array<i32>} : memref<96xi32, #tpu.memory_space<vmem>>, vector<16xi32>,
      tpu.vector_store_idx %arg23[%get3A_2404], %broadcast_in_dim3A_3 {add = true} : memref<10000xf32, #tpu.memory_space<vmem>>[vector<16xi32>], vector<16xf32>,
      %swap3A_2405 = arith.constant 64 : index
      %swap3A_2406 = tpu.vector_load %arg18[%swap3A_2405] {strides = array<i32>} : memref<96xi32, #tpu.memory_space<vmem>>, vector<16xi32>,
      tpu.vector_store %arg18[%swap3A_2405], %get3A_2404 {strides = array<i32>} : memref<96xi32, #tpu.memory_space<vmem>>, vector<16xi32>,
      %get3A_2407 = arith.constant 80 : index
      %get3A_2408 = tpu.vector_load %arg15[%get3A_2407] {strides = array<i32>} : memref<96xi32, #tpu.memory_space<vmem>>, vector<16xi32>,
      tpu.vector_store_idx %arg23[%get3A_2408], %broadcast_in_dim3A_3 {add = true} : memref<10000xf32, #tpu.memory_space<vmem>>[vector<16xi32>], vector<16xf32>,
      %swap3A_2409 = arith.constant 80 : index
      %swap3A_2410 = tpu.vector_load %arg18[%swap3A_2409] {strides = array<i32>} : memref<96xi32, #tpu.memory_space<vmem>>, vector<16xi32>,
      tpu.vector_store %arg18[%swap3A_2409], %get3A_2408 {strides = array<i32>} : memref<96xi32, #tpu.memory_space<vmem>>, vector<16xi32>,
      %dma_start3A_2411 = arith.constant 0 : i32
      %dma_start3A_2412 = arith.constant 0 : i32
      %dma_start3A_2413 = tpu.memref_slice %arg24[%dma_start3A_2411, %dma_start3A_2412] : memref<10000x128xf32, #tpu.memory_space<vmem_shared>> -> memref<10000x128xf32, #tpu.memory_space<vmem_shared>>
      tpu.enqueue_indirect_dma source(%arg9 : memref<96x128xf32, #tpu.memory_space<vmem>>) target(%dma_start3A_2413 : memref<10000x128xf32, #tpu.memory_space<vmem_shared>>) offsets(%arg18 : memref<96xi32, #tpu.memory_space<vmem>>) semaphore(%arg28 : memref<!tpu.dma_semaphore, #tpu.memory_space<semaphore_mem>>) {add = true}
      %add3A_2414 = arith.constant 3 : i32
      %add3A_2415 = arith.addi %add3A_2362, %add3A_2414 : i32
      %mul3A_2416 = arith.constant 96 : i32
      %mul3A_2417 = arith.muli %add3A_2415, %mul3A_2416 : i32
      %add3A_2418 = arith.addi %multiple_of3A, %mul3A_2417 : i32
      %multiple_of3A_2419 = tpu.assume_multiple %add3A_2418, 8 : i32
      %mul3A_2420 = arith.constant 96 : i32
      %mul3A_2421 = arith.muli %add3A_2415, %mul3A_2420 : i32
      %add3A_2422 = arith.addi %multiple_of3A_10, %mul3A_2421 : i32
      %multiple_of3A_2423 = tpu.assume_multiple %add3A_2422, 8 : i32
      %dma_start3A_2424 = tpu.memref_slice %arg3[%multiple_of3A_2419] : memref<640000xi32, #tpu.memory_space<hbm>> -> memref<96xi32, #tpu.memory_space<hbm>>
      %dma_start3A_2425 = tpu.memref_slice %arg3[%multiple_of3A_2419] : memref<640000xi32, #tpu.memory_space<hbm>> -> memref<96xi32, #tpu.memory_space<hbm>>
      tpu.enqueue_dma source(%dma_start3A_2425 : memref<96xi32, #tpu.memory_space<hbm>>) target(%arg12 : memref<96xi32, #tpu.memory_space<vmem>>) target_semaphore(%arg31 : memref<!tpu.dma_semaphore, #tpu.memory_space<semaphore_mem>>)
      %dma_start3A_2426 = tpu.memref_slice %arg3[%multiple_of3A_2423] : memref<640000xi32, #tpu.memory_space<hbm>> -> memref<96xi32, #tpu.memory_space<hbm>>
      %dma_start3A_2427 = tpu.memref_slice %arg3[%multiple_of3A_2423] : memref<640000xi32, #tpu.memory_space<hbm>> -> memref<96xi32, #tpu.memory_space<hbm>>
      tpu.enqueue_dma source(%dma_start3A_2427 : memref<96xi32, #tpu.memory_space<hbm>>) target(%arg15 : memref<96xi32, #tpu.memory_space<vmem>>) target_semaphore(%arg31 : memref<!tpu.dma_semaphore, #tpu.memory_space<semaphore_mem>>)
      %mul3A_2428 = arith.constant 3 : i32
      %mul3A_2429 = arith.muli %mul3A_2428, %scan3A_2358 : i32
      %add3A_2430 = arith.constant 1 : i32
      %add3A_2431 = arith.addi %mul3A_2429, %add3A_2430 : i32
      %gt3A_2432 = arith.constant 0 : i32
      %gt3A_2433 = arith.cmpi sgt, %scan3A_2358, %gt3A_2432 : i32
      %convert_element_type3A_2434 = arith.extui %gt3A_2433 : i1 to i32
      %cond3A_2435 = arith.constant 0 : i32
      %cond3A_2436 = arith.cmpi ne, %convert_element_type3A_2434, %cond3A_2435 : i32
      scf.if %cond3A_2436 {
        %dma_wait3A_2559 = arith.constant 0 : i32
        %dma_wait3A_2560 = arith.constant 0 : i32
        %dma_wait3A_2561 = tpu.memref_slice %arg24[%dma_wait3A_2559, %dma_wait3A_2560] : memref<10000x128xf32, #tpu.memory_space<vmem_shared>> -> memref<10000x128xf32, #tpu.memory_space<vmem_shared>>
        tpu.wait_indirect_dma semaphore(%arg30 : memref<!tpu.dma_semaphore, #tpu.memory_space<semaphore_mem>>) src(%arg11 : memref<96x128xf32, #tpu.memory_space<vmem>>) dst(%dma_wait3A_2561 : memref<10000x128xf32, #tpu.memory_space<vmem_shared>>)
      } else {
      }
      %add3A_2437 = arith.constant 1 : i32
      %add3A_2438 = arith.addi %add3A_2431, %add3A_2437 : i32
      %mul3A_2439 = arith.constant 96 : i32
      %mul3A_2440 = arith.muli %add3A_2438, %mul3A_2439 : i32
      %add3A_2441 = arith.addi %multiple_of3A, %mul3A_2440 : i32
      %multiple_of3A_2442 = tpu.assume_multiple %add3A_2441, 8 : i32
      %mul3A_2443 = arith.constant 96 : i32
      %mul3A_2444 = arith.muli %add3A_2438, %mul3A_2443 : i32
      %add3A_2445 = arith.addi %multiple_of3A_10, %mul3A_2444 : i32
      %multiple_of3A_2446 = tpu.assume_multiple %add3A_2445, 8 : i32
      %dma_wait3A_2447 = tpu.memref_slice %arg3[%multiple_of3A_2442] : memref<640000xi32, #tpu.memory_space<hbm>> -> memref<96xi32, #tpu.memory_space<hbm>>
      %dma_wait3A_2448 = tpu.memref_slice %arg3[%multiple_of3A_2442] : memref<640000xi32, #tpu.memory_space<hbm>> -> memref<96xi32, #tpu.memory_space<hbm>>
      tpu.wait_dma2 semaphore(%arg33 : memref<!tpu.dma_semaphore, #tpu.memory_space<semaphore_mem>>) src(%dma_wait3A_2448 : memref<96xi32, #tpu.memory_space<hbm>>) dst(%arg14 : memref<96xi32, #tpu.memory_space<vmem>>)
      %dma_wait3A_2449 = tpu.memref_slice %arg3[%multiple_of3A_2446] : memref<640000xi32, #tpu.memory_space<hbm>> -> memref<96xi32, #tpu.memory_space<hbm>>
      %dma_wait3A_2450 = tpu.memref_slice %arg3[%multiple_of3A_2446] : memref<640000xi32, #tpu.memory_space<hbm>> -> memref<96xi32, #tpu.memory_space<hbm>>
      tpu.wait_dma2 semaphore(%arg33 : memref<!tpu.dma_semaphore, #tpu.memory_space<semaphore_mem>>) src(%dma_wait3A_2450 : memref<96xi32, #tpu.memory_space<hbm>>) dst(%arg17 : memref<96xi32, #tpu.memory_space<vmem>>)
      %dma_start3A_2451 = arith.constant 0 : i32
      %dma_start3A_2452 = arith.constant 0 : i32
      %dma_start3A_2453 = tpu.memref_slice %arg2[%dma_start3A_2451, %dma_start3A_2452] : memref<10000x128xf32, #tpu.memory_space<hbm>> -> memref<10000x128xf32, #tpu.memory_space<hbm>>
      tpu.enqueue_indirect_dma source(%dma_start3A_2453 : memref<10000x128xf32, #tpu.memory_space<hbm>>) target(%arg11 : memref<96x128xf32, #tpu.memory_space<vmem>>) offsets(%arg14 : memref<96xi32, #tpu.memory_space<vmem>>) semaphore(%arg27 : memref<!tpu.dma_semaphore, #tpu.memory_space<semaphore_mem>>)
      %dma_wait3A_2454 = arith.constant 0 : i32
      %dma_wait3A_2455 = arith.constant 0 : i32
      %dma_wait3A_2456 = tpu.memref_slice %arg2[%dma_wait3A_2454, %dma_wait3A_2455] : memref<10000x128xf32, #tpu.memory_space<hbm>> -> memref<10000x128xf32, #tpu.memory_space<hbm>>
      tpu.wait_indirect_dma semaphore(%arg26 : memref<!tpu.dma_semaphore, #tpu.memory_space<semaphore_mem>>) src(%dma_wait3A_2456 : memref<10000x128xf32, #tpu.memory_space<hbm>>) dst(%arg10 : memref<96x128xf32, #tpu.memory_space<vmem>>)
      %get3A_2457 = arith.constant 0 : index
      %get3A_2458 = tpu.vector_load %arg16[%get3A_2457] {strides = array<i32>} : memref<96xi32, #tpu.memory_space<vmem>>, vector<16xi32>,
      tpu.vector_store_idx %arg23[%get3A_2458], %broadcast_in_dim3A_3 {add = true} : memref<10000xf32, #tpu.memory_space<vmem>>[vector<16xi32>], vector<16xf32>,
      %swap3A_2459 = arith.constant 0 : index
      %swap3A_2460 = tpu.vector_load %arg19[%swap3A_2459] {strides = array<i32>} : memref<96xi32, #tpu.memory_space<vmem>>, vector<16xi32>,
      tpu.vector_store %arg19[%swap3A_2459], %get3A_2458 {strides = array<i32>} : memref<96xi32, #tpu.memory_space<vmem>>, vector<16xi32>,
      %get3A_2461 = arith.constant 16 : index
      %get3A_2462 = tpu.vector_load %arg16[%get3A_2461] {strides = array<i32>} : memref<96xi32, #tpu.memory_space<vmem>>, vector<16xi32>,
      tpu.vector_store_idx %arg23[%get3A_2462], %broadcast_in_dim3A_3 {add = true} : memref<10000xf32, #tpu.memory_space<vmem>>[vector<16xi32>], vector<16xf32>,
      %swap3A_2463 = arith.constant 16 : index
      %swap3A_2464 = tpu.vector_load %arg19[%swap3A_2463] {strides = array<i32>} : memref<96xi32, #tpu.memory_space<vmem>>, vector<16xi32>,
      tpu.vector_store %arg19[%swap3A_2463], %get3A_2462 {strides = array<i32>} : memref<96xi32, #tpu.memory_space<vmem>>, vector<16xi32>,
      %get3A_2465 = arith.constant 32 : index
      %get3A_2466 = tpu.vector_load %arg16[%get3A_2465] {strides = array<i32>} : memref<96xi32, #tpu.memory_space<vmem>>, vector<16xi32>,
      tpu.vector_store_idx %arg23[%get3A_2466], %broadcast_in_dim3A_3 {add = true} : memref<10000xf32, #tpu.memory_space<vmem>>[vector<16xi32>], vector<16xf32>,
      %swap3A_2467 = arith.constant 32 : index
      %swap3A_2468 = tpu.vector_load %arg19[%swap3A_2467] {strides = array<i32>} : memref<96xi32, #tpu.memory_space<vmem>>, vector<16xi32>,
      tpu.vector_store %arg19[%swap3A_2467], %get3A_2466 {strides = array<i32>} : memref<96xi32, #tpu.memory_space<vmem>>, vector<16xi32>,
      %get3A_2469 = arith.constant 48 : index
      %get3A_2470 = tpu.vector_load %arg16[%get3A_2469] {strides = array<i32>} : memref<96xi32, #tpu.memory_space<vmem>>, vector<16xi32>,
      tpu.vector_store_idx %arg23[%get3A_2470], %broadcast_in_dim3A_3 {add = true} : memref<10000xf32, #tpu.memory_space<vmem>>[vector<16xi32>], vector<16xf32>,
      %swap3A_2471 = arith.constant 48 : index
      %swap3A_2472 = tpu.vector_load %arg19[%swap3A_2471] {strides = array<i32>} : memref<96xi32, #tpu.memory_space<vmem>>, vector<16xi32>,
      tpu.vector_store %arg19[%swap3A_2471], %get3A_2470 {strides = array<i32>} : memref<96xi32, #tpu.memory_space<vmem>>, vector<16xi32>,
      %get3A_2473 = arith.constant 64 : index
      %get3A_2474 = tpu.vector_load %arg16[%get3A_2473] {strides = array<i32>} : memref<96xi32, #tpu.memory_space<vmem>>, vector<16xi32>,
      tpu.vector_store_idx %arg23[%get3A_2474], %broadcast_in_dim3A_3 {add = true} : memref<10000xf32, #tpu.memory_space<vmem>>[vector<16xi32>], vector<16xf32>,
      %swap3A_2475 = arith.constant 64 : index
      %swap3A_2476 = tpu.vector_load %arg19[%swap3A_2475] {strides = array<i32>} : memref<96xi32, #tpu.memory_space<vmem>>, vector<16xi32>,
      tpu.vector_store %arg19[%swap3A_2475], %get3A_2474 {strides = array<i32>} : memref<96xi32, #tpu.memory_space<vmem>>, vector<16xi32>,
      %get3A_2477 = arith.constant 80 : index
      %get3A_2478 = tpu.vector_load %arg16[%get3A_2477] {strides = array<i32>} : memref<96xi32, #tpu.memory_space<vmem>>, vector<16xi32>,
      tpu.vector_store_idx %arg23[%get3A_2478], %broadcast_in_dim3A_3 {add = true} : memref<10000xf32, #tpu.memory_space<vmem>>[vector<16xi32>], vector<16xf32>,
      %swap3A_2479 = arith.constant 80 : index
      %swap3A_2480 = tpu.vector_load %arg19[%swap3A_2479] {strides = array<i32>} : memref<96xi32, #tpu.memory_space<vmem>>, vector<16xi32>,
      tpu.vector_store %arg19[%swap3A_2479], %get3A_2478 {strides = array<i32>} : memref<96xi32, #tpu.memory_space<vmem>>, vector<16xi32>,
      %dma_start3A_2481 = arith.constant 0 : i32
      %dma_start3A_2482 = arith.constant 0 : i32
      %dma_start3A_2483 = tpu.memref_slice %arg24[%dma_start3A_2481, %dma_start3A_2482] : memref<10000x128xf32, #tpu.memory_space<vmem_shared>> -> memref<10000x128xf32, #tpu.memory_space<vmem_shared>>
      tpu.enqueue_indirect_dma source(%arg10 : memref<96x128xf32, #tpu.memory_space<vmem>>) target(%dma_start3A_2483 : memref<10000x128xf32, #tpu.memory_space<vmem_shared>>) offsets(%arg19 : memref<96xi32, #tpu.memory_space<vmem>>) semaphore(%arg29 : memref<!tpu.dma_semaphore, #tpu.memory_space<semaphore_mem>>) {add = true}
      %add3A_2484 = arith.constant 3 : i32
      %add3A_2485 = arith.addi %add3A_2431, %add3A_2484 : i32
      %mul3A_2486 = arith.constant 96 : i32
      %mul3A_2487 = arith.muli %add3A_2485, %mul3A_2486 : i32
      %add3A_2488 = arith.addi %multiple_of3A, %mul3A_2487 : i32
      %multiple_of3A_2489 = tpu.assume_multiple %add3A_2488, 8 : i32
      %mul3A_2490 = arith.constant 96 : i32
      %mul3A_2491 = arith.muli %add3A_2485, %mul3A_2490 : i32
      %add3A_2492 = arith.addi %multiple_of3A_10, %mul3A_2491 : i32
      %multiple_of3A_2493 = tpu.assume_multiple %add3A_2492, 8 : i32
      %dma_start3A_2494 = tpu.memref_slice %arg3[%multiple_of3A_2489] : memref<640000xi32, #tpu.memory_space<hbm>> -> memref<96xi32, #tpu.memory_space<hbm>>
      %dma_start3A_2495 = tpu.memref_slice %arg3[%multiple_of3A_2489] : memref<640000xi32, #tpu.memory_space<hbm>> -> memref<96xi32, #tpu.memory_space<hbm>>
      tpu.enqueue_dma source(%dma_start3A_2495 : memref<96xi32, #tpu.memory_space<hbm>>) target(%arg13 : memref<96xi32, #tpu.memory_space<vmem>>) target_semaphore(%arg32 : memref<!tpu.dma_semaphore, #tpu.memory_space<semaphore_mem>>)
      %dma_start3A_2496 = tpu.memref_slice %arg3[%multiple_of3A_2493] : memref<640000xi32, #tpu.memory_space<hbm>> -> memref<96xi32, #tpu.memory_space<hbm>>
      %dma_start3A_2497 = tpu.memref_slice %arg3[%multiple_of3A_2493] : memref<640000xi32, #tpu.memory_space<hbm>> -> memref<96xi32, #tpu.memory_space<hbm>>
      tpu.enqueue_dma source(%dma_start3A_2497 : memref<96xi32, #tpu.memory_space<hbm>>) target(%arg16 : memref<96xi32, #tpu.memory_space<vmem>>) target_semaphore(%arg32 : memref<!tpu.dma_semaphore, #tpu.memory_space<semaphore_mem>>)
      %mul3A_2498 = arith.constant 3 : i32
      %mul3A_2499 = arith.muli %mul3A_2498, %scan3A_2358 : i32
      %add3A_2500 = arith.constant 2 : i32
      %add3A_2501 = arith.addi %mul3A_2499, %add3A_2500 : i32
      %dma_wait3A_2502 = arith.constant 0 : i32
      %dma_wait3A_2503 = arith.constant 0 : i32
      %dma_wait3A_2504 = tpu.memref_slice %arg24[%dma_wait3A_2502, %dma_wait3A_2503] : memref<10000x128xf32, #tpu.memory_space<vmem_shared>> -> memref<10000x128xf32, #tpu.memory_space<vmem_shared>>
      tpu.wait_indirect_dma semaphore(%arg28 : memref<!tpu.dma_semaphore, #tpu.memory_space<semaphore_mem>>) src(%arg9 : memref<96x128xf32, #tpu.memory_space<vmem>>) dst(%dma_wait3A_2504 : memref<10000x128xf32, #tpu.memory_space<vmem_shared>>)
      %add3A_2505 = arith.constant 1 : i32
      %add3A_2506 = arith.addi %add3A_2501, %add3A_2505 : i32
      %mul3A_2507 = arith.constant 96 : i32
      %mul3A_2508 = arith.muli %add3A_2506, %mul3A_2507 : i32
      %add3A_2509 = arith.addi %multiple_of3A, %mul3A_2508 : i32
      %multiple_of3A_2510 = tpu.assume_multiple %add3A_2509, 8 : i32
      %mul3A_2511 = arith.constant 96 : i32
      %mul3A_2512 = arith.muli %add3A_2506, %mul3A_2511 : i32
      %add3A_2513 = arith.addi %multiple_of3A_10, %mul3A_2512 : i32
      %multiple_of3A_2514 = tpu.assume_multiple %add3A_2513, 8 : i32
      %dma_wait3A_2515 = tpu.memref_slice %arg3[%multiple_of3A_2510] : memref<640000xi32, #tpu.memory_space<hbm>> -> memref<96xi32, #tpu.memory_space<hbm>>
      %dma_wait3A_2516 = tpu.memref_slice %arg3[%multiple_of3A_2510] : memref<640000xi32, #tpu.memory_space<hbm>> -> memref<96xi32, #tpu.memory_space<hbm>>
      tpu.wait_dma2 semaphore(%arg31 : memref<!tpu.dma_semaphore, #tpu.memory_space<semaphore_mem>>) src(%dma_wait3A_2516 : memref<96xi32, #tpu.memory_space<hbm>>) dst(%arg12 : memref<96xi32, #tpu.memory_space<vmem>>)
      %dma_wait3A_2517 = tpu.memref_slice %arg3[%multiple_of3A_2514] : memref<640000xi32, #tpu.memory_space<hbm>> -> memref<96xi32, #tpu.memory_space<hbm>>
      %dma_wait3A_2518 = tpu.memref_slice %arg3[%multiple_of3A_2514] : memref<640000xi32, #tpu.memory_space<hbm>> -> memref<96xi32, #tpu.memory_space<hbm>>
      tpu.wait_dma2 semaphore(%arg31 : memref<!tpu.dma_semaphore, #tpu.memory_space<semaphore_mem>>) src(%dma_wait3A_2518 : memref<96xi32, #tpu.memory_space<hbm>>) dst(%arg15 : memref<96xi32, #tpu.memory_space<vmem>>)
      %dma_start3A_2519 = arith.constant 0 : i32
      %dma_start3A_2520 = arith.constant 0 : i32
      %dma_start3A_2521 = tpu.memref_slice %arg2[%dma_start3A_2519, %dma_start3A_2520] : memref<10000x128xf32, #tpu.memory_space<hbm>> -> memref<10000x128xf32, #tpu.memory_space<hbm>>
      tpu.enqueue_indirect_dma source(%dma_start3A_2521 : memref<10000x128xf32, #tpu.memory_space<hbm>>) target(%arg9 : memref<96x128xf32, #tpu.memory_space<vmem>>) offsets(%arg12 : memref<96xi32, #tpu.memory_space<vmem>>) semaphore(%arg25 : memref<!tpu.dma_semaphore, #tpu.memory_space<semaphore_mem>>)
      %dma_wait3A_2522 = arith.constant 0 : i32
      %dma_wait3A_2523 = arith.constant 0 : i32
      %dma_wait3A_2524 = tpu.memref_slice %arg2[%dma_wait3A_2522, %dma_wait3A_2523] : memref<10000x128xf32, #tpu.memory_space<hbm>> -> memref<10000x128xf32, #tpu.memory_space<hbm>>
      tpu.wait_indirect_dma semaphore(%arg27 : memref<!tpu.dma_semaphore, #tpu.memory_space<semaphore_mem>>) src(%dma_wait3A_2524 : memref<10000x128xf32, #tpu.memory_space<hbm>>) dst(%arg11 : memref<96x128xf32, #tpu.memory_space<vmem>>)
      %get3A_2525 = arith.constant 0 : index
      %get3A_2526 = tpu.vector_load %arg17[%get3A_2525] {strides = array<i32>} : memref<96xi32, #tpu.memory_space<vmem>>, vector<16xi32>,
      tpu.vector_store_idx %arg23[%get3A_2526], %broadcast_in_dim3A_3 {add = true} : memref<10000xf32, #tpu.memory_space<vmem>>[vector<16xi32>], vector<16xf32>,
      %swap3A_2527 = arith.constant 0 : index
      %swap3A_2528 = tpu.vector_load %arg20[%swap3A_2527] {strides = array<i32>} : memref<96xi32, #tpu.memory_space<vmem>>, vector<16xi32>,
      tpu.vector_store %arg20[%swap3A_2527], %get3A_2526 {strides = array<i32>} : memref<96xi32, #tpu.memory_space<vmem>>, vector<16xi32>,
      %get3A_2529 = arith.constant 16 : index
      %get3A_2530 = tpu.vector_load %arg17[%get3A_2529] {strides = array<i32>} : memref<96xi32, #tpu.memory_space<vmem>>, vector<16xi32>,
      tpu.vector_store_idx %arg23[%get3A_2530], %broadcast_in_dim3A_3 {add = true} : memref<10000xf32, #tpu.memory_space<vmem>>[vector<16xi32>], vector<16xf32>,
      %swap3A_2531 = arith.constant 16 : index
      %swap3A_2532 = tpu.vector_load %arg20[%swap3A_2531] {strides = array<i32>} : memref<96xi32, #tpu.memory_space<vmem>>, vector<16xi32>,
      tpu.vector_store %arg20[%swap3A_2531], %get3A_2530 {strides = array<i32>} : memref<96xi32, #tpu.memory_space<vmem>>, vector<16xi32>,
      %get3A_2533 = arith.constant 32 : index
      %get3A_2534 = tpu.vector_load %arg17[%get3A_2533] {strides = array<i32>} : memref<96xi32, #tpu.memory_space<vmem>>, vector<16xi32>,
      tpu.vector_store_idx %arg23[%get3A_2534], %broadcast_in_dim3A_3 {add = true} : memref<10000xf32, #tpu.memory_space<vmem>>[vector<16xi32>], vector<16xf32>,
      %swap3A_2535 = arith.constant 32 : index
      %swap3A_2536 = tpu.vector_load %arg20[%swap3A_2535] {strides = array<i32>} : memref<96xi32, #tpu.memory_space<vmem>>, vector<16xi32>,
      tpu.vector_store %arg20[%swap3A_2535], %get3A_2534 {strides = array<i32>} : memref<96xi32, #tpu.memory_space<vmem>>, vector<16xi32>,
      %get3A_2537 = arith.constant 48 : index
      %get3A_2538 = tpu.vector_load %arg17[%get3A_2537] {strides = array<i32>} : memref<96xi32, #tpu.memory_space<vmem>>, vector<16xi32>,
      tpu.vector_store_idx %arg23[%get3A_2538], %broadcast_in_dim3A_3 {add = true} : memref<10000xf32, #tpu.memory_space<vmem>>[vector<16xi32>], vector<16xf32>,
      %swap3A_2539 = arith.constant 48 : index
      %swap3A_2540 = tpu.vector_load %arg20[%swap3A_2539] {strides = array<i32>} : memref<96xi32, #tpu.memory_space<vmem>>, vector<16xi32>,
      tpu.vector_store %arg20[%swap3A_2539], %get3A_2538 {strides = array<i32>} : memref<96xi32, #tpu.memory_space<vmem>>, vector<16xi32>,
      %get3A_2541 = arith.constant 64 : index
      %get3A_2542 = tpu.vector_load %arg17[%get3A_2541] {strides = array<i32>} : memref<96xi32, #tpu.memory_space<vmem>>, vector<16xi32>,
      tpu.vector_store_idx %arg23[%get3A_2542], %broadcast_in_dim3A_3 {add = true} : memref<10000xf32, #tpu.memory_space<vmem>>[vector<16xi32>], vector<16xf32>,
      %swap3A_2543 = arith.constant 64 : index
      %swap3A_2544 = tpu.vector_load %arg20[%swap3A_2543] {strides = array<i32>} : memref<96xi32, #tpu.memory_space<vmem>>, vector<16xi32>,
      tpu.vector_store %arg20[%swap3A_2543], %get3A_2542 {strides = array<i32>} : memref<96xi32, #tpu.memory_space<vmem>>, vector<16xi32>,
      %get3A_2545 = arith.constant 80 : index
      %get3A_2546 = tpu.vector_load %arg17[%get3A_2545] {strides = array<i32>} : memref<96xi32, #tpu.memory_space<vmem>>, vector<16xi32>,
      tpu.vector_store_idx %arg23[%get3A_2546], %broadcast_in_dim3A_3 {add = true} : memref<10000xf32, #tpu.memory_space<vmem>>[vector<16xi32>], vector<16xf32>,
      %swap3A_2547 = arith.constant 80 : index
      %swap3A_2548 = tpu.vector_load %arg20[%swap3A_2547] {strides = array<i32>} : memref<96xi32, #tpu.memory_space<vmem>>, vector<16xi32>,
      tpu.vector_store %arg20[%swap3A_2547], %get3A_2546 {strides = array<i32>} : memref<96xi32, #tpu.memory_space<vmem>>, vector<16xi32>,
      %dma_start3A_2549 = arith.constant 0 : i32
      %dma_start3A_2550 = arith.constant 0 : i32
      %dma_start3A_2551 = tpu.memref_slice %arg24[%dma_start3A_2549, %dma_start3A_2550] : memref<10000x128xf32, #tpu.memory_space<vmem_shared>> -> memref<10000x128xf32, #tpu.memory_space<vmem_shared>>
      tpu.enqueue_indirect_dma source(%arg11 : memref<96x128xf32, #tpu.memory_space<vmem>>) target(%dma_start3A_2551 : memref<10000x128xf32, #tpu.memory_space<vmem_shared>>) offsets(%arg20 : memref<96xi32, #tpu.memory_space<vmem>>) semaphore(%arg30 : memref<!tpu.dma_semaphore, #tpu.memory_space<semaphore_mem>>) {add = true}
      %add3A_2552 = arith.constant 1 : i32
      %add3A_2553 = arith.addi %scan3A_2358, %add3A_2552 : i32
      %lt3A_2554 = arith.constant 34 : i32
      %lt3A_2555 = arith.cmpi slt, %add3A_2553, %lt3A_2554 : i32
      %convert_element_type3A_2556 = arith.extui %lt3A_2555 : i1 to i32
      %cond3A_2557 = arith.constant 0 : i32
      %cond3A_2558 = arith.cmpi ne, %convert_element_type3A_2556, %cond3A_2557 : i32
      scf.if %cond3A_2558 {
        %add3A_2559 = arith.constant 3 : i32
        %add3A_2560 = arith.addi %add3A_2501, %add3A_2559 : i32
        %mul3A_2561 = arith.constant 96 : i32
        %mul3A_2562 = arith.muli %add3A_2560, %mul3A_2561 : i32
        %add3A_2563 = arith.addi %multiple_of3A, %mul3A_2562 : i32
        %multiple_of3A_2564 = tpu.assume_multiple %add3A_2563, 8 : i32
        %mul3A_2565 = arith.constant 96 : i32
        %mul3A_2566 = arith.muli %add3A_2560, %mul3A_2565 : i32
        %add3A_2567 = arith.addi %multiple_of3A_10, %mul3A_2566 : i32
        %multiple_of3A_2568 = tpu.assume_multiple %add3A_2567, 8 : i32
        %dma_start3A_2569 = tpu.memref_slice %arg3[%multiple_of3A_2564] : memref<640000xi32, #tpu.memory_space<hbm>> -> memref<96xi32, #tpu.memory_space<hbm>>
        %dma_start3A_2570 = tpu.memref_slice %arg3[%multiple_of3A_2564] : memref<640000xi32, #tpu.memory_space<hbm>> -> memref<96xi32, #tpu.memory_space<hbm>>
        tpu.enqueue_dma source(%dma_start3A_2570 : memref<96xi32, #tpu.memory_space<hbm>>) target(%arg14 : memref<96xi32, #tpu.memory_space<vmem>>) target_semaphore(%arg33 : memref<!tpu.dma_semaphore, #tpu.memory_space<semaphore_mem>>)
        %dma_start3A_2571 = tpu.memref_slice %arg3[%multiple_of3A_2568] : memref<640000xi32, #tpu.memory_space<hbm>> -> memref<96xi32, #tpu.memory_space<hbm>>
        %dma_start3A_2572 = tpu.memref_slice %arg3[%multiple_of3A_2568] : memref<640000xi32, #tpu.memory_space<hbm>> -> memref<96xi32, #tpu.memory_space<hbm>>
        tpu.enqueue_dma source(%dma_start3A_2572 : memref<96xi32, #tpu.memory_space<hbm>>) target(%arg17 : memref<96xi32, #tpu.memory_space<vmem>>) target_semaphore(%arg33 : memref<!tpu.dma_semaphore, #tpu.memory_space<semaphore_mem>>)
      } else {
      }
    }
    %scan3A_87 = arith.constant 34 : i32
    %dma_wait3A_88 = arith.constant 0 : i32
    %dma_wait3A_89 = arith.constant 0 : i32
    %dma_wait3A_90 = tpu.memref_slice %arg24[%dma_wait3A_88, %dma_wait3A_89] : memref<10000x128xf32, #tpu.memory_space<vmem_shared>> -> memref<10000x128xf32, #tpu.memory_space<vmem_shared>>
    tpu.wait_indirect_dma semaphore(%arg29 : memref<!tpu.dma_semaphore, #tpu.memory_space<semaphore_mem>>) src(%arg10 : memref<96x128xf32, #tpu.memory_space<vmem>>) dst(%dma_wait3A_90 : memref<10000x128xf32, #tpu.memory_space<vmem_shared>>)
    %add3A_91 = arith.constant 9888 : i32
    %add3A_92 = arith.addi %multiple_of3A, %add3A_91 : i32
    %multiple_of3A_93 = tpu.assume_multiple %add3A_92, 8 : i32
    %add3A_94 = arith.constant 9888 : i32
    %add3A_95 = arith.addi %multiple_of3A_10, %add3A_94 : i32
    %multiple_of3A_96 = tpu.assume_multiple %add3A_95, 8 : i32
    %dma_wait3A_97 = tpu.memref_slice %arg3[%multiple_of3A_93] : memref<640000xi32, #tpu.memory_space<hbm>> -> memref<96xi32, #tpu.memory_space<hbm>>
    %dma_wait3A_98 = tpu.memref_slice %arg3[%multiple_of3A_93] : memref<640000xi32, #tpu.memory_space<hbm>> -> memref<96xi32, #tpu.memory_space<hbm>>
    tpu.wait_dma2 semaphore(%arg32 : memref<!tpu.dma_semaphore, #tpu.memory_space<semaphore_mem>>) src(%dma_wait3A_98 : memref<96xi32, #tpu.memory_space<hbm>>) dst(%arg13 : memref<96xi32, #tpu.memory_space<vmem>>)
    %dma_wait3A_99 = tpu.memref_slice %arg3[%multiple_of3A_96] : memref<640000xi32, #tpu.memory_space<hbm>> -> memref<96xi32, #tpu.memory_space<hbm>>
    %dma_wait3A_100 = tpu.memref_slice %arg3[%multiple_of3A_96] : memref<640000xi32, #tpu.memory_space<hbm>> -> memref<96xi32, #tpu.memory_space<hbm>>
    tpu.wait_dma2 semaphore(%arg32 : memref<!tpu.dma_semaphore, #tpu.memory_space<semaphore_mem>>) src(%dma_wait3A_100 : memref<96xi32, #tpu.memory_space<hbm>>) dst(%arg16 : memref<96xi32, #tpu.memory_space<vmem>>)
    %dma_start3A_101 = arith.constant 0 : i32
    %dma_start3A_102 = arith.constant 0 : i32
    %dma_start3A_103 = tpu.memref_slice %arg2[%dma_start3A_101, %dma_start3A_102] : memref<10000x128xf32, #tpu.memory_space<hbm>> -> memref<10000x128xf32, #tpu.memory_space<hbm>>
    tpu.enqueue_indirect_dma source(%dma_start3A_103 : memref<10000x128xf32, #tpu.memory_space<hbm>>) target(%arg10 : memref<96x128xf32, #tpu.memory_space<vmem>>) offsets(%arg13 : memref<96xi32, #tpu.memory_space<vmem>>) semaphore(%arg26 : memref<!tpu.dma_semaphore, #tpu.memory_space<semaphore_mem>>)
    %dma_wait3A_104 = arith.constant 0 : i32
    %dma_wait3A_105 = arith.constant 0 : i32
    %dma_wait3A_106 = tpu.memref_slice %arg2[%dma_wait3A_104, %dma_wait3A_105] : memref<10000x128xf32, #tpu.memory_space<hbm>> -> memref<10000x128xf32, #tpu.memory_space<hbm>>
    tpu.wait_indirect_dma semaphore(%arg25 : memref<!tpu.dma_semaphore, #tpu.memory_space<semaphore_mem>>) src(%dma_wait3A_106 : memref<10000x128xf32, #tpu.memory_space<hbm>>) dst(%arg9 : memref<96x128xf32, #tpu.memory_space<vmem>>)
    %get3A = arith.constant 0 : index
    %get3A_107 = tpu.vector_load %arg15[%get3A] {strides = array<i32>} : memref<96xi32, #tpu.memory_space<vmem>>, vector<16xi32>,
    tpu.vector_store_idx %arg23[%get3A_107], %broadcast_in_dim3A_3 {add = true} : memref<10000xf32, #tpu.memory_space<vmem>>[vector<16xi32>], vector<16xf32>,
    %swap3A = arith.constant 0 : index
    %swap3A_108 = tpu.vector_load %arg18[%swap3A] {strides = array<i32>} : memref<96xi32, #tpu.memory_space<vmem>>, vector<16xi32>,
    tpu.vector_store %arg18[%swap3A], %get3A_107 {strides = array<i32>} : memref<96xi32, #tpu.memory_space<vmem>>, vector<16xi32>,
    %get3A_109 = arith.constant 16 : index
    %get3A_110 = tpu.vector_load %arg15[%get3A_109] {strides = array<i32>} : memref<96xi32, #tpu.memory_space<vmem>>, vector<16xi32>,
    tpu.vector_store_idx %arg23[%get3A_110], %broadcast_in_dim3A_3 {add = true} : memref<10000xf32, #tpu.memory_space<vmem>>[vector<16xi32>], vector<16xf32>,
    %swap3A_111 = arith.constant 16 : index
    %swap3A_112 = tpu.vector_load %arg18[%swap3A_111] {strides = array<i32>} : memref<96xi32, #tpu.memory_space<vmem>>, vector<16xi32>,
    tpu.vector_store %arg18[%swap3A_111], %get3A_110 {strides = array<i32>} : memref<96xi32, #tpu.memory_space<vmem>>, vector<16xi32>,
    %get3A_113 = arith.constant 32 : index
    %get3A_114 = tpu.vector_load %arg15[%get3A_113] {strides = array<i32>} : memref<96xi32, #tpu.memory_space<vmem>>, vector<16xi32>,
    tpu.vector_store_idx %arg23[%get3A_114], %broadcast_in_dim3A_3 {add = true} : memref<10000xf32, #tpu.memory_space<vmem>>[vector<16xi32>], vector<16xf32>,
    %swap3A_115 = arith.constant 32 : index
    %swap3A_116 = tpu.vector_load %arg18[%swap3A_115] {strides = array<i32>} : memref<96xi32, #tpu.memory_space<vmem>>, vector<16xi32>,
    tpu.vector_store %arg18[%swap3A_115], %get3A_114 {strides = array<i32>} : memref<96xi32, #tpu.memory_space<vmem>>, vector<16xi32>,
    %get3A_117 = arith.constant 48 : index
    %get3A_118 = tpu.vector_load %arg15[%get3A_117] {strides = array<i32>} : memref<96xi32, #tpu.memory_space<vmem>>, vector<16xi32>,
    tpu.vector_store_idx %arg23[%get3A_118], %broadcast_in_dim3A_3 {add = true} : memref<10000xf32, #tpu.memory_space<vmem>>[vector<16xi32>], vector<16xf32>,
    %swap3A_119 = arith.constant 48 : index
    %swap3A_120 = tpu.vector_load %arg18[%swap3A_119] {strides = array<i32>} : memref<96xi32, #tpu.memory_space<vmem>>, vector<16xi32>,
    tpu.vector_store %arg18[%swap3A_119], %get3A_118 {strides = array<i32>} : memref<96xi32, #tpu.memory_space<vmem>>, vector<16xi32>,
    %get3A_121 = arith.constant 64 : index
    %get3A_122 = tpu.vector_load %arg15[%get3A_121] {strides = array<i32>} : memref<96xi32, #tpu.memory_space<vmem>>, vector<16xi32>,
    tpu.vector_store_idx %arg23[%get3A_122], %broadcast_in_dim3A_3 {add = true} : memref<10000xf32, #tpu.memory_space<vmem>>[vector<16xi32>], vector<16xf32>,
    %swap3A_123 = arith.constant 64 : index
    %swap3A_124 = tpu.vector_load %arg18[%swap3A_123] {strides = array<i32>} : memref<96xi32, #tpu.memory_space<vmem>>, vector<16xi32>,
    tpu.vector_store %arg18[%swap3A_123], %get3A_122 {strides = array<i32>} : memref<96xi32, #tpu.memory_space<vmem>>, vector<16xi32>,
    %get3A_125 = arith.constant 80 : index
    %get3A_126 = tpu.vector_load %arg15[%get3A_125] {strides = array<i32>} : memref<96xi32, #tpu.memory_space<vmem>>, vector<16xi32>,
    tpu.vector_store_idx %arg23[%get3A_126], %broadcast_in_dim3A_3 {add = true} : memref<10000xf32, #tpu.memory_space<vmem>>[vector<16xi32>], vector<16xf32>,
    %swap3A_127 = arith.constant 80 : index
    %swap3A_128 = tpu.vector_load %arg18[%swap3A_127] {strides = array<i32>} : memref<96xi32, #tpu.memory_space<vmem>>, vector<16xi32>,
    tpu.vector_store %arg18[%swap3A_127], %get3A_126 {strides = array<i32>} : memref<96xi32, #tpu.memory_space<vmem>>, vector<16xi32>,
    %dma_start3A_129 = arith.constant 0 : i32
    %dma_start3A_130 = arith.constant 0 : i32
    %dma_start3A_131 = tpu.memref_slice %arg24[%dma_start3A_129, %dma_start3A_130] : memref<10000x128xf32, #tpu.memory_space<vmem_shared>> -> memref<10000x128xf32, #tpu.memory_space<vmem_shared>>
    tpu.enqueue_indirect_dma source(%arg9 : memref<96x128xf32, #tpu.memory_space<vmem>>) target(%dma_start3A_131 : memref<10000x128xf32, #tpu.memory_space<vmem_shared>>) offsets(%arg18 : memref<96xi32, #tpu.memory_space<vmem>>) semaphore(%arg28 : memref<!tpu.dma_semaphore, #tpu.memory_space<semaphore_mem>>) {add = true}
    %dma_wait3A_132 = arith.constant 0 : i32
    %dma_wait3A_133 = arith.constant 0 : i32
    %dma_wait3A_134 = tpu.memref_slice %arg24[%dma_wait3A_132, %dma_wait3A_133] : memref<10000x128xf32, #tpu.memory_space<vmem_shared>> -> memref<10000x128xf32, #tpu.memory_space<vmem_shared>>
    tpu.wait_indirect_dma semaphore(%arg30 : memref<!tpu.dma_semaphore, #tpu.memory_space<semaphore_mem>>) src(%arg11 : memref<96x128xf32, #tpu.memory_space<vmem>>) dst(%dma_wait3A_134 : memref<10000x128xf32, #tpu.memory_space<vmem_shared>>)
    %dma_wait3A_135 = arith.constant 0 : i32
    %dma_wait3A_136 = arith.constant 0 : i32
    %dma_wait3A_137 = tpu.memref_slice %arg2[%dma_wait3A_135, %dma_wait3A_136] : memref<10000x128xf32, #tpu.memory_space<hbm>> -> memref<10000x128xf32, #tpu.memory_space<hbm>>
    tpu.wait_indirect_dma semaphore(%arg26 : memref<!tpu.dma_semaphore, #tpu.memory_space<semaphore_mem>>) src(%dma_wait3A_137 : memref<10000x128xf32, #tpu.memory_space<hbm>>) dst(%arg10 : memref<96x128xf32, #tpu.memory_space<vmem>>)
    %get3A_138 = arith.constant 0 : index
    %get3A_139 = tpu.vector_load %arg16[%get3A_138] {strides = array<i32>} : memref<96xi32, #tpu.memory_space<vmem>>, vector<16xi32>,
    tpu.vector_store_idx %arg23[%get3A_139], %broadcast_in_dim3A_3 {add = true} : memref<10000xf32, #tpu.memory_space<vmem>>[vector<16xi32>], vector<16xf32>,
    %swap3A_140 = arith.constant 0 : index
    %swap3A_141 = tpu.vector_load %arg19[%swap3A_140] {strides = array<i32>} : memref<96xi32, #tpu.memory_space<vmem>>, vector<16xi32>,
    tpu.vector_store %arg19[%swap3A_140], %get3A_139 {strides = array<i32>} : memref<96xi32, #tpu.memory_space<vmem>>, vector<16xi32>,
    %get3A_142 = arith.constant 16 : index
    %get3A_143 = tpu.vector_load %arg16[%get3A_142] {strides = array<i32>} : memref<96xi32, #tpu.memory_space<vmem>>, vector<16xi32>,
    tpu.vector_store_idx %arg23[%get3A_143], %broadcast_in_dim3A_3 {add = true} : memref<10000xf32, #tpu.memory_space<vmem>>[vector<16xi32>], vector<16xf32>,
    %swap3A_144 = arith.constant 16 : index
    %swap3A_145 = tpu.vector_load %arg19[%swap3A_144] {strides = array<i32>} : memref<96xi32, #tpu.memory_space<vmem>>, vector<16xi32>,
    tpu.vector_store %arg19[%swap3A_144], %get3A_143 {strides = array<i32>} : memref<96xi32, #tpu.memory_space<vmem>>, vector<16xi32>,
    %get3A_146 = arith.constant 32 : index
    %get3A_147 = tpu.vector_load %arg16[%get3A_146] {strides = array<i32>} : memref<96xi32, #tpu.memory_space<vmem>>, vector<16xi32>,
    tpu.vector_store_idx %arg23[%get3A_147], %broadcast_in_dim3A_3 {add = true} : memref<10000xf32, #tpu.memory_space<vmem>>[vector<16xi32>], vector<16xf32>,
    %swap3A_148 = arith.constant 32 : index
    %swap3A_149 = tpu.vector_load %arg19[%swap3A_148] {strides = array<i32>} : memref<96xi32, #tpu.memory_space<vmem>>, vector<16xi32>,
    tpu.vector_store %arg19[%swap3A_148], %get3A_147 {strides = array<i32>} : memref<96xi32, #tpu.memory_space<vmem>>, vector<16xi32>,
    %get3A_150 = arith.constant 48 : index
    %get3A_151 = tpu.vector_load %arg16[%get3A_150] {strides = array<i32>} : memref<96xi32, #tpu.memory_space<vmem>>, vector<16xi32>,
    tpu.vector_store_idx %arg23[%get3A_151], %broadcast_in_dim3A_3 {add = true} : memref<10000xf32, #tpu.memory_space<vmem>>[vector<16xi32>], vector<16xf32>,
    %swap3A_152 = arith.constant 48 : index
    %swap3A_153 = tpu.vector_load %arg19[%swap3A_152] {strides = array<i32>} : memref<96xi32, #tpu.memory_space<vmem>>, vector<16xi32>,
    tpu.vector_store %arg19[%swap3A_152], %get3A_151 {strides = array<i32>} : memref<96xi32, #tpu.memory_space<vmem>>, vector<16xi32>,
    %get3A_154 = arith.constant 64 : index
    %get3A_155 = tpu.vector_load %arg16[%get3A_154] {strides = array<i32>} : memref<96xi32, #tpu.memory_space<vmem>>, vector<16xi32>,
    tpu.vector_store_idx %arg23[%get3A_155], %broadcast_in_dim3A_3 {add = true} : memref<10000xf32, #tpu.memory_space<vmem>>[vector<16xi32>], vector<16xf32>,
    %swap3A_156 = arith.constant 64 : index
    %swap3A_157 = tpu.vector_load %arg19[%swap3A_156] {strides = array<i32>} : memref<96xi32, #tpu.memory_space<vmem>>, vector<16xi32>,
    tpu.vector_store %arg19[%swap3A_156], %get3A_155 {strides = array<i32>} : memref<96xi32, #tpu.memory_space<vmem>>, vector<16xi32>,
    %get3A_158 = arith.constant 80 : index
    %get3A_159 = tpu.vector_load %arg16[%get3A_158] {strides = array<i32>} : memref<96xi32, #tpu.memory_space<vmem>>, vector<16xi32>,
    tpu.vector_store_idx %arg23[%get3A_159], %broadcast_in_dim3A_3 {add = true} : memref<10000xf32, #tpu.memory_space<vmem>>[vector<16xi32>], vector<16xf32>,
    %swap3A_160 = arith.constant 80 : index
    %swap3A_161 = tpu.vector_load %arg19[%swap3A_160] {strides = array<i32>} : memref<96xi32, #tpu.memory_space<vmem>>, vector<16xi32>,
    tpu.vector_store %arg19[%swap3A_160], %get3A_159 {strides = array<i32>} : memref<96xi32, #tpu.memory_space<vmem>>, vector<16xi32>,
    %dma_start3A_162 = arith.constant 0 : i32
    %dma_start3A_163 = arith.constant 0 : i32
    %dma_start3A_164 = tpu.memref_slice %arg24[%dma_start3A_162, %dma_start3A_163] : memref<10000x128xf32, #tpu.memory_space<vmem_shared>> -> memref<10000x128xf32, #tpu.memory_space<vmem_shared>>
    tpu.enqueue_indirect_dma source(%arg10 : memref<96x128xf32, #tpu.memory_space<vmem>>) target(%dma_start3A_164 : memref<10000x128xf32, #tpu.memory_space<vmem_shared>>) offsets(%arg19 : memref<96xi32, #tpu.memory_space<vmem>>) semaphore(%arg29 : memref<!tpu.dma_semaphore, #tpu.memory_space<semaphore_mem>>) {add = true}
    %dma_wait3A_165 = arith.constant 0 : i32
    %dma_wait3A_166 = arith.constant 0 : i32
    %dma_wait3A_167 = tpu.memref_slice %arg24[%dma_wait3A_165, %dma_wait3A_166] : memref<10000x128xf32, #tpu.memory_space<vmem_shared>> -> memref<10000x128xf32, #tpu.memory_space<vmem_shared>>
    tpu.wait_indirect_dma semaphore(%arg28 : memref<!tpu.dma_semaphore, #tpu.memory_space<semaphore_mem>>) src(%arg9 : memref<96x128xf32, #tpu.memory_space<vmem>>) dst(%dma_wait3A_167 : memref<10000x128xf32, #tpu.memory_space<vmem_shared>>)
    %add3A_168 = arith.constant 9984 : i32
    %add3A_169 = arith.addi %multiple_of3A, %add3A_168 : i32
    %multiple_of3A_170 = tpu.assume_multiple %add3A_169, 8 : i32
    %add3A_171 = arith.constant 9984 : i32
    %add3A_172 = arith.addi %multiple_of3A_10, %add3A_171 : i32
    %multiple_of3A_173 = tpu.assume_multiple %add3A_172, 8 : i32
    "tpu.region"() ({
      %run_scoped3A = tpu.sem_alloc : memref<!tpu.dma_semaphore, #tpu.memory_space<semaphore_mem>>
      %dma_start3A_2358 = tpu.memref_slice %arg3[%multiple_of3A_170] : memref<640000xi32, #tpu.memory_space<hbm>> -> memref<16xi32, #tpu.memory_space<hbm>>
      %dma_start3A_2359 = tpu.memref_slice %arg3[%multiple_of3A_170] : memref<640000xi32, #tpu.memory_space<hbm>> -> memref<16xi32, #tpu.memory_space<hbm>>
      tpu.enqueue_dma source(%dma_start3A_2359 : memref<16xi32, #tpu.memory_space<hbm>>) target(%arg21 : memref<16xi32, #tpu.memory_space<vmem>>) target_semaphore(%run_scoped3A : memref<!tpu.dma_semaphore, #tpu.memory_space<semaphore_mem>>)
      %dma_wait3A_2360 = tpu.memref_slice %arg3[%multiple_of3A_170] : memref<640000xi32, #tpu.memory_space<hbm>> -> memref<16xi32, #tpu.memory_space<hbm>>
      %dma_wait3A_2361 = tpu.memref_slice %arg3[%multiple_of3A_170] : memref<640000xi32, #tpu.memory_space<hbm>> -> memref<16xi32, #tpu.memory_space<hbm>>
      tpu.wait_dma2 semaphore(%run_scoped3A : memref<!tpu.dma_semaphore, #tpu.memory_space<semaphore_mem>>) src(%dma_wait3A_2361 : memref<16xi32, #tpu.memory_space<hbm>>) dst(%arg21 : memref<16xi32, #tpu.memory_space<vmem>>)
      tpu.yield
    }) : () -> ()
    "tpu.region"() ({
      %run_scoped3A = tpu.sem_alloc : memref<!tpu.dma_semaphore, #tpu.memory_space<semaphore_mem>>
      %dma_start3A_2358 = tpu.memref_slice %arg3[%multiple_of3A_173] : memref<640000xi32, #tpu.memory_space<hbm>> -> memref<16xi32, #tpu.memory_space<hbm>>
      %dma_start3A_2359 = tpu.memref_slice %arg3[%multiple_of3A_173] : memref<640000xi32, #tpu.memory_space<hbm>> -> memref<16xi32, #tpu.memory_space<hbm>>
      tpu.enqueue_dma source(%dma_start3A_2359 : memref<16xi32, #tpu.memory_space<hbm>>) target(%arg22 : memref<16xi32, #tpu.memory_space<vmem>>) target_semaphore(%run_scoped3A : memref<!tpu.dma_semaphore, #tpu.memory_space<semaphore_mem>>)
      %dma_wait3A_2360 = tpu.memref_slice %arg3[%multiple_of3A_173] : memref<640000xi32, #tpu.memory_space<hbm>> -> memref<16xi32, #tpu.memory_space<hbm>>
      %dma_wait3A_2361 = tpu.memref_slice %arg3[%multiple_of3A_173] : memref<640000xi32, #tpu.memory_space<hbm>> -> memref<16xi32, #tpu.memory_space<hbm>>
      tpu.wait_dma2 semaphore(%run_scoped3A : memref<!tpu.dma_semaphore, #tpu.memory_space<semaphore_mem>>) src(%dma_wait3A_2361 : memref<16xi32, #tpu.memory_space<hbm>>) dst(%arg22 : memref<16xi32, #tpu.memory_space<vmem>>)
      tpu.yield
    }) : () -> ()
    %dma_start3A_174 = arith.constant 0 : i32
    %dma_start3A_175 = arith.constant 0 : i32
    %dma_start3A_176 = tpu.memref_slice %arg11[%dma_start3A_174, %dma_start3A_175] : memref<96x128xf32, #tpu.memory_space<vmem>> -> memref<16x128xf32, #tpu.memory_space<vmem>>
    %dma_start3A_177 = arith.constant 0 : i32
    %dma_start3A_178 = arith.constant 0 : i32
    %dma_start3A_179 = tpu.memref_slice %arg2[%dma_start3A_177, %dma_start3A_178] : memref<10000x128xf32, #tpu.memory_space<hbm>> -> memref<10000x128xf32, #tpu.memory_space<hbm>>
    tpu.enqueue_indirect_dma source(%dma_start3A_179 : memref<10000x128xf32, #tpu.memory_space<hbm>>) target(%dma_start3A_176 : memref<16x128xf32, #tpu.memory_space<vmem>>) offsets(%arg21 : memref<16xi32, #tpu.memory_space<vmem>>) semaphore(%arg27 : memref<!tpu.dma_semaphore, #tpu.memory_space<semaphore_mem>>)
    %dma_wait3A_180 = arith.constant 0 : i32
    %dma_wait3A_181 = arith.constant 0 : i32
    %dma_wait3A_182 = tpu.memref_slice %arg11[%dma_wait3A_180, %dma_wait3A_181] : memref<96x128xf32, #tpu.memory_space<vmem>> -> memref<16x128xf32, #tpu.memory_space<vmem>>
    %dma_wait3A_183 = arith.constant 0 : i32
    %dma_wait3A_184 = arith.constant 0 : i32
    %dma_wait3A_185 = tpu.memref_slice %arg2[%dma_wait3A_183, %dma_wait3A_184] : memref<10000x128xf32, #tpu.memory_space<hbm>> -> memref<10000x128xf32, #tpu.memory_space<hbm>>
    tpu.wait_indirect_dma semaphore(%arg27 : memref<!tpu.dma_semaphore, #tpu.memory_space<semaphore_mem>>) src(%dma_wait3A_185 : memref<10000x128xf32, #tpu.memory_space<hbm>>) dst(%dma_wait3A_182 : memref<16x128xf32, #tpu.memory_space<vmem>>)
    %get3A_186 = arith.constant 0 : index
    %get3A_187 = tpu.vector_load %arg22[%get3A_186] {strides = array<i32>} : memref<16xi32, #tpu.memory_space<vmem>>, vector<16xi32>,
    tpu.vector_store_idx %arg23[%get3A_187], %broadcast_in_dim3A_3 {add = true} : memref<10000xf32, #tpu.memory_space<vmem>>[vector<16xi32>], vector<16xf32>,
    %dma_start3A_188 = arith.constant 0 : i32
    %dma_start3A_189 = arith.constant 0 : i32
    %dma_start3A_190 = tpu.memref_slice %arg11[%dma_start3A_188, %dma_start3A_189] : memref<96x128xf32, #tpu.memory_space<vmem>> -> memref<16x128xf32, #tpu.memory_space<vmem>>
    %dma_start3A_191 = arith.constant 0 : i32
    %dma_start3A_192 = arith.constant 0 : i32
    %dma_start3A_193 = tpu.memref_slice %arg24[%dma_start3A_191, %dma_start3A_192] : memref<10000x128xf32, #tpu.memory_space<vmem_shared>> -> memref<10000x128xf32, #tpu.memory_space<vmem_shared>>
    tpu.enqueue_indirect_dma source(%dma_start3A_190 : memref<16x128xf32, #tpu.memory_space<vmem>>) target(%dma_start3A_193 : memref<10000x128xf32, #tpu.memory_space<vmem_shared>>) offsets(%arg22 : memref<16xi32, #tpu.memory_space<vmem>>) semaphore(%arg30 : memref<!tpu.dma_semaphore, #tpu.memory_space<semaphore_mem>>) {add = true}
    %dma_wait3A_194 = arith.constant 0 : i32
    %dma_wait3A_195 = arith.constant 0 : i32
    %dma_wait3A_196 = tpu.memref_slice %arg24[%dma_wait3A_194, %dma_wait3A_195] : memref<10000x128xf32, #tpu.memory_space<vmem_shared>> -> memref<10000x128xf32, #tpu.memory_space<vmem_shared>>
    tpu.wait_indirect_dma semaphore(%arg29 : memref<!tpu.dma_semaphore, #tpu.memory_space<semaphore_mem>>) src(%arg10 : memref<96x128xf32, #tpu.memory_space<vmem>>) dst(%dma_wait3A_196 : memref<10000x128xf32, #tpu.memory_space<vmem_shared>>)
    %dma_wait3A_197 = arith.constant 0 : i32
    %dma_wait3A_198 = arith.constant 0 : i32
    %dma_wait3A_199 = tpu.memref_slice %arg11[%dma_wait3A_197, %dma_wait3A_198] : memref<96x128xf32, #tpu.memory_space<vmem>> -> memref<16x128xf32, #tpu.memory_space<vmem>>
    %dma_wait3A_200 = arith.constant 0 : i32
    %dma_wait3A_201 = arith.constant 0 : i32
    %dma_wait3A_202 = tpu.memref_slice %arg24[%dma_wait3A_200, %dma_wait3A_201] : memref<10000x128xf32, #tpu.memory_space<vmem_shared>> -> memref<10000x128xf32, #tpu.memory_space<vmem_shared>>
    tpu.wait_indirect_dma semaphore(%arg30 : memref<!tpu.dma_semaphore, #tpu.memory_space<semaphore_mem>>) src(%dma_wait3A_199 : memref<16x128xf32, #tpu.memory_space<vmem>>) dst(%dma_wait3A_202 : memref<10000x128xf32, #tpu.memory_space<vmem_shared>>)
    %barrier3A_203 = arith.constant 0 : index
    tpu.barrier barrier_id(%barrier3A_203)
    %add3A_204 = arith.constant 0 : i32
    %add3A_205 = arith.addi %add3A_204, %arg1 : i32
    %lt3A_206 = arith.constant 25 : i32
    %lt3A_207 = arith.cmpi slt, %add3A_205, %lt3A_206 : i32
    %convert_element_type3A_208 = arith.extui %lt3A_207 : i1 to i32
    %cond3A_209 = arith.constant 0 : i32
    %cond3A_210 = arith.cmpi ne, %convert_element_type3A_208, %cond3A_209 : i32
    scf.if %cond3A_210 {
      %mul3A_2358 = arith.constant 400 : i32
      %mul3A_2359 = arith.muli %add3A_205, %mul3A_2358 : i32
      %multiple_of3A_2360 = tpu.assume_multiple %mul3A_2359, 400 : i32
      %dma_start3A_2361 = arith.constant 0 : i32
      %dma_start3A_2362 = arith.constant 0 : i32
      %dma_start3A_2363 = tpu.memref_slice %arg7[%dma_start3A_2361, %arg0, %multiple_of3A_2360, %dma_start3A_2362] : memref<3x2x10000x128xf32, #tpu.memory_space<hbm>> -> memref<1x1x400x128xf32, #tpu.memory_space<hbm>>
      %dma_start3A_2364 = tpu.memref_squeeze %dma_start3A_2363 : memref<1x1x400x128xf32, #tpu.memory_space<hbm>> -> memref<400x128xf32, #tpu.memory_space<hbm>>
      %dma_start3A_2365 = arith.constant 0 : i32
      %dma_start3A_2366 = tpu.memref_slice %arg24[%multiple_of3A_2360, %dma_start3A_2365] : memref<10000x128xf32, #tpu.memory_space<vmem_shared>> -> memref<400x128xf32, #tpu.memory_space<vmem_shared>>
      tpu.enqueue_dma source(%dma_start3A_2366 : memref<400x128xf32, #tpu.memory_space<vmem_shared>>) target(%dma_start3A_2364 : memref<400x128xf32, #tpu.memory_space<hbm>>) target_semaphore(%arg34 : memref<!tpu.dma_semaphore, #tpu.memory_space<semaphore_mem>>)
    } else {
    }
    %add3A_211 = arith.constant 16 : i32
    %add3A_212 = arith.addi %add3A_211, %arg1 : i32
    %lt3A_213 = arith.constant 25 : i32
    %lt3A_214 = arith.cmpi slt, %add3A_212, %lt3A_213 : i32
    %convert_element_type3A_215 = arith.extui %lt3A_214 : i1 to i32
    %cond3A_216 = arith.constant 0 : i32
    %cond3A_217 = arith.cmpi ne, %convert_element_type3A_215, %cond3A_216 : i32
    scf.if %cond3A_217 {
      %mul3A_2358 = arith.constant 400 : i32
      %mul3A_2359 = arith.muli %add3A_212, %mul3A_2358 : i32
      %multiple_of3A_2360 = tpu.assume_multiple %mul3A_2359, 400 : i32
      %dma_start3A_2361 = arith.constant 0 : i32
      %dma_start3A_2362 = arith.constant 0 : i32
      %dma_start3A_2363 = tpu.memref_slice %arg7[%dma_start3A_2361, %arg0, %multiple_of3A_2360, %dma_start3A_2362] : memref<3x2x10000x128xf32, #tpu.memory_space<hbm>> -> memref<1x1x400x128xf32, #tpu.memory_space<hbm>>
      %dma_start3A_2364 = tpu.memref_squeeze %dma_start3A_2363 : memref<1x1x400x128xf32, #tpu.memory_space<hbm>> -> memref<400x128xf32, #tpu.memory_space<hbm>>
      %dma_start3A_2365 = arith.constant 0 : i32
      %dma_start3A_2366 = tpu.memref_slice %arg24[%multiple_of3A_2360, %dma_start3A_2365] : memref<10000x128xf32, #tpu.memory_space<vmem_shared>> -> memref<400x128xf32, #tpu.memory_space<vmem_shared>>
      tpu.enqueue_dma source(%dma_start3A_2366 : memref<400x128xf32, #tpu.memory_space<vmem_shared>>) target(%dma_start3A_2364 : memref<400x128xf32, #tpu.memory_space<hbm>>) target_semaphore(%arg34 : memref<!tpu.dma_semaphore, #tpu.memory_space<semaphore_mem>>)
    } else {
    }
    %add3A_218 = arith.constant 0 : i32
    %add3A_219 = arith.addi %add3A_218, %add3A : i32
    %mul3A_220 = arith.constant 400 : i32
    %mul3A_221 = arith.muli %add3A_219, %mul3A_220 : i32
    %multiple_of3A_222 = tpu.assume_multiple %mul3A_221, 8 : i32
    %dma_start3A_223 = arith.constant 0 : i32
    %dma_start3A_224 = tpu.memref_slice %arg23[%dma_start3A_223] : memref<10000xf32, #tpu.memory_space<vmem>> -> memref<400xf32, #tpu.memory_space<vmem>>
    %dma_start3A_225 = tpu.memref_slice %arg8[%multiple_of3A_222] : memref<960000xf32, #tpu.memory_space<hbm>> -> memref<400xf32, #tpu.memory_space<hbm>>
    %dma_start3A_226 = tpu.memref_slice %arg8[%multiple_of3A_222] : memref<960000xf32, #tpu.memory_space<hbm>> -> memref<400xf32, #tpu.memory_space<hbm>>
    %dma_start3A_227 = arith.constant 0 : i32
    %dma_start3A_228 = tpu.memref_slice %arg23[%dma_start3A_227] : memref<10000xf32, #tpu.memory_space<vmem>> -> memref<400xf32, #tpu.memory_space<vmem>>
    tpu.enqueue_dma source(%dma_start3A_228 : memref<400xf32, #tpu.memory_space<vmem>>) target(%dma_start3A_226 : memref<400xf32, #tpu.memory_space<hbm>>) target_semaphore(%arg34 : memref<!tpu.dma_semaphore, #tpu.memory_space<semaphore_mem>>)
    %add3A_229 = arith.constant 32 : i32
    %add3A_230 = arith.addi %add3A_229, %add3A : i32
    %mul3A_231 = arith.constant 400 : i32
    %mul3A_232 = arith.muli %add3A_230, %mul3A_231 : i32
    %multiple_of3A_233 = tpu.assume_multiple %mul3A_232, 8 : i32
    %dma_start3A_234 = arith.constant 400 : i32
    %dma_start3A_235 = tpu.memref_slice %arg23[%dma_start3A_234] : memref<10000xf32, #tpu.memory_space<vmem>> -> memref<400xf32, #tpu.memory_space<vmem>>
    %dma_start3A_236 = tpu.memref_slice %arg8[%multiple_of3A_233] : memref<960000xf32, #tpu.memory_space<hbm>> -> memref<400xf32, #tpu.memory_space<hbm>>
    %dma_start3A_237 = tpu.memref_slice %arg8[%multiple_of3A_233] : memref<960000xf32, #tpu.memory_space<hbm>> -> memref<400xf32, #tpu.memory_space<hbm>>
    %dma_start3A_238 = arith.constant 400 : i32
    %dma_start3A_239 = tpu.memref_slice %arg23[%dma_start3A_238] : memref<10000xf32, #tpu.memory_space<vmem>> -> memref<400xf32, #tpu.memory_space<vmem>>
    tpu.enqueue_dma source(%dma_start3A_239 : memref<400xf32, #tpu.memory_space<vmem>>) target(%dma_start3A_237 : memref<400xf32, #tpu.memory_space<hbm>>) target_semaphore(%arg34 : memref<!tpu.dma_semaphore, #tpu.memory_space<semaphore_mem>>)
    %add3A_240 = arith.constant 64 : i32
    %add3A_241 = arith.addi %add3A_240, %add3A : i32
    %mul3A_242 = arith.constant 400 : i32
    %mul3A_243 = arith.muli %add3A_241, %mul3A_242 : i32
    %multiple_of3A_244 = tpu.assume_multiple %mul3A_243, 8 : i32
    %dma_start3A_245 = arith.constant 800 : i32
    %dma_start3A_246 = tpu.memref_slice %arg23[%dma_start3A_245] : memref<10000xf32, #tpu.memory_space<vmem>> -> memref<400xf32, #tpu.memory_space<vmem>>
    %dma_start3A_247 = tpu.memref_slice %arg8[%multiple_of3A_244] : memref<960000xf32, #tpu.memory_space<hbm>> -> memref<400xf32, #tpu.memory_space<hbm>>
    %dma_start3A_248 = tpu.memref_slice %arg8[%multiple_of3A_244] : memref<960000xf32, #tpu.memory_space<hbm>> -> memref<400xf32, #tpu.memory_space<hbm>>
    %dma_start3A_249 = arith.constant 800 : i32
    %dma_start3A_250 = tpu.memref_slice %arg23[%dma_start3A_249] : memref<10000xf32, #tpu.memory_space<vmem>> -> memref<400xf32, #tpu.memory_space<vmem>>
    tpu.enqueue_dma source(%dma_start3A_250 : memref<400xf32, #tpu.memory_space<vmem>>) target(%dma_start3A_248 : memref<400xf32, #tpu.memory_space<hbm>>) target_semaphore(%arg34 : memref<!tpu.dma_semaphore, #tpu.memory_space<semaphore_mem>>)
    %add3A_251 = arith.constant 96 : i32
    %add3A_252 = arith.addi %add3A_251, %add3A : i32
    %mul3A_253 = arith.constant 400 : i32
    %mul3A_254 = arith.muli %add3A_252, %mul3A_253 : i32
    %multiple_of3A_255 = tpu.assume_multiple %mul3A_254, 8 : i32
    %dma_start3A_256 = arith.constant 1200 : i32
    %dma_start3A_257 = tpu.memref_slice %arg23[%dma_start3A_256] : memref<10000xf32, #tpu.memory_space<vmem>> -> memref<400xf32, #tpu.memory_space<vmem>>
    %dma_start3A_258 = tpu.memref_slice %arg8[%multiple_of3A_255] : memref<960000xf32, #tpu.memory_space<hbm>> -> memref<400xf32, #tpu.memory_space<hbm>>
    %dma_start3A_259 = tpu.memref_slice %arg8[%multiple_of3A_255] : memref<960000xf32, #tpu.memory_space<hbm>> -> memref<400xf32, #tpu.memory_space<hbm>>
    %dma_start3A_260 = arith.constant 1200 : i32
    %dma_start3A_261 = tpu.memref_slice %arg23[%dma_start3A_260] : memref<10000xf32, #tpu.memory_space<vmem>> -> memref<400xf32, #tpu.memory_space<vmem>>
    tpu.enqueue_dma source(%dma_start3A_261 : memref<400xf32, #tpu.memory_space<vmem>>) target(%dma_start3A_259 : memref<400xf32, #tpu.memory_space<hbm>>) target_semaphore(%arg34 : memref<!tpu.dma_semaphore, #tpu.memory_space<semaphore_mem>>)
    %add3A_262 = arith.constant 128 : i32
    %add3A_263 = arith.addi %add3A_262, %add3A : i32
    %mul3A_264 = arith.constant 400 : i32
    %mul3A_265 = arith.muli %add3A_263, %mul3A_264 : i32
    %multiple_of3A_266 = tpu.assume_multiple %mul3A_265, 8 : i32
    %dma_start3A_267 = arith.constant 1600 : i32
    %dma_start3A_268 = tpu.memref_slice %arg23[%dma_start3A_267] : memref<10000xf32, #tpu.memory_space<vmem>> -> memref<400xf32, #tpu.memory_space<vmem>>
    %dma_start3A_269 = tpu.memref_slice %arg8[%multiple_of3A_266] : memref<960000xf32, #tpu.memory_space<hbm>> -> memref<400xf32, #tpu.memory_space<hbm>>
    %dma_start3A_270 = tpu.memref_slice %arg8[%multiple_of3A_266] : memref<960000xf32, #tpu.memory_space<hbm>> -> memref<400xf32, #tpu.memory_space<hbm>>
    %dma_start3A_271 = arith.constant 1600 : i32
    %dma_start3A_272 = tpu.memref_slice %arg23[%dma_start3A_271] : memref<10000xf32, #tpu.memory_space<vmem>> -> memref<400xf32, #tpu.memory_space<vmem>>
    tpu.enqueue_dma source(%dma_start3A_272 : memref<400xf32, #tpu.memory_space<vmem>>) target(%dma_start3A_270 : memref<400xf32, #tpu.memory_space<hbm>>) target_semaphore(%arg34 : memref<!tpu.dma_semaphore, #tpu.memory_space<semaphore_mem>>)
    %add3A_273 = arith.constant 160 : i32
    %add3A_274 = arith.addi %add3A_273, %add3A : i32
    %mul3A_275 = arith.constant 400 : i32
    %mul3A_276 = arith.muli %add3A_274, %mul3A_275 : i32
    %multiple_of3A_277 = tpu.assume_multiple %mul3A_276, 8 : i32
    %dma_start3A_278 = arith.constant 2000 : i32
    %dma_start3A_279 = tpu.memref_slice %arg23[%dma_start3A_278] : memref<10000xf32, #tpu.memory_space<vmem>> -> memref<400xf32, #tpu.memory_space<vmem>>
    %dma_start3A_280 = tpu.memref_slice %arg8[%multiple_of3A_277] : memref<960000xf32, #tpu.memory_space<hbm>> -> memref<400xf32, #tpu.memory_space<hbm>>
    %dma_start3A_281 = tpu.memref_slice %arg8[%multiple_of3A_277] : memref<960000xf32, #tpu.memory_space<hbm>> -> memref<400xf32, #tpu.memory_space<hbm>>
    %dma_start3A_282 = arith.constant 2000 : i32
    %dma_start3A_283 = tpu.memref_slice %arg23[%dma_start3A_282] : memref<10000xf32, #tpu.memory_space<vmem>> -> memref<400xf32, #tpu.memory_space<vmem>>
    tpu.enqueue_dma source(%dma_start3A_283 : memref<400xf32, #tpu.memory_space<vmem>>) target(%dma_start3A_281 : memref<400xf32, #tpu.memory_space<hbm>>) target_semaphore(%arg34 : memref<!tpu.dma_semaphore, #tpu.memory_space<semaphore_mem>>)
    %add3A_284 = arith.constant 192 : i32
    %add3A_285 = arith.addi %add3A_284, %add3A : i32
    %mul3A_286 = arith.constant 400 : i32
    %mul3A_287 = arith.muli %add3A_285, %mul3A_286 : i32
    %multiple_of3A_288 = tpu.assume_multiple %mul3A_287, 8 : i32
    %dma_start3A_289 = arith.constant 2400 : i32
    %dma_start3A_290 = tpu.memref_slice %arg23[%dma_start3A_289] : memref<10000xf32, #tpu.memory_space<vmem>> -> memref<400xf32, #tpu.memory_space<vmem>>
    %dma_start3A_291 = tpu.memref_slice %arg8[%multiple_of3A_288] : memref<960000xf32, #tpu.memory_space<hbm>> -> memref<400xf32, #tpu.memory_space<hbm>>
    %dma_start3A_292 = tpu.memref_slice %arg8[%multiple_of3A_288] : memref<960000xf32, #tpu.memory_space<hbm>> -> memref<400xf32, #tpu.memory_space<hbm>>
    %dma_start3A_293 = arith.constant 2400 : i32
    %dma_start3A_294 = tpu.memref_slice %arg23[%dma_start3A_293] : memref<10000xf32, #tpu.memory_space<vmem>> -> memref<400xf32, #tpu.memory_space<vmem>>
    tpu.enqueue_dma source(%dma_start3A_294 : memref<400xf32, #tpu.memory_space<vmem>>) target(%dma_start3A_292 : memref<400xf32, #tpu.memory_space<hbm>>) target_semaphore(%arg34 : memref<!tpu.dma_semaphore, #tpu.memory_space<semaphore_mem>>)
    %add3A_295 = arith.constant 224 : i32
    %add3A_296 = arith.addi %add3A_295, %add3A : i32
    %mul3A_297 = arith.constant 400 : i32
    %mul3A_298 = arith.muli %add3A_296, %mul3A_297 : i32
    %multiple_of3A_299 = tpu.assume_multiple %mul3A_298, 8 : i32
    %dma_start3A_300 = arith.constant 2800 : i32
    %dma_start3A_301 = tpu.memref_slice %arg23[%dma_start3A_300] : memref<10000xf32, #tpu.memory_space<vmem>> -> memref<400xf32, #tpu.memory_space<vmem>>
    %dma_start3A_302 = tpu.memref_slice %arg8[%multiple_of3A_299] : memref<960000xf32, #tpu.memory_space<hbm>> -> memref<400xf32, #tpu.memory_space<hbm>>
    %dma_start3A_303 = tpu.memref_slice %arg8[%multiple_of3A_299] : memref<960000xf32, #tpu.memory_space<hbm>> -> memref<400xf32, #tpu.memory_space<hbm>>
    %dma_start3A_304 = arith.constant 2800 : i32
    %dma_start3A_305 = tpu.memref_slice %arg23[%dma_start3A_304] : memref<10000xf32, #tpu.memory_space<vmem>> -> memref<400xf32, #tpu.memory_space<vmem>>
    tpu.enqueue_dma source(%dma_start3A_305 : memref<400xf32, #tpu.memory_space<vmem>>) target(%dma_start3A_303 : memref<400xf32, #tpu.memory_space<hbm>>) target_semaphore(%arg34 : memref<!tpu.dma_semaphore, #tpu.memory_space<semaphore_mem>>)
    %add3A_306 = arith.constant 256 : i32
    %add3A_307 = arith.addi %add3A_306, %add3A : i32
    %mul3A_308 = arith.constant 400 : i32
    %mul3A_309 = arith.muli %add3A_307, %mul3A_308 : i32
    %multiple_of3A_310 = tpu.assume_multiple %mul3A_309, 8 : i32
    %dma_start3A_311 = arith.constant 3200 : i32
    %dma_start3A_312 = tpu.memref_slice %arg23[%dma_start3A_311] : memref<10000xf32, #tpu.memory_space<vmem>> -> memref<400xf32, #tpu.memory_space<vmem>>
    %dma_start3A_313 = tpu.memref_slice %arg8[%multiple_of3A_310] : memref<960000xf32, #tpu.memory_space<hbm>> -> memref<400xf32, #tpu.memory_space<hbm>>
    %dma_start3A_314 = tpu.memref_slice %arg8[%multiple_of3A_310] : memref<960000xf32, #tpu.memory_space<hbm>> -> memref<400xf32, #tpu.memory_space<hbm>>
    %dma_start3A_315 = arith.constant 3200 : i32
    %dma_start3A_316 = tpu.memref_slice %arg23[%dma_start3A_315] : memref<10000xf32, #tpu.memory_space<vmem>> -> memref<400xf32, #tpu.memory_space<vmem>>
    tpu.enqueue_dma source(%dma_start3A_316 : memref<400xf32, #tpu.memory_space<vmem>>) target(%dma_start3A_314 : memref<400xf32, #tpu.memory_space<hbm>>) target_semaphore(%arg34 : memref<!tpu.dma_semaphore, #tpu.memory_space<semaphore_mem>>)
    %add3A_317 = arith.constant 288 : i32
    %add3A_318 = arith.addi %add3A_317, %add3A : i32
    %mul3A_319 = arith.constant 400 : i32
    %mul3A_320 = arith.muli %add3A_318, %mul3A_319 : i32
    %multiple_of3A_321 = tpu.assume_multiple %mul3A_320, 8 : i32
    %dma_start3A_322 = arith.constant 3600 : i32
    %dma_start3A_323 = tpu.memref_slice %arg23[%dma_start3A_322] : memref<10000xf32, #tpu.memory_space<vmem>> -> memref<400xf32, #tpu.memory_space<vmem>>
    %dma_start3A_324 = tpu.memref_slice %arg8[%multiple_of3A_321] : memref<960000xf32, #tpu.memory_space<hbm>> -> memref<400xf32, #tpu.memory_space<hbm>>
    %dma_start3A_325 = tpu.memref_slice %arg8[%multiple_of3A_321] : memref<960000xf32, #tpu.memory_space<hbm>> -> memref<400xf32, #tpu.memory_space<hbm>>
    %dma_start3A_326 = arith.constant 3600 : i32
    %dma_start3A_327 = tpu.memref_slice %arg23[%dma_start3A_326] : memref<10000xf32, #tpu.memory_space<vmem>> -> memref<400xf32, #tpu.memory_space<vmem>>
    tpu.enqueue_dma source(%dma_start3A_327 : memref<400xf32, #tpu.memory_space<vmem>>) target(%dma_start3A_325 : memref<400xf32, #tpu.memory_space<hbm>>) target_semaphore(%arg34 : memref<!tpu.dma_semaphore, #tpu.memory_space<semaphore_mem>>)
    %add3A_328 = arith.constant 320 : i32
    %add3A_329 = arith.addi %add3A_328, %add3A : i32
    %mul3A_330 = arith.constant 400 : i32
    %mul3A_331 = arith.muli %add3A_329, %mul3A_330 : i32
    %multiple_of3A_332 = tpu.assume_multiple %mul3A_331, 8 : i32
    %dma_start3A_333 = arith.constant 4000 : i32
    %dma_start3A_334 = tpu.memref_slice %arg23[%dma_start3A_333] : memref<10000xf32, #tpu.memory_space<vmem>> -> memref<400xf32, #tpu.memory_space<vmem>>
    %dma_start3A_335 = tpu.memref_slice %arg8[%multiple_of3A_332] : memref<960000xf32, #tpu.memory_space<hbm>> -> memref<400xf32, #tpu.memory_space<hbm>>
    %dma_start3A_336 = tpu.memref_slice %arg8[%multiple_of3A_332] : memref<960000xf32, #tpu.memory_space<hbm>> -> memref<400xf32, #tpu.memory_space<hbm>>
    %dma_start3A_337 = arith.constant 4000 : i32
    %dma_start3A_338 = tpu.memref_slice %arg23[%dma_start3A_337] : memref<10000xf32, #tpu.memory_space<vmem>> -> memref<400xf32, #tpu.memory_space<vmem>>
    tpu.enqueue_dma source(%dma_start3A_338 : memref<400xf32, #tpu.memory_space<vmem>>) target(%dma_start3A_336 : memref<400xf32, #tpu.memory_space<hbm>>) target_semaphore(%arg34 : memref<!tpu.dma_semaphore, #tpu.memory_space<semaphore_mem>>)
    %add3A_339 = arith.constant 352 : i32
    %add3A_340 = arith.addi %add3A_339, %add3A : i32
    %mul3A_341 = arith.constant 400 : i32
    %mul3A_342 = arith.muli %add3A_340, %mul3A_341 : i32
    %multiple_of3A_343 = tpu.assume_multiple %mul3A_342, 8 : i32
    %dma_start3A_344 = arith.constant 4400 : i32
    %dma_start3A_345 = tpu.memref_slice %arg23[%dma_start3A_344] : memref<10000xf32, #tpu.memory_space<vmem>> -> memref<400xf32, #tpu.memory_space<vmem>>
    %dma_start3A_346 = tpu.memref_slice %arg8[%multiple_of3A_343] : memref<960000xf32, #tpu.memory_space<hbm>> -> memref<400xf32, #tpu.memory_space<hbm>>
    %dma_start3A_347 = tpu.memref_slice %arg8[%multiple_of3A_343] : memref<960000xf32, #tpu.memory_space<hbm>> -> memref<400xf32, #tpu.memory_space<hbm>>
    %dma_start3A_348 = arith.constant 4400 : i32
    %dma_start3A_349 = tpu.memref_slice %arg23[%dma_start3A_348] : memref<10000xf32, #tpu.memory_space<vmem>> -> memref<400xf32, #tpu.memory_space<vmem>>
    tpu.enqueue_dma source(%dma_start3A_349 : memref<400xf32, #tpu.memory_space<vmem>>) target(%dma_start3A_347 : memref<400xf32, #tpu.memory_space<hbm>>) target_semaphore(%arg34 : memref<!tpu.dma_semaphore, #tpu.memory_space<semaphore_mem>>)
    %add3A_350 = arith.constant 384 : i32
    %add3A_351 = arith.addi %add3A_350, %add3A : i32
    %mul3A_352 = arith.constant 400 : i32
    %mul3A_353 = arith.muli %add3A_351, %mul3A_352 : i32
    %multiple_of3A_354 = tpu.assume_multiple %mul3A_353, 8 : i32
    %dma_start3A_355 = arith.constant 4800 : i32
    %dma_start3A_356 = tpu.memref_slice %arg23[%dma_start3A_355] : memref<10000xf32, #tpu.memory_space<vmem>> -> memref<400xf32, #tpu.memory_space<vmem>>
    %dma_start3A_357 = tpu.memref_slice %arg8[%multiple_of3A_354] : memref<960000xf32, #tpu.memory_space<hbm>> -> memref<400xf32, #tpu.memory_space<hbm>>
    %dma_start3A_358 = tpu.memref_slice %arg8[%multiple_of3A_354] : memref<960000xf32, #tpu.memory_space<hbm>> -> memref<400xf32, #tpu.memory_space<hbm>>
    %dma_start3A_359 = arith.constant 4800 : i32
    %dma_start3A_360 = tpu.memref_slice %arg23[%dma_start3A_359] : memref<10000xf32, #tpu.memory_space<vmem>> -> memref<400xf32, #tpu.memory_space<vmem>>
    tpu.enqueue_dma source(%dma_start3A_360 : memref<400xf32, #tpu.memory_space<vmem>>) target(%dma_start3A_358 : memref<400xf32, #tpu.memory_space<hbm>>) target_semaphore(%arg34 : memref<!tpu.dma_semaphore, #tpu.memory_space<semaphore_mem>>)
    %add3A_361 = arith.constant 416 : i32
    %add3A_362 = arith.addi %add3A_361, %add3A : i32
    %mul3A_363 = arith.constant 400 : i32
    %mul3A_364 = arith.muli %add3A_362, %mul3A_363 : i32
    %multiple_of3A_365 = tpu.assume_multiple %mul3A_364, 8 : i32
    %dma_start3A_366 = arith.constant 5200 : i32
    %dma_start3A_367 = tpu.memref_slice %arg23[%dma_start3A_366] : memref<10000xf32, #tpu.memory_space<vmem>> -> memref<400xf32, #tpu.memory_space<vmem>>
    %dma_start3A_368 = tpu.memref_slice %arg8[%multiple_of3A_365] : memref<960000xf32, #tpu.memory_space<hbm>> -> memref<400xf32, #tpu.memory_space<hbm>>
    %dma_start3A_369 = tpu.memref_slice %arg8[%multiple_of3A_365] : memref<960000xf32, #tpu.memory_space<hbm>> -> memref<400xf32, #tpu.memory_space<hbm>>
    %dma_start3A_370 = arith.constant 5200 : i32
    %dma_start3A_371 = tpu.memref_slice %arg23[%dma_start3A_370] : memref<10000xf32, #tpu.memory_space<vmem>> -> memref<400xf32, #tpu.memory_space<vmem>>
    tpu.enqueue_dma source(%dma_start3A_371 : memref<400xf32, #tpu.memory_space<vmem>>) target(%dma_start3A_369 : memref<400xf32, #tpu.memory_space<hbm>>) target_semaphore(%arg34 : memref<!tpu.dma_semaphore, #tpu.memory_space<semaphore_mem>>)
    %add3A_372 = arith.constant 448 : i32
    %add3A_373 = arith.addi %add3A_372, %add3A : i32
    %mul3A_374 = arith.constant 400 : i32
    %mul3A_375 = arith.muli %add3A_373, %mul3A_374 : i32
    %multiple_of3A_376 = tpu.assume_multiple %mul3A_375, 8 : i32
    %dma_start3A_377 = arith.constant 5600 : i32
    %dma_start3A_378 = tpu.memref_slice %arg23[%dma_start3A_377] : memref<10000xf32, #tpu.memory_space<vmem>> -> memref<400xf32, #tpu.memory_space<vmem>>
    %dma_start3A_379 = tpu.memref_slice %arg8[%multiple_of3A_376] : memref<960000xf32, #tpu.memory_space<hbm>> -> memref<400xf32, #tpu.memory_space<hbm>>
    %dma_start3A_380 = tpu.memref_slice %arg8[%multiple_of3A_376] : memref<960000xf32, #tpu.memory_space<hbm>> -> memref<400xf32, #tpu.memory_space<hbm>>
    %dma_start3A_381 = arith.constant 5600 : i32
    %dma_start3A_382 = tpu.memref_slice %arg23[%dma_start3A_381] : memref<10000xf32, #tpu.memory_space<vmem>> -> memref<400xf32, #tpu.memory_space<vmem>>
    tpu.enqueue_dma source(%dma_start3A_382 : memref<400xf32, #tpu.memory_space<vmem>>) target(%dma_start3A_380 : memref<400xf32, #tpu.memory_space<hbm>>) target_semaphore(%arg34 : memref<!tpu.dma_semaphore, #tpu.memory_space<semaphore_mem>>)
    %add3A_383 = arith.constant 480 : i32
    %add3A_384 = arith.addi %add3A_383, %add3A : i32
    %mul3A_385 = arith.constant 400 : i32
    %mul3A_386 = arith.muli %add3A_384, %mul3A_385 : i32
    %multiple_of3A_387 = tpu.assume_multiple %mul3A_386, 8 : i32
    %dma_start3A_388 = arith.constant 6000 : i32
    %dma_start3A_389 = tpu.memref_slice %arg23[%dma_start3A_388] : memref<10000xf32, #tpu.memory_space<vmem>> -> memref<400xf32, #tpu.memory_space<vmem>>
    %dma_start3A_390 = tpu.memref_slice %arg8[%multiple_of3A_387] : memref<960000xf32, #tpu.memory_space<hbm>> -> memref<400xf32, #tpu.memory_space<hbm>>
    %dma_start3A_391 = tpu.memref_slice %arg8[%multiple_of3A_387] : memref<960000xf32, #tpu.memory_space<hbm>> -> memref<400xf32, #tpu.memory_space<hbm>>
    %dma_start3A_392 = arith.constant 6000 : i32
    %dma_start3A_393 = tpu.memref_slice %arg23[%dma_start3A_392] : memref<10000xf32, #tpu.memory_space<vmem>> -> memref<400xf32, #tpu.memory_space<vmem>>
    tpu.enqueue_dma source(%dma_start3A_393 : memref<400xf32, #tpu.memory_space<vmem>>) target(%dma_start3A_391 : memref<400xf32, #tpu.memory_space<hbm>>) target_semaphore(%arg34 : memref<!tpu.dma_semaphore, #tpu.memory_space<semaphore_mem>>)
    %add3A_394 = arith.constant 512 : i32
    %add3A_395 = arith.addi %add3A_394, %add3A : i32
    %mul3A_396 = arith.constant 400 : i32
    %mul3A_397 = arith.muli %add3A_395, %mul3A_396 : i32
    %multiple_of3A_398 = tpu.assume_multiple %mul3A_397, 8 : i32
    %dma_start3A_399 = arith.constant 6400 : i32
    %dma_start3A_400 = tpu.memref_slice %arg23[%dma_start3A_399] : memref<10000xf32, #tpu.memory_space<vmem>> -> memref<400xf32, #tpu.memory_space<vmem>>
    %dma_start3A_401 = tpu.memref_slice %arg8[%multiple_of3A_398] : memref<960000xf32, #tpu.memory_space<hbm>> -> memref<400xf32, #tpu.memory_space<hbm>>
    %dma_start3A_402 = tpu.memref_slice %arg8[%multiple_of3A_398] : memref<960000xf32, #tpu.memory_space<hbm>> -> memref<400xf32, #tpu.memory_space<hbm>>
    %dma_start3A_403 = arith.constant 6400 : i32
    %dma_start3A_404 = tpu.memref_slice %arg23[%dma_start3A_403] : memref<10000xf32, #tpu.memory_space<vmem>> -> memref<400xf32, #tpu.memory_space<vmem>>
    tpu.enqueue_dma source(%dma_start3A_404 : memref<400xf32, #tpu.memory_space<vmem>>) target(%dma_start3A_402 : memref<400xf32, #tpu.memory_space<hbm>>) target_semaphore(%arg34 : memref<!tpu.dma_semaphore, #tpu.memory_space<semaphore_mem>>)
    %add3A_405 = arith.constant 544 : i32
    %add3A_406 = arith.addi %add3A_405, %add3A : i32
    %mul3A_407 = arith.constant 400 : i32
    %mul3A_408 = arith.muli %add3A_406, %mul3A_407 : i32
    %multiple_of3A_409 = tpu.assume_multiple %mul3A_408, 8 : i32
    %dma_start3A_410 = arith.constant 6800 : i32
    %dma_start3A_411 = tpu.memref_slice %arg23[%dma_start3A_410] : memref<10000xf32, #tpu.memory_space<vmem>> -> memref<400xf32, #tpu.memory_space<vmem>>
    %dma_start3A_412 = tpu.memref_slice %arg8[%multiple_of3A_409] : memref<960000xf32, #tpu.memory_space<hbm>> -> memref<400xf32, #tpu.memory_space<hbm>>
    %dma_start3A_413 = tpu.memref_slice %arg8[%multiple_of3A_409] : memref<960000xf32, #tpu.memory_space<hbm>> -> memref<400xf32, #tpu.memory_space<hbm>>
    %dma_start3A_414 = arith.constant 6800 : i32
    %dma_start3A_415 = tpu.memref_slice %arg23[%dma_start3A_414] : memref<10000xf32, #tpu.memory_space<vmem>> -> memref<400xf32, #tpu.memory_space<vmem>>
    tpu.enqueue_dma source(%dma_start3A_415 : memref<400xf32, #tpu.memory_space<vmem>>) target(%dma_start3A_413 : memref<400xf32, #tpu.memory_space<hbm>>) target_semaphore(%arg34 : memref<!tpu.dma_semaphore, #tpu.memory_space<semaphore_mem>>)
    %add3A_416 = arith.constant 576 : i32
    %add3A_417 = arith.addi %add3A_416, %add3A : i32
    %mul3A_418 = arith.constant 400 : i32
    %mul3A_419 = arith.muli %add3A_417, %mul3A_418 : i32
    %multiple_of3A_420 = tpu.assume_multiple %mul3A_419, 8 : i32
    %dma_start3A_421 = arith.constant 7200 : i32
    %dma_start3A_422 = tpu.memref_slice %arg23[%dma_start3A_421] : memref<10000xf32, #tpu.memory_space<vmem>> -> memref<400xf32, #tpu.memory_space<vmem>>
    %dma_start3A_423 = tpu.memref_slice %arg8[%multiple_of3A_420] : memref<960000xf32, #tpu.memory_space<hbm>> -> memref<400xf32, #tpu.memory_space<hbm>>
    %dma_start3A_424 = tpu.memref_slice %arg8[%multiple_of3A_420] : memref<960000xf32, #tpu.memory_space<hbm>> -> memref<400xf32, #tpu.memory_space<hbm>>
    %dma_start3A_425 = arith.constant 7200 : i32
    %dma_start3A_426 = tpu.memref_slice %arg23[%dma_start3A_425] : memref<10000xf32, #tpu.memory_space<vmem>> -> memref<400xf32, #tpu.memory_space<vmem>>
    tpu.enqueue_dma source(%dma_start3A_426 : memref<400xf32, #tpu.memory_space<vmem>>) target(%dma_start3A_424 : memref<400xf32, #tpu.memory_space<hbm>>) target_semaphore(%arg34 : memref<!tpu.dma_semaphore, #tpu.memory_space<semaphore_mem>>)
    %add3A_427 = arith.constant 608 : i32
    %add3A_428 = arith.addi %add3A_427, %add3A : i32
    %mul3A_429 = arith.constant 400 : i32
    %mul3A_430 = arith.muli %add3A_428, %mul3A_429 : i32
    %multiple_of3A_431 = tpu.assume_multiple %mul3A_430, 8 : i32
    %dma_start3A_432 = arith.constant 7600 : i32
    %dma_start3A_433 = tpu.memref_slice %arg23[%dma_start3A_432] : memref<10000xf32, #tpu.memory_space<vmem>> -> memref<400xf32, #tpu.memory_space<vmem>>
    %dma_start3A_434 = tpu.memref_slice %arg8[%multiple_of3A_431] : memref<960000xf32, #tpu.memory_space<hbm>> -> memref<400xf32, #tpu.memory_space<hbm>>
    %dma_start3A_435 = tpu.memref_slice %arg8[%multiple_of3A_431] : memref<960000xf32, #tpu.memory_space<hbm>> -> memref<400xf32, #tpu.memory_space<hbm>>
    %dma_start3A_436 = arith.constant 7600 : i32
    %dma_start3A_437 = tpu.memref_slice %arg23[%dma_start3A_436] : memref<10000xf32, #tpu.memory_space<vmem>> -> memref<400xf32, #tpu.memory_space<vmem>>
    tpu.enqueue_dma source(%dma_start3A_437 : memref<400xf32, #tpu.memory_space<vmem>>) target(%dma_start3A_435 : memref<400xf32, #tpu.memory_space<hbm>>) target_semaphore(%arg34 : memref<!tpu.dma_semaphore, #tpu.memory_space<semaphore_mem>>)
    %add3A_438 = arith.constant 640 : i32
    %add3A_439 = arith.addi %add3A_438, %add3A : i32
    %mul3A_440 = arith.constant 400 : i32
    %mul3A_441 = arith.muli %add3A_439, %mul3A_440 : i32
    %multiple_of3A_442 = tpu.assume_multiple %mul3A_441, 8 : i32
    %dma_start3A_443 = arith.constant 8000 : i32
    %dma_start3A_444 = tpu.memref_slice %arg23[%dma_start3A_443] : memref<10000xf32, #tpu.memory_space<vmem>> -> memref<400xf32, #tpu.memory_space<vmem>>
    %dma_start3A_445 = tpu.memref_slice %arg8[%multiple_of3A_442] : memref<960000xf32, #tpu.memory_space<hbm>> -> memref<400xf32, #tpu.memory_space<hbm>>
    %dma_start3A_446 = tpu.memref_slice %arg8[%multiple_of3A_442] : memref<960000xf32, #tpu.memory_space<hbm>> -> memref<400xf32, #tpu.memory_space<hbm>>
    %dma_start3A_447 = arith.constant 8000 : i32
    %dma_start3A_448 = tpu.memref_slice %arg23[%dma_start3A_447] : memref<10000xf32, #tpu.memory_space<vmem>> -> memref<400xf32, #tpu.memory_space<vmem>>
    tpu.enqueue_dma source(%dma_start3A_448 : memref<400xf32, #tpu.memory_space<vmem>>) target(%dma_start3A_446 : memref<400xf32, #tpu.memory_space<hbm>>) target_semaphore(%arg34 : memref<!tpu.dma_semaphore, #tpu.memory_space<semaphore_mem>>)
    %add3A_449 = arith.constant 672 : i32
    %add3A_450 = arith.addi %add3A_449, %add3A : i32
    %mul3A_451 = arith.constant 400 : i32
    %mul3A_452 = arith.muli %add3A_450, %mul3A_451 : i32
    %multiple_of3A_453 = tpu.assume_multiple %mul3A_452, 8 : i32
    %dma_start3A_454 = arith.constant 8400 : i32
    %dma_start3A_455 = tpu.memref_slice %arg23[%dma_start3A_454] : memref<10000xf32, #tpu.memory_space<vmem>> -> memref<400xf32, #tpu.memory_space<vmem>>
    %dma_start3A_456 = tpu.memref_slice %arg8[%multiple_of3A_453] : memref<960000xf32, #tpu.memory_space<hbm>> -> memref<400xf32, #tpu.memory_space<hbm>>
    %dma_start3A_457 = tpu.memref_slice %arg8[%multiple_of3A_453] : memref<960000xf32, #tpu.memory_space<hbm>> -> memref<400xf32, #tpu.memory_space<hbm>>
    %dma_start3A_458 = arith.constant 8400 : i32
    %dma_start3A_459 = tpu.memref_slice %arg23[%dma_start3A_458] : memref<10000xf32, #tpu.memory_space<vmem>> -> memref<400xf32, #tpu.memory_space<vmem>>
    tpu.enqueue_dma source(%dma_start3A_459 : memref<400xf32, #tpu.memory_space<vmem>>) target(%dma_start3A_457 : memref<400xf32, #tpu.memory_space<hbm>>) target_semaphore(%arg34 : memref<!tpu.dma_semaphore, #tpu.memory_space<semaphore_mem>>)
    %add3A_460 = arith.constant 704 : i32
    %add3A_461 = arith.addi %add3A_460, %add3A : i32
    %mul3A_462 = arith.constant 400 : i32
    %mul3A_463 = arith.muli %add3A_461, %mul3A_462 : i32
    %multiple_of3A_464 = tpu.assume_multiple %mul3A_463, 8 : i32
    %dma_start3A_465 = arith.constant 8800 : i32
    %dma_start3A_466 = tpu.memref_slice %arg23[%dma_start3A_465] : memref<10000xf32, #tpu.memory_space<vmem>> -> memref<400xf32, #tpu.memory_space<vmem>>
    %dma_start3A_467 = tpu.memref_slice %arg8[%multiple_of3A_464] : memref<960000xf32, #tpu.memory_space<hbm>> -> memref<400xf32, #tpu.memory_space<hbm>>
    %dma_start3A_468 = tpu.memref_slice %arg8[%multiple_of3A_464] : memref<960000xf32, #tpu.memory_space<hbm>> -> memref<400xf32, #tpu.memory_space<hbm>>
    %dma_start3A_469 = arith.constant 8800 : i32
    %dma_start3A_470 = tpu.memref_slice %arg23[%dma_start3A_469] : memref<10000xf32, #tpu.memory_space<vmem>> -> memref<400xf32, #tpu.memory_space<vmem>>
    tpu.enqueue_dma source(%dma_start3A_470 : memref<400xf32, #tpu.memory_space<vmem>>) target(%dma_start3A_468 : memref<400xf32, #tpu.memory_space<hbm>>) target_semaphore(%arg34 : memref<!tpu.dma_semaphore, #tpu.memory_space<semaphore_mem>>)
    %add3A_471 = arith.constant 736 : i32
    %add3A_472 = arith.addi %add3A_471, %add3A : i32
    %mul3A_473 = arith.constant 400 : i32
    %mul3A_474 = arith.muli %add3A_472, %mul3A_473 : i32
    %multiple_of3A_475 = tpu.assume_multiple %mul3A_474, 8 : i32
    %dma_start3A_476 = arith.constant 9200 : i32
    %dma_start3A_477 = tpu.memref_slice %arg23[%dma_start3A_476] : memref<10000xf32, #tpu.memory_space<vmem>> -> memref<400xf32, #tpu.memory_space<vmem>>
    %dma_start3A_478 = tpu.memref_slice %arg8[%multiple_of3A_475] : memref<960000xf32, #tpu.memory_space<hbm>> -> memref<400xf32, #tpu.memory_space<hbm>>
    %dma_start3A_479 = tpu.memref_slice %arg8[%multiple_of3A_475] : memref<960000xf32, #tpu.memory_space<hbm>> -> memref<400xf32, #tpu.memory_space<hbm>>
    %dma_start3A_480 = arith.constant 9200 : i32
    %dma_start3A_481 = tpu.memref_slice %arg23[%dma_start3A_480] : memref<10000xf32, #tpu.memory_space<vmem>> -> memref<400xf32, #tpu.memory_space<vmem>>
    tpu.enqueue_dma source(%dma_start3A_481 : memref<400xf32, #tpu.memory_space<vmem>>) target(%dma_start3A_479 : memref<400xf32, #tpu.memory_space<hbm>>) target_semaphore(%arg34 : memref<!tpu.dma_semaphore, #tpu.memory_space<semaphore_mem>>)
    %add3A_482 = arith.constant 768 : i32
    %add3A_483 = arith.addi %add3A_482, %add3A : i32
    %mul3A_484 = arith.constant 400 : i32
    %mul3A_485 = arith.muli %add3A_483, %mul3A_484 : i32
    %multiple_of3A_486 = tpu.assume_multiple %mul3A_485, 8 : i32
    %dma_start3A_487 = arith.constant 9600 : i32
    %dma_start3A_488 = tpu.memref_slice %arg23[%dma_start3A_487] : memref<10000xf32, #tpu.memory_space<vmem>> -> memref<400xf32, #tpu.memory_space<vmem>>
    %dma_start3A_489 = tpu.memref_slice %arg8[%multiple_of3A_486] : memref<960000xf32, #tpu.memory_space<hbm>> -> memref<400xf32, #tpu.memory_space<hbm>>
    %dma_start3A_490 = tpu.memref_slice %arg8[%multiple_of3A_486] : memref<960000xf32, #tpu.memory_space<hbm>> -> memref<400xf32, #tpu.memory_space<hbm>>
    %dma_start3A_491 = arith.constant 9600 : i32
    %dma_start3A_492 = tpu.memref_slice %arg23[%dma_start3A_491] : memref<10000xf32, #tpu.memory_space<vmem>> -> memref<400xf32, #tpu.memory_space<vmem>>
    tpu.enqueue_dma source(%dma_start3A_492 : memref<400xf32, #tpu.memory_space<vmem>>) target(%dma_start3A_490 : memref<400xf32, #tpu.memory_space<hbm>>) target_semaphore(%arg34 : memref<!tpu.dma_semaphore, #tpu.memory_space<semaphore_mem>>)
    %add3A_493 = arith.constant 0 : i32
    %add3A_494 = arith.addi %add3A_493, %arg1 : i32
    %lt3A_495 = arith.constant 25 : i32
    %lt3A_496 = arith.cmpi slt, %add3A_494, %lt3A_495 : i32
    %convert_element_type3A_497 = arith.extui %lt3A_496 : i1 to i32
    %cond3A_498 = arith.constant 0 : i32
    %cond3A_499 = arith.cmpi ne, %convert_element_type3A_497, %cond3A_498 : i32
    scf.if %cond3A_499 {
      %mul3A_2358 = arith.constant 400 : i32
      %mul3A_2359 = arith.muli %add3A_494, %mul3A_2358 : i32
      %multiple_of3A_2360 = tpu.assume_multiple %mul3A_2359, 400 : i32
      %dma_wait3A_2361 = arith.constant 0 : i32
      %dma_wait3A_2362 = arith.constant 0 : i32
      %dma_wait3A_2363 = tpu.memref_slice %arg7[%dma_wait3A_2361, %arg0, %multiple_of3A_2360, %dma_wait3A_2362] : memref<3x2x10000x128xf32, #tpu.memory_space<hbm>> -> memref<1x1x400x128xf32, #tpu.memory_space<hbm>>
      %dma_wait3A_2364 = tpu.memref_squeeze %dma_wait3A_2363 : memref<1x1x400x128xf32, #tpu.memory_space<hbm>> -> memref<400x128xf32, #tpu.memory_space<hbm>>
      %dma_wait3A_2365 = arith.constant 0 : i32
      %dma_wait3A_2366 = tpu.memref_slice %arg24[%multiple_of3A_2360, %dma_wait3A_2365] : memref<10000x128xf32, #tpu.memory_space<vmem_shared>> -> memref<400x128xf32, #tpu.memory_space<vmem_shared>>
      tpu.wait_dma2 semaphore(%arg34 : memref<!tpu.dma_semaphore, #tpu.memory_space<semaphore_mem>>) src(%dma_wait3A_2366 : memref<400x128xf32, #tpu.memory_space<vmem_shared>>) dst(%dma_wait3A_2364 : memref<400x128xf32, #tpu.memory_space<hbm>>)
    } else {
    }
    %add3A_500 = arith.constant 16 : i32
    %add3A_501 = arith.addi %add3A_500, %arg1 : i32
    %lt3A_502 = arith.constant 25 : i32
    %lt3A_503 = arith.cmpi slt, %add3A_501, %lt3A_502 : i32
    %convert_element_type3A_504 = arith.extui %lt3A_503 : i1 to i32
    %cond3A_505 = arith.constant 0 : i32
    %cond3A_506 = arith.cmpi ne, %convert_element_type3A_504, %cond3A_505 : i32
    scf.if %cond3A_506 {
      %mul3A_2358 = arith.constant 400 : i32
      %mul3A_2359 = arith.muli %add3A_501, %mul3A_2358 : i32
      %multiple_of3A_2360 = tpu.assume_multiple %mul3A_2359, 400 : i32
      %dma_wait3A_2361 = arith.constant 0 : i32
      %dma_wait3A_2362 = arith.constant 0 : i32
      %dma_wait3A_2363 = tpu.memref_slice %arg7[%dma_wait3A_2361, %arg0, %multiple_of3A_2360, %dma_wait3A_2362] : memref<3x2x10000x128xf32, #tpu.memory_space<hbm>> -> memref<1x1x400x128xf32, #tpu.memory_space<hbm>>
      %dma_wait3A_2364 = tpu.memref_squeeze %dma_wait3A_2363 : memref<1x1x400x128xf32, #tpu.memory_space<hbm>> -> memref<400x128xf32, #tpu.memory_space<hbm>>
      %dma_wait3A_2365 = arith.constant 0 : i32
      %dma_wait3A_2366 = tpu.memref_slice %arg24[%multiple_of3A_2360, %dma_wait3A_2365] : memref<10000x128xf32, #tpu.memory_space<vmem_shared>> -> memref<400x128xf32, #tpu.memory_space<vmem_shared>>
      tpu.wait_dma2 semaphore(%arg34 : memref<!tpu.dma_semaphore, #tpu.memory_space<semaphore_mem>>) src(%dma_wait3A_2366 : memref<400x128xf32, #tpu.memory_space<vmem_shared>>) dst(%dma_wait3A_2364 : memref<400x128xf32, #tpu.memory_space<hbm>>)
    } else {
    }
    %add3A_507 = arith.constant 0 : i32
    %add3A_508 = arith.addi %add3A_507, %add3A : i32
    %mul3A_509 = arith.constant 400 : i32
    %mul3A_510 = arith.muli %add3A_508, %mul3A_509 : i32
    %multiple_of3A_511 = tpu.assume_multiple %mul3A_510, 8 : i32
    %dma_wait3A_512 = arith.constant 0 : i32
    %dma_wait3A_513 = tpu.memref_slice %arg23[%dma_wait3A_512] : memref<10000xf32, #tpu.memory_space<vmem>> -> memref<400xf32, #tpu.memory_space<vmem>>
    %dma_wait3A_514 = tpu.memref_slice %arg8[%multiple_of3A_511] : memref<960000xf32, #tpu.memory_space<hbm>> -> memref<400xf32, #tpu.memory_space<hbm>>
    %dma_wait3A_515 = tpu.memref_slice %arg8[%multiple_of3A_511] : memref<960000xf32, #tpu.memory_space<hbm>> -> memref<400xf32, #tpu.memory_space<hbm>>
    %dma_wait3A_516 = arith.constant 0 : i32
    %dma_wait3A_517 = tpu.memref_slice %arg23[%dma_wait3A_516] : memref<10000xf32, #tpu.memory_space<vmem>> -> memref<400xf32, #tpu.memory_space<vmem>>
    tpu.wait_dma2 semaphore(%arg34 : memref<!tpu.dma_semaphore, #tpu.memory_space<semaphore_mem>>) src(%dma_wait3A_517 : memref<400xf32, #tpu.memory_space<vmem>>) dst(%dma_wait3A_515 : memref<400xf32, #tpu.memory_space<hbm>>)
    %add3A_518 = arith.constant 32 : i32
    %add3A_519 = arith.addi %add3A_518, %add3A : i32
    %mul3A_520 = arith.constant 400 : i32
    %mul3A_521 = arith.muli %add3A_519, %mul3A_520 : i32
    %multiple_of3A_522 = tpu.assume_multiple %mul3A_521, 8 : i32
    %dma_wait3A_523 = arith.constant 400 : i32
    %dma_wait3A_524 = tpu.memref_slice %arg23[%dma_wait3A_523] : memref<10000xf32, #tpu.memory_space<vmem>> -> memref<400xf32, #tpu.memory_space<vmem>>
    %dma_wait3A_525 = tpu.memref_slice %arg8[%multiple_of3A_522] : memref<960000xf32, #tpu.memory_space<hbm>> -> memref<400xf32, #tpu.memory_space<hbm>>
    %dma_wait3A_526 = tpu.memref_slice %arg8[%multiple_of3A_522] : memref<960000xf32, #tpu.memory_space<hbm>> -> memref<400xf32, #tpu.memory_space<hbm>>
    %dma_wait3A_527 = arith.constant 400 : i32
    %dma_wait3A_528 = tpu.memref_slice %arg23[%dma_wait3A_527] : memref<10000xf32, #tpu.memory_space<vmem>> -> memref<400xf32, #tpu.memory_space<vmem>>
    tpu.wait_dma2 semaphore(%arg34 : memref<!tpu.dma_semaphore, #tpu.memory_space<semaphore_mem>>) src(%dma_wait3A_528 : memref<400xf32, #tpu.memory_space<vmem>>) dst(%dma_wait3A_526 : memref<400xf32, #tpu.memory_space<hbm>>)
    %add3A_529 = arith.constant 64 : i32
    %add3A_530 = arith.addi %add3A_529, %add3A : i32
    %mul3A_531 = arith.constant 400 : i32
    %mul3A_532 = arith.muli %add3A_530, %mul3A_531 : i32
    %multiple_of3A_533 = tpu.assume_multiple %mul3A_532, 8 : i32
    %dma_wait3A_534 = arith.constant 800 : i32
    %dma_wait3A_535 = tpu.memref_slice %arg23[%dma_wait3A_534] : memref<10000xf32, #tpu.memory_space<vmem>> -> memref<400xf32, #tpu.memory_space<vmem>>
    %dma_wait3A_536 = tpu.memref_slice %arg8[%multiple_of3A_533] : memref<960000xf32, #tpu.memory_space<hbm>> -> memref<400xf32, #tpu.memory_space<hbm>>
    %dma_wait3A_537 = tpu.memref_slice %arg8[%multiple_of3A_533] : memref<960000xf32, #tpu.memory_space<hbm>> -> memref<400xf32, #tpu.memory_space<hbm>>
    %dma_wait3A_538 = arith.constant 800 : i32
    %dma_wait3A_539 = tpu.memref_slice %arg23[%dma_wait3A_538] : memref<10000xf32, #tpu.memory_space<vmem>> -> memref<400xf32, #tpu.memory_space<vmem>>
    tpu.wait_dma2 semaphore(%arg34 : memref<!tpu.dma_semaphore, #tpu.memory_space<semaphore_mem>>) src(%dma_wait3A_539 : memref<400xf32, #tpu.memory_space<vmem>>) dst(%dma_wait3A_537 : memref<400xf32, #tpu.memory_space<hbm>>)
    %add3A_540 = arith.constant 96 : i32
    %add3A_541 = arith.addi %add3A_540, %add3A : i32
    %mul3A_542 = arith.constant 400 : i32
    %mul3A_543 = arith.muli %add3A_541, %mul3A_542 : i32
    %multiple_of3A_544 = tpu.assume_multiple %mul3A_543, 8 : i32
    %dma_wait3A_545 = arith.constant 1200 : i32
    %dma_wait3A_546 = tpu.memref_slice %arg23[%dma_wait3A_545] : memref<10000xf32, #tpu.memory_space<vmem>> -> memref<400xf32, #tpu.memory_space<vmem>>
    %dma_wait3A_547 = tpu.memref_slice %arg8[%multiple_of3A_544] : memref<960000xf32, #tpu.memory_space<hbm>> -> memref<400xf32, #tpu.memory_space<hbm>>
    %dma_wait3A_548 = tpu.memref_slice %arg8[%multiple_of3A_544] : memref<960000xf32, #tpu.memory_space<hbm>> -> memref<400xf32, #tpu.memory_space<hbm>>
    %dma_wait3A_549 = arith.constant 1200 : i32
    %dma_wait3A_550 = tpu.memref_slice %arg23[%dma_wait3A_549] : memref<10000xf32, #tpu.memory_space<vmem>> -> memref<400xf32, #tpu.memory_space<vmem>>
    tpu.wait_dma2 semaphore(%arg34 : memref<!tpu.dma_semaphore, #tpu.memory_space<semaphore_mem>>) src(%dma_wait3A_550 : memref<400xf32, #tpu.memory_space<vmem>>) dst(%dma_wait3A_548 : memref<400xf32, #tpu.memory_space<hbm>>)
    %add3A_551 = arith.constant 128 : i32
    %add3A_552 = arith.addi %add3A_551, %add3A : i32
    %mul3A_553 = arith.constant 400 : i32
    %mul3A_554 = arith.muli %add3A_552, %mul3A_553 : i32
    %multiple_of3A_555 = tpu.assume_multiple %mul3A_554, 8 : i32
    %dma_wait3A_556 = arith.constant 1600 : i32
    %dma_wait3A_557 = tpu.memref_slice %arg23[%dma_wait3A_556] : memref<10000xf32, #tpu.memory_space<vmem>> -> memref<400xf32, #tpu.memory_space<vmem>>
    %dma_wait3A_558 = tpu.memref_slice %arg8[%multiple_of3A_555] : memref<960000xf32, #tpu.memory_space<hbm>> -> memref<400xf32, #tpu.memory_space<hbm>>
    %dma_wait3A_559 = tpu.memref_slice %arg8[%multiple_of3A_555] : memref<960000xf32, #tpu.memory_space<hbm>> -> memref<400xf32, #tpu.memory_space<hbm>>
    %dma_wait3A_560 = arith.constant 1600 : i32
    %dma_wait3A_561 = tpu.memref_slice %arg23[%dma_wait3A_560] : memref<10000xf32, #tpu.memory_space<vmem>> -> memref<400xf32, #tpu.memory_space<vmem>>
    tpu.wait_dma2 semaphore(%arg34 : memref<!tpu.dma_semaphore, #tpu.memory_space<semaphore_mem>>) src(%dma_wait3A_561 : memref<400xf32, #tpu.memory_space<vmem>>) dst(%dma_wait3A_559 : memref<400xf32, #tpu.memory_space<hbm>>)
    %add3A_562 = arith.constant 160 : i32
    %add3A_563 = arith.addi %add3A_562, %add3A : i32
    %mul3A_564 = arith.constant 400 : i32
    %mul3A_565 = arith.muli %add3A_563, %mul3A_564 : i32
    %multiple_of3A_566 = tpu.assume_multiple %mul3A_565, 8 : i32
    %dma_wait3A_567 = arith.constant 2000 : i32
    %dma_wait3A_568 = tpu.memref_slice %arg23[%dma_wait3A_567] : memref<10000xf32, #tpu.memory_space<vmem>> -> memref<400xf32, #tpu.memory_space<vmem>>
    %dma_wait3A_569 = tpu.memref_slice %arg8[%multiple_of3A_566] : memref<960000xf32, #tpu.memory_space<hbm>> -> memref<400xf32, #tpu.memory_space<hbm>>
    %dma_wait3A_570 = tpu.memref_slice %arg8[%multiple_of3A_566] : memref<960000xf32, #tpu.memory_space<hbm>> -> memref<400xf32, #tpu.memory_space<hbm>>
    %dma_wait3A_571 = arith.constant 2000 : i32
    %dma_wait3A_572 = tpu.memref_slice %arg23[%dma_wait3A_571] : memref<10000xf32, #tpu.memory_space<vmem>> -> memref<400xf32, #tpu.memory_space<vmem>>
    tpu.wait_dma2 semaphore(%arg34 : memref<!tpu.dma_semaphore, #tpu.memory_space<semaphore_mem>>) src(%dma_wait3A_572 : memref<400xf32, #tpu.memory_space<vmem>>) dst(%dma_wait3A_570 : memref<400xf32, #tpu.memory_space<hbm>>)
    %add3A_573 = arith.constant 192 : i32
    %add3A_574 = arith.addi %add3A_573, %add3A : i32
    %mul3A_575 = arith.constant 400 : i32
    %mul3A_576 = arith.muli %add3A_574, %mul3A_575 : i32
    %multiple_of3A_577 = tpu.assume_multiple %mul3A_576, 8 : i32
    %dma_wait3A_578 = arith.constant 2400 : i32
    %dma_wait3A_579 = tpu.memref_slice %arg23[%dma_wait3A_578] : memref<10000xf32, #tpu.memory_space<vmem>> -> memref<400xf32, #tpu.memory_space<vmem>>
    %dma_wait3A_580 = tpu.memref_slice %arg8[%multiple_of3A_577] : memref<960000xf32, #tpu.memory_space<hbm>> -> memref<400xf32, #tpu.memory_space<hbm>>
    %dma_wait3A_581 = tpu.memref_slice %arg8[%multiple_of3A_577] : memref<960000xf32, #tpu.memory_space<hbm>> -> memref<400xf32, #tpu.memory_space<hbm>>
    %dma_wait3A_582 = arith.constant 2400 : i32
    %dma_wait3A_583 = tpu.memref_slice %arg23[%dma_wait3A_582] : memref<10000xf32, #tpu.memory_space<vmem>> -> memref<400xf32, #tpu.memory_space<vmem>>
    tpu.wait_dma2 semaphore(%arg34 : memref<!tpu.dma_semaphore, #tpu.memory_space<semaphore_mem>>) src(%dma_wait3A_583 : memref<400xf32, #tpu.memory_space<vmem>>) dst(%dma_wait3A_581 : memref<400xf32, #tpu.memory_space<hbm>>)
    %add3A_584 = arith.constant 224 : i32
    %add3A_585 = arith.addi %add3A_584, %add3A : i32
    %mul3A_586 = arith.constant 400 : i32
    %mul3A_587 = arith.muli %add3A_585, %mul3A_586 : i32
    %multiple_of3A_588 = tpu.assume_multiple %mul3A_587, 8 : i32
    %dma_wait3A_589 = arith.constant 2800 : i32
    %dma_wait3A_590 = tpu.memref_slice %arg23[%dma_wait3A_589] : memref<10000xf32, #tpu.memory_space<vmem>> -> memref<400xf32, #tpu.memory_space<vmem>>
    %dma_wait3A_591 = tpu.memref_slice %arg8[%multiple_of3A_588] : memref<960000xf32, #tpu.memory_space<hbm>> -> memref<400xf32, #tpu.memory_space<hbm>>
    %dma_wait3A_592 = tpu.memref_slice %arg8[%multiple_of3A_588] : memref<960000xf32, #tpu.memory_space<hbm>> -> memref<400xf32, #tpu.memory_space<hbm>>
    %dma_wait3A_593 = arith.constant 2800 : i32
    %dma_wait3A_594 = tpu.memref_slice %arg23[%dma_wait3A_593] : memref<10000xf32, #tpu.memory_space<vmem>> -> memref<400xf32, #tpu.memory_space<vmem>>
    tpu.wait_dma2 semaphore(%arg34 : memref<!tpu.dma_semaphore, #tpu.memory_space<semaphore_mem>>) src(%dma_wait3A_594 : memref<400xf32, #tpu.memory_space<vmem>>) dst(%dma_wait3A_592 : memref<400xf32, #tpu.memory_space<hbm>>)
    %add3A_595 = arith.constant 256 : i32
    %add3A_596 = arith.addi %add3A_595, %add3A : i32
    %mul3A_597 = arith.constant 400 : i32
    %mul3A_598 = arith.muli %add3A_596, %mul3A_597 : i32
    %multiple_of3A_599 = tpu.assume_multiple %mul3A_598, 8 : i32
    %dma_wait3A_600 = arith.constant 3200 : i32
    %dma_wait3A_601 = tpu.memref_slice %arg23[%dma_wait3A_600] : memref<10000xf32, #tpu.memory_space<vmem>> -> memref<400xf32, #tpu.memory_space<vmem>>
    %dma_wait3A_602 = tpu.memref_slice %arg8[%multiple_of3A_599] : memref<960000xf32, #tpu.memory_space<hbm>> -> memref<400xf32, #tpu.memory_space<hbm>>
    %dma_wait3A_603 = tpu.memref_slice %arg8[%multiple_of3A_599] : memref<960000xf32, #tpu.memory_space<hbm>> -> memref<400xf32, #tpu.memory_space<hbm>>
    %dma_wait3A_604 = arith.constant 3200 : i32
    %dma_wait3A_605 = tpu.memref_slice %arg23[%dma_wait3A_604] : memref<10000xf32, #tpu.memory_space<vmem>> -> memref<400xf32, #tpu.memory_space<vmem>>
    tpu.wait_dma2 semaphore(%arg34 : memref<!tpu.dma_semaphore, #tpu.memory_space<semaphore_mem>>) src(%dma_wait3A_605 : memref<400xf32, #tpu.memory_space<vmem>>) dst(%dma_wait3A_603 : memref<400xf32, #tpu.memory_space<hbm>>)
    %add3A_606 = arith.constant 288 : i32
    %add3A_607 = arith.addi %add3A_606, %add3A : i32
    %mul3A_608 = arith.constant 400 : i32
    %mul3A_609 = arith.muli %add3A_607, %mul3A_608 : i32
    %multiple_of3A_610 = tpu.assume_multiple %mul3A_609, 8 : i32
    %dma_wait3A_611 = arith.constant 3600 : i32
    %dma_wait3A_612 = tpu.memref_slice %arg23[%dma_wait3A_611] : memref<10000xf32, #tpu.memory_space<vmem>> -> memref<400xf32, #tpu.memory_space<vmem>>
    %dma_wait3A_613 = tpu.memref_slice %arg8[%multiple_of3A_610] : memref<960000xf32, #tpu.memory_space<hbm>> -> memref<400xf32, #tpu.memory_space<hbm>>
    %dma_wait3A_614 = tpu.memref_slice %arg8[%multiple_of3A_610] : memref<960000xf32, #tpu.memory_space<hbm>> -> memref<400xf32, #tpu.memory_space<hbm>>
    %dma_wait3A_615 = arith.constant 3600 : i32
    %dma_wait3A_616 = tpu.memref_slice %arg23[%dma_wait3A_615] : memref<10000xf32, #tpu.memory_space<vmem>> -> memref<400xf32, #tpu.memory_space<vmem>>
    tpu.wait_dma2 semaphore(%arg34 : memref<!tpu.dma_semaphore, #tpu.memory_space<semaphore_mem>>) src(%dma_wait3A_616 : memref<400xf32, #tpu.memory_space<vmem>>) dst(%dma_wait3A_614 : memref<400xf32, #tpu.memory_space<hbm>>)
    %add3A_617 = arith.constant 320 : i32
    %add3A_618 = arith.addi %add3A_617, %add3A : i32
    %mul3A_619 = arith.constant 400 : i32
    %mul3A_620 = arith.muli %add3A_618, %mul3A_619 : i32
    %multiple_of3A_621 = tpu.assume_multiple %mul3A_620, 8 : i32
    %dma_wait3A_622 = arith.constant 4000 : i32
    %dma_wait3A_623 = tpu.memref_slice %arg23[%dma_wait3A_622] : memref<10000xf32, #tpu.memory_space<vmem>> -> memref<400xf32, #tpu.memory_space<vmem>>
    %dma_wait3A_624 = tpu.memref_slice %arg8[%multiple_of3A_621] : memref<960000xf32, #tpu.memory_space<hbm>> -> memref<400xf32, #tpu.memory_space<hbm>>
    %dma_wait3A_625 = tpu.memref_slice %arg8[%multiple_of3A_621] : memref<960000xf32, #tpu.memory_space<hbm>> -> memref<400xf32, #tpu.memory_space<hbm>>
    %dma_wait3A_626 = arith.constant 4000 : i32
    %dma_wait3A_627 = tpu.memref_slice %arg23[%dma_wait3A_626] : memref<10000xf32, #tpu.memory_space<vmem>> -> memref<400xf32, #tpu.memory_space<vmem>>
    tpu.wait_dma2 semaphore(%arg34 : memref<!tpu.dma_semaphore, #tpu.memory_space<semaphore_mem>>) src(%dma_wait3A_627 : memref<400xf32, #tpu.memory_space<vmem>>) dst(%dma_wait3A_625 : memref<400xf32, #tpu.memory_space<hbm>>)
    %add3A_628 = arith.constant 352 : i32
    %add3A_629 = arith.addi %add3A_628, %add3A : i32
    %mul3A_630 = arith.constant 400 : i32
    %mul3A_631 = arith.muli %add3A_629, %mul3A_630 : i32
    %multiple_of3A_632 = tpu.assume_multiple %mul3A_631, 8 : i32
    %dma_wait3A_633 = arith.constant 4400 : i32
    %dma_wait3A_634 = tpu.memref_slice %arg23[%dma_wait3A_633] : memref<10000xf32, #tpu.memory_space<vmem>> -> memref<400xf32, #tpu.memory_space<vmem>>
    %dma_wait3A_635 = tpu.memref_slice %arg8[%multiple_of3A_632] : memref<960000xf32, #tpu.memory_space<hbm>> -> memref<400xf32, #tpu.memory_space<hbm>>
    %dma_wait3A_636 = tpu.memref_slice %arg8[%multiple_of3A_632] : memref<960000xf32, #tpu.memory_space<hbm>> -> memref<400xf32, #tpu.memory_space<hbm>>
    %dma_wait3A_637 = arith.constant 4400 : i32
    %dma_wait3A_638 = tpu.memref_slice %arg23[%dma_wait3A_637] : memref<10000xf32, #tpu.memory_space<vmem>> -> memref<400xf32, #tpu.memory_space<vmem>>
    tpu.wait_dma2 semaphore(%arg34 : memref<!tpu.dma_semaphore, #tpu.memory_space<semaphore_mem>>) src(%dma_wait3A_638 : memref<400xf32, #tpu.memory_space<vmem>>) dst(%dma_wait3A_636 : memref<400xf32, #tpu.memory_space<hbm>>)
    %add3A_639 = arith.constant 384 : i32
    %add3A_640 = arith.addi %add3A_639, %add3A : i32
    %mul3A_641 = arith.constant 400 : i32
    %mul3A_642 = arith.muli %add3A_640, %mul3A_641 : i32
    %multiple_of3A_643 = tpu.assume_multiple %mul3A_642, 8 : i32
    %dma_wait3A_644 = arith.constant 4800 : i32
    %dma_wait3A_645 = tpu.memref_slice %arg23[%dma_wait3A_644] : memref<10000xf32, #tpu.memory_space<vmem>> -> memref<400xf32, #tpu.memory_space<vmem>>
    %dma_wait3A_646 = tpu.memref_slice %arg8[%multiple_of3A_643] : memref<960000xf32, #tpu.memory_space<hbm>> -> memref<400xf32, #tpu.memory_space<hbm>>
    %dma_wait3A_647 = tpu.memref_slice %arg8[%multiple_of3A_643] : memref<960000xf32, #tpu.memory_space<hbm>> -> memref<400xf32, #tpu.memory_space<hbm>>
    %dma_wait3A_648 = arith.constant 4800 : i32
    %dma_wait3A_649 = tpu.memref_slice %arg23[%dma_wait3A_648] : memref<10000xf32, #tpu.memory_space<vmem>> -> memref<400xf32, #tpu.memory_space<vmem>>
    tpu.wait_dma2 semaphore(%arg34 : memref<!tpu.dma_semaphore, #tpu.memory_space<semaphore_mem>>) src(%dma_wait3A_649 : memref<400xf32, #tpu.memory_space<vmem>>) dst(%dma_wait3A_647 : memref<400xf32, #tpu.memory_space<hbm>>)
    %add3A_650 = arith.constant 416 : i32
    %add3A_651 = arith.addi %add3A_650, %add3A : i32
    %mul3A_652 = arith.constant 400 : i32
    %mul3A_653 = arith.muli %add3A_651, %mul3A_652 : i32
    %multiple_of3A_654 = tpu.assume_multiple %mul3A_653, 8 : i32
    %dma_wait3A_655 = arith.constant 5200 : i32
    %dma_wait3A_656 = tpu.memref_slice %arg23[%dma_wait3A_655] : memref<10000xf32, #tpu.memory_space<vmem>> -> memref<400xf32, #tpu.memory_space<vmem>>
    %dma_wait3A_657 = tpu.memref_slice %arg8[%multiple_of3A_654] : memref<960000xf32, #tpu.memory_space<hbm>> -> memref<400xf32, #tpu.memory_space<hbm>>
    %dma_wait3A_658 = tpu.memref_slice %arg8[%multiple_of3A_654] : memref<960000xf32, #tpu.memory_space<hbm>> -> memref<400xf32, #tpu.memory_space<hbm>>
    %dma_wait3A_659 = arith.constant 5200 : i32
    %dma_wait3A_660 = tpu.memref_slice %arg23[%dma_wait3A_659] : memref<10000xf32, #tpu.memory_space<vmem>> -> memref<400xf32, #tpu.memory_space<vmem>>
    tpu.wait_dma2 semaphore(%arg34 : memref<!tpu.dma_semaphore, #tpu.memory_space<semaphore_mem>>) src(%dma_wait3A_660 : memref<400xf32, #tpu.memory_space<vmem>>) dst(%dma_wait3A_658 : memref<400xf32, #tpu.memory_space<hbm>>)
    %add3A_661 = arith.constant 448 : i32
    %add3A_662 = arith.addi %add3A_661, %add3A : i32
    %mul3A_663 = arith.constant 400 : i32
    %mul3A_664 = arith.muli %add3A_662, %mul3A_663 : i32
    %multiple_of3A_665 = tpu.assume_multiple %mul3A_664, 8 : i32
    %dma_wait3A_666 = arith.constant 5600 : i32
    %dma_wait3A_667 = tpu.memref_slice %arg23[%dma_wait3A_666] : memref<10000xf32, #tpu.memory_space<vmem>> -> memref<400xf32, #tpu.memory_space<vmem>>
    %dma_wait3A_668 = tpu.memref_slice %arg8[%multiple_of3A_665] : memref<960000xf32, #tpu.memory_space<hbm>> -> memref<400xf32, #tpu.memory_space<hbm>>
    %dma_wait3A_669 = tpu.memref_slice %arg8[%multiple_of3A_665] : memref<960000xf32, #tpu.memory_space<hbm>> -> memref<400xf32, #tpu.memory_space<hbm>>
    %dma_wait3A_670 = arith.constant 5600 : i32
    %dma_wait3A_671 = tpu.memref_slice %arg23[%dma_wait3A_670] : memref<10000xf32, #tpu.memory_space<vmem>> -> memref<400xf32, #tpu.memory_space<vmem>>
    tpu.wait_dma2 semaphore(%arg34 : memref<!tpu.dma_semaphore, #tpu.memory_space<semaphore_mem>>) src(%dma_wait3A_671 : memref<400xf32, #tpu.memory_space<vmem>>) dst(%dma_wait3A_669 : memref<400xf32, #tpu.memory_space<hbm>>)
    %add3A_672 = arith.constant 480 : i32
    %add3A_673 = arith.addi %add3A_672, %add3A : i32
    %mul3A_674 = arith.constant 400 : i32
    %mul3A_675 = arith.muli %add3A_673, %mul3A_674 : i32
    %multiple_of3A_676 = tpu.assume_multiple %mul3A_675, 8 : i32
    %dma_wait3A_677 = arith.constant 6000 : i32
    %dma_wait3A_678 = tpu.memref_slice %arg23[%dma_wait3A_677] : memref<10000xf32, #tpu.memory_space<vmem>> -> memref<400xf32, #tpu.memory_space<vmem>>
    %dma_wait3A_679 = tpu.memref_slice %arg8[%multiple_of3A_676] : memref<960000xf32, #tpu.memory_space<hbm>> -> memref<400xf32, #tpu.memory_space<hbm>>
    %dma_wait3A_680 = tpu.memref_slice %arg8[%multiple_of3A_676] : memref<960000xf32, #tpu.memory_space<hbm>> -> memref<400xf32, #tpu.memory_space<hbm>>
    %dma_wait3A_681 = arith.constant 6000 : i32
    %dma_wait3A_682 = tpu.memref_slice %arg23[%dma_wait3A_681] : memref<10000xf32, #tpu.memory_space<vmem>> -> memref<400xf32, #tpu.memory_space<vmem>>
    tpu.wait_dma2 semaphore(%arg34 : memref<!tpu.dma_semaphore, #tpu.memory_space<semaphore_mem>>) src(%dma_wait3A_682 : memref<400xf32, #tpu.memory_space<vmem>>) dst(%dma_wait3A_680 : memref<400xf32, #tpu.memory_space<hbm>>)
    %add3A_683 = arith.constant 512 : i32
    %add3A_684 = arith.addi %add3A_683, %add3A : i32
    %mul3A_685 = arith.constant 400 : i32
    %mul3A_686 = arith.muli %add3A_684, %mul3A_685 : i32
    %multiple_of3A_687 = tpu.assume_multiple %mul3A_686, 8 : i32
    %dma_wait3A_688 = arith.constant 6400 : i32
    %dma_wait3A_689 = tpu.memref_slice %arg23[%dma_wait3A_688] : memref<10000xf32, #tpu.memory_space<vmem>> -> memref<400xf32, #tpu.memory_space<vmem>>
    %dma_wait3A_690 = tpu.memref_slice %arg8[%multiple_of3A_687] : memref<960000xf32, #tpu.memory_space<hbm>> -> memref<400xf32, #tpu.memory_space<hbm>>
    %dma_wait3A_691 = tpu.memref_slice %arg8[%multiple_of3A_687] : memref<960000xf32, #tpu.memory_space<hbm>> -> memref<400xf32, #tpu.memory_space<hbm>>
    %dma_wait3A_692 = arith.constant 6400 : i32
    %dma_wait3A_693 = tpu.memref_slice %arg23[%dma_wait3A_692] : memref<10000xf32, #tpu.memory_space<vmem>> -> memref<400xf32, #tpu.memory_space<vmem>>
    tpu.wait_dma2 semaphore(%arg34 : memref<!tpu.dma_semaphore, #tpu.memory_space<semaphore_mem>>) src(%dma_wait3A_693 : memref<400xf32, #tpu.memory_space<vmem>>) dst(%dma_wait3A_691 : memref<400xf32, #tpu.memory_space<hbm>>)
    %add3A_694 = arith.constant 544 : i32
    %add3A_695 = arith.addi %add3A_694, %add3A : i32
    %mul3A_696 = arith.constant 400 : i32
    %mul3A_697 = arith.muli %add3A_695, %mul3A_696 : i32
    %multiple_of3A_698 = tpu.assume_multiple %mul3A_697, 8 : i32
    %dma_wait3A_699 = arith.constant 6800 : i32
    %dma_wait3A_700 = tpu.memref_slice %arg23[%dma_wait3A_699] : memref<10000xf32, #tpu.memory_space<vmem>> -> memref<400xf32, #tpu.memory_space<vmem>>
    %dma_wait3A_701 = tpu.memref_slice %arg8[%multiple_of3A_698] : memref<960000xf32, #tpu.memory_space<hbm>> -> memref<400xf32, #tpu.memory_space<hbm>>
    %dma_wait3A_702 = tpu.memref_slice %arg8[%multiple_of3A_698] : memref<960000xf32, #tpu.memory_space<hbm>> -> memref<400xf32, #tpu.memory_space<hbm>>
    %dma_wait3A_703 = arith.constant 6800 : i32
    %dma_wait3A_704 = tpu.memref_slice %arg23[%dma_wait3A_703] : memref<10000xf32, #tpu.memory_space<vmem>> -> memref<400xf32, #tpu.memory_space<vmem>>
    tpu.wait_dma2 semaphore(%arg34 : memref<!tpu.dma_semaphore, #tpu.memory_space<semaphore_mem>>) src(%dma_wait3A_704 : memref<400xf32, #tpu.memory_space<vmem>>) dst(%dma_wait3A_702 : memref<400xf32, #tpu.memory_space<hbm>>)
    %add3A_705 = arith.constant 576 : i32
    %add3A_706 = arith.addi %add3A_705, %add3A : i32
    %mul3A_707 = arith.constant 400 : i32
    %mul3A_708 = arith.muli %add3A_706, %mul3A_707 : i32
    %multiple_of3A_709 = tpu.assume_multiple %mul3A_708, 8 : i32
    %dma_wait3A_710 = arith.constant 7200 : i32
    %dma_wait3A_711 = tpu.memref_slice %arg23[%dma_wait3A_710] : memref<10000xf32, #tpu.memory_space<vmem>> -> memref<400xf32, #tpu.memory_space<vmem>>
    %dma_wait3A_712 = tpu.memref_slice %arg8[%multiple_of3A_709] : memref<960000xf32, #tpu.memory_space<hbm>> -> memref<400xf32, #tpu.memory_space<hbm>>
    %dma_wait3A_713 = tpu.memref_slice %arg8[%multiple_of3A_709] : memref<960000xf32, #tpu.memory_space<hbm>> -> memref<400xf32, #tpu.memory_space<hbm>>
    %dma_wait3A_714 = arith.constant 7200 : i32
    %dma_wait3A_715 = tpu.memref_slice %arg23[%dma_wait3A_714] : memref<10000xf32, #tpu.memory_space<vmem>> -> memref<400xf32, #tpu.memory_space<vmem>>
    tpu.wait_dma2 semaphore(%arg34 : memref<!tpu.dma_semaphore, #tpu.memory_space<semaphore_mem>>) src(%dma_wait3A_715 : memref<400xf32, #tpu.memory_space<vmem>>) dst(%dma_wait3A_713 : memref<400xf32, #tpu.memory_space<hbm>>)
    %add3A_716 = arith.constant 608 : i32
    %add3A_717 = arith.addi %add3A_716, %add3A : i32
    %mul3A_718 = arith.constant 400 : i32
    %mul3A_719 = arith.muli %add3A_717, %mul3A_718 : i32
    %multiple_of3A_720 = tpu.assume_multiple %mul3A_719, 8 : i32
    %dma_wait3A_721 = arith.constant 7600 : i32
    %dma_wait3A_722 = tpu.memref_slice %arg23[%dma_wait3A_721] : memref<10000xf32, #tpu.memory_space<vmem>> -> memref<400xf32, #tpu.memory_space<vmem>>
    %dma_wait3A_723 = tpu.memref_slice %arg8[%multiple_of3A_720] : memref<960000xf32, #tpu.memory_space<hbm>> -> memref<400xf32, #tpu.memory_space<hbm>>
    %dma_wait3A_724 = tpu.memref_slice %arg8[%multiple_of3A_720] : memref<960000xf32, #tpu.memory_space<hbm>> -> memref<400xf32, #tpu.memory_space<hbm>>
    %dma_wait3A_725 = arith.constant 7600 : i32
    %dma_wait3A_726 = tpu.memref_slice %arg23[%dma_wait3A_725] : memref<10000xf32, #tpu.memory_space<vmem>> -> memref<400xf32, #tpu.memory_space<vmem>>
    tpu.wait_dma2 semaphore(%arg34 : memref<!tpu.dma_semaphore, #tpu.memory_space<semaphore_mem>>) src(%dma_wait3A_726 : memref<400xf32, #tpu.memory_space<vmem>>) dst(%dma_wait3A_724 : memref<400xf32, #tpu.memory_space<hbm>>)
    %add3A_727 = arith.constant 640 : i32
    %add3A_728 = arith.addi %add3A_727, %add3A : i32
    %mul3A_729 = arith.constant 400 : i32
    %mul3A_730 = arith.muli %add3A_728, %mul3A_729 : i32
    %multiple_of3A_731 = tpu.assume_multiple %mul3A_730, 8 : i32
    %dma_wait3A_732 = arith.constant 8000 : i32
    %dma_wait3A_733 = tpu.memref_slice %arg23[%dma_wait3A_732] : memref<10000xf32, #tpu.memory_space<vmem>> -> memref<400xf32, #tpu.memory_space<vmem>>
    %dma_wait3A_734 = tpu.memref_slice %arg8[%multiple_of3A_731] : memref<960000xf32, #tpu.memory_space<hbm>> -> memref<400xf32, #tpu.memory_space<hbm>>
    %dma_wait3A_735 = tpu.memref_slice %arg8[%multiple_of3A_731] : memref<960000xf32, #tpu.memory_space<hbm>> -> memref<400xf32, #tpu.memory_space<hbm>>
    %dma_wait3A_736 = arith.constant 8000 : i32
    %dma_wait3A_737 = tpu.memref_slice %arg23[%dma_wait3A_736] : memref<10000xf32, #tpu.memory_space<vmem>> -> memref<400xf32, #tpu.memory_space<vmem>>
    tpu.wait_dma2 semaphore(%arg34 : memref<!tpu.dma_semaphore, #tpu.memory_space<semaphore_mem>>) src(%dma_wait3A_737 : memref<400xf32, #tpu.memory_space<vmem>>) dst(%dma_wait3A_735 : memref<400xf32, #tpu.memory_space<hbm>>)
    %add3A_738 = arith.constant 672 : i32
    %add3A_739 = arith.addi %add3A_738, %add3A : i32
    %mul3A_740 = arith.constant 400 : i32
    %mul3A_741 = arith.muli %add3A_739, %mul3A_740 : i32
    %multiple_of3A_742 = tpu.assume_multiple %mul3A_741, 8 : i32
    %dma_wait3A_743 = arith.constant 8400 : i32
    %dma_wait3A_744 = tpu.memref_slice %arg23[%dma_wait3A_743] : memref<10000xf32, #tpu.memory_space<vmem>> -> memref<400xf32, #tpu.memory_space<vmem>>
    %dma_wait3A_745 = tpu.memref_slice %arg8[%multiple_of3A_742] : memref<960000xf32, #tpu.memory_space<hbm>> -> memref<400xf32, #tpu.memory_space<hbm>>
    %dma_wait3A_746 = tpu.memref_slice %arg8[%multiple_of3A_742] : memref<960000xf32, #tpu.memory_space<hbm>> -> memref<400xf32, #tpu.memory_space<hbm>>
    %dma_wait3A_747 = arith.constant 8400 : i32
    %dma_wait3A_748 = tpu.memref_slice %arg23[%dma_wait3A_747] : memref<10000xf32, #tpu.memory_space<vmem>> -> memref<400xf32, #tpu.memory_space<vmem>>
    tpu.wait_dma2 semaphore(%arg34 : memref<!tpu.dma_semaphore, #tpu.memory_space<semaphore_mem>>) src(%dma_wait3A_748 : memref<400xf32, #tpu.memory_space<vmem>>) dst(%dma_wait3A_746 : memref<400xf32, #tpu.memory_space<hbm>>)
    %add3A_749 = arith.constant 704 : i32
    %add3A_750 = arith.addi %add3A_749, %add3A : i32
    %mul3A_751 = arith.constant 400 : i32
    %mul3A_752 = arith.muli %add3A_750, %mul3A_751 : i32
    %multiple_of3A_753 = tpu.assume_multiple %mul3A_752, 8 : i32
    %dma_wait3A_754 = arith.constant 8800 : i32
    %dma_wait3A_755 = tpu.memref_slice %arg23[%dma_wait3A_754] : memref<10000xf32, #tpu.memory_space<vmem>> -> memref<400xf32, #tpu.memory_space<vmem>>
    %dma_wait3A_756 = tpu.memref_slice %arg8[%multiple_of3A_753] : memref<960000xf32, #tpu.memory_space<hbm>> -> memref<400xf32, #tpu.memory_space<hbm>>
    %dma_wait3A_757 = tpu.memref_slice %arg8[%multiple_of3A_753] : memref<960000xf32, #tpu.memory_space<hbm>> -> memref<400xf32, #tpu.memory_space<hbm>>
    %dma_wait3A_758 = arith.constant 8800 : i32
    %dma_wait3A_759 = tpu.memref_slice %arg23[%dma_wait3A_758] : memref<10000xf32, #tpu.memory_space<vmem>> -> memref<400xf32, #tpu.memory_space<vmem>>
    tpu.wait_dma2 semaphore(%arg34 : memref<!tpu.dma_semaphore, #tpu.memory_space<semaphore_mem>>) src(%dma_wait3A_759 : memref<400xf32, #tpu.memory_space<vmem>>) dst(%dma_wait3A_757 : memref<400xf32, #tpu.memory_space<hbm>>)
    %add3A_760 = arith.constant 736 : i32
    %add3A_761 = arith.addi %add3A_760, %add3A : i32
    %mul3A_762 = arith.constant 400 : i32
    %mul3A_763 = arith.muli %add3A_761, %mul3A_762 : i32
    %multiple_of3A_764 = tpu.assume_multiple %mul3A_763, 8 : i32
    %dma_wait3A_765 = arith.constant 9200 : i32
    %dma_wait3A_766 = tpu.memref_slice %arg23[%dma_wait3A_765] : memref<10000xf32, #tpu.memory_space<vmem>> -> memref<400xf32, #tpu.memory_space<vmem>>
    %dma_wait3A_767 = tpu.memref_slice %arg8[%multiple_of3A_764] : memref<960000xf32, #tpu.memory_space<hbm>> -> memref<400xf32, #tpu.memory_space<hbm>>
    %dma_wait3A_768 = tpu.memref_slice %arg8[%multiple_of3A_764] : memref<960000xf32, #tpu.memory_space<hbm>> -> memref<400xf32, #tpu.memory_space<hbm>>
    %dma_wait3A_769 = arith.constant 9200 : i32
    %dma_wait3A_770 = tpu.memref_slice %arg23[%dma_wait3A_769] : memref<10000xf32, #tpu.memory_space<vmem>> -> memref<400xf32, #tpu.memory_space<vmem>>
    tpu.wait_dma2 semaphore(%arg34 : memref<!tpu.dma_semaphore, #tpu.memory_space<semaphore_mem>>) src(%dma_wait3A_770 : memref<400xf32, #tpu.memory_space<vmem>>) dst(%dma_wait3A_768 : memref<400xf32, #tpu.memory_space<hbm>>)
    %add3A_771 = arith.constant 768 : i32
    %add3A_772 = arith.addi %add3A_771, %add3A : i32
    %mul3A_773 = arith.constant 400 : i32
    %mul3A_774 = arith.muli %add3A_772, %mul3A_773 : i32
    %multiple_of3A_775 = tpu.assume_multiple %mul3A_774, 8 : i32
    %dma_wait3A_776 = arith.constant 9600 : i32
    %dma_wait3A_777 = tpu.memref_slice %arg23[%dma_wait3A_776] : memref<10000xf32, #tpu.memory_space<vmem>> -> memref<400xf32, #tpu.memory_space<vmem>>
    %dma_wait3A_778 = tpu.memref_slice %arg8[%multiple_of3A_775] : memref<960000xf32, #tpu.memory_space<hbm>> -> memref<400xf32, #tpu.memory_space<hbm>>
    %dma_wait3A_779 = tpu.memref_slice %arg8[%multiple_of3A_775] : memref<960000xf32, #tpu.memory_space<hbm>> -> memref<400xf32, #tpu.memory_space<hbm>>
    %dma_wait3A_780 = arith.constant 9600 : i32
    %dma_wait3A_781 = tpu.memref_slice %arg23[%dma_wait3A_780] : memref<10000xf32, #tpu.memory_space<vmem>> -> memref<400xf32, #tpu.memory_space<vmem>>
    tpu.wait_dma2 semaphore(%arg34 : memref<!tpu.dma_semaphore, #tpu.memory_space<semaphore_mem>>) src(%dma_wait3A_781 : memref<400xf32, #tpu.memory_space<vmem>>) dst(%dma_wait3A_779 : memref<400xf32, #tpu.memory_space<hbm>>)
    %mul3A_782 = arith.constant 10000 : i32
    %mul3A_783 = arith.muli %add3A, %mul3A_782 : i32
    %multiple_of3A_784 = tpu.assume_multiple %mul3A_783, 8 : i32
    %mul3A_785 = arith.constant 10000 : i32
    %mul3A_786 = arith.muli %add3A, %mul3A_785 : i32
    %add3A_787 = arith.constant 320000 : i32
    %add3A_788 = arith.addi %add3A_787, %mul3A_786 : i32
    %multiple_of3A_789 = tpu.assume_multiple %add3A_788, 8 : i32
    %add3A_790 = arith.constant 0 : i32
    %add3A_791 = arith.addi %multiple_of3A_784, %add3A_790 : i32
    %multiple_of3A_792 = tpu.assume_multiple %add3A_791, 8 : i32
    %add3A_793 = arith.constant 0 : i32
    %add3A_794 = arith.addi %multiple_of3A_789, %add3A_793 : i32
    %multiple_of3A_795 = tpu.assume_multiple %add3A_794, 8 : i32
    %dma_start3A_796 = tpu.memref_slice %arg4[%multiple_of3A_792] : memref<640000xi32, #tpu.memory_space<hbm>> -> memref<96xi32, #tpu.memory_space<hbm>>
    %dma_start3A_797 = tpu.memref_slice %arg4[%multiple_of3A_792] : memref<640000xi32, #tpu.memory_space<hbm>> -> memref<96xi32, #tpu.memory_space<hbm>>
    tpu.enqueue_dma source(%dma_start3A_797 : memref<96xi32, #tpu.memory_space<hbm>>) target(%arg12 : memref<96xi32, #tpu.memory_space<vmem>>) target_semaphore(%arg31 : memref<!tpu.dma_semaphore, #tpu.memory_space<semaphore_mem>>)
    %dma_start3A_798 = tpu.memref_slice %arg4[%multiple_of3A_795] : memref<640000xi32, #tpu.memory_space<hbm>> -> memref<96xi32, #tpu.memory_space<hbm>>
    %dma_start3A_799 = tpu.memref_slice %arg4[%multiple_of3A_795] : memref<640000xi32, #tpu.memory_space<hbm>> -> memref<96xi32, #tpu.memory_space<hbm>>
    tpu.enqueue_dma source(%dma_start3A_799 : memref<96xi32, #tpu.memory_space<hbm>>) target(%arg15 : memref<96xi32, #tpu.memory_space<vmem>>) target_semaphore(%arg31 : memref<!tpu.dma_semaphore, #tpu.memory_space<semaphore_mem>>)
    %add3A_800 = arith.constant 96 : i32
    %add3A_801 = arith.addi %multiple_of3A_784, %add3A_800 : i32
    %multiple_of3A_802 = tpu.assume_multiple %add3A_801, 8 : i32
    %add3A_803 = arith.constant 96 : i32
    %add3A_804 = arith.addi %multiple_of3A_789, %add3A_803 : i32
    %multiple_of3A_805 = tpu.assume_multiple %add3A_804, 8 : i32
    %dma_start3A_806 = tpu.memref_slice %arg4[%multiple_of3A_802] : memref<640000xi32, #tpu.memory_space<hbm>> -> memref<96xi32, #tpu.memory_space<hbm>>
    %dma_start3A_807 = tpu.memref_slice %arg4[%multiple_of3A_802] : memref<640000xi32, #tpu.memory_space<hbm>> -> memref<96xi32, #tpu.memory_space<hbm>>
    tpu.enqueue_dma source(%dma_start3A_807 : memref<96xi32, #tpu.memory_space<hbm>>) target(%arg13 : memref<96xi32, #tpu.memory_space<vmem>>) target_semaphore(%arg32 : memref<!tpu.dma_semaphore, #tpu.memory_space<semaphore_mem>>)
    %dma_start3A_808 = tpu.memref_slice %arg4[%multiple_of3A_805] : memref<640000xi32, #tpu.memory_space<hbm>> -> memref<96xi32, #tpu.memory_space<hbm>>
    %dma_start3A_809 = tpu.memref_slice %arg4[%multiple_of3A_805] : memref<640000xi32, #tpu.memory_space<hbm>> -> memref<96xi32, #tpu.memory_space<hbm>>
    tpu.enqueue_dma source(%dma_start3A_809 : memref<96xi32, #tpu.memory_space<hbm>>) target(%arg16 : memref<96xi32, #tpu.memory_space<vmem>>) target_semaphore(%arg32 : memref<!tpu.dma_semaphore, #tpu.memory_space<semaphore_mem>>)
    %add3A_810 = arith.constant 192 : i32
    %add3A_811 = arith.addi %multiple_of3A_784, %add3A_810 : i32
    %multiple_of3A_812 = tpu.assume_multiple %add3A_811, 8 : i32
    %add3A_813 = arith.constant 192 : i32
    %add3A_814 = arith.addi %multiple_of3A_789, %add3A_813 : i32
    %multiple_of3A_815 = tpu.assume_multiple %add3A_814, 8 : i32
    %dma_start3A_816 = tpu.memref_slice %arg4[%multiple_of3A_812] : memref<640000xi32, #tpu.memory_space<hbm>> -> memref<96xi32, #tpu.memory_space<hbm>>
    %dma_start3A_817 = tpu.memref_slice %arg4[%multiple_of3A_812] : memref<640000xi32, #tpu.memory_space<hbm>> -> memref<96xi32, #tpu.memory_space<hbm>>
    tpu.enqueue_dma source(%dma_start3A_817 : memref<96xi32, #tpu.memory_space<hbm>>) target(%arg14 : memref<96xi32, #tpu.memory_space<vmem>>) target_semaphore(%arg33 : memref<!tpu.dma_semaphore, #tpu.memory_space<semaphore_mem>>)
    %dma_start3A_818 = tpu.memref_slice %arg4[%multiple_of3A_815] : memref<640000xi32, #tpu.memory_space<hbm>> -> memref<96xi32, #tpu.memory_space<hbm>>
    %dma_start3A_819 = tpu.memref_slice %arg4[%multiple_of3A_815] : memref<640000xi32, #tpu.memory_space<hbm>> -> memref<96xi32, #tpu.memory_space<hbm>>
    tpu.enqueue_dma source(%dma_start3A_819 : memref<96xi32, #tpu.memory_space<hbm>>) target(%arg17 : memref<96xi32, #tpu.memory_space<vmem>>) target_semaphore(%arg33 : memref<!tpu.dma_semaphore, #tpu.memory_space<semaphore_mem>>)
    %add3A_820 = arith.constant 0 : i32
    %add3A_821 = arith.addi %multiple_of3A_784, %add3A_820 : i32
    %multiple_of3A_822 = tpu.assume_multiple %add3A_821, 8 : i32
    %add3A_823 = arith.constant 0 : i32
    %add3A_824 = arith.addi %multiple_of3A_789, %add3A_823 : i32
    %multiple_of3A_825 = tpu.assume_multiple %add3A_824, 8 : i32
    %dma_wait3A_826 = tpu.memref_slice %arg4[%multiple_of3A_822] : memref<640000xi32, #tpu.memory_space<hbm>> -> memref<96xi32, #tpu.memory_space<hbm>>
    %dma_wait3A_827 = tpu.memref_slice %arg4[%multiple_of3A_822] : memref<640000xi32, #tpu.memory_space<hbm>> -> memref<96xi32, #tpu.memory_space<hbm>>
    tpu.wait_dma2 semaphore(%arg31 : memref<!tpu.dma_semaphore, #tpu.memory_space<semaphore_mem>>) src(%dma_wait3A_827 : memref<96xi32, #tpu.memory_space<hbm>>) dst(%arg12 : memref<96xi32, #tpu.memory_space<vmem>>)
    %dma_wait3A_828 = tpu.memref_slice %arg4[%multiple_of3A_825] : memref<640000xi32, #tpu.memory_space<hbm>> -> memref<96xi32, #tpu.memory_space<hbm>>
    %dma_wait3A_829 = tpu.memref_slice %arg4[%multiple_of3A_825] : memref<640000xi32, #tpu.memory_space<hbm>> -> memref<96xi32, #tpu.memory_space<hbm>>
    tpu.wait_dma2 semaphore(%arg31 : memref<!tpu.dma_semaphore, #tpu.memory_space<semaphore_mem>>) src(%dma_wait3A_829 : memref<96xi32, #tpu.memory_space<hbm>>) dst(%arg15 : memref<96xi32, #tpu.memory_space<vmem>>)
    %dma_start3A_830 = arith.constant 0 : i32
    %dma_start3A_831 = arith.constant 0 : i32
    %dma_start3A_832 = tpu.memref_slice %arg2[%dma_start3A_830, %dma_start3A_831] : memref<10000x128xf32, #tpu.memory_space<hbm>> -> memref<10000x128xf32, #tpu.memory_space<hbm>>
    tpu.enqueue_indirect_dma source(%dma_start3A_832 : memref<10000x128xf32, #tpu.memory_space<hbm>>) target(%arg9 : memref<96x128xf32, #tpu.memory_space<vmem>>) offsets(%arg12 : memref<96xi32, #tpu.memory_space<vmem>>) semaphore(%arg25 : memref<!tpu.dma_semaphore, #tpu.memory_space<semaphore_mem>>)
    %add3A_833 = arith.constant 0 : i32
    %add3A_834 = arith.addi %add3A_833, %arg1 : i32
    %lt3A_835 = arith.constant 25 : i32
    %lt3A_836 = arith.cmpi slt, %add3A_834, %lt3A_835 : i32
    %convert_element_type3A_837 = arith.extui %lt3A_836 : i1 to i32
    %cond3A_838 = arith.constant 0 : i32
    %cond3A_839 = arith.cmpi ne, %convert_element_type3A_837, %cond3A_838 : i32
    scf.if %cond3A_839 {
      %mul3A_2358 = arith.constant 400 : i32
      %mul3A_2359 = arith.muli %add3A_834, %mul3A_2358 : i32
      %multiple_of3A_2360 = tpu.assume_multiple %mul3A_2359, 400 : i32
      %dma_start3A_2361 = arith.constant 0 : i32
      %dma_start3A_2362 = tpu.memref_slice %arg24[%multiple_of3A_2360, %dma_start3A_2361] : memref<10000x128xf32, #tpu.memory_space<vmem_shared>> -> memref<400x128xf32, #tpu.memory_space<vmem_shared>>
      tpu.enqueue_dma source(%arg6 : memref<400x128xf32, #tpu.memory_space<hbm>>) target(%dma_start3A_2362 : memref<400x128xf32, #tpu.memory_space<vmem_shared>>) target_semaphore(%arg34 : memref<!tpu.dma_semaphore, #tpu.memory_space<semaphore_mem>>)
    } else {
    }
    %add3A_840 = arith.constant 16 : i32
    %add3A_841 = arith.addi %add3A_840, %arg1 : i32
    %lt3A_842 = arith.constant 25 : i32
    %lt3A_843 = arith.cmpi slt, %add3A_841, %lt3A_842 : i32
    %convert_element_type3A_844 = arith.extui %lt3A_843 : i1 to i32
    %cond3A_845 = arith.constant 0 : i32
    %cond3A_846 = arith.cmpi ne, %convert_element_type3A_844, %cond3A_845 : i32
    scf.if %cond3A_846 {
      %mul3A_2358 = arith.constant 400 : i32
      %mul3A_2359 = arith.muli %add3A_841, %mul3A_2358 : i32
      %multiple_of3A_2360 = tpu.assume_multiple %mul3A_2359, 400 : i32
      %dma_start3A_2361 = arith.constant 0 : i32
      %dma_start3A_2362 = tpu.memref_slice %arg24[%multiple_of3A_2360, %dma_start3A_2361] : memref<10000x128xf32, #tpu.memory_space<vmem_shared>> -> memref<400x128xf32, #tpu.memory_space<vmem_shared>>
      tpu.enqueue_dma source(%arg6 : memref<400x128xf32, #tpu.memory_space<hbm>>) target(%dma_start3A_2362 : memref<400x128xf32, #tpu.memory_space<vmem_shared>>) target_semaphore(%arg34 : memref<!tpu.dma_semaphore, #tpu.memory_space<semaphore_mem>>)
    } else {
    }
    %scan3A_847 = arith.constant 0 : i32
    %scan3A_848 = arith.constant 0 : i32
    %scan3A_849 = arith.constant 625 : i32
    %scan3A_850 = arith.addi %scan3A_848, %scan3A_849 : i32
    %scan3A_851 = arith.constant 1 : i32
    scf.for %scan3A_2358 = %scan3A_848 to %scan3A_850 step %scan3A_851  : i32 {
      %mul3A_2359 = arith.constant 16 : i32
      %mul3A_2360 = arith.muli %scan3A_2358, %mul3A_2359 : i32
      %swap3A_2361 = arith.index_cast %mul3A_2360 : i32 to index
      %swap3A_2362 = tpu.vector_load %arg23[%swap3A_2361] {strides = array<i32>} : memref<10000xf32, #tpu.memory_space<vmem>>, vector<16xf32>,
      tpu.vector_store %arg23[%swap3A_2361], %broadcast_in_dim3A_1 {strides = array<i32>} : memref<10000xf32, #tpu.memory_space<vmem>>, vector<16xf32>,
    }
    %scan3A_852 = arith.constant 625 : i32
    %add3A_853 = arith.constant 0 : i32
    %add3A_854 = arith.addi %add3A_853, %arg1 : i32
    %lt3A_855 = arith.constant 25 : i32
    %lt3A_856 = arith.cmpi slt, %add3A_854, %lt3A_855 : i32
    %convert_element_type3A_857 = arith.extui %lt3A_856 : i1 to i32
    %cond3A_858 = arith.constant 0 : i32
    %cond3A_859 = arith.cmpi ne, %convert_element_type3A_857, %cond3A_858 : i32
    scf.if %cond3A_859 {
      %mul3A_2358 = arith.constant 400 : i32
      %mul3A_2359 = arith.muli %add3A_854, %mul3A_2358 : i32
      %multiple_of3A_2360 = tpu.assume_multiple %mul3A_2359, 400 : i32
      %dma_wait3A_2361 = arith.constant 0 : i32
      %dma_wait3A_2362 = tpu.memref_slice %arg24[%multiple_of3A_2360, %dma_wait3A_2361] : memref<10000x128xf32, #tpu.memory_space<vmem_shared>> -> memref<400x128xf32, #tpu.memory_space<vmem_shared>>
      tpu.wait_dma2 semaphore(%arg34 : memref<!tpu.dma_semaphore, #tpu.memory_space<semaphore_mem>>) src(%arg6 : memref<400x128xf32, #tpu.memory_space<hbm>>) dst(%dma_wait3A_2362 : memref<400x128xf32, #tpu.memory_space<vmem_shared>>)
    } else {
    }
    %add3A_860 = arith.constant 16 : i32
    %add3A_861 = arith.addi %add3A_860, %arg1 : i32
    %lt3A_862 = arith.constant 25 : i32
    %lt3A_863 = arith.cmpi slt, %add3A_861, %lt3A_862 : i32
    %convert_element_type3A_864 = arith.extui %lt3A_863 : i1 to i32
    %cond3A_865 = arith.constant 0 : i32
    %cond3A_866 = arith.cmpi ne, %convert_element_type3A_864, %cond3A_865 : i32
    scf.if %cond3A_866 {
      %mul3A_2358 = arith.constant 400 : i32
      %mul3A_2359 = arith.muli %add3A_861, %mul3A_2358 : i32
      %multiple_of3A_2360 = tpu.assume_multiple %mul3A_2359, 400 : i32
      %dma_wait3A_2361 = arith.constant 0 : i32
      %dma_wait3A_2362 = tpu.memref_slice %arg24[%multiple_of3A_2360, %dma_wait3A_2361] : memref<10000x128xf32, #tpu.memory_space<vmem_shared>> -> memref<400x128xf32, #tpu.memory_space<vmem_shared>>
      tpu.wait_dma2 semaphore(%arg34 : memref<!tpu.dma_semaphore, #tpu.memory_space<semaphore_mem>>) src(%arg6 : memref<400x128xf32, #tpu.memory_space<hbm>>) dst(%dma_wait3A_2362 : memref<400x128xf32, #tpu.memory_space<vmem_shared>>)
    } else {
    }
    %barrier3A_867 = arith.constant 0 : index
    tpu.barrier barrier_id(%barrier3A_867)
    %scan3A_868 = arith.constant 0 : i32
    %scan3A_869 = arith.constant 0 : i32
    %scan3A_870 = arith.constant 34 : i32
    %scan3A_871 = arith.addi %scan3A_869, %scan3A_870 : i32
    %scan3A_872 = arith.constant 1 : i32
    scf.for %scan3A_2358 = %scan3A_869 to %scan3A_871 step %scan3A_872  : i32 {
      %mul3A_2359 = arith.constant 3 : i32
      %mul3A_2360 = arith.muli %mul3A_2359, %scan3A_2358 : i32
      %add3A_2361 = arith.constant 0 : i32
      %add3A_2362 = arith.addi %mul3A_2360, %add3A_2361 : i32
      %gt3A = arith.constant 0 : i32
      %gt3A_2363 = arith.cmpi sgt, %scan3A_2358, %gt3A : i32
      %convert_element_type3A_2364 = arith.extui %gt3A_2363 : i1 to i32
      %cond3A_2365 = arith.constant 0 : i32
      %cond3A_2366 = arith.cmpi ne, %convert_element_type3A_2364, %cond3A_2365 : i32
      scf.if %cond3A_2366 {
        %dma_wait3A_2559 = arith.constant 0 : i32
        %dma_wait3A_2560 = arith.constant 0 : i32
        %dma_wait3A_2561 = tpu.memref_slice %arg24[%dma_wait3A_2559, %dma_wait3A_2560] : memref<10000x128xf32, #tpu.memory_space<vmem_shared>> -> memref<10000x128xf32, #tpu.memory_space<vmem_shared>>
        tpu.wait_indirect_dma semaphore(%arg29 : memref<!tpu.dma_semaphore, #tpu.memory_space<semaphore_mem>>) src(%arg10 : memref<96x128xf32, #tpu.memory_space<vmem>>) dst(%dma_wait3A_2561 : memref<10000x128xf32, #tpu.memory_space<vmem_shared>>)
      } else {
      }
      %add3A_2367 = arith.constant 1 : i32
      %add3A_2368 = arith.addi %add3A_2362, %add3A_2367 : i32
      %mul3A_2369 = arith.constant 96 : i32
      %mul3A_2370 = arith.muli %add3A_2368, %mul3A_2369 : i32
      %add3A_2371 = arith.addi %multiple_of3A_784, %mul3A_2370 : i32
      %multiple_of3A_2372 = tpu.assume_multiple %add3A_2371, 8 : i32
      %mul3A_2373 = arith.constant 96 : i32
      %mul3A_2374 = arith.muli %add3A_2368, %mul3A_2373 : i32
      %add3A_2375 = arith.addi %multiple_of3A_789, %mul3A_2374 : i32
      %multiple_of3A_2376 = tpu.assume_multiple %add3A_2375, 8 : i32
      %dma_wait3A_2377 = tpu.memref_slice %arg4[%multiple_of3A_2372] : memref<640000xi32, #tpu.memory_space<hbm>> -> memref<96xi32, #tpu.memory_space<hbm>>
      %dma_wait3A_2378 = tpu.memref_slice %arg4[%multiple_of3A_2372] : memref<640000xi32, #tpu.memory_space<hbm>> -> memref<96xi32, #tpu.memory_space<hbm>>
      tpu.wait_dma2 semaphore(%arg32 : memref<!tpu.dma_semaphore, #tpu.memory_space<semaphore_mem>>) src(%dma_wait3A_2378 : memref<96xi32, #tpu.memory_space<hbm>>) dst(%arg13 : memref<96xi32, #tpu.memory_space<vmem>>)
      %dma_wait3A_2379 = tpu.memref_slice %arg4[%multiple_of3A_2376] : memref<640000xi32, #tpu.memory_space<hbm>> -> memref<96xi32, #tpu.memory_space<hbm>>
      %dma_wait3A_2380 = tpu.memref_slice %arg4[%multiple_of3A_2376] : memref<640000xi32, #tpu.memory_space<hbm>> -> memref<96xi32, #tpu.memory_space<hbm>>
      tpu.wait_dma2 semaphore(%arg32 : memref<!tpu.dma_semaphore, #tpu.memory_space<semaphore_mem>>) src(%dma_wait3A_2380 : memref<96xi32, #tpu.memory_space<hbm>>) dst(%arg16 : memref<96xi32, #tpu.memory_space<vmem>>)
      %dma_start3A_2381 = arith.constant 0 : i32
      %dma_start3A_2382 = arith.constant 0 : i32
      %dma_start3A_2383 = tpu.memref_slice %arg2[%dma_start3A_2381, %dma_start3A_2382] : memref<10000x128xf32, #tpu.memory_space<hbm>> -> memref<10000x128xf32, #tpu.memory_space<hbm>>
      tpu.enqueue_indirect_dma source(%dma_start3A_2383 : memref<10000x128xf32, #tpu.memory_space<hbm>>) target(%arg10 : memref<96x128xf32, #tpu.memory_space<vmem>>) offsets(%arg13 : memref<96xi32, #tpu.memory_space<vmem>>) semaphore(%arg26 : memref<!tpu.dma_semaphore, #tpu.memory_space<semaphore_mem>>)
      %dma_wait3A_2384 = arith.constant 0 : i32
      %dma_wait3A_2385 = arith.constant 0 : i32
      %dma_wait3A_2386 = tpu.memref_slice %arg2[%dma_wait3A_2384, %dma_wait3A_2385] : memref<10000x128xf32, #tpu.memory_space<hbm>> -> memref<10000x128xf32, #tpu.memory_space<hbm>>
      tpu.wait_indirect_dma semaphore(%arg25 : memref<!tpu.dma_semaphore, #tpu.memory_space<semaphore_mem>>) src(%dma_wait3A_2386 : memref<10000x128xf32, #tpu.memory_space<hbm>>) dst(%arg9 : memref<96x128xf32, #tpu.memory_space<vmem>>)
      %get3A_2387 = arith.constant 0 : index
      %get3A_2388 = tpu.vector_load %arg15[%get3A_2387] {strides = array<i32>} : memref<96xi32, #tpu.memory_space<vmem>>, vector<16xi32>,
      tpu.vector_store_idx %arg23[%get3A_2388], %broadcast_in_dim3A_3 {add = true} : memref<10000xf32, #tpu.memory_space<vmem>>[vector<16xi32>], vector<16xf32>,
      %swap3A_2389 = arith.constant 0 : index
      %swap3A_2390 = tpu.vector_load %arg18[%swap3A_2389] {strides = array<i32>} : memref<96xi32, #tpu.memory_space<vmem>>, vector<16xi32>,
      tpu.vector_store %arg18[%swap3A_2389], %get3A_2388 {strides = array<i32>} : memref<96xi32, #tpu.memory_space<vmem>>, vector<16xi32>,
      %get3A_2391 = arith.constant 16 : index
      %get3A_2392 = tpu.vector_load %arg15[%get3A_2391] {strides = array<i32>} : memref<96xi32, #tpu.memory_space<vmem>>, vector<16xi32>,
      tpu.vector_store_idx %arg23[%get3A_2392], %broadcast_in_dim3A_3 {add = true} : memref<10000xf32, #tpu.memory_space<vmem>>[vector<16xi32>], vector<16xf32>,
      %swap3A_2393 = arith.constant 16 : index
      %swap3A_2394 = tpu.vector_load %arg18[%swap3A_2393] {strides = array<i32>} : memref<96xi32, #tpu.memory_space<vmem>>, vector<16xi32>,
      tpu.vector_store %arg18[%swap3A_2393], %get3A_2392 {strides = array<i32>} : memref<96xi32, #tpu.memory_space<vmem>>, vector<16xi32>,
      %get3A_2395 = arith.constant 32 : index
      %get3A_2396 = tpu.vector_load %arg15[%get3A_2395] {strides = array<i32>} : memref<96xi32, #tpu.memory_space<vmem>>, vector<16xi32>,
      tpu.vector_store_idx %arg23[%get3A_2396], %broadcast_in_dim3A_3 {add = true} : memref<10000xf32, #tpu.memory_space<vmem>>[vector<16xi32>], vector<16xf32>,
      %swap3A_2397 = arith.constant 32 : index
      %swap3A_2398 = tpu.vector_load %arg18[%swap3A_2397] {strides = array<i32>} : memref<96xi32, #tpu.memory_space<vmem>>, vector<16xi32>,
      tpu.vector_store %arg18[%swap3A_2397], %get3A_2396 {strides = array<i32>} : memref<96xi32, #tpu.memory_space<vmem>>, vector<16xi32>,
      %get3A_2399 = arith.constant 48 : index
      %get3A_2400 = tpu.vector_load %arg15[%get3A_2399] {strides = array<i32>} : memref<96xi32, #tpu.memory_space<vmem>>, vector<16xi32>,
      tpu.vector_store_idx %arg23[%get3A_2400], %broadcast_in_dim3A_3 {add = true} : memref<10000xf32, #tpu.memory_space<vmem>>[vector<16xi32>], vector<16xf32>,
      %swap3A_2401 = arith.constant 48 : index
      %swap3A_2402 = tpu.vector_load %arg18[%swap3A_2401] {strides = array<i32>} : memref<96xi32, #tpu.memory_space<vmem>>, vector<16xi32>,
      tpu.vector_store %arg18[%swap3A_2401], %get3A_2400 {strides = array<i32>} : memref<96xi32, #tpu.memory_space<vmem>>, vector<16xi32>,
      %get3A_2403 = arith.constant 64 : index
      %get3A_2404 = tpu.vector_load %arg15[%get3A_2403] {strides = array<i32>} : memref<96xi32, #tpu.memory_space<vmem>>, vector<16xi32>,
      tpu.vector_store_idx %arg23[%get3A_2404], %broadcast_in_dim3A_3 {add = true} : memref<10000xf32, #tpu.memory_space<vmem>>[vector<16xi32>], vector<16xf32>,
      %swap3A_2405 = arith.constant 64 : index
      %swap3A_2406 = tpu.vector_load %arg18[%swap3A_2405] {strides = array<i32>} : memref<96xi32, #tpu.memory_space<vmem>>, vector<16xi32>,
      tpu.vector_store %arg18[%swap3A_2405], %get3A_2404 {strides = array<i32>} : memref<96xi32, #tpu.memory_space<vmem>>, vector<16xi32>,
      %get3A_2407 = arith.constant 80 : index
      %get3A_2408 = tpu.vector_load %arg15[%get3A_2407] {strides = array<i32>} : memref<96xi32, #tpu.memory_space<vmem>>, vector<16xi32>,
      tpu.vector_store_idx %arg23[%get3A_2408], %broadcast_in_dim3A_3 {add = true} : memref<10000xf32, #tpu.memory_space<vmem>>[vector<16xi32>], vector<16xf32>,
      %swap3A_2409 = arith.constant 80 : index
      %swap3A_2410 = tpu.vector_load %arg18[%swap3A_2409] {strides = array<i32>} : memref<96xi32, #tpu.memory_space<vmem>>, vector<16xi32>,
      tpu.vector_store %arg18[%swap3A_2409], %get3A_2408 {strides = array<i32>} : memref<96xi32, #tpu.memory_space<vmem>>, vector<16xi32>,
      %dma_start3A_2411 = arith.constant 0 : i32
      %dma_start3A_2412 = arith.constant 0 : i32
      %dma_start3A_2413 = tpu.memref_slice %arg24[%dma_start3A_2411, %dma_start3A_2412] : memref<10000x128xf32, #tpu.memory_space<vmem_shared>> -> memref<10000x128xf32, #tpu.memory_space<vmem_shared>>
      tpu.enqueue_indirect_dma source(%arg9 : memref<96x128xf32, #tpu.memory_space<vmem>>) target(%dma_start3A_2413 : memref<10000x128xf32, #tpu.memory_space<vmem_shared>>) offsets(%arg18 : memref<96xi32, #tpu.memory_space<vmem>>) semaphore(%arg28 : memref<!tpu.dma_semaphore, #tpu.memory_space<semaphore_mem>>) {add = true}
      %add3A_2414 = arith.constant 3 : i32
      %add3A_2415 = arith.addi %add3A_2362, %add3A_2414 : i32
      %mul3A_2416 = arith.constant 96 : i32
      %mul3A_2417 = arith.muli %add3A_2415, %mul3A_2416 : i32
      %add3A_2418 = arith.addi %multiple_of3A_784, %mul3A_2417 : i32
      %multiple_of3A_2419 = tpu.assume_multiple %add3A_2418, 8 : i32
      %mul3A_2420 = arith.constant 96 : i32
      %mul3A_2421 = arith.muli %add3A_2415, %mul3A_2420 : i32
      %add3A_2422 = arith.addi %multiple_of3A_789, %mul3A_2421 : i32
      %multiple_of3A_2423 = tpu.assume_multiple %add3A_2422, 8 : i32
      %dma_start3A_2424 = tpu.memref_slice %arg4[%multiple_of3A_2419] : memref<640000xi32, #tpu.memory_space<hbm>> -> memref<96xi32, #tpu.memory_space<hbm>>
      %dma_start3A_2425 = tpu.memref_slice %arg4[%multiple_of3A_2419] : memref<640000xi32, #tpu.memory_space<hbm>> -> memref<96xi32, #tpu.memory_space<hbm>>
      tpu.enqueue_dma source(%dma_start3A_2425 : memref<96xi32, #tpu.memory_space<hbm>>) target(%arg12 : memref<96xi32, #tpu.memory_space<vmem>>) target_semaphore(%arg31 : memref<!tpu.dma_semaphore, #tpu.memory_space<semaphore_mem>>)
      %dma_start3A_2426 = tpu.memref_slice %arg4[%multiple_of3A_2423] : memref<640000xi32, #tpu.memory_space<hbm>> -> memref<96xi32, #tpu.memory_space<hbm>>
      %dma_start3A_2427 = tpu.memref_slice %arg4[%multiple_of3A_2423] : memref<640000xi32, #tpu.memory_space<hbm>> -> memref<96xi32, #tpu.memory_space<hbm>>
      tpu.enqueue_dma source(%dma_start3A_2427 : memref<96xi32, #tpu.memory_space<hbm>>) target(%arg15 : memref<96xi32, #tpu.memory_space<vmem>>) target_semaphore(%arg31 : memref<!tpu.dma_semaphore, #tpu.memory_space<semaphore_mem>>)
      %mul3A_2428 = arith.constant 3 : i32
      %mul3A_2429 = arith.muli %mul3A_2428, %scan3A_2358 : i32
      %add3A_2430 = arith.constant 1 : i32
      %add3A_2431 = arith.addi %mul3A_2429, %add3A_2430 : i32
      %gt3A_2432 = arith.constant 0 : i32
      %gt3A_2433 = arith.cmpi sgt, %scan3A_2358, %gt3A_2432 : i32
      %convert_element_type3A_2434 = arith.extui %gt3A_2433 : i1 to i32
      %cond3A_2435 = arith.constant 0 : i32
      %cond3A_2436 = arith.cmpi ne, %convert_element_type3A_2434, %cond3A_2435 : i32
      scf.if %cond3A_2436 {
        %dma_wait3A_2559 = arith.constant 0 : i32
        %dma_wait3A_2560 = arith.constant 0 : i32
        %dma_wait3A_2561 = tpu.memref_slice %arg24[%dma_wait3A_2559, %dma_wait3A_2560] : memref<10000x128xf32, #tpu.memory_space<vmem_shared>> -> memref<10000x128xf32, #tpu.memory_space<vmem_shared>>
        tpu.wait_indirect_dma semaphore(%arg30 : memref<!tpu.dma_semaphore, #tpu.memory_space<semaphore_mem>>) src(%arg11 : memref<96x128xf32, #tpu.memory_space<vmem>>) dst(%dma_wait3A_2561 : memref<10000x128xf32, #tpu.memory_space<vmem_shared>>)
      } else {
      }
      %add3A_2437 = arith.constant 1 : i32
      %add3A_2438 = arith.addi %add3A_2431, %add3A_2437 : i32
      %mul3A_2439 = arith.constant 96 : i32
      %mul3A_2440 = arith.muli %add3A_2438, %mul3A_2439 : i32
      %add3A_2441 = arith.addi %multiple_of3A_784, %mul3A_2440 : i32
      %multiple_of3A_2442 = tpu.assume_multiple %add3A_2441, 8 : i32
      %mul3A_2443 = arith.constant 96 : i32
      %mul3A_2444 = arith.muli %add3A_2438, %mul3A_2443 : i32
      %add3A_2445 = arith.addi %multiple_of3A_789, %mul3A_2444 : i32
      %multiple_of3A_2446 = tpu.assume_multiple %add3A_2445, 8 : i32
      %dma_wait3A_2447 = tpu.memref_slice %arg4[%multiple_of3A_2442] : memref<640000xi32, #tpu.memory_space<hbm>> -> memref<96xi32, #tpu.memory_space<hbm>>
      %dma_wait3A_2448 = tpu.memref_slice %arg4[%multiple_of3A_2442] : memref<640000xi32, #tpu.memory_space<hbm>> -> memref<96xi32, #tpu.memory_space<hbm>>
      tpu.wait_dma2 semaphore(%arg33 : memref<!tpu.dma_semaphore, #tpu.memory_space<semaphore_mem>>) src(%dma_wait3A_2448 : memref<96xi32, #tpu.memory_space<hbm>>) dst(%arg14 : memref<96xi32, #tpu.memory_space<vmem>>)
      %dma_wait3A_2449 = tpu.memref_slice %arg4[%multiple_of3A_2446] : memref<640000xi32, #tpu.memory_space<hbm>> -> memref<96xi32, #tpu.memory_space<hbm>>
      %dma_wait3A_2450 = tpu.memref_slice %arg4[%multiple_of3A_2446] : memref<640000xi32, #tpu.memory_space<hbm>> -> memref<96xi32, #tpu.memory_space<hbm>>
      tpu.wait_dma2 semaphore(%arg33 : memref<!tpu.dma_semaphore, #tpu.memory_space<semaphore_mem>>) src(%dma_wait3A_2450 : memref<96xi32, #tpu.memory_space<hbm>>) dst(%arg17 : memref<96xi32, #tpu.memory_space<vmem>>)
      %dma_start3A_2451 = arith.constant 0 : i32
      %dma_start3A_2452 = arith.constant 0 : i32
      %dma_start3A_2453 = tpu.memref_slice %arg2[%dma_start3A_2451, %dma_start3A_2452] : memref<10000x128xf32, #tpu.memory_space<hbm>> -> memref<10000x128xf32, #tpu.memory_space<hbm>>
      tpu.enqueue_indirect_dma source(%dma_start3A_2453 : memref<10000x128xf32, #tpu.memory_space<hbm>>) target(%arg11 : memref<96x128xf32, #tpu.memory_space<vmem>>) offsets(%arg14 : memref<96xi32, #tpu.memory_space<vmem>>) semaphore(%arg27 : memref<!tpu.dma_semaphore, #tpu.memory_space<semaphore_mem>>)
      %dma_wait3A_2454 = arith.constant 0 : i32
      %dma_wait3A_2455 = arith.constant 0 : i32
      %dma_wait3A_2456 = tpu.memref_slice %arg2[%dma_wait3A_2454, %dma_wait3A_2455] : memref<10000x128xf32, #tpu.memory_space<hbm>> -> memref<10000x128xf32, #tpu.memory_space<hbm>>
      tpu.wait_indirect_dma semaphore(%arg26 : memref<!tpu.dma_semaphore, #tpu.memory_space<semaphore_mem>>) src(%dma_wait3A_2456 : memref<10000x128xf32, #tpu.memory_space<hbm>>) dst(%arg10 : memref<96x128xf32, #tpu.memory_space<vmem>>)
      %get3A_2457 = arith.constant 0 : index
      %get3A_2458 = tpu.vector_load %arg16[%get3A_2457] {strides = array<i32>} : memref<96xi32, #tpu.memory_space<vmem>>, vector<16xi32>,
      tpu.vector_store_idx %arg23[%get3A_2458], %broadcast_in_dim3A_3 {add = true} : memref<10000xf32, #tpu.memory_space<vmem>>[vector<16xi32>], vector<16xf32>,
      %swap3A_2459 = arith.constant 0 : index
      %swap3A_2460 = tpu.vector_load %arg19[%swap3A_2459] {strides = array<i32>} : memref<96xi32, #tpu.memory_space<vmem>>, vector<16xi32>,
      tpu.vector_store %arg19[%swap3A_2459], %get3A_2458 {strides = array<i32>} : memref<96xi32, #tpu.memory_space<vmem>>, vector<16xi32>,
      %get3A_2461 = arith.constant 16 : index
      %get3A_2462 = tpu.vector_load %arg16[%get3A_2461] {strides = array<i32>} : memref<96xi32, #tpu.memory_space<vmem>>, vector<16xi32>,
      tpu.vector_store_idx %arg23[%get3A_2462], %broadcast_in_dim3A_3 {add = true} : memref<10000xf32, #tpu.memory_space<vmem>>[vector<16xi32>], vector<16xf32>,
      %swap3A_2463 = arith.constant 16 : index
      %swap3A_2464 = tpu.vector_load %arg19[%swap3A_2463] {strides = array<i32>} : memref<96xi32, #tpu.memory_space<vmem>>, vector<16xi32>,
      tpu.vector_store %arg19[%swap3A_2463], %get3A_2462 {strides = array<i32>} : memref<96xi32, #tpu.memory_space<vmem>>, vector<16xi32>,
      %get3A_2465 = arith.constant 32 : index
      %get3A_2466 = tpu.vector_load %arg16[%get3A_2465] {strides = array<i32>} : memref<96xi32, #tpu.memory_space<vmem>>, vector<16xi32>,
      tpu.vector_store_idx %arg23[%get3A_2466], %broadcast_in_dim3A_3 {add = true} : memref<10000xf32, #tpu.memory_space<vmem>>[vector<16xi32>], vector<16xf32>,
      %swap3A_2467 = arith.constant 32 : index
      %swap3A_2468 = tpu.vector_load %arg19[%swap3A_2467] {strides = array<i32>} : memref<96xi32, #tpu.memory_space<vmem>>, vector<16xi32>,
      tpu.vector_store %arg19[%swap3A_2467], %get3A_2466 {strides = array<i32>} : memref<96xi32, #tpu.memory_space<vmem>>, vector<16xi32>,
      %get3A_2469 = arith.constant 48 : index
      %get3A_2470 = tpu.vector_load %arg16[%get3A_2469] {strides = array<i32>} : memref<96xi32, #tpu.memory_space<vmem>>, vector<16xi32>,
      tpu.vector_store_idx %arg23[%get3A_2470], %broadcast_in_dim3A_3 {add = true} : memref<10000xf32, #tpu.memory_space<vmem>>[vector<16xi32>], vector<16xf32>,
      %swap3A_2471 = arith.constant 48 : index
      %swap3A_2472 = tpu.vector_load %arg19[%swap3A_2471] {strides = array<i32>} : memref<96xi32, #tpu.memory_space<vmem>>, vector<16xi32>,
      tpu.vector_store %arg19[%swap3A_2471], %get3A_2470 {strides = array<i32>} : memref<96xi32, #tpu.memory_space<vmem>>, vector<16xi32>,
      %get3A_2473 = arith.constant 64 : index
      %get3A_2474 = tpu.vector_load %arg16[%get3A_2473] {strides = array<i32>} : memref<96xi32, #tpu.memory_space<vmem>>, vector<16xi32>,
      tpu.vector_store_idx %arg23[%get3A_2474], %broadcast_in_dim3A_3 {add = true} : memref<10000xf32, #tpu.memory_space<vmem>>[vector<16xi32>], vector<16xf32>,
      %swap3A_2475 = arith.constant 64 : index
      %swap3A_2476 = tpu.vector_load %arg19[%swap3A_2475] {strides = array<i32>} : memref<96xi32, #tpu.memory_space<vmem>>, vector<16xi32>,
      tpu.vector_store %arg19[%swap3A_2475], %get3A_2474 {strides = array<i32>} : memref<96xi32, #tpu.memory_space<vmem>>, vector<16xi32>,
      %get3A_2477 = arith.constant 80 : index
      %get3A_2478 = tpu.vector_load %arg16[%get3A_2477] {strides = array<i32>} : memref<96xi32, #tpu.memory_space<vmem>>, vector<16xi32>,
      tpu.vector_store_idx %arg23[%get3A_2478], %broadcast_in_dim3A_3 {add = true} : memref<10000xf32, #tpu.memory_space<vmem>>[vector<16xi32>], vector<16xf32>,
      %swap3A_2479 = arith.constant 80 : index
      %swap3A_2480 = tpu.vector_load %arg19[%swap3A_2479] {strides = array<i32>} : memref<96xi32, #tpu.memory_space<vmem>>, vector<16xi32>,
      tpu.vector_store %arg19[%swap3A_2479], %get3A_2478 {strides = array<i32>} : memref<96xi32, #tpu.memory_space<vmem>>, vector<16xi32>,
      %dma_start3A_2481 = arith.constant 0 : i32
      %dma_start3A_2482 = arith.constant 0 : i32
      %dma_start3A_2483 = tpu.memref_slice %arg24[%dma_start3A_2481, %dma_start3A_2482] : memref<10000x128xf32, #tpu.memory_space<vmem_shared>> -> memref<10000x128xf32, #tpu.memory_space<vmem_shared>>
      tpu.enqueue_indirect_dma source(%arg10 : memref<96x128xf32, #tpu.memory_space<vmem>>) target(%dma_start3A_2483 : memref<10000x128xf32, #tpu.memory_space<vmem_shared>>) offsets(%arg19 : memref<96xi32, #tpu.memory_space<vmem>>) semaphore(%arg29 : memref<!tpu.dma_semaphore, #tpu.memory_space<semaphore_mem>>) {add = true}
      %add3A_2484 = arith.constant 3 : i32
      %add3A_2485 = arith.addi %add3A_2431, %add3A_2484 : i32
      %mul3A_2486 = arith.constant 96 : i32
      %mul3A_2487 = arith.muli %add3A_2485, %mul3A_2486 : i32
      %add3A_2488 = arith.addi %multiple_of3A_784, %mul3A_2487 : i32
      %multiple_of3A_2489 = tpu.assume_multiple %add3A_2488, 8 : i32
      %mul3A_2490 = arith.constant 96 : i32
      %mul3A_2491 = arith.muli %add3A_2485, %mul3A_2490 : i32
      %add3A_2492 = arith.addi %multiple_of3A_789, %mul3A_2491 : i32
      %multiple_of3A_2493 = tpu.assume_multiple %add3A_2492, 8 : i32
      %dma_start3A_2494 = tpu.memref_slice %arg4[%multiple_of3A_2489] : memref<640000xi32, #tpu.memory_space<hbm>> -> memref<96xi32, #tpu.memory_space<hbm>>
      %dma_start3A_2495 = tpu.memref_slice %arg4[%multiple_of3A_2489] : memref<640000xi32, #tpu.memory_space<hbm>> -> memref<96xi32, #tpu.memory_space<hbm>>
      tpu.enqueue_dma source(%dma_start3A_2495 : memref<96xi32, #tpu.memory_space<hbm>>) target(%arg13 : memref<96xi32, #tpu.memory_space<vmem>>) target_semaphore(%arg32 : memref<!tpu.dma_semaphore, #tpu.memory_space<semaphore_mem>>)
      %dma_start3A_2496 = tpu.memref_slice %arg4[%multiple_of3A_2493] : memref<640000xi32, #tpu.memory_space<hbm>> -> memref<96xi32, #tpu.memory_space<hbm>>
      %dma_start3A_2497 = tpu.memref_slice %arg4[%multiple_of3A_2493] : memref<640000xi32, #tpu.memory_space<hbm>> -> memref<96xi32, #tpu.memory_space<hbm>>
      tpu.enqueue_dma source(%dma_start3A_2497 : memref<96xi32, #tpu.memory_space<hbm>>) target(%arg16 : memref<96xi32, #tpu.memory_space<vmem>>) target_semaphore(%arg32 : memref<!tpu.dma_semaphore, #tpu.memory_space<semaphore_mem>>)
      %mul3A_2498 = arith.constant 3 : i32
      %mul3A_2499 = arith.muli %mul3A_2498, %scan3A_2358 : i32
      %add3A_2500 = arith.constant 2 : i32
      %add3A_2501 = arith.addi %mul3A_2499, %add3A_2500 : i32
      %dma_wait3A_2502 = arith.constant 0 : i32
      %dma_wait3A_2503 = arith.constant 0 : i32
      %dma_wait3A_2504 = tpu.memref_slice %arg24[%dma_wait3A_2502, %dma_wait3A_2503] : memref<10000x128xf32, #tpu.memory_space<vmem_shared>> -> memref<10000x128xf32, #tpu.memory_space<vmem_shared>>
      tpu.wait_indirect_dma semaphore(%arg28 : memref<!tpu.dma_semaphore, #tpu.memory_space<semaphore_mem>>) src(%arg9 : memref<96x128xf32, #tpu.memory_space<vmem>>) dst(%dma_wait3A_2504 : memref<10000x128xf32, #tpu.memory_space<vmem_shared>>)
      %add3A_2505 = arith.constant 1 : i32
      %add3A_2506 = arith.addi %add3A_2501, %add3A_2505 : i32
      %mul3A_2507 = arith.constant 96 : i32
      %mul3A_2508 = arith.muli %add3A_2506, %mul3A_2507 : i32
      %add3A_2509 = arith.addi %multiple_of3A_784, %mul3A_2508 : i32
      %multiple_of3A_2510 = tpu.assume_multiple %add3A_2509, 8 : i32
      %mul3A_2511 = arith.constant 96 : i32
      %mul3A_2512 = arith.muli %add3A_2506, %mul3A_2511 : i32
      %add3A_2513 = arith.addi %multiple_of3A_789, %mul3A_2512 : i32
      %multiple_of3A_2514 = tpu.assume_multiple %add3A_2513, 8 : i32
      %dma_wait3A_2515 = tpu.memref_slice %arg4[%multiple_of3A_2510] : memref<640000xi32, #tpu.memory_space<hbm>> -> memref<96xi32, #tpu.memory_space<hbm>>
      %dma_wait3A_2516 = tpu.memref_slice %arg4[%multiple_of3A_2510] : memref<640000xi32, #tpu.memory_space<hbm>> -> memref<96xi32, #tpu.memory_space<hbm>>
      tpu.wait_dma2 semaphore(%arg31 : memref<!tpu.dma_semaphore, #tpu.memory_space<semaphore_mem>>) src(%dma_wait3A_2516 : memref<96xi32, #tpu.memory_space<hbm>>) dst(%arg12 : memref<96xi32, #tpu.memory_space<vmem>>)
      %dma_wait3A_2517 = tpu.memref_slice %arg4[%multiple_of3A_2514] : memref<640000xi32, #tpu.memory_space<hbm>> -> memref<96xi32, #tpu.memory_space<hbm>>
      %dma_wait3A_2518 = tpu.memref_slice %arg4[%multiple_of3A_2514] : memref<640000xi32, #tpu.memory_space<hbm>> -> memref<96xi32, #tpu.memory_space<hbm>>
      tpu.wait_dma2 semaphore(%arg31 : memref<!tpu.dma_semaphore, #tpu.memory_space<semaphore_mem>>) src(%dma_wait3A_2518 : memref<96xi32, #tpu.memory_space<hbm>>) dst(%arg15 : memref<96xi32, #tpu.memory_space<vmem>>)
      %dma_start3A_2519 = arith.constant 0 : i32
      %dma_start3A_2520 = arith.constant 0 : i32
      %dma_start3A_2521 = tpu.memref_slice %arg2[%dma_start3A_2519, %dma_start3A_2520] : memref<10000x128xf32, #tpu.memory_space<hbm>> -> memref<10000x128xf32, #tpu.memory_space<hbm>>
      tpu.enqueue_indirect_dma source(%dma_start3A_2521 : memref<10000x128xf32, #tpu.memory_space<hbm>>) target(%arg9 : memref<96x128xf32, #tpu.memory_space<vmem>>) offsets(%arg12 : memref<96xi32, #tpu.memory_space<vmem>>) semaphore(%arg25 : memref<!tpu.dma_semaphore, #tpu.memory_space<semaphore_mem>>)
      %dma_wait3A_2522 = arith.constant 0 : i32
      %dma_wait3A_2523 = arith.constant 0 : i32
      %dma_wait3A_2524 = tpu.memref_slice %arg2[%dma_wait3A_2522, %dma_wait3A_2523] : memref<10000x128xf32, #tpu.memory_space<hbm>> -> memref<10000x128xf32, #tpu.memory_space<hbm>>
      tpu.wait_indirect_dma semaphore(%arg27 : memref<!tpu.dma_semaphore, #tpu.memory_space<semaphore_mem>>) src(%dma_wait3A_2524 : memref<10000x128xf32, #tpu.memory_space<hbm>>) dst(%arg11 : memref<96x128xf32, #tpu.memory_space<vmem>>)
      %get3A_2525 = arith.constant 0 : index
      %get3A_2526 = tpu.vector_load %arg17[%get3A_2525] {strides = array<i32>} : memref<96xi32, #tpu.memory_space<vmem>>, vector<16xi32>,
      tpu.vector_store_idx %arg23[%get3A_2526], %broadcast_in_dim3A_3 {add = true} : memref<10000xf32, #tpu.memory_space<vmem>>[vector<16xi32>], vector<16xf32>,
      %swap3A_2527 = arith.constant 0 : index
      %swap3A_2528 = tpu.vector_load %arg20[%swap3A_2527] {strides = array<i32>} : memref<96xi32, #tpu.memory_space<vmem>>, vector<16xi32>,
      tpu.vector_store %arg20[%swap3A_2527], %get3A_2526 {strides = array<i32>} : memref<96xi32, #tpu.memory_space<vmem>>, vector<16xi32>,
      %get3A_2529 = arith.constant 16 : index
      %get3A_2530 = tpu.vector_load %arg17[%get3A_2529] {strides = array<i32>} : memref<96xi32, #tpu.memory_space<vmem>>, vector<16xi32>,
      tpu.vector_store_idx %arg23[%get3A_2530], %broadcast_in_dim3A_3 {add = true} : memref<10000xf32, #tpu.memory_space<vmem>>[vector<16xi32>], vector<16xf32>,
      %swap3A_2531 = arith.constant 16 : index
      %swap3A_2532 = tpu.vector_load %arg20[%swap3A_2531] {strides = array<i32>} : memref<96xi32, #tpu.memory_space<vmem>>, vector<16xi32>,
      tpu.vector_store %arg20[%swap3A_2531], %get3A_2530 {strides = array<i32>} : memref<96xi32, #tpu.memory_space<vmem>>, vector<16xi32>,
      %get3A_2533 = arith.constant 32 : index
      %get3A_2534 = tpu.vector_load %arg17[%get3A_2533] {strides = array<i32>} : memref<96xi32, #tpu.memory_space<vmem>>, vector<16xi32>,
      tpu.vector_store_idx %arg23[%get3A_2534], %broadcast_in_dim3A_3 {add = true} : memref<10000xf32, #tpu.memory_space<vmem>>[vector<16xi32>], vector<16xf32>,
      %swap3A_2535 = arith.constant 32 : index
      %swap3A_2536 = tpu.vector_load %arg20[%swap3A_2535] {strides = array<i32>} : memref<96xi32, #tpu.memory_space<vmem>>, vector<16xi32>,
      tpu.vector_store %arg20[%swap3A_2535], %get3A_2534 {strides = array<i32>} : memref<96xi32, #tpu.memory_space<vmem>>, vector<16xi32>,
      %get3A_2537 = arith.constant 48 : index
      %get3A_2538 = tpu.vector_load %arg17[%get3A_2537] {strides = array<i32>} : memref<96xi32, #tpu.memory_space<vmem>>, vector<16xi32>,
      tpu.vector_store_idx %arg23[%get3A_2538], %broadcast_in_dim3A_3 {add = true} : memref<10000xf32, #tpu.memory_space<vmem>>[vector<16xi32>], vector<16xf32>,
      %swap3A_2539 = arith.constant 48 : index
      %swap3A_2540 = tpu.vector_load %arg20[%swap3A_2539] {strides = array<i32>} : memref<96xi32, #tpu.memory_space<vmem>>, vector<16xi32>,
      tpu.vector_store %arg20[%swap3A_2539], %get3A_2538 {strides = array<i32>} : memref<96xi32, #tpu.memory_space<vmem>>, vector<16xi32>,
      %get3A_2541 = arith.constant 64 : index
      %get3A_2542 = tpu.vector_load %arg17[%get3A_2541] {strides = array<i32>} : memref<96xi32, #tpu.memory_space<vmem>>, vector<16xi32>,
      tpu.vector_store_idx %arg23[%get3A_2542], %broadcast_in_dim3A_3 {add = true} : memref<10000xf32, #tpu.memory_space<vmem>>[vector<16xi32>], vector<16xf32>,
      %swap3A_2543 = arith.constant 64 : index
      %swap3A_2544 = tpu.vector_load %arg20[%swap3A_2543] {strides = array<i32>} : memref<96xi32, #tpu.memory_space<vmem>>, vector<16xi32>,
      tpu.vector_store %arg20[%swap3A_2543], %get3A_2542 {strides = array<i32>} : memref<96xi32, #tpu.memory_space<vmem>>, vector<16xi32>,
      %get3A_2545 = arith.constant 80 : index
      %get3A_2546 = tpu.vector_load %arg17[%get3A_2545] {strides = array<i32>} : memref<96xi32, #tpu.memory_space<vmem>>, vector<16xi32>,
      tpu.vector_store_idx %arg23[%get3A_2546], %broadcast_in_dim3A_3 {add = true} : memref<10000xf32, #tpu.memory_space<vmem>>[vector<16xi32>], vector<16xf32>,
      %swap3A_2547 = arith.constant 80 : index
      %swap3A_2548 = tpu.vector_load %arg20[%swap3A_2547] {strides = array<i32>} : memref<96xi32, #tpu.memory_space<vmem>>, vector<16xi32>,
      tpu.vector_store %arg20[%swap3A_2547], %get3A_2546 {strides = array<i32>} : memref<96xi32, #tpu.memory_space<vmem>>, vector<16xi32>,
      %dma_start3A_2549 = arith.constant 0 : i32
      %dma_start3A_2550 = arith.constant 0 : i32
      %dma_start3A_2551 = tpu.memref_slice %arg24[%dma_start3A_2549, %dma_start3A_2550] : memref<10000x128xf32, #tpu.memory_space<vmem_shared>> -> memref<10000x128xf32, #tpu.memory_space<vmem_shared>>
      tpu.enqueue_indirect_dma source(%arg11 : memref<96x128xf32, #tpu.memory_space<vmem>>) target(%dma_start3A_2551 : memref<10000x128xf32, #tpu.memory_space<vmem_shared>>) offsets(%arg20 : memref<96xi32, #tpu.memory_space<vmem>>) semaphore(%arg30 : memref<!tpu.dma_semaphore, #tpu.memory_space<semaphore_mem>>) {add = true}
      %add3A_2552 = arith.constant 1 : i32
      %add3A_2553 = arith.addi %scan3A_2358, %add3A_2552 : i32
      %lt3A_2554 = arith.constant 34 : i32
      %lt3A_2555 = arith.cmpi slt, %add3A_2553, %lt3A_2554 : i32
      %convert_element_type3A_2556 = arith.extui %lt3A_2555 : i1 to i32
      %cond3A_2557 = arith.constant 0 : i32
      %cond3A_2558 = arith.cmpi ne, %convert_element_type3A_2556, %cond3A_2557 : i32
      scf.if %cond3A_2558 {
        %add3A_2559 = arith.constant 3 : i32
        %add3A_2560 = arith.addi %add3A_2501, %add3A_2559 : i32
        %mul3A_2561 = arith.constant 96 : i32
        %mul3A_2562 = arith.muli %add3A_2560, %mul3A_2561 : i32
        %add3A_2563 = arith.addi %multiple_of3A_784, %mul3A_2562 : i32
        %multiple_of3A_2564 = tpu.assume_multiple %add3A_2563, 8 : i32
        %mul3A_2565 = arith.constant 96 : i32
        %mul3A_2566 = arith.muli %add3A_2560, %mul3A_2565 : i32
        %add3A_2567 = arith.addi %multiple_of3A_789, %mul3A_2566 : i32
        %multiple_of3A_2568 = tpu.assume_multiple %add3A_2567, 8 : i32
        %dma_start3A_2569 = tpu.memref_slice %arg4[%multiple_of3A_2564] : memref<640000xi32, #tpu.memory_space<hbm>> -> memref<96xi32, #tpu.memory_space<hbm>>
        %dma_start3A_2570 = tpu.memref_slice %arg4[%multiple_of3A_2564] : memref<640000xi32, #tpu.memory_space<hbm>> -> memref<96xi32, #tpu.memory_space<hbm>>
        tpu.enqueue_dma source(%dma_start3A_2570 : memref<96xi32, #tpu.memory_space<hbm>>) target(%arg14 : memref<96xi32, #tpu.memory_space<vmem>>) target_semaphore(%arg33 : memref<!tpu.dma_semaphore, #tpu.memory_space<semaphore_mem>>)
        %dma_start3A_2571 = tpu.memref_slice %arg4[%multiple_of3A_2568] : memref<640000xi32, #tpu.memory_space<hbm>> -> memref<96xi32, #tpu.memory_space<hbm>>
        %dma_start3A_2572 = tpu.memref_slice %arg4[%multiple_of3A_2568] : memref<640000xi32, #tpu.memory_space<hbm>> -> memref<96xi32, #tpu.memory_space<hbm>>
        tpu.enqueue_dma source(%dma_start3A_2572 : memref<96xi32, #tpu.memory_space<hbm>>) target(%arg17 : memref<96xi32, #tpu.memory_space<vmem>>) target_semaphore(%arg33 : memref<!tpu.dma_semaphore, #tpu.memory_space<semaphore_mem>>)
      } else {
      }
    }
    %scan3A_873 = arith.constant 34 : i32
    %dma_wait3A_874 = arith.constant 0 : i32
    %dma_wait3A_875 = arith.constant 0 : i32
    %dma_wait3A_876 = tpu.memref_slice %arg24[%dma_wait3A_874, %dma_wait3A_875] : memref<10000x128xf32, #tpu.memory_space<vmem_shared>> -> memref<10000x128xf32, #tpu.memory_space<vmem_shared>>
    tpu.wait_indirect_dma semaphore(%arg29 : memref<!tpu.dma_semaphore, #tpu.memory_space<semaphore_mem>>) src(%arg10 : memref<96x128xf32, #tpu.memory_space<vmem>>) dst(%dma_wait3A_876 : memref<10000x128xf32, #tpu.memory_space<vmem_shared>>)
    %add3A_877 = arith.constant 9888 : i32
    %add3A_878 = arith.addi %multiple_of3A_784, %add3A_877 : i32
    %multiple_of3A_879 = tpu.assume_multiple %add3A_878, 8 : i32
    %add3A_880 = arith.constant 9888 : i32
    %add3A_881 = arith.addi %multiple_of3A_789, %add3A_880 : i32
    %multiple_of3A_882 = tpu.assume_multiple %add3A_881, 8 : i32
    %dma_wait3A_883 = tpu.memref_slice %arg4[%multiple_of3A_879] : memref<640000xi32, #tpu.memory_space<hbm>> -> memref<96xi32, #tpu.memory_space<hbm>>
    %dma_wait3A_884 = tpu.memref_slice %arg4[%multiple_of3A_879] : memref<640000xi32, #tpu.memory_space<hbm>> -> memref<96xi32, #tpu.memory_space<hbm>>
    tpu.wait_dma2 semaphore(%arg32 : memref<!tpu.dma_semaphore, #tpu.memory_space<semaphore_mem>>) src(%dma_wait3A_884 : memref<96xi32, #tpu.memory_space<hbm>>) dst(%arg13 : memref<96xi32, #tpu.memory_space<vmem>>)
    %dma_wait3A_885 = tpu.memref_slice %arg4[%multiple_of3A_882] : memref<640000xi32, #tpu.memory_space<hbm>> -> memref<96xi32, #tpu.memory_space<hbm>>
    %dma_wait3A_886 = tpu.memref_slice %arg4[%multiple_of3A_882] : memref<640000xi32, #tpu.memory_space<hbm>> -> memref<96xi32, #tpu.memory_space<hbm>>
    tpu.wait_dma2 semaphore(%arg32 : memref<!tpu.dma_semaphore, #tpu.memory_space<semaphore_mem>>) src(%dma_wait3A_886 : memref<96xi32, #tpu.memory_space<hbm>>) dst(%arg16 : memref<96xi32, #tpu.memory_space<vmem>>)
    %dma_start3A_887 = arith.constant 0 : i32
    %dma_start3A_888 = arith.constant 0 : i32
    %dma_start3A_889 = tpu.memref_slice %arg2[%dma_start3A_887, %dma_start3A_888] : memref<10000x128xf32, #tpu.memory_space<hbm>> -> memref<10000x128xf32, #tpu.memory_space<hbm>>
    tpu.enqueue_indirect_dma source(%dma_start3A_889 : memref<10000x128xf32, #tpu.memory_space<hbm>>) target(%arg10 : memref<96x128xf32, #tpu.memory_space<vmem>>) offsets(%arg13 : memref<96xi32, #tpu.memory_space<vmem>>) semaphore(%arg26 : memref<!tpu.dma_semaphore, #tpu.memory_space<semaphore_mem>>)
    %dma_wait3A_890 = arith.constant 0 : i32
    %dma_wait3A_891 = arith.constant 0 : i32
    %dma_wait3A_892 = tpu.memref_slice %arg2[%dma_wait3A_890, %dma_wait3A_891] : memref<10000x128xf32, #tpu.memory_space<hbm>> -> memref<10000x128xf32, #tpu.memory_space<hbm>>
    tpu.wait_indirect_dma semaphore(%arg25 : memref<!tpu.dma_semaphore, #tpu.memory_space<semaphore_mem>>) src(%dma_wait3A_892 : memref<10000x128xf32, #tpu.memory_space<hbm>>) dst(%arg9 : memref<96x128xf32, #tpu.memory_space<vmem>>)
    %get3A_893 = arith.constant 0 : index
    %get3A_894 = tpu.vector_load %arg15[%get3A_893] {strides = array<i32>} : memref<96xi32, #tpu.memory_space<vmem>>, vector<16xi32>,
    tpu.vector_store_idx %arg23[%get3A_894], %broadcast_in_dim3A_3 {add = true} : memref<10000xf32, #tpu.memory_space<vmem>>[vector<16xi32>], vector<16xf32>,
    %swap3A_895 = arith.constant 0 : index
    %swap3A_896 = tpu.vector_load %arg18[%swap3A_895] {strides = array<i32>} : memref<96xi32, #tpu.memory_space<vmem>>, vector<16xi32>,
    tpu.vector_store %arg18[%swap3A_895], %get3A_894 {strides = array<i32>} : memref<96xi32, #tpu.memory_space<vmem>>, vector<16xi32>,
    %get3A_897 = arith.constant 16 : index
    %get3A_898 = tpu.vector_load %arg15[%get3A_897] {strides = array<i32>} : memref<96xi32, #tpu.memory_space<vmem>>, vector<16xi32>,
    tpu.vector_store_idx %arg23[%get3A_898], %broadcast_in_dim3A_3 {add = true} : memref<10000xf32, #tpu.memory_space<vmem>>[vector<16xi32>], vector<16xf32>,
    %swap3A_899 = arith.constant 16 : index
    %swap3A_900 = tpu.vector_load %arg18[%swap3A_899] {strides = array<i32>} : memref<96xi32, #tpu.memory_space<vmem>>, vector<16xi32>,
    tpu.vector_store %arg18[%swap3A_899], %get3A_898 {strides = array<i32>} : memref<96xi32, #tpu.memory_space<vmem>>, vector<16xi32>,
    %get3A_901 = arith.constant 32 : index
    %get3A_902 = tpu.vector_load %arg15[%get3A_901] {strides = array<i32>} : memref<96xi32, #tpu.memory_space<vmem>>, vector<16xi32>,
    tpu.vector_store_idx %arg23[%get3A_902], %broadcast_in_dim3A_3 {add = true} : memref<10000xf32, #tpu.memory_space<vmem>>[vector<16xi32>], vector<16xf32>,
    %swap3A_903 = arith.constant 32 : index
    %swap3A_904 = tpu.vector_load %arg18[%swap3A_903] {strides = array<i32>} : memref<96xi32, #tpu.memory_space<vmem>>, vector<16xi32>,
    tpu.vector_store %arg18[%swap3A_903], %get3A_902 {strides = array<i32>} : memref<96xi32, #tpu.memory_space<vmem>>, vector<16xi32>,
    %get3A_905 = arith.constant 48 : index
    %get3A_906 = tpu.vector_load %arg15[%get3A_905] {strides = array<i32>} : memref<96xi32, #tpu.memory_space<vmem>>, vector<16xi32>,
    tpu.vector_store_idx %arg23[%get3A_906], %broadcast_in_dim3A_3 {add = true} : memref<10000xf32, #tpu.memory_space<vmem>>[vector<16xi32>], vector<16xf32>,
    %swap3A_907 = arith.constant 48 : index
    %swap3A_908 = tpu.vector_load %arg18[%swap3A_907] {strides = array<i32>} : memref<96xi32, #tpu.memory_space<vmem>>, vector<16xi32>,
    tpu.vector_store %arg18[%swap3A_907], %get3A_906 {strides = array<i32>} : memref<96xi32, #tpu.memory_space<vmem>>, vector<16xi32>,
    %get3A_909 = arith.constant 64 : index
    %get3A_910 = tpu.vector_load %arg15[%get3A_909] {strides = array<i32>} : memref<96xi32, #tpu.memory_space<vmem>>, vector<16xi32>,
    tpu.vector_store_idx %arg23[%get3A_910], %broadcast_in_dim3A_3 {add = true} : memref<10000xf32, #tpu.memory_space<vmem>>[vector<16xi32>], vector<16xf32>,
    %swap3A_911 = arith.constant 64 : index
    %swap3A_912 = tpu.vector_load %arg18[%swap3A_911] {strides = array<i32>} : memref<96xi32, #tpu.memory_space<vmem>>, vector<16xi32>,
    tpu.vector_store %arg18[%swap3A_911], %get3A_910 {strides = array<i32>} : memref<96xi32, #tpu.memory_space<vmem>>, vector<16xi32>,
    %get3A_913 = arith.constant 80 : index
    %get3A_914 = tpu.vector_load %arg15[%get3A_913] {strides = array<i32>} : memref<96xi32, #tpu.memory_space<vmem>>, vector<16xi32>,
    tpu.vector_store_idx %arg23[%get3A_914], %broadcast_in_dim3A_3 {add = true} : memref<10000xf32, #tpu.memory_space<vmem>>[vector<16xi32>], vector<16xf32>,
    %swap3A_915 = arith.constant 80 : index
    %swap3A_916 = tpu.vector_load %arg18[%swap3A_915] {strides = array<i32>} : memref<96xi32, #tpu.memory_space<vmem>>, vector<16xi32>,
    tpu.vector_store %arg18[%swap3A_915], %get3A_914 {strides = array<i32>} : memref<96xi32, #tpu.memory_space<vmem>>, vector<16xi32>,
    %dma_start3A_917 = arith.constant 0 : i32
    %dma_start3A_918 = arith.constant 0 : i32
    %dma_start3A_919 = tpu.memref_slice %arg24[%dma_start3A_917, %dma_start3A_918] : memref<10000x128xf32, #tpu.memory_space<vmem_shared>> -> memref<10000x128xf32, #tpu.memory_space<vmem_shared>>
    tpu.enqueue_indirect_dma source(%arg9 : memref<96x128xf32, #tpu.memory_space<vmem>>) target(%dma_start3A_919 : memref<10000x128xf32, #tpu.memory_space<vmem_shared>>) offsets(%arg18 : memref<96xi32, #tpu.memory_space<vmem>>) semaphore(%arg28 : memref<!tpu.dma_semaphore, #tpu.memory_space<semaphore_mem>>) {add = true}
    %dma_wait3A_920 = arith.constant 0 : i32
    %dma_wait3A_921 = arith.constant 0 : i32
    %dma_wait3A_922 = tpu.memref_slice %arg24[%dma_wait3A_920, %dma_wait3A_921] : memref<10000x128xf32, #tpu.memory_space<vmem_shared>> -> memref<10000x128xf32, #tpu.memory_space<vmem_shared>>
    tpu.wait_indirect_dma semaphore(%arg30 : memref<!tpu.dma_semaphore, #tpu.memory_space<semaphore_mem>>) src(%arg11 : memref<96x128xf32, #tpu.memory_space<vmem>>) dst(%dma_wait3A_922 : memref<10000x128xf32, #tpu.memory_space<vmem_shared>>)
    %dma_wait3A_923 = arith.constant 0 : i32
    %dma_wait3A_924 = arith.constant 0 : i32
    %dma_wait3A_925 = tpu.memref_slice %arg2[%dma_wait3A_923, %dma_wait3A_924] : memref<10000x128xf32, #tpu.memory_space<hbm>> -> memref<10000x128xf32, #tpu.memory_space<hbm>>
    tpu.wait_indirect_dma semaphore(%arg26 : memref<!tpu.dma_semaphore, #tpu.memory_space<semaphore_mem>>) src(%dma_wait3A_925 : memref<10000x128xf32, #tpu.memory_space<hbm>>) dst(%arg10 : memref<96x128xf32, #tpu.memory_space<vmem>>)
    %get3A_926 = arith.constant 0 : index
    %get3A_927 = tpu.vector_load %arg16[%get3A_926] {strides = array<i32>} : memref<96xi32, #tpu.memory_space<vmem>>, vector<16xi32>,
    tpu.vector_store_idx %arg23[%get3A_927], %broadcast_in_dim3A_3 {add = true} : memref<10000xf32, #tpu.memory_space<vmem>>[vector<16xi32>], vector<16xf32>,
    %swap3A_928 = arith.constant 0 : index
    %swap3A_929 = tpu.vector_load %arg19[%swap3A_928] {strides = array<i32>} : memref<96xi32, #tpu.memory_space<vmem>>, vector<16xi32>,
    tpu.vector_store %arg19[%swap3A_928], %get3A_927 {strides = array<i32>} : memref<96xi32, #tpu.memory_space<vmem>>, vector<16xi32>,
    %get3A_930 = arith.constant 16 : index
    %get3A_931 = tpu.vector_load %arg16[%get3A_930] {strides = array<i32>} : memref<96xi32, #tpu.memory_space<vmem>>, vector<16xi32>,
    tpu.vector_store_idx %arg23[%get3A_931], %broadcast_in_dim3A_3 {add = true} : memref<10000xf32, #tpu.memory_space<vmem>>[vector<16xi32>], vector<16xf32>,
    %swap3A_932 = arith.constant 16 : index
    %swap3A_933 = tpu.vector_load %arg19[%swap3A_932] {strides = array<i32>} : memref<96xi32, #tpu.memory_space<vmem>>, vector<16xi32>,
    tpu.vector_store %arg19[%swap3A_932], %get3A_931 {strides = array<i32>} : memref<96xi32, #tpu.memory_space<vmem>>, vector<16xi32>,
    %get3A_934 = arith.constant 32 : index
    %get3A_935 = tpu.vector_load %arg16[%get3A_934] {strides = array<i32>} : memref<96xi32, #tpu.memory_space<vmem>>, vector<16xi32>,
    tpu.vector_store_idx %arg23[%get3A_935], %broadcast_in_dim3A_3 {add = true} : memref<10000xf32, #tpu.memory_space<vmem>>[vector<16xi32>], vector<16xf32>,
    %swap3A_936 = arith.constant 32 : index
    %swap3A_937 = tpu.vector_load %arg19[%swap3A_936] {strides = array<i32>} : memref<96xi32, #tpu.memory_space<vmem>>, vector<16xi32>,
    tpu.vector_store %arg19[%swap3A_936], %get3A_935 {strides = array<i32>} : memref<96xi32, #tpu.memory_space<vmem>>, vector<16xi32>,
    %get3A_938 = arith.constant 48 : index
    %get3A_939 = tpu.vector_load %arg16[%get3A_938] {strides = array<i32>} : memref<96xi32, #tpu.memory_space<vmem>>, vector<16xi32>,
    tpu.vector_store_idx %arg23[%get3A_939], %broadcast_in_dim3A_3 {add = true} : memref<10000xf32, #tpu.memory_space<vmem>>[vector<16xi32>], vector<16xf32>,
    %swap3A_940 = arith.constant 48 : index
    %swap3A_941 = tpu.vector_load %arg19[%swap3A_940] {strides = array<i32>} : memref<96xi32, #tpu.memory_space<vmem>>, vector<16xi32>,
    tpu.vector_store %arg19[%swap3A_940], %get3A_939 {strides = array<i32>} : memref<96xi32, #tpu.memory_space<vmem>>, vector<16xi32>,
    %get3A_942 = arith.constant 64 : index
    %get3A_943 = tpu.vector_load %arg16[%get3A_942] {strides = array<i32>} : memref<96xi32, #tpu.memory_space<vmem>>, vector<16xi32>,
    tpu.vector_store_idx %arg23[%get3A_943], %broadcast_in_dim3A_3 {add = true} : memref<10000xf32, #tpu.memory_space<vmem>>[vector<16xi32>], vector<16xf32>,
    %swap3A_944 = arith.constant 64 : index
    %swap3A_945 = tpu.vector_load %arg19[%swap3A_944] {strides = array<i32>} : memref<96xi32, #tpu.memory_space<vmem>>, vector<16xi32>,
    tpu.vector_store %arg19[%swap3A_944], %get3A_943 {strides = array<i32>} : memref<96xi32, #tpu.memory_space<vmem>>, vector<16xi32>,
    %get3A_946 = arith.constant 80 : index
    %get3A_947 = tpu.vector_load %arg16[%get3A_946] {strides = array<i32>} : memref<96xi32, #tpu.memory_space<vmem>>, vector<16xi32>,
    tpu.vector_store_idx %arg23[%get3A_947], %broadcast_in_dim3A_3 {add = true} : memref<10000xf32, #tpu.memory_space<vmem>>[vector<16xi32>], vector<16xf32>,
    %swap3A_948 = arith.constant 80 : index
    %swap3A_949 = tpu.vector_load %arg19[%swap3A_948] {strides = array<i32>} : memref<96xi32, #tpu.memory_space<vmem>>, vector<16xi32>,
    tpu.vector_store %arg19[%swap3A_948], %get3A_947 {strides = array<i32>} : memref<96xi32, #tpu.memory_space<vmem>>, vector<16xi32>,
    %dma_start3A_950 = arith.constant 0 : i32
    %dma_start3A_951 = arith.constant 0 : i32
    %dma_start3A_952 = tpu.memref_slice %arg24[%dma_start3A_950, %dma_start3A_951] : memref<10000x128xf32, #tpu.memory_space<vmem_shared>> -> memref<10000x128xf32, #tpu.memory_space<vmem_shared>>
    tpu.enqueue_indirect_dma source(%arg10 : memref<96x128xf32, #tpu.memory_space<vmem>>) target(%dma_start3A_952 : memref<10000x128xf32, #tpu.memory_space<vmem_shared>>) offsets(%arg19 : memref<96xi32, #tpu.memory_space<vmem>>) semaphore(%arg29 : memref<!tpu.dma_semaphore, #tpu.memory_space<semaphore_mem>>) {add = true}
    %dma_wait3A_953 = arith.constant 0 : i32
    %dma_wait3A_954 = arith.constant 0 : i32
    %dma_wait3A_955 = tpu.memref_slice %arg24[%dma_wait3A_953, %dma_wait3A_954] : memref<10000x128xf32, #tpu.memory_space<vmem_shared>> -> memref<10000x128xf32, #tpu.memory_space<vmem_shared>>
    tpu.wait_indirect_dma semaphore(%arg28 : memref<!tpu.dma_semaphore, #tpu.memory_space<semaphore_mem>>) src(%arg9 : memref<96x128xf32, #tpu.memory_space<vmem>>) dst(%dma_wait3A_955 : memref<10000x128xf32, #tpu.memory_space<vmem_shared>>)
    %add3A_956 = arith.constant 9984 : i32
    %add3A_957 = arith.addi %multiple_of3A_784, %add3A_956 : i32
    %multiple_of3A_958 = tpu.assume_multiple %add3A_957, 8 : i32
    %add3A_959 = arith.constant 9984 : i32
    %add3A_960 = arith.addi %multiple_of3A_789, %add3A_959 : i32
    %multiple_of3A_961 = tpu.assume_multiple %add3A_960, 8 : i32
    "tpu.region"() ({
      %run_scoped3A = tpu.sem_alloc : memref<!tpu.dma_semaphore, #tpu.memory_space<semaphore_mem>>
      %dma_start3A_2358 = tpu.memref_slice %arg4[%multiple_of3A_958] : memref<640000xi32, #tpu.memory_space<hbm>> -> memref<16xi32, #tpu.memory_space<hbm>>
      %dma_start3A_2359 = tpu.memref_slice %arg4[%multiple_of3A_958] : memref<640000xi32, #tpu.memory_space<hbm>> -> memref<16xi32, #tpu.memory_space<hbm>>
      tpu.enqueue_dma source(%dma_start3A_2359 : memref<16xi32, #tpu.memory_space<hbm>>) target(%arg21 : memref<16xi32, #tpu.memory_space<vmem>>) target_semaphore(%run_scoped3A : memref<!tpu.dma_semaphore, #tpu.memory_space<semaphore_mem>>)
      %dma_wait3A_2360 = tpu.memref_slice %arg4[%multiple_of3A_958] : memref<640000xi32, #tpu.memory_space<hbm>> -> memref<16xi32, #tpu.memory_space<hbm>>
      %dma_wait3A_2361 = tpu.memref_slice %arg4[%multiple_of3A_958] : memref<640000xi32, #tpu.memory_space<hbm>> -> memref<16xi32, #tpu.memory_space<hbm>>
      tpu.wait_dma2 semaphore(%run_scoped3A : memref<!tpu.dma_semaphore, #tpu.memory_space<semaphore_mem>>) src(%dma_wait3A_2361 : memref<16xi32, #tpu.memory_space<hbm>>) dst(%arg21 : memref<16xi32, #tpu.memory_space<vmem>>)
      tpu.yield
    }) : () -> ()
    "tpu.region"() ({
      %run_scoped3A = tpu.sem_alloc : memref<!tpu.dma_semaphore, #tpu.memory_space<semaphore_mem>>
      %dma_start3A_2358 = tpu.memref_slice %arg4[%multiple_of3A_961] : memref<640000xi32, #tpu.memory_space<hbm>> -> memref<16xi32, #tpu.memory_space<hbm>>
      %dma_start3A_2359 = tpu.memref_slice %arg4[%multiple_of3A_961] : memref<640000xi32, #tpu.memory_space<hbm>> -> memref<16xi32, #tpu.memory_space<hbm>>
      tpu.enqueue_dma source(%dma_start3A_2359 : memref<16xi32, #tpu.memory_space<hbm>>) target(%arg22 : memref<16xi32, #tpu.memory_space<vmem>>) target_semaphore(%run_scoped3A : memref<!tpu.dma_semaphore, #tpu.memory_space<semaphore_mem>>)
      %dma_wait3A_2360 = tpu.memref_slice %arg4[%multiple_of3A_961] : memref<640000xi32, #tpu.memory_space<hbm>> -> memref<16xi32, #tpu.memory_space<hbm>>
      %dma_wait3A_2361 = tpu.memref_slice %arg4[%multiple_of3A_961] : memref<640000xi32, #tpu.memory_space<hbm>> -> memref<16xi32, #tpu.memory_space<hbm>>
      tpu.wait_dma2 semaphore(%run_scoped3A : memref<!tpu.dma_semaphore, #tpu.memory_space<semaphore_mem>>) src(%dma_wait3A_2361 : memref<16xi32, #tpu.memory_space<hbm>>) dst(%arg22 : memref<16xi32, #tpu.memory_space<vmem>>)
      tpu.yield
    }) : () -> ()
    %dma_start3A_962 = arith.constant 0 : i32
    %dma_start3A_963 = arith.constant 0 : i32
    %dma_start3A_964 = tpu.memref_slice %arg11[%dma_start3A_962, %dma_start3A_963] : memref<96x128xf32, #tpu.memory_space<vmem>> -> memref<16x128xf32, #tpu.memory_space<vmem>>
    %dma_start3A_965 = arith.constant 0 : i32
    %dma_start3A_966 = arith.constant 0 : i32
    %dma_start3A_967 = tpu.memref_slice %arg2[%dma_start3A_965, %dma_start3A_966] : memref<10000x128xf32, #tpu.memory_space<hbm>> -> memref<10000x128xf32, #tpu.memory_space<hbm>>
    tpu.enqueue_indirect_dma source(%dma_start3A_967 : memref<10000x128xf32, #tpu.memory_space<hbm>>) target(%dma_start3A_964 : memref<16x128xf32, #tpu.memory_space<vmem>>) offsets(%arg21 : memref<16xi32, #tpu.memory_space<vmem>>) semaphore(%arg27 : memref<!tpu.dma_semaphore, #tpu.memory_space<semaphore_mem>>)
    %dma_wait3A_968 = arith.constant 0 : i32
    %dma_wait3A_969 = arith.constant 0 : i32
    %dma_wait3A_970 = tpu.memref_slice %arg11[%dma_wait3A_968, %dma_wait3A_969] : memref<96x128xf32, #tpu.memory_space<vmem>> -> memref<16x128xf32, #tpu.memory_space<vmem>>
    %dma_wait3A_971 = arith.constant 0 : i32
    %dma_wait3A_972 = arith.constant 0 : i32
    %dma_wait3A_973 = tpu.memref_slice %arg2[%dma_wait3A_971, %dma_wait3A_972] : memref<10000x128xf32, #tpu.memory_space<hbm>> -> memref<10000x128xf32, #tpu.memory_space<hbm>>
    tpu.wait_indirect_dma semaphore(%arg27 : memref<!tpu.dma_semaphore, #tpu.memory_space<semaphore_mem>>) src(%dma_wait3A_973 : memref<10000x128xf32, #tpu.memory_space<hbm>>) dst(%dma_wait3A_970 : memref<16x128xf32, #tpu.memory_space<vmem>>)
    %get3A_974 = arith.constant 0 : index
    %get3A_975 = tpu.vector_load %arg22[%get3A_974] {strides = array<i32>} : memref<16xi32, #tpu.memory_space<vmem>>, vector<16xi32>,
    tpu.vector_store_idx %arg23[%get3A_975], %broadcast_in_dim3A_3 {add = true} : memref<10000xf32, #tpu.memory_space<vmem>>[vector<16xi32>], vector<16xf32>,
    %dma_start3A_976 = arith.constant 0 : i32
    %dma_start3A_977 = arith.constant 0 : i32
    %dma_start3A_978 = tpu.memref_slice %arg11[%dma_start3A_976, %dma_start3A_977] : memref<96x128xf32, #tpu.memory_space<vmem>> -> memref<16x128xf32, #tpu.memory_space<vmem>>
    %dma_start3A_979 = arith.constant 0 : i32
    %dma_start3A_980 = arith.constant 0 : i32
    %dma_start3A_981 = tpu.memref_slice %arg24[%dma_start3A_979, %dma_start3A_980] : memref<10000x128xf32, #tpu.memory_space<vmem_shared>> -> memref<10000x128xf32, #tpu.memory_space<vmem_shared>>
    tpu.enqueue_indirect_dma source(%dma_start3A_978 : memref<16x128xf32, #tpu.memory_space<vmem>>) target(%dma_start3A_981 : memref<10000x128xf32, #tpu.memory_space<vmem_shared>>) offsets(%arg22 : memref<16xi32, #tpu.memory_space<vmem>>) semaphore(%arg30 : memref<!tpu.dma_semaphore, #tpu.memory_space<semaphore_mem>>) {add = true}
    %dma_wait3A_982 = arith.constant 0 : i32
    %dma_wait3A_983 = arith.constant 0 : i32
    %dma_wait3A_984 = tpu.memref_slice %arg24[%dma_wait3A_982, %dma_wait3A_983] : memref<10000x128xf32, #tpu.memory_space<vmem_shared>> -> memref<10000x128xf32, #tpu.memory_space<vmem_shared>>
    tpu.wait_indirect_dma semaphore(%arg29 : memref<!tpu.dma_semaphore, #tpu.memory_space<semaphore_mem>>) src(%arg10 : memref<96x128xf32, #tpu.memory_space<vmem>>) dst(%dma_wait3A_984 : memref<10000x128xf32, #tpu.memory_space<vmem_shared>>)
    %dma_wait3A_985 = arith.constant 0 : i32
    %dma_wait3A_986 = arith.constant 0 : i32
    %dma_wait3A_987 = tpu.memref_slice %arg11[%dma_wait3A_985, %dma_wait3A_986] : memref<96x128xf32, #tpu.memory_space<vmem>> -> memref<16x128xf32, #tpu.memory_space<vmem>>
    %dma_wait3A_988 = arith.constant 0 : i32
    %dma_wait3A_989 = arith.constant 0 : i32
    %dma_wait3A_990 = tpu.memref_slice %arg24[%dma_wait3A_988, %dma_wait3A_989] : memref<10000x128xf32, #tpu.memory_space<vmem_shared>> -> memref<10000x128xf32, #tpu.memory_space<vmem_shared>>
    tpu.wait_indirect_dma semaphore(%arg30 : memref<!tpu.dma_semaphore, #tpu.memory_space<semaphore_mem>>) src(%dma_wait3A_987 : memref<16x128xf32, #tpu.memory_space<vmem>>) dst(%dma_wait3A_990 : memref<10000x128xf32, #tpu.memory_space<vmem_shared>>)
    %barrier3A_991 = arith.constant 0 : index
    tpu.barrier barrier_id(%barrier3A_991)
    %add3A_992 = arith.constant 0 : i32
    %add3A_993 = arith.addi %add3A_992, %arg1 : i32
    %lt3A_994 = arith.constant 25 : i32
    %lt3A_995 = arith.cmpi slt, %add3A_993, %lt3A_994 : i32
    %convert_element_type3A_996 = arith.extui %lt3A_995 : i1 to i32
    %cond3A_997 = arith.constant 0 : i32
    %cond3A_998 = arith.cmpi ne, %convert_element_type3A_996, %cond3A_997 : i32
    scf.if %cond3A_998 {
      %mul3A_2358 = arith.constant 400 : i32
      %mul3A_2359 = arith.muli %add3A_993, %mul3A_2358 : i32
      %multiple_of3A_2360 = tpu.assume_multiple %mul3A_2359, 400 : i32
      %dma_start3A_2361 = arith.constant 1 : i32
      %dma_start3A_2362 = arith.constant 0 : i32
      %dma_start3A_2363 = tpu.memref_slice %arg7[%dma_start3A_2361, %arg0, %multiple_of3A_2360, %dma_start3A_2362] : memref<3x2x10000x128xf32, #tpu.memory_space<hbm>> -> memref<1x1x400x128xf32, #tpu.memory_space<hbm>>
      %dma_start3A_2364 = tpu.memref_squeeze %dma_start3A_2363 : memref<1x1x400x128xf32, #tpu.memory_space<hbm>> -> memref<400x128xf32, #tpu.memory_space<hbm>>
      %dma_start3A_2365 = arith.constant 0 : i32
      %dma_start3A_2366 = tpu.memref_slice %arg24[%multiple_of3A_2360, %dma_start3A_2365] : memref<10000x128xf32, #tpu.memory_space<vmem_shared>> -> memref<400x128xf32, #tpu.memory_space<vmem_shared>>
      tpu.enqueue_dma source(%dma_start3A_2366 : memref<400x128xf32, #tpu.memory_space<vmem_shared>>) target(%dma_start3A_2364 : memref<400x128xf32, #tpu.memory_space<hbm>>) target_semaphore(%arg34 : memref<!tpu.dma_semaphore, #tpu.memory_space<semaphore_mem>>)
    } else {
    }
    %add3A_999 = arith.constant 16 : i32
    %add3A_1000 = arith.addi %add3A_999, %arg1 : i32
    %lt3A_1001 = arith.constant 25 : i32
    %lt3A_1002 = arith.cmpi slt, %add3A_1000, %lt3A_1001 : i32
    %convert_element_type3A_1003 = arith.extui %lt3A_1002 : i1 to i32
    %cond3A_1004 = arith.constant 0 : i32
    %cond3A_1005 = arith.cmpi ne, %convert_element_type3A_1003, %cond3A_1004 : i32
    scf.if %cond3A_1005 {
      %mul3A_2358 = arith.constant 400 : i32
      %mul3A_2359 = arith.muli %add3A_1000, %mul3A_2358 : i32
      %multiple_of3A_2360 = tpu.assume_multiple %mul3A_2359, 400 : i32
      %dma_start3A_2361 = arith.constant 1 : i32
      %dma_start3A_2362 = arith.constant 0 : i32
      %dma_start3A_2363 = tpu.memref_slice %arg7[%dma_start3A_2361, %arg0, %multiple_of3A_2360, %dma_start3A_2362] : memref<3x2x10000x128xf32, #tpu.memory_space<hbm>> -> memref<1x1x400x128xf32, #tpu.memory_space<hbm>>
      %dma_start3A_2364 = tpu.memref_squeeze %dma_start3A_2363 : memref<1x1x400x128xf32, #tpu.memory_space<hbm>> -> memref<400x128xf32, #tpu.memory_space<hbm>>
      %dma_start3A_2365 = arith.constant 0 : i32
      %dma_start3A_2366 = tpu.memref_slice %arg24[%multiple_of3A_2360, %dma_start3A_2365] : memref<10000x128xf32, #tpu.memory_space<vmem_shared>> -> memref<400x128xf32, #tpu.memory_space<vmem_shared>>
      tpu.enqueue_dma source(%dma_start3A_2366 : memref<400x128xf32, #tpu.memory_space<vmem_shared>>) target(%dma_start3A_2364 : memref<400x128xf32, #tpu.memory_space<hbm>>) target_semaphore(%arg34 : memref<!tpu.dma_semaphore, #tpu.memory_space<semaphore_mem>>)
    } else {
    }
    %add3A_1006 = arith.constant 800 : i32
    %add3A_1007 = arith.addi %add3A_1006, %add3A : i32
    %mul3A_1008 = arith.constant 400 : i32
    %mul3A_1009 = arith.muli %add3A_1007, %mul3A_1008 : i32
    %multiple_of3A_1010 = tpu.assume_multiple %mul3A_1009, 8 : i32
    %dma_start3A_1011 = arith.constant 0 : i32
    %dma_start3A_1012 = tpu.memref_slice %arg23[%dma_start3A_1011] : memref<10000xf32, #tpu.memory_space<vmem>> -> memref<400xf32, #tpu.memory_space<vmem>>
    %dma_start3A_1013 = tpu.memref_slice %arg8[%multiple_of3A_1010] : memref<960000xf32, #tpu.memory_space<hbm>> -> memref<400xf32, #tpu.memory_space<hbm>>
    %dma_start3A_1014 = tpu.memref_slice %arg8[%multiple_of3A_1010] : memref<960000xf32, #tpu.memory_space<hbm>> -> memref<400xf32, #tpu.memory_space<hbm>>
    %dma_start3A_1015 = arith.constant 0 : i32
    %dma_start3A_1016 = tpu.memref_slice %arg23[%dma_start3A_1015] : memref<10000xf32, #tpu.memory_space<vmem>> -> memref<400xf32, #tpu.memory_space<vmem>>
    tpu.enqueue_dma source(%dma_start3A_1016 : memref<400xf32, #tpu.memory_space<vmem>>) target(%dma_start3A_1014 : memref<400xf32, #tpu.memory_space<hbm>>) target_semaphore(%arg34 : memref<!tpu.dma_semaphore, #tpu.memory_space<semaphore_mem>>)
    %add3A_1017 = arith.constant 832 : i32
    %add3A_1018 = arith.addi %add3A_1017, %add3A : i32
    %mul3A_1019 = arith.constant 400 : i32
    %mul3A_1020 = arith.muli %add3A_1018, %mul3A_1019 : i32
    %multiple_of3A_1021 = tpu.assume_multiple %mul3A_1020, 8 : i32
    %dma_start3A_1022 = arith.constant 400 : i32
    %dma_start3A_1023 = tpu.memref_slice %arg23[%dma_start3A_1022] : memref<10000xf32, #tpu.memory_space<vmem>> -> memref<400xf32, #tpu.memory_space<vmem>>
    %dma_start3A_1024 = tpu.memref_slice %arg8[%multiple_of3A_1021] : memref<960000xf32, #tpu.memory_space<hbm>> -> memref<400xf32, #tpu.memory_space<hbm>>
    %dma_start3A_1025 = tpu.memref_slice %arg8[%multiple_of3A_1021] : memref<960000xf32, #tpu.memory_space<hbm>> -> memref<400xf32, #tpu.memory_space<hbm>>
    %dma_start3A_1026 = arith.constant 400 : i32
    %dma_start3A_1027 = tpu.memref_slice %arg23[%dma_start3A_1026] : memref<10000xf32, #tpu.memory_space<vmem>> -> memref<400xf32, #tpu.memory_space<vmem>>
    tpu.enqueue_dma source(%dma_start3A_1027 : memref<400xf32, #tpu.memory_space<vmem>>) target(%dma_start3A_1025 : memref<400xf32, #tpu.memory_space<hbm>>) target_semaphore(%arg34 : memref<!tpu.dma_semaphore, #tpu.memory_space<semaphore_mem>>)
    %add3A_1028 = arith.constant 864 : i32
    %add3A_1029 = arith.addi %add3A_1028, %add3A : i32
    %mul3A_1030 = arith.constant 400 : i32
    %mul3A_1031 = arith.muli %add3A_1029, %mul3A_1030 : i32
    %multiple_of3A_1032 = tpu.assume_multiple %mul3A_1031, 8 : i32
    %dma_start3A_1033 = arith.constant 800 : i32
    %dma_start3A_1034 = tpu.memref_slice %arg23[%dma_start3A_1033] : memref<10000xf32, #tpu.memory_space<vmem>> -> memref<400xf32, #tpu.memory_space<vmem>>
    %dma_start3A_1035 = tpu.memref_slice %arg8[%multiple_of3A_1032] : memref<960000xf32, #tpu.memory_space<hbm>> -> memref<400xf32, #tpu.memory_space<hbm>>
    %dma_start3A_1036 = tpu.memref_slice %arg8[%multiple_of3A_1032] : memref<960000xf32, #tpu.memory_space<hbm>> -> memref<400xf32, #tpu.memory_space<hbm>>
    %dma_start3A_1037 = arith.constant 800 : i32
    %dma_start3A_1038 = tpu.memref_slice %arg23[%dma_start3A_1037] : memref<10000xf32, #tpu.memory_space<vmem>> -> memref<400xf32, #tpu.memory_space<vmem>>
    tpu.enqueue_dma source(%dma_start3A_1038 : memref<400xf32, #tpu.memory_space<vmem>>) target(%dma_start3A_1036 : memref<400xf32, #tpu.memory_space<hbm>>) target_semaphore(%arg34 : memref<!tpu.dma_semaphore, #tpu.memory_space<semaphore_mem>>)
    %add3A_1039 = arith.constant 896 : i32
    %add3A_1040 = arith.addi %add3A_1039, %add3A : i32
    %mul3A_1041 = arith.constant 400 : i32
    %mul3A_1042 = arith.muli %add3A_1040, %mul3A_1041 : i32
    %multiple_of3A_1043 = tpu.assume_multiple %mul3A_1042, 8 : i32
    %dma_start3A_1044 = arith.constant 1200 : i32
    %dma_start3A_1045 = tpu.memref_slice %arg23[%dma_start3A_1044] : memref<10000xf32, #tpu.memory_space<vmem>> -> memref<400xf32, #tpu.memory_space<vmem>>
    %dma_start3A_1046 = tpu.memref_slice %arg8[%multiple_of3A_1043] : memref<960000xf32, #tpu.memory_space<hbm>> -> memref<400xf32, #tpu.memory_space<hbm>>
    %dma_start3A_1047 = tpu.memref_slice %arg8[%multiple_of3A_1043] : memref<960000xf32, #tpu.memory_space<hbm>> -> memref<400xf32, #tpu.memory_space<hbm>>
    %dma_start3A_1048 = arith.constant 1200 : i32
    %dma_start3A_1049 = tpu.memref_slice %arg23[%dma_start3A_1048] : memref<10000xf32, #tpu.memory_space<vmem>> -> memref<400xf32, #tpu.memory_space<vmem>>
    tpu.enqueue_dma source(%dma_start3A_1049 : memref<400xf32, #tpu.memory_space<vmem>>) target(%dma_start3A_1047 : memref<400xf32, #tpu.memory_space<hbm>>) target_semaphore(%arg34 : memref<!tpu.dma_semaphore, #tpu.memory_space<semaphore_mem>>)
    %add3A_1050 = arith.constant 928 : i32
    %add3A_1051 = arith.addi %add3A_1050, %add3A : i32
    %mul3A_1052 = arith.constant 400 : i32
    %mul3A_1053 = arith.muli %add3A_1051, %mul3A_1052 : i32
    %multiple_of3A_1054 = tpu.assume_multiple %mul3A_1053, 8 : i32
    %dma_start3A_1055 = arith.constant 1600 : i32
    %dma_start3A_1056 = tpu.memref_slice %arg23[%dma_start3A_1055] : memref<10000xf32, #tpu.memory_space<vmem>> -> memref<400xf32, #tpu.memory_space<vmem>>
    %dma_start3A_1057 = tpu.memref_slice %arg8[%multiple_of3A_1054] : memref<960000xf32, #tpu.memory_space<hbm>> -> memref<400xf32, #tpu.memory_space<hbm>>
    %dma_start3A_1058 = tpu.memref_slice %arg8[%multiple_of3A_1054] : memref<960000xf32, #tpu.memory_space<hbm>> -> memref<400xf32, #tpu.memory_space<hbm>>
    %dma_start3A_1059 = arith.constant 1600 : i32
    %dma_start3A_1060 = tpu.memref_slice %arg23[%dma_start3A_1059] : memref<10000xf32, #tpu.memory_space<vmem>> -> memref<400xf32, #tpu.memory_space<vmem>>
    tpu.enqueue_dma source(%dma_start3A_1060 : memref<400xf32, #tpu.memory_space<vmem>>) target(%dma_start3A_1058 : memref<400xf32, #tpu.memory_space<hbm>>) target_semaphore(%arg34 : memref<!tpu.dma_semaphore, #tpu.memory_space<semaphore_mem>>)
    %add3A_1061 = arith.constant 960 : i32
    %add3A_1062 = arith.addi %add3A_1061, %add3A : i32
    %mul3A_1063 = arith.constant 400 : i32
    %mul3A_1064 = arith.muli %add3A_1062, %mul3A_1063 : i32
    %multiple_of3A_1065 = tpu.assume_multiple %mul3A_1064, 8 : i32
    %dma_start3A_1066 = arith.constant 2000 : i32
    %dma_start3A_1067 = tpu.memref_slice %arg23[%dma_start3A_1066] : memref<10000xf32, #tpu.memory_space<vmem>> -> memref<400xf32, #tpu.memory_space<vmem>>
    %dma_start3A_1068 = tpu.memref_slice %arg8[%multiple_of3A_1065] : memref<960000xf32, #tpu.memory_space<hbm>> -> memref<400xf32, #tpu.memory_space<hbm>>
    %dma_start3A_1069 = tpu.memref_slice %arg8[%multiple_of3A_1065] : memref<960000xf32, #tpu.memory_space<hbm>> -> memref<400xf32, #tpu.memory_space<hbm>>
    %dma_start3A_1070 = arith.constant 2000 : i32
    %dma_start3A_1071 = tpu.memref_slice %arg23[%dma_start3A_1070] : memref<10000xf32, #tpu.memory_space<vmem>> -> memref<400xf32, #tpu.memory_space<vmem>>
    tpu.enqueue_dma source(%dma_start3A_1071 : memref<400xf32, #tpu.memory_space<vmem>>) target(%dma_start3A_1069 : memref<400xf32, #tpu.memory_space<hbm>>) target_semaphore(%arg34 : memref<!tpu.dma_semaphore, #tpu.memory_space<semaphore_mem>>)
    %add3A_1072 = arith.constant 992 : i32
    %add3A_1073 = arith.addi %add3A_1072, %add3A : i32
    %mul3A_1074 = arith.constant 400 : i32
    %mul3A_1075 = arith.muli %add3A_1073, %mul3A_1074 : i32
    %multiple_of3A_1076 = tpu.assume_multiple %mul3A_1075, 8 : i32
    %dma_start3A_1077 = arith.constant 2400 : i32
    %dma_start3A_1078 = tpu.memref_slice %arg23[%dma_start3A_1077] : memref<10000xf32, #tpu.memory_space<vmem>> -> memref<400xf32, #tpu.memory_space<vmem>>
    %dma_start3A_1079 = tpu.memref_slice %arg8[%multiple_of3A_1076] : memref<960000xf32, #tpu.memory_space<hbm>> -> memref<400xf32, #tpu.memory_space<hbm>>
    %dma_start3A_1080 = tpu.memref_slice %arg8[%multiple_of3A_1076] : memref<960000xf32, #tpu.memory_space<hbm>> -> memref<400xf32, #tpu.memory_space<hbm>>
    %dma_start3A_1081 = arith.constant 2400 : i32
    %dma_start3A_1082 = tpu.memref_slice %arg23[%dma_start3A_1081] : memref<10000xf32, #tpu.memory_space<vmem>> -> memref<400xf32, #tpu.memory_space<vmem>>
    tpu.enqueue_dma source(%dma_start3A_1082 : memref<400xf32, #tpu.memory_space<vmem>>) target(%dma_start3A_1080 : memref<400xf32, #tpu.memory_space<hbm>>) target_semaphore(%arg34 : memref<!tpu.dma_semaphore, #tpu.memory_space<semaphore_mem>>)
    %add3A_1083 = arith.constant 1024 : i32
    %add3A_1084 = arith.addi %add3A_1083, %add3A : i32
    %mul3A_1085 = arith.constant 400 : i32
    %mul3A_1086 = arith.muli %add3A_1084, %mul3A_1085 : i32
    %multiple_of3A_1087 = tpu.assume_multiple %mul3A_1086, 8 : i32
    %dma_start3A_1088 = arith.constant 2800 : i32
    %dma_start3A_1089 = tpu.memref_slice %arg23[%dma_start3A_1088] : memref<10000xf32, #tpu.memory_space<vmem>> -> memref<400xf32, #tpu.memory_space<vmem>>
    %dma_start3A_1090 = tpu.memref_slice %arg8[%multiple_of3A_1087] : memref<960000xf32, #tpu.memory_space<hbm>> -> memref<400xf32, #tpu.memory_space<hbm>>
    %dma_start3A_1091 = tpu.memref_slice %arg8[%multiple_of3A_1087] : memref<960000xf32, #tpu.memory_space<hbm>> -> memref<400xf32, #tpu.memory_space<hbm>>
    %dma_start3A_1092 = arith.constant 2800 : i32
    %dma_start3A_1093 = tpu.memref_slice %arg23[%dma_start3A_1092] : memref<10000xf32, #tpu.memory_space<vmem>> -> memref<400xf32, #tpu.memory_space<vmem>>
    tpu.enqueue_dma source(%dma_start3A_1093 : memref<400xf32, #tpu.memory_space<vmem>>) target(%dma_start3A_1091 : memref<400xf32, #tpu.memory_space<hbm>>) target_semaphore(%arg34 : memref<!tpu.dma_semaphore, #tpu.memory_space<semaphore_mem>>)
    %add3A_1094 = arith.constant 1056 : i32
    %add3A_1095 = arith.addi %add3A_1094, %add3A : i32
    %mul3A_1096 = arith.constant 400 : i32
    %mul3A_1097 = arith.muli %add3A_1095, %mul3A_1096 : i32
    %multiple_of3A_1098 = tpu.assume_multiple %mul3A_1097, 8 : i32
    %dma_start3A_1099 = arith.constant 3200 : i32
    %dma_start3A_1100 = tpu.memref_slice %arg23[%dma_start3A_1099] : memref<10000xf32, #tpu.memory_space<vmem>> -> memref<400xf32, #tpu.memory_space<vmem>>
    %dma_start3A_1101 = tpu.memref_slice %arg8[%multiple_of3A_1098] : memref<960000xf32, #tpu.memory_space<hbm>> -> memref<400xf32, #tpu.memory_space<hbm>>
    %dma_start3A_1102 = tpu.memref_slice %arg8[%multiple_of3A_1098] : memref<960000xf32, #tpu.memory_space<hbm>> -> memref<400xf32, #tpu.memory_space<hbm>>
    %dma_start3A_1103 = arith.constant 3200 : i32
    %dma_start3A_1104 = tpu.memref_slice %arg23[%dma_start3A_1103] : memref<10000xf32, #tpu.memory_space<vmem>> -> memref<400xf32, #tpu.memory_space<vmem>>
    tpu.enqueue_dma source(%dma_start3A_1104 : memref<400xf32, #tpu.memory_space<vmem>>) target(%dma_start3A_1102 : memref<400xf32, #tpu.memory_space<hbm>>) target_semaphore(%arg34 : memref<!tpu.dma_semaphore, #tpu.memory_space<semaphore_mem>>)
    %add3A_1105 = arith.constant 1088 : i32
    %add3A_1106 = arith.addi %add3A_1105, %add3A : i32
    %mul3A_1107 = arith.constant 400 : i32
    %mul3A_1108 = arith.muli %add3A_1106, %mul3A_1107 : i32
    %multiple_of3A_1109 = tpu.assume_multiple %mul3A_1108, 8 : i32
    %dma_start3A_1110 = arith.constant 3600 : i32
    %dma_start3A_1111 = tpu.memref_slice %arg23[%dma_start3A_1110] : memref<10000xf32, #tpu.memory_space<vmem>> -> memref<400xf32, #tpu.memory_space<vmem>>
    %dma_start3A_1112 = tpu.memref_slice %arg8[%multiple_of3A_1109] : memref<960000xf32, #tpu.memory_space<hbm>> -> memref<400xf32, #tpu.memory_space<hbm>>
    %dma_start3A_1113 = tpu.memref_slice %arg8[%multiple_of3A_1109] : memref<960000xf32, #tpu.memory_space<hbm>> -> memref<400xf32, #tpu.memory_space<hbm>>
    %dma_start3A_1114 = arith.constant 3600 : i32
    %dma_start3A_1115 = tpu.memref_slice %arg23[%dma_start3A_1114] : memref<10000xf32, #tpu.memory_space<vmem>> -> memref<400xf32, #tpu.memory_space<vmem>>
    tpu.enqueue_dma source(%dma_start3A_1115 : memref<400xf32, #tpu.memory_space<vmem>>) target(%dma_start3A_1113 : memref<400xf32, #tpu.memory_space<hbm>>) target_semaphore(%arg34 : memref<!tpu.dma_semaphore, #tpu.memory_space<semaphore_mem>>)
    %add3A_1116 = arith.constant 1120 : i32
    %add3A_1117 = arith.addi %add3A_1116, %add3A : i32
    %mul3A_1118 = arith.constant 400 : i32
    %mul3A_1119 = arith.muli %add3A_1117, %mul3A_1118 : i32
    %multiple_of3A_1120 = tpu.assume_multiple %mul3A_1119, 8 : i32
    %dma_start3A_1121 = arith.constant 4000 : i32
    %dma_start3A_1122 = tpu.memref_slice %arg23[%dma_start3A_1121] : memref<10000xf32, #tpu.memory_space<vmem>> -> memref<400xf32, #tpu.memory_space<vmem>>
    %dma_start3A_1123 = tpu.memref_slice %arg8[%multiple_of3A_1120] : memref<960000xf32, #tpu.memory_space<hbm>> -> memref<400xf32, #tpu.memory_space<hbm>>
    %dma_start3A_1124 = tpu.memref_slice %arg8[%multiple_of3A_1120] : memref<960000xf32, #tpu.memory_space<hbm>> -> memref<400xf32, #tpu.memory_space<hbm>>
    %dma_start3A_1125 = arith.constant 4000 : i32
    %dma_start3A_1126 = tpu.memref_slice %arg23[%dma_start3A_1125] : memref<10000xf32, #tpu.memory_space<vmem>> -> memref<400xf32, #tpu.memory_space<vmem>>
    tpu.enqueue_dma source(%dma_start3A_1126 : memref<400xf32, #tpu.memory_space<vmem>>) target(%dma_start3A_1124 : memref<400xf32, #tpu.memory_space<hbm>>) target_semaphore(%arg34 : memref<!tpu.dma_semaphore, #tpu.memory_space<semaphore_mem>>)
    %add3A_1127 = arith.constant 1152 : i32
    %add3A_1128 = arith.addi %add3A_1127, %add3A : i32
    %mul3A_1129 = arith.constant 400 : i32
    %mul3A_1130 = arith.muli %add3A_1128, %mul3A_1129 : i32
    %multiple_of3A_1131 = tpu.assume_multiple %mul3A_1130, 8 : i32
    %dma_start3A_1132 = arith.constant 4400 : i32
    %dma_start3A_1133 = tpu.memref_slice %arg23[%dma_start3A_1132] : memref<10000xf32, #tpu.memory_space<vmem>> -> memref<400xf32, #tpu.memory_space<vmem>>
    %dma_start3A_1134 = tpu.memref_slice %arg8[%multiple_of3A_1131] : memref<960000xf32, #tpu.memory_space<hbm>> -> memref<400xf32, #tpu.memory_space<hbm>>
    %dma_start3A_1135 = tpu.memref_slice %arg8[%multiple_of3A_1131] : memref<960000xf32, #tpu.memory_space<hbm>> -> memref<400xf32, #tpu.memory_space<hbm>>
    %dma_start3A_1136 = arith.constant 4400 : i32
    %dma_start3A_1137 = tpu.memref_slice %arg23[%dma_start3A_1136] : memref<10000xf32, #tpu.memory_space<vmem>> -> memref<400xf32, #tpu.memory_space<vmem>>
    tpu.enqueue_dma source(%dma_start3A_1137 : memref<400xf32, #tpu.memory_space<vmem>>) target(%dma_start3A_1135 : memref<400xf32, #tpu.memory_space<hbm>>) target_semaphore(%arg34 : memref<!tpu.dma_semaphore, #tpu.memory_space<semaphore_mem>>)
    %add3A_1138 = arith.constant 1184 : i32
    %add3A_1139 = arith.addi %add3A_1138, %add3A : i32
    %mul3A_1140 = arith.constant 400 : i32
    %mul3A_1141 = arith.muli %add3A_1139, %mul3A_1140 : i32
    %multiple_of3A_1142 = tpu.assume_multiple %mul3A_1141, 8 : i32
    %dma_start3A_1143 = arith.constant 4800 : i32
    %dma_start3A_1144 = tpu.memref_slice %arg23[%dma_start3A_1143] : memref<10000xf32, #tpu.memory_space<vmem>> -> memref<400xf32, #tpu.memory_space<vmem>>
    %dma_start3A_1145 = tpu.memref_slice %arg8[%multiple_of3A_1142] : memref<960000xf32, #tpu.memory_space<hbm>> -> memref<400xf32, #tpu.memory_space<hbm>>
    %dma_start3A_1146 = tpu.memref_slice %arg8[%multiple_of3A_1142] : memref<960000xf32, #tpu.memory_space<hbm>> -> memref<400xf32, #tpu.memory_space<hbm>>
    %dma_start3A_1147 = arith.constant 4800 : i32
    %dma_start3A_1148 = tpu.memref_slice %arg23[%dma_start3A_1147] : memref<10000xf32, #tpu.memory_space<vmem>> -> memref<400xf32, #tpu.memory_space<vmem>>
    tpu.enqueue_dma source(%dma_start3A_1148 : memref<400xf32, #tpu.memory_space<vmem>>) target(%dma_start3A_1146 : memref<400xf32, #tpu.memory_space<hbm>>) target_semaphore(%arg34 : memref<!tpu.dma_semaphore, #tpu.memory_space<semaphore_mem>>)
    %add3A_1149 = arith.constant 1216 : i32
    %add3A_1150 = arith.addi %add3A_1149, %add3A : i32
    %mul3A_1151 = arith.constant 400 : i32
    %mul3A_1152 = arith.muli %add3A_1150, %mul3A_1151 : i32
    %multiple_of3A_1153 = tpu.assume_multiple %mul3A_1152, 8 : i32
    %dma_start3A_1154 = arith.constant 5200 : i32
    %dma_start3A_1155 = tpu.memref_slice %arg23[%dma_start3A_1154] : memref<10000xf32, #tpu.memory_space<vmem>> -> memref<400xf32, #tpu.memory_space<vmem>>
    %dma_start3A_1156 = tpu.memref_slice %arg8[%multiple_of3A_1153] : memref<960000xf32, #tpu.memory_space<hbm>> -> memref<400xf32, #tpu.memory_space<hbm>>
    %dma_start3A_1157 = tpu.memref_slice %arg8[%multiple_of3A_1153] : memref<960000xf32, #tpu.memory_space<hbm>> -> memref<400xf32, #tpu.memory_space<hbm>>
    %dma_start3A_1158 = arith.constant 5200 : i32
    %dma_start3A_1159 = tpu.memref_slice %arg23[%dma_start3A_1158] : memref<10000xf32, #tpu.memory_space<vmem>> -> memref<400xf32, #tpu.memory_space<vmem>>
    tpu.enqueue_dma source(%dma_start3A_1159 : memref<400xf32, #tpu.memory_space<vmem>>) target(%dma_start3A_1157 : memref<400xf32, #tpu.memory_space<hbm>>) target_semaphore(%arg34 : memref<!tpu.dma_semaphore, #tpu.memory_space<semaphore_mem>>)
    %add3A_1160 = arith.constant 1248 : i32
    %add3A_1161 = arith.addi %add3A_1160, %add3A : i32
    %mul3A_1162 = arith.constant 400 : i32
    %mul3A_1163 = arith.muli %add3A_1161, %mul3A_1162 : i32
    %multiple_of3A_1164 = tpu.assume_multiple %mul3A_1163, 8 : i32
    %dma_start3A_1165 = arith.constant 5600 : i32
    %dma_start3A_1166 = tpu.memref_slice %arg23[%dma_start3A_1165] : memref<10000xf32, #tpu.memory_space<vmem>> -> memref<400xf32, #tpu.memory_space<vmem>>
    %dma_start3A_1167 = tpu.memref_slice %arg8[%multiple_of3A_1164] : memref<960000xf32, #tpu.memory_space<hbm>> -> memref<400xf32, #tpu.memory_space<hbm>>
    %dma_start3A_1168 = tpu.memref_slice %arg8[%multiple_of3A_1164] : memref<960000xf32, #tpu.memory_space<hbm>> -> memref<400xf32, #tpu.memory_space<hbm>>
    %dma_start3A_1169 = arith.constant 5600 : i32
    %dma_start3A_1170 = tpu.memref_slice %arg23[%dma_start3A_1169] : memref<10000xf32, #tpu.memory_space<vmem>> -> memref<400xf32, #tpu.memory_space<vmem>>
    tpu.enqueue_dma source(%dma_start3A_1170 : memref<400xf32, #tpu.memory_space<vmem>>) target(%dma_start3A_1168 : memref<400xf32, #tpu.memory_space<hbm>>) target_semaphore(%arg34 : memref<!tpu.dma_semaphore, #tpu.memory_space<semaphore_mem>>)
    %add3A_1171 = arith.constant 1280 : i32
    %add3A_1172 = arith.addi %add3A_1171, %add3A : i32
    %mul3A_1173 = arith.constant 400 : i32
    %mul3A_1174 = arith.muli %add3A_1172, %mul3A_1173 : i32
    %multiple_of3A_1175 = tpu.assume_multiple %mul3A_1174, 8 : i32
    %dma_start3A_1176 = arith.constant 6000 : i32
    %dma_start3A_1177 = tpu.memref_slice %arg23[%dma_start3A_1176] : memref<10000xf32, #tpu.memory_space<vmem>> -> memref<400xf32, #tpu.memory_space<vmem>>
    %dma_start3A_1178 = tpu.memref_slice %arg8[%multiple_of3A_1175] : memref<960000xf32, #tpu.memory_space<hbm>> -> memref<400xf32, #tpu.memory_space<hbm>>
    %dma_start3A_1179 = tpu.memref_slice %arg8[%multiple_of3A_1175] : memref<960000xf32, #tpu.memory_space<hbm>> -> memref<400xf32, #tpu.memory_space<hbm>>
    %dma_start3A_1180 = arith.constant 6000 : i32
    %dma_start3A_1181 = tpu.memref_slice %arg23[%dma_start3A_1180] : memref<10000xf32, #tpu.memory_space<vmem>> -> memref<400xf32, #tpu.memory_space<vmem>>
    tpu.enqueue_dma source(%dma_start3A_1181 : memref<400xf32, #tpu.memory_space<vmem>>) target(%dma_start3A_1179 : memref<400xf32, #tpu.memory_space<hbm>>) target_semaphore(%arg34 : memref<!tpu.dma_semaphore, #tpu.memory_space<semaphore_mem>>)
    %add3A_1182 = arith.constant 1312 : i32
    %add3A_1183 = arith.addi %add3A_1182, %add3A : i32
    %mul3A_1184 = arith.constant 400 : i32
    %mul3A_1185 = arith.muli %add3A_1183, %mul3A_1184 : i32
    %multiple_of3A_1186 = tpu.assume_multiple %mul3A_1185, 8 : i32
    %dma_start3A_1187 = arith.constant 6400 : i32
    %dma_start3A_1188 = tpu.memref_slice %arg23[%dma_start3A_1187] : memref<10000xf32, #tpu.memory_space<vmem>> -> memref<400xf32, #tpu.memory_space<vmem>>
    %dma_start3A_1189 = tpu.memref_slice %arg8[%multiple_of3A_1186] : memref<960000xf32, #tpu.memory_space<hbm>> -> memref<400xf32, #tpu.memory_space<hbm>>
    %dma_start3A_1190 = tpu.memref_slice %arg8[%multiple_of3A_1186] : memref<960000xf32, #tpu.memory_space<hbm>> -> memref<400xf32, #tpu.memory_space<hbm>>
    %dma_start3A_1191 = arith.constant 6400 : i32
    %dma_start3A_1192 = tpu.memref_slice %arg23[%dma_start3A_1191] : memref<10000xf32, #tpu.memory_space<vmem>> -> memref<400xf32, #tpu.memory_space<vmem>>
    tpu.enqueue_dma source(%dma_start3A_1192 : memref<400xf32, #tpu.memory_space<vmem>>) target(%dma_start3A_1190 : memref<400xf32, #tpu.memory_space<hbm>>) target_semaphore(%arg34 : memref<!tpu.dma_semaphore, #tpu.memory_space<semaphore_mem>>)
    %add3A_1193 = arith.constant 1344 : i32
    %add3A_1194 = arith.addi %add3A_1193, %add3A : i32
    %mul3A_1195 = arith.constant 400 : i32
    %mul3A_1196 = arith.muli %add3A_1194, %mul3A_1195 : i32
    %multiple_of3A_1197 = tpu.assume_multiple %mul3A_1196, 8 : i32
    %dma_start3A_1198 = arith.constant 6800 : i32
    %dma_start3A_1199 = tpu.memref_slice %arg23[%dma_start3A_1198] : memref<10000xf32, #tpu.memory_space<vmem>> -> memref<400xf32, #tpu.memory_space<vmem>>
    %dma_start3A_1200 = tpu.memref_slice %arg8[%multiple_of3A_1197] : memref<960000xf32, #tpu.memory_space<hbm>> -> memref<400xf32, #tpu.memory_space<hbm>>
    %dma_start3A_1201 = tpu.memref_slice %arg8[%multiple_of3A_1197] : memref<960000xf32, #tpu.memory_space<hbm>> -> memref<400xf32, #tpu.memory_space<hbm>>
    %dma_start3A_1202 = arith.constant 6800 : i32
    %dma_start3A_1203 = tpu.memref_slice %arg23[%dma_start3A_1202] : memref<10000xf32, #tpu.memory_space<vmem>> -> memref<400xf32, #tpu.memory_space<vmem>>
    tpu.enqueue_dma source(%dma_start3A_1203 : memref<400xf32, #tpu.memory_space<vmem>>) target(%dma_start3A_1201 : memref<400xf32, #tpu.memory_space<hbm>>) target_semaphore(%arg34 : memref<!tpu.dma_semaphore, #tpu.memory_space<semaphore_mem>>)
    %add3A_1204 = arith.constant 1376 : i32
    %add3A_1205 = arith.addi %add3A_1204, %add3A : i32
    %mul3A_1206 = arith.constant 400 : i32
    %mul3A_1207 = arith.muli %add3A_1205, %mul3A_1206 : i32
    %multiple_of3A_1208 = tpu.assume_multiple %mul3A_1207, 8 : i32
    %dma_start3A_1209 = arith.constant 7200 : i32
    %dma_start3A_1210 = tpu.memref_slice %arg23[%dma_start3A_1209] : memref<10000xf32, #tpu.memory_space<vmem>> -> memref<400xf32, #tpu.memory_space<vmem>>
    %dma_start3A_1211 = tpu.memref_slice %arg8[%multiple_of3A_1208] : memref<960000xf32, #tpu.memory_space<hbm>> -> memref<400xf32, #tpu.memory_space<hbm>>
    %dma_start3A_1212 = tpu.memref_slice %arg8[%multiple_of3A_1208] : memref<960000xf32, #tpu.memory_space<hbm>> -> memref<400xf32, #tpu.memory_space<hbm>>
    %dma_start3A_1213 = arith.constant 7200 : i32
    %dma_start3A_1214 = tpu.memref_slice %arg23[%dma_start3A_1213] : memref<10000xf32, #tpu.memory_space<vmem>> -> memref<400xf32, #tpu.memory_space<vmem>>
    tpu.enqueue_dma source(%dma_start3A_1214 : memref<400xf32, #tpu.memory_space<vmem>>) target(%dma_start3A_1212 : memref<400xf32, #tpu.memory_space<hbm>>) target_semaphore(%arg34 : memref<!tpu.dma_semaphore, #tpu.memory_space<semaphore_mem>>)
    %add3A_1215 = arith.constant 1408 : i32
    %add3A_1216 = arith.addi %add3A_1215, %add3A : i32
    %mul3A_1217 = arith.constant 400 : i32
    %mul3A_1218 = arith.muli %add3A_1216, %mul3A_1217 : i32
    %multiple_of3A_1219 = tpu.assume_multiple %mul3A_1218, 8 : i32
    %dma_start3A_1220 = arith.constant 7600 : i32
    %dma_start3A_1221 = tpu.memref_slice %arg23[%dma_start3A_1220] : memref<10000xf32, #tpu.memory_space<vmem>> -> memref<400xf32, #tpu.memory_space<vmem>>
    %dma_start3A_1222 = tpu.memref_slice %arg8[%multiple_of3A_1219] : memref<960000xf32, #tpu.memory_space<hbm>> -> memref<400xf32, #tpu.memory_space<hbm>>
    %dma_start3A_1223 = tpu.memref_slice %arg8[%multiple_of3A_1219] : memref<960000xf32, #tpu.memory_space<hbm>> -> memref<400xf32, #tpu.memory_space<hbm>>
    %dma_start3A_1224 = arith.constant 7600 : i32
    %dma_start3A_1225 = tpu.memref_slice %arg23[%dma_start3A_1224] : memref<10000xf32, #tpu.memory_space<vmem>> -> memref<400xf32, #tpu.memory_space<vmem>>
    tpu.enqueue_dma source(%dma_start3A_1225 : memref<400xf32, #tpu.memory_space<vmem>>) target(%dma_start3A_1223 : memref<400xf32, #tpu.memory_space<hbm>>) target_semaphore(%arg34 : memref<!tpu.dma_semaphore, #tpu.memory_space<semaphore_mem>>)
    %add3A_1226 = arith.constant 1440 : i32
    %add3A_1227 = arith.addi %add3A_1226, %add3A : i32
    %mul3A_1228 = arith.constant 400 : i32
    %mul3A_1229 = arith.muli %add3A_1227, %mul3A_1228 : i32
    %multiple_of3A_1230 = tpu.assume_multiple %mul3A_1229, 8 : i32
    %dma_start3A_1231 = arith.constant 8000 : i32
    %dma_start3A_1232 = tpu.memref_slice %arg23[%dma_start3A_1231] : memref<10000xf32, #tpu.memory_space<vmem>> -> memref<400xf32, #tpu.memory_space<vmem>>
    %dma_start3A_1233 = tpu.memref_slice %arg8[%multiple_of3A_1230] : memref<960000xf32, #tpu.memory_space<hbm>> -> memref<400xf32, #tpu.memory_space<hbm>>
    %dma_start3A_1234 = tpu.memref_slice %arg8[%multiple_of3A_1230] : memref<960000xf32, #tpu.memory_space<hbm>> -> memref<400xf32, #tpu.memory_space<hbm>>
    %dma_start3A_1235 = arith.constant 8000 : i32
    %dma_start3A_1236 = tpu.memref_slice %arg23[%dma_start3A_1235] : memref<10000xf32, #tpu.memory_space<vmem>> -> memref<400xf32, #tpu.memory_space<vmem>>
    tpu.enqueue_dma source(%dma_start3A_1236 : memref<400xf32, #tpu.memory_space<vmem>>) target(%dma_start3A_1234 : memref<400xf32, #tpu.memory_space<hbm>>) target_semaphore(%arg34 : memref<!tpu.dma_semaphore, #tpu.memory_space<semaphore_mem>>)
    %add3A_1237 = arith.constant 1472 : i32
    %add3A_1238 = arith.addi %add3A_1237, %add3A : i32
    %mul3A_1239 = arith.constant 400 : i32
    %mul3A_1240 = arith.muli %add3A_1238, %mul3A_1239 : i32
    %multiple_of3A_1241 = tpu.assume_multiple %mul3A_1240, 8 : i32
    %dma_start3A_1242 = arith.constant 8400 : i32
    %dma_start3A_1243 = tpu.memref_slice %arg23[%dma_start3A_1242] : memref<10000xf32, #tpu.memory_space<vmem>> -> memref<400xf32, #tpu.memory_space<vmem>>
    %dma_start3A_1244 = tpu.memref_slice %arg8[%multiple_of3A_1241] : memref<960000xf32, #tpu.memory_space<hbm>> -> memref<400xf32, #tpu.memory_space<hbm>>
    %dma_start3A_1245 = tpu.memref_slice %arg8[%multiple_of3A_1241] : memref<960000xf32, #tpu.memory_space<hbm>> -> memref<400xf32, #tpu.memory_space<hbm>>
    %dma_start3A_1246 = arith.constant 8400 : i32
    %dma_start3A_1247 = tpu.memref_slice %arg23[%dma_start3A_1246] : memref<10000xf32, #tpu.memory_space<vmem>> -> memref<400xf32, #tpu.memory_space<vmem>>
    tpu.enqueue_dma source(%dma_start3A_1247 : memref<400xf32, #tpu.memory_space<vmem>>) target(%dma_start3A_1245 : memref<400xf32, #tpu.memory_space<hbm>>) target_semaphore(%arg34 : memref<!tpu.dma_semaphore, #tpu.memory_space<semaphore_mem>>)
    %add3A_1248 = arith.constant 1504 : i32
    %add3A_1249 = arith.addi %add3A_1248, %add3A : i32
    %mul3A_1250 = arith.constant 400 : i32
    %mul3A_1251 = arith.muli %add3A_1249, %mul3A_1250 : i32
    %multiple_of3A_1252 = tpu.assume_multiple %mul3A_1251, 8 : i32
    %dma_start3A_1253 = arith.constant 8800 : i32
    %dma_start3A_1254 = tpu.memref_slice %arg23[%dma_start3A_1253] : memref<10000xf32, #tpu.memory_space<vmem>> -> memref<400xf32, #tpu.memory_space<vmem>>
    %dma_start3A_1255 = tpu.memref_slice %arg8[%multiple_of3A_1252] : memref<960000xf32, #tpu.memory_space<hbm>> -> memref<400xf32, #tpu.memory_space<hbm>>
    %dma_start3A_1256 = tpu.memref_slice %arg8[%multiple_of3A_1252] : memref<960000xf32, #tpu.memory_space<hbm>> -> memref<400xf32, #tpu.memory_space<hbm>>
    %dma_start3A_1257 = arith.constant 8800 : i32
    %dma_start3A_1258 = tpu.memref_slice %arg23[%dma_start3A_1257] : memref<10000xf32, #tpu.memory_space<vmem>> -> memref<400xf32, #tpu.memory_space<vmem>>
    tpu.enqueue_dma source(%dma_start3A_1258 : memref<400xf32, #tpu.memory_space<vmem>>) target(%dma_start3A_1256 : memref<400xf32, #tpu.memory_space<hbm>>) target_semaphore(%arg34 : memref<!tpu.dma_semaphore, #tpu.memory_space<semaphore_mem>>)
    %add3A_1259 = arith.constant 1536 : i32
    %add3A_1260 = arith.addi %add3A_1259, %add3A : i32
    %mul3A_1261 = arith.constant 400 : i32
    %mul3A_1262 = arith.muli %add3A_1260, %mul3A_1261 : i32
    %multiple_of3A_1263 = tpu.assume_multiple %mul3A_1262, 8 : i32
    %dma_start3A_1264 = arith.constant 9200 : i32
    %dma_start3A_1265 = tpu.memref_slice %arg23[%dma_start3A_1264] : memref<10000xf32, #tpu.memory_space<vmem>> -> memref<400xf32, #tpu.memory_space<vmem>>
    %dma_start3A_1266 = tpu.memref_slice %arg8[%multiple_of3A_1263] : memref<960000xf32, #tpu.memory_space<hbm>> -> memref<400xf32, #tpu.memory_space<hbm>>
    %dma_start3A_1267 = tpu.memref_slice %arg8[%multiple_of3A_1263] : memref<960000xf32, #tpu.memory_space<hbm>> -> memref<400xf32, #tpu.memory_space<hbm>>
    %dma_start3A_1268 = arith.constant 9200 : i32
    %dma_start3A_1269 = tpu.memref_slice %arg23[%dma_start3A_1268] : memref<10000xf32, #tpu.memory_space<vmem>> -> memref<400xf32, #tpu.memory_space<vmem>>
    tpu.enqueue_dma source(%dma_start3A_1269 : memref<400xf32, #tpu.memory_space<vmem>>) target(%dma_start3A_1267 : memref<400xf32, #tpu.memory_space<hbm>>) target_semaphore(%arg34 : memref<!tpu.dma_semaphore, #tpu.memory_space<semaphore_mem>>)
    %add3A_1270 = arith.constant 1568 : i32
    %add3A_1271 = arith.addi %add3A_1270, %add3A : i32
    %mul3A_1272 = arith.constant 400 : i32
    %mul3A_1273 = arith.muli %add3A_1271, %mul3A_1272 : i32
    %multiple_of3A_1274 = tpu.assume_multiple %mul3A_1273, 8 : i32
    %dma_start3A_1275 = arith.constant 9600 : i32
    %dma_start3A_1276 = tpu.memref_slice %arg23[%dma_start3A_1275] : memref<10000xf32, #tpu.memory_space<vmem>> -> memref<400xf32, #tpu.memory_space<vmem>>
    %dma_start3A_1277 = tpu.memref_slice %arg8[%multiple_of3A_1274] : memref<960000xf32, #tpu.memory_space<hbm>> -> memref<400xf32, #tpu.memory_space<hbm>>
    %dma_start3A_1278 = tpu.memref_slice %arg8[%multiple_of3A_1274] : memref<960000xf32, #tpu.memory_space<hbm>> -> memref<400xf32, #tpu.memory_space<hbm>>
    %dma_start3A_1279 = arith.constant 9600 : i32
    %dma_start3A_1280 = tpu.memref_slice %arg23[%dma_start3A_1279] : memref<10000xf32, #tpu.memory_space<vmem>> -> memref<400xf32, #tpu.memory_space<vmem>>
    tpu.enqueue_dma source(%dma_start3A_1280 : memref<400xf32, #tpu.memory_space<vmem>>) target(%dma_start3A_1278 : memref<400xf32, #tpu.memory_space<hbm>>) target_semaphore(%arg34 : memref<!tpu.dma_semaphore, #tpu.memory_space<semaphore_mem>>)
    %add3A_1281 = arith.constant 0 : i32
    %add3A_1282 = arith.addi %add3A_1281, %arg1 : i32
    %lt3A_1283 = arith.constant 25 : i32
    %lt3A_1284 = arith.cmpi slt, %add3A_1282, %lt3A_1283 : i32
    %convert_element_type3A_1285 = arith.extui %lt3A_1284 : i1 to i32
    %cond3A_1286 = arith.constant 0 : i32
    %cond3A_1287 = arith.cmpi ne, %convert_element_type3A_1285, %cond3A_1286 : i32
    scf.if %cond3A_1287 {
      %mul3A_2358 = arith.constant 400 : i32
      %mul3A_2359 = arith.muli %add3A_1282, %mul3A_2358 : i32
      %multiple_of3A_2360 = tpu.assume_multiple %mul3A_2359, 400 : i32
      %dma_wait3A_2361 = arith.constant 1 : i32
      %dma_wait3A_2362 = arith.constant 0 : i32
      %dma_wait3A_2363 = tpu.memref_slice %arg7[%dma_wait3A_2361, %arg0, %multiple_of3A_2360, %dma_wait3A_2362] : memref<3x2x10000x128xf32, #tpu.memory_space<hbm>> -> memref<1x1x400x128xf32, #tpu.memory_space<hbm>>
      %dma_wait3A_2364 = tpu.memref_squeeze %dma_wait3A_2363 : memref<1x1x400x128xf32, #tpu.memory_space<hbm>> -> memref<400x128xf32, #tpu.memory_space<hbm>>
      %dma_wait3A_2365 = arith.constant 0 : i32
      %dma_wait3A_2366 = tpu.memref_slice %arg24[%multiple_of3A_2360, %dma_wait3A_2365] : memref<10000x128xf32, #tpu.memory_space<vmem_shared>> -> memref<400x128xf32, #tpu.memory_space<vmem_shared>>
      tpu.wait_dma2 semaphore(%arg34 : memref<!tpu.dma_semaphore, #tpu.memory_space<semaphore_mem>>) src(%dma_wait3A_2366 : memref<400x128xf32, #tpu.memory_space<vmem_shared>>) dst(%dma_wait3A_2364 : memref<400x128xf32, #tpu.memory_space<hbm>>)
    } else {
    }
    %add3A_1288 = arith.constant 16 : i32
    %add3A_1289 = arith.addi %add3A_1288, %arg1 : i32
    %lt3A_1290 = arith.constant 25 : i32
    %lt3A_1291 = arith.cmpi slt, %add3A_1289, %lt3A_1290 : i32
    %convert_element_type3A_1292 = arith.extui %lt3A_1291 : i1 to i32
    %cond3A_1293 = arith.constant 0 : i32
    %cond3A_1294 = arith.cmpi ne, %convert_element_type3A_1292, %cond3A_1293 : i32
    scf.if %cond3A_1294 {
      %mul3A_2358 = arith.constant 400 : i32
      %mul3A_2359 = arith.muli %add3A_1289, %mul3A_2358 : i32
      %multiple_of3A_2360 = tpu.assume_multiple %mul3A_2359, 400 : i32
      %dma_wait3A_2361 = arith.constant 1 : i32
      %dma_wait3A_2362 = arith.constant 0 : i32
      %dma_wait3A_2363 = tpu.memref_slice %arg7[%dma_wait3A_2361, %arg0, %multiple_of3A_2360, %dma_wait3A_2362] : memref<3x2x10000x128xf32, #tpu.memory_space<hbm>> -> memref<1x1x400x128xf32, #tpu.memory_space<hbm>>
      %dma_wait3A_2364 = tpu.memref_squeeze %dma_wait3A_2363 : memref<1x1x400x128xf32, #tpu.memory_space<hbm>> -> memref<400x128xf32, #tpu.memory_space<hbm>>
      %dma_wait3A_2365 = arith.constant 0 : i32
      %dma_wait3A_2366 = tpu.memref_slice %arg24[%multiple_of3A_2360, %dma_wait3A_2365] : memref<10000x128xf32, #tpu.memory_space<vmem_shared>> -> memref<400x128xf32, #tpu.memory_space<vmem_shared>>
      tpu.wait_dma2 semaphore(%arg34 : memref<!tpu.dma_semaphore, #tpu.memory_space<semaphore_mem>>) src(%dma_wait3A_2366 : memref<400x128xf32, #tpu.memory_space<vmem_shared>>) dst(%dma_wait3A_2364 : memref<400x128xf32, #tpu.memory_space<hbm>>)
    } else {
    }
    %add3A_1295 = arith.constant 800 : i32
    %add3A_1296 = arith.addi %add3A_1295, %add3A : i32
    %mul3A_1297 = arith.constant 400 : i32
    %mul3A_1298 = arith.muli %add3A_1296, %mul3A_1297 : i32
    %multiple_of3A_1299 = tpu.assume_multiple %mul3A_1298, 8 : i32
    %dma_wait3A_1300 = arith.constant 0 : i32
    %dma_wait3A_1301 = tpu.memref_slice %arg23[%dma_wait3A_1300] : memref<10000xf32, #tpu.memory_space<vmem>> -> memref<400xf32, #tpu.memory_space<vmem>>
    %dma_wait3A_1302 = tpu.memref_slice %arg8[%multiple_of3A_1299] : memref<960000xf32, #tpu.memory_space<hbm>> -> memref<400xf32, #tpu.memory_space<hbm>>
    %dma_wait3A_1303 = tpu.memref_slice %arg8[%multiple_of3A_1299] : memref<960000xf32, #tpu.memory_space<hbm>> -> memref<400xf32, #tpu.memory_space<hbm>>
    %dma_wait3A_1304 = arith.constant 0 : i32
    %dma_wait3A_1305 = tpu.memref_slice %arg23[%dma_wait3A_1304] : memref<10000xf32, #tpu.memory_space<vmem>> -> memref<400xf32, #tpu.memory_space<vmem>>
    tpu.wait_dma2 semaphore(%arg34 : memref<!tpu.dma_semaphore, #tpu.memory_space<semaphore_mem>>) src(%dma_wait3A_1305 : memref<400xf32, #tpu.memory_space<vmem>>) dst(%dma_wait3A_1303 : memref<400xf32, #tpu.memory_space<hbm>>)
    %add3A_1306 = arith.constant 832 : i32
    %add3A_1307 = arith.addi %add3A_1306, %add3A : i32
    %mul3A_1308 = arith.constant 400 : i32
    %mul3A_1309 = arith.muli %add3A_1307, %mul3A_1308 : i32
    %multiple_of3A_1310 = tpu.assume_multiple %mul3A_1309, 8 : i32
    %dma_wait3A_1311 = arith.constant 400 : i32
    %dma_wait3A_1312 = tpu.memref_slice %arg23[%dma_wait3A_1311] : memref<10000xf32, #tpu.memory_space<vmem>> -> memref<400xf32, #tpu.memory_space<vmem>>
    %dma_wait3A_1313 = tpu.memref_slice %arg8[%multiple_of3A_1310] : memref<960000xf32, #tpu.memory_space<hbm>> -> memref<400xf32, #tpu.memory_space<hbm>>
    %dma_wait3A_1314 = tpu.memref_slice %arg8[%multiple_of3A_1310] : memref<960000xf32, #tpu.memory_space<hbm>> -> memref<400xf32, #tpu.memory_space<hbm>>
    %dma_wait3A_1315 = arith.constant 400 : i32
    %dma_wait3A_1316 = tpu.memref_slice %arg23[%dma_wait3A_1315] : memref<10000xf32, #tpu.memory_space<vmem>> -> memref<400xf32, #tpu.memory_space<vmem>>
    tpu.wait_dma2 semaphore(%arg34 : memref<!tpu.dma_semaphore, #tpu.memory_space<semaphore_mem>>) src(%dma_wait3A_1316 : memref<400xf32, #tpu.memory_space<vmem>>) dst(%dma_wait3A_1314 : memref<400xf32, #tpu.memory_space<hbm>>)
    %add3A_1317 = arith.constant 864 : i32
    %add3A_1318 = arith.addi %add3A_1317, %add3A : i32
    %mul3A_1319 = arith.constant 400 : i32
    %mul3A_1320 = arith.muli %add3A_1318, %mul3A_1319 : i32
    %multiple_of3A_1321 = tpu.assume_multiple %mul3A_1320, 8 : i32
    %dma_wait3A_1322 = arith.constant 800 : i32
    %dma_wait3A_1323 = tpu.memref_slice %arg23[%dma_wait3A_1322] : memref<10000xf32, #tpu.memory_space<vmem>> -> memref<400xf32, #tpu.memory_space<vmem>>
    %dma_wait3A_1324 = tpu.memref_slice %arg8[%multiple_of3A_1321] : memref<960000xf32, #tpu.memory_space<hbm>> -> memref<400xf32, #tpu.memory_space<hbm>>
    %dma_wait3A_1325 = tpu.memref_slice %arg8[%multiple_of3A_1321] : memref<960000xf32, #tpu.memory_space<hbm>> -> memref<400xf32, #tpu.memory_space<hbm>>
    %dma_wait3A_1326 = arith.constant 800 : i32
    %dma_wait3A_1327 = tpu.memref_slice %arg23[%dma_wait3A_1326] : memref<10000xf32, #tpu.memory_space<vmem>> -> memref<400xf32, #tpu.memory_space<vmem>>
    tpu.wait_dma2 semaphore(%arg34 : memref<!tpu.dma_semaphore, #tpu.memory_space<semaphore_mem>>) src(%dma_wait3A_1327 : memref<400xf32, #tpu.memory_space<vmem>>) dst(%dma_wait3A_1325 : memref<400xf32, #tpu.memory_space<hbm>>)
    %add3A_1328 = arith.constant 896 : i32
    %add3A_1329 = arith.addi %add3A_1328, %add3A : i32
    %mul3A_1330 = arith.constant 400 : i32
    %mul3A_1331 = arith.muli %add3A_1329, %mul3A_1330 : i32
    %multiple_of3A_1332 = tpu.assume_multiple %mul3A_1331, 8 : i32
    %dma_wait3A_1333 = arith.constant 1200 : i32
    %dma_wait3A_1334 = tpu.memref_slice %arg23[%dma_wait3A_1333] : memref<10000xf32, #tpu.memory_space<vmem>> -> memref<400xf32, #tpu.memory_space<vmem>>
    %dma_wait3A_1335 = tpu.memref_slice %arg8[%multiple_of3A_1332] : memref<960000xf32, #tpu.memory_space<hbm>> -> memref<400xf32, #tpu.memory_space<hbm>>
    %dma_wait3A_1336 = tpu.memref_slice %arg8[%multiple_of3A_1332] : memref<960000xf32, #tpu.memory_space<hbm>> -> memref<400xf32, #tpu.memory_space<hbm>>
    %dma_wait3A_1337 = arith.constant 1200 : i32
    %dma_wait3A_1338 = tpu.memref_slice %arg23[%dma_wait3A_1337] : memref<10000xf32, #tpu.memory_space<vmem>> -> memref<400xf32, #tpu.memory_space<vmem>>
    tpu.wait_dma2 semaphore(%arg34 : memref<!tpu.dma_semaphore, #tpu.memory_space<semaphore_mem>>) src(%dma_wait3A_1338 : memref<400xf32, #tpu.memory_space<vmem>>) dst(%dma_wait3A_1336 : memref<400xf32, #tpu.memory_space<hbm>>)
    %add3A_1339 = arith.constant 928 : i32
    %add3A_1340 = arith.addi %add3A_1339, %add3A : i32
    %mul3A_1341 = arith.constant 400 : i32
    %mul3A_1342 = arith.muli %add3A_1340, %mul3A_1341 : i32
    %multiple_of3A_1343 = tpu.assume_multiple %mul3A_1342, 8 : i32
    %dma_wait3A_1344 = arith.constant 1600 : i32
    %dma_wait3A_1345 = tpu.memref_slice %arg23[%dma_wait3A_1344] : memref<10000xf32, #tpu.memory_space<vmem>> -> memref<400xf32, #tpu.memory_space<vmem>>
    %dma_wait3A_1346 = tpu.memref_slice %arg8[%multiple_of3A_1343] : memref<960000xf32, #tpu.memory_space<hbm>> -> memref<400xf32, #tpu.memory_space<hbm>>
    %dma_wait3A_1347 = tpu.memref_slice %arg8[%multiple_of3A_1343] : memref<960000xf32, #tpu.memory_space<hbm>> -> memref<400xf32, #tpu.memory_space<hbm>>
    %dma_wait3A_1348 = arith.constant 1600 : i32
    %dma_wait3A_1349 = tpu.memref_slice %arg23[%dma_wait3A_1348] : memref<10000xf32, #tpu.memory_space<vmem>> -> memref<400xf32, #tpu.memory_space<vmem>>
    tpu.wait_dma2 semaphore(%arg34 : memref<!tpu.dma_semaphore, #tpu.memory_space<semaphore_mem>>) src(%dma_wait3A_1349 : memref<400xf32, #tpu.memory_space<vmem>>) dst(%dma_wait3A_1347 : memref<400xf32, #tpu.memory_space<hbm>>)
    %add3A_1350 = arith.constant 960 : i32
    %add3A_1351 = arith.addi %add3A_1350, %add3A : i32
    %mul3A_1352 = arith.constant 400 : i32
    %mul3A_1353 = arith.muli %add3A_1351, %mul3A_1352 : i32
    %multiple_of3A_1354 = tpu.assume_multiple %mul3A_1353, 8 : i32
    %dma_wait3A_1355 = arith.constant 2000 : i32
    %dma_wait3A_1356 = tpu.memref_slice %arg23[%dma_wait3A_1355] : memref<10000xf32, #tpu.memory_space<vmem>> -> memref<400xf32, #tpu.memory_space<vmem>>
    %dma_wait3A_1357 = tpu.memref_slice %arg8[%multiple_of3A_1354] : memref<960000xf32, #tpu.memory_space<hbm>> -> memref<400xf32, #tpu.memory_space<hbm>>
    %dma_wait3A_1358 = tpu.memref_slice %arg8[%multiple_of3A_1354] : memref<960000xf32, #tpu.memory_space<hbm>> -> memref<400xf32, #tpu.memory_space<hbm>>
    %dma_wait3A_1359 = arith.constant 2000 : i32
    %dma_wait3A_1360 = tpu.memref_slice %arg23[%dma_wait3A_1359] : memref<10000xf32, #tpu.memory_space<vmem>> -> memref<400xf32, #tpu.memory_space<vmem>>
    tpu.wait_dma2 semaphore(%arg34 : memref<!tpu.dma_semaphore, #tpu.memory_space<semaphore_mem>>) src(%dma_wait3A_1360 : memref<400xf32, #tpu.memory_space<vmem>>) dst(%dma_wait3A_1358 : memref<400xf32, #tpu.memory_space<hbm>>)
    %add3A_1361 = arith.constant 992 : i32
    %add3A_1362 = arith.addi %add3A_1361, %add3A : i32
    %mul3A_1363 = arith.constant 400 : i32
    %mul3A_1364 = arith.muli %add3A_1362, %mul3A_1363 : i32
    %multiple_of3A_1365 = tpu.assume_multiple %mul3A_1364, 8 : i32
    %dma_wait3A_1366 = arith.constant 2400 : i32
    %dma_wait3A_1367 = tpu.memref_slice %arg23[%dma_wait3A_1366] : memref<10000xf32, #tpu.memory_space<vmem>> -> memref<400xf32, #tpu.memory_space<vmem>>
    %dma_wait3A_1368 = tpu.memref_slice %arg8[%multiple_of3A_1365] : memref<960000xf32, #tpu.memory_space<hbm>> -> memref<400xf32, #tpu.memory_space<hbm>>
    %dma_wait3A_1369 = tpu.memref_slice %arg8[%multiple_of3A_1365] : memref<960000xf32, #tpu.memory_space<hbm>> -> memref<400xf32, #tpu.memory_space<hbm>>
    %dma_wait3A_1370 = arith.constant 2400 : i32
    %dma_wait3A_1371 = tpu.memref_slice %arg23[%dma_wait3A_1370] : memref<10000xf32, #tpu.memory_space<vmem>> -> memref<400xf32, #tpu.memory_space<vmem>>
    tpu.wait_dma2 semaphore(%arg34 : memref<!tpu.dma_semaphore, #tpu.memory_space<semaphore_mem>>) src(%dma_wait3A_1371 : memref<400xf32, #tpu.memory_space<vmem>>) dst(%dma_wait3A_1369 : memref<400xf32, #tpu.memory_space<hbm>>)
    %add3A_1372 = arith.constant 1024 : i32
    %add3A_1373 = arith.addi %add3A_1372, %add3A : i32
    %mul3A_1374 = arith.constant 400 : i32
    %mul3A_1375 = arith.muli %add3A_1373, %mul3A_1374 : i32
    %multiple_of3A_1376 = tpu.assume_multiple %mul3A_1375, 8 : i32
    %dma_wait3A_1377 = arith.constant 2800 : i32
    %dma_wait3A_1378 = tpu.memref_slice %arg23[%dma_wait3A_1377] : memref<10000xf32, #tpu.memory_space<vmem>> -> memref<400xf32, #tpu.memory_space<vmem>>
    %dma_wait3A_1379 = tpu.memref_slice %arg8[%multiple_of3A_1376] : memref<960000xf32, #tpu.memory_space<hbm>> -> memref<400xf32, #tpu.memory_space<hbm>>
    %dma_wait3A_1380 = tpu.memref_slice %arg8[%multiple_of3A_1376] : memref<960000xf32, #tpu.memory_space<hbm>> -> memref<400xf32, #tpu.memory_space<hbm>>
    %dma_wait3A_1381 = arith.constant 2800 : i32
    %dma_wait3A_1382 = tpu.memref_slice %arg23[%dma_wait3A_1381] : memref<10000xf32, #tpu.memory_space<vmem>> -> memref<400xf32, #tpu.memory_space<vmem>>
    tpu.wait_dma2 semaphore(%arg34 : memref<!tpu.dma_semaphore, #tpu.memory_space<semaphore_mem>>) src(%dma_wait3A_1382 : memref<400xf32, #tpu.memory_space<vmem>>) dst(%dma_wait3A_1380 : memref<400xf32, #tpu.memory_space<hbm>>)
    %add3A_1383 = arith.constant 1056 : i32
    %add3A_1384 = arith.addi %add3A_1383, %add3A : i32
    %mul3A_1385 = arith.constant 400 : i32
    %mul3A_1386 = arith.muli %add3A_1384, %mul3A_1385 : i32
    %multiple_of3A_1387 = tpu.assume_multiple %mul3A_1386, 8 : i32
    %dma_wait3A_1388 = arith.constant 3200 : i32
    %dma_wait3A_1389 = tpu.memref_slice %arg23[%dma_wait3A_1388] : memref<10000xf32, #tpu.memory_space<vmem>> -> memref<400xf32, #tpu.memory_space<vmem>>
    %dma_wait3A_1390 = tpu.memref_slice %arg8[%multiple_of3A_1387] : memref<960000xf32, #tpu.memory_space<hbm>> -> memref<400xf32, #tpu.memory_space<hbm>>
    %dma_wait3A_1391 = tpu.memref_slice %arg8[%multiple_of3A_1387] : memref<960000xf32, #tpu.memory_space<hbm>> -> memref<400xf32, #tpu.memory_space<hbm>>
    %dma_wait3A_1392 = arith.constant 3200 : i32
    %dma_wait3A_1393 = tpu.memref_slice %arg23[%dma_wait3A_1392] : memref<10000xf32, #tpu.memory_space<vmem>> -> memref<400xf32, #tpu.memory_space<vmem>>
    tpu.wait_dma2 semaphore(%arg34 : memref<!tpu.dma_semaphore, #tpu.memory_space<semaphore_mem>>) src(%dma_wait3A_1393 : memref<400xf32, #tpu.memory_space<vmem>>) dst(%dma_wait3A_1391 : memref<400xf32, #tpu.memory_space<hbm>>)
    %add3A_1394 = arith.constant 1088 : i32
    %add3A_1395 = arith.addi %add3A_1394, %add3A : i32
    %mul3A_1396 = arith.constant 400 : i32
    %mul3A_1397 = arith.muli %add3A_1395, %mul3A_1396 : i32
    %multiple_of3A_1398 = tpu.assume_multiple %mul3A_1397, 8 : i32
    %dma_wait3A_1399 = arith.constant 3600 : i32
    %dma_wait3A_1400 = tpu.memref_slice %arg23[%dma_wait3A_1399] : memref<10000xf32, #tpu.memory_space<vmem>> -> memref<400xf32, #tpu.memory_space<vmem>>
    %dma_wait3A_1401 = tpu.memref_slice %arg8[%multiple_of3A_1398] : memref<960000xf32, #tpu.memory_space<hbm>> -> memref<400xf32, #tpu.memory_space<hbm>>
    %dma_wait3A_1402 = tpu.memref_slice %arg8[%multiple_of3A_1398] : memref<960000xf32, #tpu.memory_space<hbm>> -> memref<400xf32, #tpu.memory_space<hbm>>
    %dma_wait3A_1403 = arith.constant 3600 : i32
    %dma_wait3A_1404 = tpu.memref_slice %arg23[%dma_wait3A_1403] : memref<10000xf32, #tpu.memory_space<vmem>> -> memref<400xf32, #tpu.memory_space<vmem>>
    tpu.wait_dma2 semaphore(%arg34 : memref<!tpu.dma_semaphore, #tpu.memory_space<semaphore_mem>>) src(%dma_wait3A_1404 : memref<400xf32, #tpu.memory_space<vmem>>) dst(%dma_wait3A_1402 : memref<400xf32, #tpu.memory_space<hbm>>)
    %add3A_1405 = arith.constant 1120 : i32
    %add3A_1406 = arith.addi %add3A_1405, %add3A : i32
    %mul3A_1407 = arith.constant 400 : i32
    %mul3A_1408 = arith.muli %add3A_1406, %mul3A_1407 : i32
    %multiple_of3A_1409 = tpu.assume_multiple %mul3A_1408, 8 : i32
    %dma_wait3A_1410 = arith.constant 4000 : i32
    %dma_wait3A_1411 = tpu.memref_slice %arg23[%dma_wait3A_1410] : memref<10000xf32, #tpu.memory_space<vmem>> -> memref<400xf32, #tpu.memory_space<vmem>>
    %dma_wait3A_1412 = tpu.memref_slice %arg8[%multiple_of3A_1409] : memref<960000xf32, #tpu.memory_space<hbm>> -> memref<400xf32, #tpu.memory_space<hbm>>
    %dma_wait3A_1413 = tpu.memref_slice %arg8[%multiple_of3A_1409] : memref<960000xf32, #tpu.memory_space<hbm>> -> memref<400xf32, #tpu.memory_space<hbm>>
    %dma_wait3A_1414 = arith.constant 4000 : i32
    %dma_wait3A_1415 = tpu.memref_slice %arg23[%dma_wait3A_1414] : memref<10000xf32, #tpu.memory_space<vmem>> -> memref<400xf32, #tpu.memory_space<vmem>>
    tpu.wait_dma2 semaphore(%arg34 : memref<!tpu.dma_semaphore, #tpu.memory_space<semaphore_mem>>) src(%dma_wait3A_1415 : memref<400xf32, #tpu.memory_space<vmem>>) dst(%dma_wait3A_1413 : memref<400xf32, #tpu.memory_space<hbm>>)
    %add3A_1416 = arith.constant 1152 : i32
    %add3A_1417 = arith.addi %add3A_1416, %add3A : i32
    %mul3A_1418 = arith.constant 400 : i32
    %mul3A_1419 = arith.muli %add3A_1417, %mul3A_1418 : i32
    %multiple_of3A_1420 = tpu.assume_multiple %mul3A_1419, 8 : i32
    %dma_wait3A_1421 = arith.constant 4400 : i32
    %dma_wait3A_1422 = tpu.memref_slice %arg23[%dma_wait3A_1421] : memref<10000xf32, #tpu.memory_space<vmem>> -> memref<400xf32, #tpu.memory_space<vmem>>
    %dma_wait3A_1423 = tpu.memref_slice %arg8[%multiple_of3A_1420] : memref<960000xf32, #tpu.memory_space<hbm>> -> memref<400xf32, #tpu.memory_space<hbm>>
    %dma_wait3A_1424 = tpu.memref_slice %arg8[%multiple_of3A_1420] : memref<960000xf32, #tpu.memory_space<hbm>> -> memref<400xf32, #tpu.memory_space<hbm>>
    %dma_wait3A_1425 = arith.constant 4400 : i32
    %dma_wait3A_1426 = tpu.memref_slice %arg23[%dma_wait3A_1425] : memref<10000xf32, #tpu.memory_space<vmem>> -> memref<400xf32, #tpu.memory_space<vmem>>
    tpu.wait_dma2 semaphore(%arg34 : memref<!tpu.dma_semaphore, #tpu.memory_space<semaphore_mem>>) src(%dma_wait3A_1426 : memref<400xf32, #tpu.memory_space<vmem>>) dst(%dma_wait3A_1424 : memref<400xf32, #tpu.memory_space<hbm>>)
    %add3A_1427 = arith.constant 1184 : i32
    %add3A_1428 = arith.addi %add3A_1427, %add3A : i32
    %mul3A_1429 = arith.constant 400 : i32
    %mul3A_1430 = arith.muli %add3A_1428, %mul3A_1429 : i32
    %multiple_of3A_1431 = tpu.assume_multiple %mul3A_1430, 8 : i32
    %dma_wait3A_1432 = arith.constant 4800 : i32
    %dma_wait3A_1433 = tpu.memref_slice %arg23[%dma_wait3A_1432] : memref<10000xf32, #tpu.memory_space<vmem>> -> memref<400xf32, #tpu.memory_space<vmem>>
    %dma_wait3A_1434 = tpu.memref_slice %arg8[%multiple_of3A_1431] : memref<960000xf32, #tpu.memory_space<hbm>> -> memref<400xf32, #tpu.memory_space<hbm>>
    %dma_wait3A_1435 = tpu.memref_slice %arg8[%multiple_of3A_1431] : memref<960000xf32, #tpu.memory_space<hbm>> -> memref<400xf32, #tpu.memory_space<hbm>>
    %dma_wait3A_1436 = arith.constant 4800 : i32
    %dma_wait3A_1437 = tpu.memref_slice %arg23[%dma_wait3A_1436] : memref<10000xf32, #tpu.memory_space<vmem>> -> memref<400xf32, #tpu.memory_space<vmem>>
    tpu.wait_dma2 semaphore(%arg34 : memref<!tpu.dma_semaphore, #tpu.memory_space<semaphore_mem>>) src(%dma_wait3A_1437 : memref<400xf32, #tpu.memory_space<vmem>>) dst(%dma_wait3A_1435 : memref<400xf32, #tpu.memory_space<hbm>>)
    %add3A_1438 = arith.constant 1216 : i32
    %add3A_1439 = arith.addi %add3A_1438, %add3A : i32
    %mul3A_1440 = arith.constant 400 : i32
    %mul3A_1441 = arith.muli %add3A_1439, %mul3A_1440 : i32
    %multiple_of3A_1442 = tpu.assume_multiple %mul3A_1441, 8 : i32
    %dma_wait3A_1443 = arith.constant 5200 : i32
    %dma_wait3A_1444 = tpu.memref_slice %arg23[%dma_wait3A_1443] : memref<10000xf32, #tpu.memory_space<vmem>> -> memref<400xf32, #tpu.memory_space<vmem>>
    %dma_wait3A_1445 = tpu.memref_slice %arg8[%multiple_of3A_1442] : memref<960000xf32, #tpu.memory_space<hbm>> -> memref<400xf32, #tpu.memory_space<hbm>>
    %dma_wait3A_1446 = tpu.memref_slice %arg8[%multiple_of3A_1442] : memref<960000xf32, #tpu.memory_space<hbm>> -> memref<400xf32, #tpu.memory_space<hbm>>
    %dma_wait3A_1447 = arith.constant 5200 : i32
    %dma_wait3A_1448 = tpu.memref_slice %arg23[%dma_wait3A_1447] : memref<10000xf32, #tpu.memory_space<vmem>> -> memref<400xf32, #tpu.memory_space<vmem>>
    tpu.wait_dma2 semaphore(%arg34 : memref<!tpu.dma_semaphore, #tpu.memory_space<semaphore_mem>>) src(%dma_wait3A_1448 : memref<400xf32, #tpu.memory_space<vmem>>) dst(%dma_wait3A_1446 : memref<400xf32, #tpu.memory_space<hbm>>)
    %add3A_1449 = arith.constant 1248 : i32
    %add3A_1450 = arith.addi %add3A_1449, %add3A : i32
    %mul3A_1451 = arith.constant 400 : i32
    %mul3A_1452 = arith.muli %add3A_1450, %mul3A_1451 : i32
    %multiple_of3A_1453 = tpu.assume_multiple %mul3A_1452, 8 : i32
    %dma_wait3A_1454 = arith.constant 5600 : i32
    %dma_wait3A_1455 = tpu.memref_slice %arg23[%dma_wait3A_1454] : memref<10000xf32, #tpu.memory_space<vmem>> -> memref<400xf32, #tpu.memory_space<vmem>>
    %dma_wait3A_1456 = tpu.memref_slice %arg8[%multiple_of3A_1453] : memref<960000xf32, #tpu.memory_space<hbm>> -> memref<400xf32, #tpu.memory_space<hbm>>
    %dma_wait3A_1457 = tpu.memref_slice %arg8[%multiple_of3A_1453] : memref<960000xf32, #tpu.memory_space<hbm>> -> memref<400xf32, #tpu.memory_space<hbm>>
    %dma_wait3A_1458 = arith.constant 5600 : i32
    %dma_wait3A_1459 = tpu.memref_slice %arg23[%dma_wait3A_1458] : memref<10000xf32, #tpu.memory_space<vmem>> -> memref<400xf32, #tpu.memory_space<vmem>>
    tpu.wait_dma2 semaphore(%arg34 : memref<!tpu.dma_semaphore, #tpu.memory_space<semaphore_mem>>) src(%dma_wait3A_1459 : memref<400xf32, #tpu.memory_space<vmem>>) dst(%dma_wait3A_1457 : memref<400xf32, #tpu.memory_space<hbm>>)
    %add3A_1460 = arith.constant 1280 : i32
    %add3A_1461 = arith.addi %add3A_1460, %add3A : i32
    %mul3A_1462 = arith.constant 400 : i32
    %mul3A_1463 = arith.muli %add3A_1461, %mul3A_1462 : i32
    %multiple_of3A_1464 = tpu.assume_multiple %mul3A_1463, 8 : i32
    %dma_wait3A_1465 = arith.constant 6000 : i32
    %dma_wait3A_1466 = tpu.memref_slice %arg23[%dma_wait3A_1465] : memref<10000xf32, #tpu.memory_space<vmem>> -> memref<400xf32, #tpu.memory_space<vmem>>
    %dma_wait3A_1467 = tpu.memref_slice %arg8[%multiple_of3A_1464] : memref<960000xf32, #tpu.memory_space<hbm>> -> memref<400xf32, #tpu.memory_space<hbm>>
    %dma_wait3A_1468 = tpu.memref_slice %arg8[%multiple_of3A_1464] : memref<960000xf32, #tpu.memory_space<hbm>> -> memref<400xf32, #tpu.memory_space<hbm>>
    %dma_wait3A_1469 = arith.constant 6000 : i32
    %dma_wait3A_1470 = tpu.memref_slice %arg23[%dma_wait3A_1469] : memref<10000xf32, #tpu.memory_space<vmem>> -> memref<400xf32, #tpu.memory_space<vmem>>
    tpu.wait_dma2 semaphore(%arg34 : memref<!tpu.dma_semaphore, #tpu.memory_space<semaphore_mem>>) src(%dma_wait3A_1470 : memref<400xf32, #tpu.memory_space<vmem>>) dst(%dma_wait3A_1468 : memref<400xf32, #tpu.memory_space<hbm>>)
    %add3A_1471 = arith.constant 1312 : i32
    %add3A_1472 = arith.addi %add3A_1471, %add3A : i32
    %mul3A_1473 = arith.constant 400 : i32
    %mul3A_1474 = arith.muli %add3A_1472, %mul3A_1473 : i32
    %multiple_of3A_1475 = tpu.assume_multiple %mul3A_1474, 8 : i32
    %dma_wait3A_1476 = arith.constant 6400 : i32
    %dma_wait3A_1477 = tpu.memref_slice %arg23[%dma_wait3A_1476] : memref<10000xf32, #tpu.memory_space<vmem>> -> memref<400xf32, #tpu.memory_space<vmem>>
    %dma_wait3A_1478 = tpu.memref_slice %arg8[%multiple_of3A_1475] : memref<960000xf32, #tpu.memory_space<hbm>> -> memref<400xf32, #tpu.memory_space<hbm>>
    %dma_wait3A_1479 = tpu.memref_slice %arg8[%multiple_of3A_1475] : memref<960000xf32, #tpu.memory_space<hbm>> -> memref<400xf32, #tpu.memory_space<hbm>>
    %dma_wait3A_1480 = arith.constant 6400 : i32
    %dma_wait3A_1481 = tpu.memref_slice %arg23[%dma_wait3A_1480] : memref<10000xf32, #tpu.memory_space<vmem>> -> memref<400xf32, #tpu.memory_space<vmem>>
    tpu.wait_dma2 semaphore(%arg34 : memref<!tpu.dma_semaphore, #tpu.memory_space<semaphore_mem>>) src(%dma_wait3A_1481 : memref<400xf32, #tpu.memory_space<vmem>>) dst(%dma_wait3A_1479 : memref<400xf32, #tpu.memory_space<hbm>>)
    %add3A_1482 = arith.constant 1344 : i32
    %add3A_1483 = arith.addi %add3A_1482, %add3A : i32
    %mul3A_1484 = arith.constant 400 : i32
    %mul3A_1485 = arith.muli %add3A_1483, %mul3A_1484 : i32
    %multiple_of3A_1486 = tpu.assume_multiple %mul3A_1485, 8 : i32
    %dma_wait3A_1487 = arith.constant 6800 : i32
    %dma_wait3A_1488 = tpu.memref_slice %arg23[%dma_wait3A_1487] : memref<10000xf32, #tpu.memory_space<vmem>> -> memref<400xf32, #tpu.memory_space<vmem>>
    %dma_wait3A_1489 = tpu.memref_slice %arg8[%multiple_of3A_1486] : memref<960000xf32, #tpu.memory_space<hbm>> -> memref<400xf32, #tpu.memory_space<hbm>>
    %dma_wait3A_1490 = tpu.memref_slice %arg8[%multiple_of3A_1486] : memref<960000xf32, #tpu.memory_space<hbm>> -> memref<400xf32, #tpu.memory_space<hbm>>
    %dma_wait3A_1491 = arith.constant 6800 : i32
    %dma_wait3A_1492 = tpu.memref_slice %arg23[%dma_wait3A_1491] : memref<10000xf32, #tpu.memory_space<vmem>> -> memref<400xf32, #tpu.memory_space<vmem>>
    tpu.wait_dma2 semaphore(%arg34 : memref<!tpu.dma_semaphore, #tpu.memory_space<semaphore_mem>>) src(%dma_wait3A_1492 : memref<400xf32, #tpu.memory_space<vmem>>) dst(%dma_wait3A_1490 : memref<400xf32, #tpu.memory_space<hbm>>)
    %add3A_1493 = arith.constant 1376 : i32
    %add3A_1494 = arith.addi %add3A_1493, %add3A : i32
    %mul3A_1495 = arith.constant 400 : i32
    %mul3A_1496 = arith.muli %add3A_1494, %mul3A_1495 : i32
    %multiple_of3A_1497 = tpu.assume_multiple %mul3A_1496, 8 : i32
    %dma_wait3A_1498 = arith.constant 7200 : i32
    %dma_wait3A_1499 = tpu.memref_slice %arg23[%dma_wait3A_1498] : memref<10000xf32, #tpu.memory_space<vmem>> -> memref<400xf32, #tpu.memory_space<vmem>>
    %dma_wait3A_1500 = tpu.memref_slice %arg8[%multiple_of3A_1497] : memref<960000xf32, #tpu.memory_space<hbm>> -> memref<400xf32, #tpu.memory_space<hbm>>
    %dma_wait3A_1501 = tpu.memref_slice %arg8[%multiple_of3A_1497] : memref<960000xf32, #tpu.memory_space<hbm>> -> memref<400xf32, #tpu.memory_space<hbm>>
    %dma_wait3A_1502 = arith.constant 7200 : i32
    %dma_wait3A_1503 = tpu.memref_slice %arg23[%dma_wait3A_1502] : memref<10000xf32, #tpu.memory_space<vmem>> -> memref<400xf32, #tpu.memory_space<vmem>>
    tpu.wait_dma2 semaphore(%arg34 : memref<!tpu.dma_semaphore, #tpu.memory_space<semaphore_mem>>) src(%dma_wait3A_1503 : memref<400xf32, #tpu.memory_space<vmem>>) dst(%dma_wait3A_1501 : memref<400xf32, #tpu.memory_space<hbm>>)
    %add3A_1504 = arith.constant 1408 : i32
    %add3A_1505 = arith.addi %add3A_1504, %add3A : i32
    %mul3A_1506 = arith.constant 400 : i32
    %mul3A_1507 = arith.muli %add3A_1505, %mul3A_1506 : i32
    %multiple_of3A_1508 = tpu.assume_multiple %mul3A_1507, 8 : i32
    %dma_wait3A_1509 = arith.constant 7600 : i32
    %dma_wait3A_1510 = tpu.memref_slice %arg23[%dma_wait3A_1509] : memref<10000xf32, #tpu.memory_space<vmem>> -> memref<400xf32, #tpu.memory_space<vmem>>
    %dma_wait3A_1511 = tpu.memref_slice %arg8[%multiple_of3A_1508] : memref<960000xf32, #tpu.memory_space<hbm>> -> memref<400xf32, #tpu.memory_space<hbm>>
    %dma_wait3A_1512 = tpu.memref_slice %arg8[%multiple_of3A_1508] : memref<960000xf32, #tpu.memory_space<hbm>> -> memref<400xf32, #tpu.memory_space<hbm>>
    %dma_wait3A_1513 = arith.constant 7600 : i32
    %dma_wait3A_1514 = tpu.memref_slice %arg23[%dma_wait3A_1513] : memref<10000xf32, #tpu.memory_space<vmem>> -> memref<400xf32, #tpu.memory_space<vmem>>
    tpu.wait_dma2 semaphore(%arg34 : memref<!tpu.dma_semaphore, #tpu.memory_space<semaphore_mem>>) src(%dma_wait3A_1514 : memref<400xf32, #tpu.memory_space<vmem>>) dst(%dma_wait3A_1512 : memref<400xf32, #tpu.memory_space<hbm>>)
    %add3A_1515 = arith.constant 1440 : i32
    %add3A_1516 = arith.addi %add3A_1515, %add3A : i32
    %mul3A_1517 = arith.constant 400 : i32
    %mul3A_1518 = arith.muli %add3A_1516, %mul3A_1517 : i32
    %multiple_of3A_1519 = tpu.assume_multiple %mul3A_1518, 8 : i32
    %dma_wait3A_1520 = arith.constant 8000 : i32
    %dma_wait3A_1521 = tpu.memref_slice %arg23[%dma_wait3A_1520] : memref<10000xf32, #tpu.memory_space<vmem>> -> memref<400xf32, #tpu.memory_space<vmem>>
    %dma_wait3A_1522 = tpu.memref_slice %arg8[%multiple_of3A_1519] : memref<960000xf32, #tpu.memory_space<hbm>> -> memref<400xf32, #tpu.memory_space<hbm>>
    %dma_wait3A_1523 = tpu.memref_slice %arg8[%multiple_of3A_1519] : memref<960000xf32, #tpu.memory_space<hbm>> -> memref<400xf32, #tpu.memory_space<hbm>>
    %dma_wait3A_1524 = arith.constant 8000 : i32
    %dma_wait3A_1525 = tpu.memref_slice %arg23[%dma_wait3A_1524] : memref<10000xf32, #tpu.memory_space<vmem>> -> memref<400xf32, #tpu.memory_space<vmem>>
    tpu.wait_dma2 semaphore(%arg34 : memref<!tpu.dma_semaphore, #tpu.memory_space<semaphore_mem>>) src(%dma_wait3A_1525 : memref<400xf32, #tpu.memory_space<vmem>>) dst(%dma_wait3A_1523 : memref<400xf32, #tpu.memory_space<hbm>>)
    %add3A_1526 = arith.constant 1472 : i32
    %add3A_1527 = arith.addi %add3A_1526, %add3A : i32
    %mul3A_1528 = arith.constant 400 : i32
    %mul3A_1529 = arith.muli %add3A_1527, %mul3A_1528 : i32
    %multiple_of3A_1530 = tpu.assume_multiple %mul3A_1529, 8 : i32
    %dma_wait3A_1531 = arith.constant 8400 : i32
    %dma_wait3A_1532 = tpu.memref_slice %arg23[%dma_wait3A_1531] : memref<10000xf32, #tpu.memory_space<vmem>> -> memref<400xf32, #tpu.memory_space<vmem>>
    %dma_wait3A_1533 = tpu.memref_slice %arg8[%multiple_of3A_1530] : memref<960000xf32, #tpu.memory_space<hbm>> -> memref<400xf32, #tpu.memory_space<hbm>>
    %dma_wait3A_1534 = tpu.memref_slice %arg8[%multiple_of3A_1530] : memref<960000xf32, #tpu.memory_space<hbm>> -> memref<400xf32, #tpu.memory_space<hbm>>
    %dma_wait3A_1535 = arith.constant 8400 : i32
    %dma_wait3A_1536 = tpu.memref_slice %arg23[%dma_wait3A_1535] : memref<10000xf32, #tpu.memory_space<vmem>> -> memref<400xf32, #tpu.memory_space<vmem>>
    tpu.wait_dma2 semaphore(%arg34 : memref<!tpu.dma_semaphore, #tpu.memory_space<semaphore_mem>>) src(%dma_wait3A_1536 : memref<400xf32, #tpu.memory_space<vmem>>) dst(%dma_wait3A_1534 : memref<400xf32, #tpu.memory_space<hbm>>)
    %add3A_1537 = arith.constant 1504 : i32
    %add3A_1538 = arith.addi %add3A_1537, %add3A : i32
    %mul3A_1539 = arith.constant 400 : i32
    %mul3A_1540 = arith.muli %add3A_1538, %mul3A_1539 : i32
    %multiple_of3A_1541 = tpu.assume_multiple %mul3A_1540, 8 : i32
    %dma_wait3A_1542 = arith.constant 8800 : i32
    %dma_wait3A_1543 = tpu.memref_slice %arg23[%dma_wait3A_1542] : memref<10000xf32, #tpu.memory_space<vmem>> -> memref<400xf32, #tpu.memory_space<vmem>>
    %dma_wait3A_1544 = tpu.memref_slice %arg8[%multiple_of3A_1541] : memref<960000xf32, #tpu.memory_space<hbm>> -> memref<400xf32, #tpu.memory_space<hbm>>
    %dma_wait3A_1545 = tpu.memref_slice %arg8[%multiple_of3A_1541] : memref<960000xf32, #tpu.memory_space<hbm>> -> memref<400xf32, #tpu.memory_space<hbm>>
    %dma_wait3A_1546 = arith.constant 8800 : i32
    %dma_wait3A_1547 = tpu.memref_slice %arg23[%dma_wait3A_1546] : memref<10000xf32, #tpu.memory_space<vmem>> -> memref<400xf32, #tpu.memory_space<vmem>>
    tpu.wait_dma2 semaphore(%arg34 : memref<!tpu.dma_semaphore, #tpu.memory_space<semaphore_mem>>) src(%dma_wait3A_1547 : memref<400xf32, #tpu.memory_space<vmem>>) dst(%dma_wait3A_1545 : memref<400xf32, #tpu.memory_space<hbm>>)
    %add3A_1548 = arith.constant 1536 : i32
    %add3A_1549 = arith.addi %add3A_1548, %add3A : i32
    %mul3A_1550 = arith.constant 400 : i32
    %mul3A_1551 = arith.muli %add3A_1549, %mul3A_1550 : i32
    %multiple_of3A_1552 = tpu.assume_multiple %mul3A_1551, 8 : i32
    %dma_wait3A_1553 = arith.constant 9200 : i32
    %dma_wait3A_1554 = tpu.memref_slice %arg23[%dma_wait3A_1553] : memref<10000xf32, #tpu.memory_space<vmem>> -> memref<400xf32, #tpu.memory_space<vmem>>
    %dma_wait3A_1555 = tpu.memref_slice %arg8[%multiple_of3A_1552] : memref<960000xf32, #tpu.memory_space<hbm>> -> memref<400xf32, #tpu.memory_space<hbm>>
    %dma_wait3A_1556 = tpu.memref_slice %arg8[%multiple_of3A_1552] : memref<960000xf32, #tpu.memory_space<hbm>> -> memref<400xf32, #tpu.memory_space<hbm>>
    %dma_wait3A_1557 = arith.constant 9200 : i32
    %dma_wait3A_1558 = tpu.memref_slice %arg23[%dma_wait3A_1557] : memref<10000xf32, #tpu.memory_space<vmem>> -> memref<400xf32, #tpu.memory_space<vmem>>
    tpu.wait_dma2 semaphore(%arg34 : memref<!tpu.dma_semaphore, #tpu.memory_space<semaphore_mem>>) src(%dma_wait3A_1558 : memref<400xf32, #tpu.memory_space<vmem>>) dst(%dma_wait3A_1556 : memref<400xf32, #tpu.memory_space<hbm>>)
    %add3A_1559 = arith.constant 1568 : i32
    %add3A_1560 = arith.addi %add3A_1559, %add3A : i32
    %mul3A_1561 = arith.constant 400 : i32
    %mul3A_1562 = arith.muli %add3A_1560, %mul3A_1561 : i32
    %multiple_of3A_1563 = tpu.assume_multiple %mul3A_1562, 8 : i32
    %dma_wait3A_1564 = arith.constant 9600 : i32
    %dma_wait3A_1565 = tpu.memref_slice %arg23[%dma_wait3A_1564] : memref<10000xf32, #tpu.memory_space<vmem>> -> memref<400xf32, #tpu.memory_space<vmem>>
    %dma_wait3A_1566 = tpu.memref_slice %arg8[%multiple_of3A_1563] : memref<960000xf32, #tpu.memory_space<hbm>> -> memref<400xf32, #tpu.memory_space<hbm>>
    %dma_wait3A_1567 = tpu.memref_slice %arg8[%multiple_of3A_1563] : memref<960000xf32, #tpu.memory_space<hbm>> -> memref<400xf32, #tpu.memory_space<hbm>>
    %dma_wait3A_1568 = arith.constant 9600 : i32
    %dma_wait3A_1569 = tpu.memref_slice %arg23[%dma_wait3A_1568] : memref<10000xf32, #tpu.memory_space<vmem>> -> memref<400xf32, #tpu.memory_space<vmem>>
    tpu.wait_dma2 semaphore(%arg34 : memref<!tpu.dma_semaphore, #tpu.memory_space<semaphore_mem>>) src(%dma_wait3A_1569 : memref<400xf32, #tpu.memory_space<vmem>>) dst(%dma_wait3A_1567 : memref<400xf32, #tpu.memory_space<hbm>>)
    %mul3A_1570 = arith.constant 10000 : i32
    %mul3A_1571 = arith.muli %add3A, %mul3A_1570 : i32
    %multiple_of3A_1572 = tpu.assume_multiple %mul3A_1571, 8 : i32
    %mul3A_1573 = arith.constant 10000 : i32
    %mul3A_1574 = arith.muli %add3A, %mul3A_1573 : i32
    %add3A_1575 = arith.constant 320000 : i32
    %add3A_1576 = arith.addi %add3A_1575, %mul3A_1574 : i32
    %multiple_of3A_1577 = tpu.assume_multiple %add3A_1576, 8 : i32
    %add3A_1578 = arith.constant 0 : i32
    %add3A_1579 = arith.addi %multiple_of3A_1572, %add3A_1578 : i32
    %multiple_of3A_1580 = tpu.assume_multiple %add3A_1579, 8 : i32
    %add3A_1581 = arith.constant 0 : i32
    %add3A_1582 = arith.addi %multiple_of3A_1577, %add3A_1581 : i32
    %multiple_of3A_1583 = tpu.assume_multiple %add3A_1582, 8 : i32
    %dma_start3A_1584 = tpu.memref_slice %arg5[%multiple_of3A_1580] : memref<640000xi32, #tpu.memory_space<hbm>> -> memref<96xi32, #tpu.memory_space<hbm>>
    %dma_start3A_1585 = tpu.memref_slice %arg5[%multiple_of3A_1580] : memref<640000xi32, #tpu.memory_space<hbm>> -> memref<96xi32, #tpu.memory_space<hbm>>
    tpu.enqueue_dma source(%dma_start3A_1585 : memref<96xi32, #tpu.memory_space<hbm>>) target(%arg12 : memref<96xi32, #tpu.memory_space<vmem>>) target_semaphore(%arg31 : memref<!tpu.dma_semaphore, #tpu.memory_space<semaphore_mem>>)
    %dma_start3A_1586 = tpu.memref_slice %arg5[%multiple_of3A_1583] : memref<640000xi32, #tpu.memory_space<hbm>> -> memref<96xi32, #tpu.memory_space<hbm>>
    %dma_start3A_1587 = tpu.memref_slice %arg5[%multiple_of3A_1583] : memref<640000xi32, #tpu.memory_space<hbm>> -> memref<96xi32, #tpu.memory_space<hbm>>
    tpu.enqueue_dma source(%dma_start3A_1587 : memref<96xi32, #tpu.memory_space<hbm>>) target(%arg15 : memref<96xi32, #tpu.memory_space<vmem>>) target_semaphore(%arg31 : memref<!tpu.dma_semaphore, #tpu.memory_space<semaphore_mem>>)
    %add3A_1588 = arith.constant 96 : i32
    %add3A_1589 = arith.addi %multiple_of3A_1572, %add3A_1588 : i32
    %multiple_of3A_1590 = tpu.assume_multiple %add3A_1589, 8 : i32
    %add3A_1591 = arith.constant 96 : i32
    %add3A_1592 = arith.addi %multiple_of3A_1577, %add3A_1591 : i32
    %multiple_of3A_1593 = tpu.assume_multiple %add3A_1592, 8 : i32
    %dma_start3A_1594 = tpu.memref_slice %arg5[%multiple_of3A_1590] : memref<640000xi32, #tpu.memory_space<hbm>> -> memref<96xi32, #tpu.memory_space<hbm>>
    %dma_start3A_1595 = tpu.memref_slice %arg5[%multiple_of3A_1590] : memref<640000xi32, #tpu.memory_space<hbm>> -> memref<96xi32, #tpu.memory_space<hbm>>
    tpu.enqueue_dma source(%dma_start3A_1595 : memref<96xi32, #tpu.memory_space<hbm>>) target(%arg13 : memref<96xi32, #tpu.memory_space<vmem>>) target_semaphore(%arg32 : memref<!tpu.dma_semaphore, #tpu.memory_space<semaphore_mem>>)
    %dma_start3A_1596 = tpu.memref_slice %arg5[%multiple_of3A_1593] : memref<640000xi32, #tpu.memory_space<hbm>> -> memref<96xi32, #tpu.memory_space<hbm>>
    %dma_start3A_1597 = tpu.memref_slice %arg5[%multiple_of3A_1593] : memref<640000xi32, #tpu.memory_space<hbm>> -> memref<96xi32, #tpu.memory_space<hbm>>
    tpu.enqueue_dma source(%dma_start3A_1597 : memref<96xi32, #tpu.memory_space<hbm>>) target(%arg16 : memref<96xi32, #tpu.memory_space<vmem>>) target_semaphore(%arg32 : memref<!tpu.dma_semaphore, #tpu.memory_space<semaphore_mem>>)
    %add3A_1598 = arith.constant 192 : i32
    %add3A_1599 = arith.addi %multiple_of3A_1572, %add3A_1598 : i32
    %multiple_of3A_1600 = tpu.assume_multiple %add3A_1599, 8 : i32
    %add3A_1601 = arith.constant 192 : i32
    %add3A_1602 = arith.addi %multiple_of3A_1577, %add3A_1601 : i32
    %multiple_of3A_1603 = tpu.assume_multiple %add3A_1602, 8 : i32
    %dma_start3A_1604 = tpu.memref_slice %arg5[%multiple_of3A_1600] : memref<640000xi32, #tpu.memory_space<hbm>> -> memref<96xi32, #tpu.memory_space<hbm>>
    %dma_start3A_1605 = tpu.memref_slice %arg5[%multiple_of3A_1600] : memref<640000xi32, #tpu.memory_space<hbm>> -> memref<96xi32, #tpu.memory_space<hbm>>
    tpu.enqueue_dma source(%dma_start3A_1605 : memref<96xi32, #tpu.memory_space<hbm>>) target(%arg14 : memref<96xi32, #tpu.memory_space<vmem>>) target_semaphore(%arg33 : memref<!tpu.dma_semaphore, #tpu.memory_space<semaphore_mem>>)
    %dma_start3A_1606 = tpu.memref_slice %arg5[%multiple_of3A_1603] : memref<640000xi32, #tpu.memory_space<hbm>> -> memref<96xi32, #tpu.memory_space<hbm>>
    %dma_start3A_1607 = tpu.memref_slice %arg5[%multiple_of3A_1603] : memref<640000xi32, #tpu.memory_space<hbm>> -> memref<96xi32, #tpu.memory_space<hbm>>
    tpu.enqueue_dma source(%dma_start3A_1607 : memref<96xi32, #tpu.memory_space<hbm>>) target(%arg17 : memref<96xi32, #tpu.memory_space<vmem>>) target_semaphore(%arg33 : memref<!tpu.dma_semaphore, #tpu.memory_space<semaphore_mem>>)
    %add3A_1608 = arith.constant 0 : i32
    %add3A_1609 = arith.addi %multiple_of3A_1572, %add3A_1608 : i32
    %multiple_of3A_1610 = tpu.assume_multiple %add3A_1609, 8 : i32
    %add3A_1611 = arith.constant 0 : i32
    %add3A_1612 = arith.addi %multiple_of3A_1577, %add3A_1611 : i32
    %multiple_of3A_1613 = tpu.assume_multiple %add3A_1612, 8 : i32
    %dma_wait3A_1614 = tpu.memref_slice %arg5[%multiple_of3A_1610] : memref<640000xi32, #tpu.memory_space<hbm>> -> memref<96xi32, #tpu.memory_space<hbm>>
    %dma_wait3A_1615 = tpu.memref_slice %arg5[%multiple_of3A_1610] : memref<640000xi32, #tpu.memory_space<hbm>> -> memref<96xi32, #tpu.memory_space<hbm>>
    tpu.wait_dma2 semaphore(%arg31 : memref<!tpu.dma_semaphore, #tpu.memory_space<semaphore_mem>>) src(%dma_wait3A_1615 : memref<96xi32, #tpu.memory_space<hbm>>) dst(%arg12 : memref<96xi32, #tpu.memory_space<vmem>>)
    %dma_wait3A_1616 = tpu.memref_slice %arg5[%multiple_of3A_1613] : memref<640000xi32, #tpu.memory_space<hbm>> -> memref<96xi32, #tpu.memory_space<hbm>>
    %dma_wait3A_1617 = tpu.memref_slice %arg5[%multiple_of3A_1613] : memref<640000xi32, #tpu.memory_space<hbm>> -> memref<96xi32, #tpu.memory_space<hbm>>
    tpu.wait_dma2 semaphore(%arg31 : memref<!tpu.dma_semaphore, #tpu.memory_space<semaphore_mem>>) src(%dma_wait3A_1617 : memref<96xi32, #tpu.memory_space<hbm>>) dst(%arg15 : memref<96xi32, #tpu.memory_space<vmem>>)
    %dma_start3A_1618 = arith.constant 0 : i32
    %dma_start3A_1619 = arith.constant 0 : i32
    %dma_start3A_1620 = tpu.memref_slice %arg2[%dma_start3A_1618, %dma_start3A_1619] : memref<10000x128xf32, #tpu.memory_space<hbm>> -> memref<10000x128xf32, #tpu.memory_space<hbm>>
    tpu.enqueue_indirect_dma source(%dma_start3A_1620 : memref<10000x128xf32, #tpu.memory_space<hbm>>) target(%arg9 : memref<96x128xf32, #tpu.memory_space<vmem>>) offsets(%arg12 : memref<96xi32, #tpu.memory_space<vmem>>) semaphore(%arg25 : memref<!tpu.dma_semaphore, #tpu.memory_space<semaphore_mem>>)
    %add3A_1621 = arith.constant 0 : i32
    %add3A_1622 = arith.addi %add3A_1621, %arg1 : i32
    %lt3A_1623 = arith.constant 25 : i32
    %lt3A_1624 = arith.cmpi slt, %add3A_1622, %lt3A_1623 : i32
    %convert_element_type3A_1625 = arith.extui %lt3A_1624 : i1 to i32
    %cond3A_1626 = arith.constant 0 : i32
    %cond3A_1627 = arith.cmpi ne, %convert_element_type3A_1625, %cond3A_1626 : i32
    scf.if %cond3A_1627 {
      %mul3A_2358 = arith.constant 400 : i32
      %mul3A_2359 = arith.muli %add3A_1622, %mul3A_2358 : i32
      %multiple_of3A_2360 = tpu.assume_multiple %mul3A_2359, 400 : i32
      %dma_start3A_2361 = arith.constant 0 : i32
      %dma_start3A_2362 = tpu.memref_slice %arg24[%multiple_of3A_2360, %dma_start3A_2361] : memref<10000x128xf32, #tpu.memory_space<vmem_shared>> -> memref<400x128xf32, #tpu.memory_space<vmem_shared>>
      tpu.enqueue_dma source(%arg6 : memref<400x128xf32, #tpu.memory_space<hbm>>) target(%dma_start3A_2362 : memref<400x128xf32, #tpu.memory_space<vmem_shared>>) target_semaphore(%arg34 : memref<!tpu.dma_semaphore, #tpu.memory_space<semaphore_mem>>)
    } else {
    }
    %add3A_1628 = arith.constant 16 : i32
    %add3A_1629 = arith.addi %add3A_1628, %arg1 : i32
    %lt3A_1630 = arith.constant 25 : i32
    %lt3A_1631 = arith.cmpi slt, %add3A_1629, %lt3A_1630 : i32
    %convert_element_type3A_1632 = arith.extui %lt3A_1631 : i1 to i32
    %cond3A_1633 = arith.constant 0 : i32
    %cond3A_1634 = arith.cmpi ne, %convert_element_type3A_1632, %cond3A_1633 : i32
    scf.if %cond3A_1634 {
      %mul3A_2358 = arith.constant 400 : i32
      %mul3A_2359 = arith.muli %add3A_1629, %mul3A_2358 : i32
      %multiple_of3A_2360 = tpu.assume_multiple %mul3A_2359, 400 : i32
      %dma_start3A_2361 = arith.constant 0 : i32
      %dma_start3A_2362 = tpu.memref_slice %arg24[%multiple_of3A_2360, %dma_start3A_2361] : memref<10000x128xf32, #tpu.memory_space<vmem_shared>> -> memref<400x128xf32, #tpu.memory_space<vmem_shared>>
      tpu.enqueue_dma source(%arg6 : memref<400x128xf32, #tpu.memory_space<hbm>>) target(%dma_start3A_2362 : memref<400x128xf32, #tpu.memory_space<vmem_shared>>) target_semaphore(%arg34 : memref<!tpu.dma_semaphore, #tpu.memory_space<semaphore_mem>>)
    } else {
    }
    %scan3A_1635 = arith.constant 0 : i32
    %scan3A_1636 = arith.constant 0 : i32
    %scan3A_1637 = arith.constant 625 : i32
    %scan3A_1638 = arith.addi %scan3A_1636, %scan3A_1637 : i32
    %scan3A_1639 = arith.constant 1 : i32
    scf.for %scan3A_2358 = %scan3A_1636 to %scan3A_1638 step %scan3A_1639  : i32 {
      %mul3A_2359 = arith.constant 16 : i32
      %mul3A_2360 = arith.muli %scan3A_2358, %mul3A_2359 : i32
      %swap3A_2361 = arith.index_cast %mul3A_2360 : i32 to index
      %swap3A_2362 = tpu.vector_load %arg23[%swap3A_2361] {strides = array<i32>} : memref<10000xf32, #tpu.memory_space<vmem>>, vector<16xf32>,
      tpu.vector_store %arg23[%swap3A_2361], %broadcast_in_dim3A_1 {strides = array<i32>} : memref<10000xf32, #tpu.memory_space<vmem>>, vector<16xf32>,
    }
    %scan3A_1640 = arith.constant 625 : i32
    %add3A_1641 = arith.constant 0 : i32
    %add3A_1642 = arith.addi %add3A_1641, %arg1 : i32
    %lt3A_1643 = arith.constant 25 : i32
    %lt3A_1644 = arith.cmpi slt, %add3A_1642, %lt3A_1643 : i32
    %convert_element_type3A_1645 = arith.extui %lt3A_1644 : i1 to i32
    %cond3A_1646 = arith.constant 0 : i32
    %cond3A_1647 = arith.cmpi ne, %convert_element_type3A_1645, %cond3A_1646 : i32
    scf.if %cond3A_1647 {
      %mul3A_2358 = arith.constant 400 : i32
      %mul3A_2359 = arith.muli %add3A_1642, %mul3A_2358 : i32
      %multiple_of3A_2360 = tpu.assume_multiple %mul3A_2359, 400 : i32
      %dma_wait3A_2361 = arith.constant 0 : i32
      %dma_wait3A_2362 = tpu.memref_slice %arg24[%multiple_of3A_2360, %dma_wait3A_2361] : memref<10000x128xf32, #tpu.memory_space<vmem_shared>> -> memref<400x128xf32, #tpu.memory_space<vmem_shared>>
      tpu.wait_dma2 semaphore(%arg34 : memref<!tpu.dma_semaphore, #tpu.memory_space<semaphore_mem>>) src(%arg6 : memref<400x128xf32, #tpu.memory_space<hbm>>) dst(%dma_wait3A_2362 : memref<400x128xf32, #tpu.memory_space<vmem_shared>>)
    } else {
    }
    %add3A_1648 = arith.constant 16 : i32
    %add3A_1649 = arith.addi %add3A_1648, %arg1 : i32
    %lt3A_1650 = arith.constant 25 : i32
    %lt3A_1651 = arith.cmpi slt, %add3A_1649, %lt3A_1650 : i32
    %convert_element_type3A_1652 = arith.extui %lt3A_1651 : i1 to i32
    %cond3A_1653 = arith.constant 0 : i32
    %cond3A_1654 = arith.cmpi ne, %convert_element_type3A_1652, %cond3A_1653 : i32
    scf.if %cond3A_1654 {
      %mul3A_2358 = arith.constant 400 : i32
      %mul3A_2359 = arith.muli %add3A_1649, %mul3A_2358 : i32
      %multiple_of3A_2360 = tpu.assume_multiple %mul3A_2359, 400 : i32
      %dma_wait3A_2361 = arith.constant 0 : i32
      %dma_wait3A_2362 = tpu.memref_slice %arg24[%multiple_of3A_2360, %dma_wait3A_2361] : memref<10000x128xf32, #tpu.memory_space<vmem_shared>> -> memref<400x128xf32, #tpu.memory_space<vmem_shared>>
      tpu.wait_dma2 semaphore(%arg34 : memref<!tpu.dma_semaphore, #tpu.memory_space<semaphore_mem>>) src(%arg6 : memref<400x128xf32, #tpu.memory_space<hbm>>) dst(%dma_wait3A_2362 : memref<400x128xf32, #tpu.memory_space<vmem_shared>>)
    } else {
    }
    %barrier3A_1655 = arith.constant 0 : index
    tpu.barrier barrier_id(%barrier3A_1655)
    %scan3A_1656 = arith.constant 0 : i32
    %scan3A_1657 = arith.constant 0 : i32
    %scan3A_1658 = arith.constant 34 : i32
    %scan3A_1659 = arith.addi %scan3A_1657, %scan3A_1658 : i32
    %scan3A_1660 = arith.constant 1 : i32
    scf.for %scan3A_2358 = %scan3A_1657 to %scan3A_1659 step %scan3A_1660  : i32 {
      %mul3A_2359 = arith.constant 3 : i32
      %mul3A_2360 = arith.muli %mul3A_2359, %scan3A_2358 : i32
      %add3A_2361 = arith.constant 0 : i32
      %add3A_2362 = arith.addi %mul3A_2360, %add3A_2361 : i32
      %gt3A = arith.constant 0 : i32
      %gt3A_2363 = arith.cmpi sgt, %scan3A_2358, %gt3A : i32
      %convert_element_type3A_2364 = arith.extui %gt3A_2363 : i1 to i32
      %cond3A_2365 = arith.constant 0 : i32
      %cond3A_2366 = arith.cmpi ne, %convert_element_type3A_2364, %cond3A_2365 : i32
      scf.if %cond3A_2366 {
        %dma_wait3A_2559 = arith.constant 0 : i32
        %dma_wait3A_2560 = arith.constant 0 : i32
        %dma_wait3A_2561 = tpu.memref_slice %arg24[%dma_wait3A_2559, %dma_wait3A_2560] : memref<10000x128xf32, #tpu.memory_space<vmem_shared>> -> memref<10000x128xf32, #tpu.memory_space<vmem_shared>>
        tpu.wait_indirect_dma semaphore(%arg29 : memref<!tpu.dma_semaphore, #tpu.memory_space<semaphore_mem>>) src(%arg10 : memref<96x128xf32, #tpu.memory_space<vmem>>) dst(%dma_wait3A_2561 : memref<10000x128xf32, #tpu.memory_space<vmem_shared>>)
      } else {
      }
      %add3A_2367 = arith.constant 1 : i32
      %add3A_2368 = arith.addi %add3A_2362, %add3A_2367 : i32
      %mul3A_2369 = arith.constant 96 : i32
      %mul3A_2370 = arith.muli %add3A_2368, %mul3A_2369 : i32
      %add3A_2371 = arith.addi %multiple_of3A_1572, %mul3A_2370 : i32
      %multiple_of3A_2372 = tpu.assume_multiple %add3A_2371, 8 : i32
      %mul3A_2373 = arith.constant 96 : i32
      %mul3A_2374 = arith.muli %add3A_2368, %mul3A_2373 : i32
      %add3A_2375 = arith.addi %multiple_of3A_1577, %mul3A_2374 : i32
      %multiple_of3A_2376 = tpu.assume_multiple %add3A_2375, 8 : i32
      %dma_wait3A_2377 = tpu.memref_slice %arg5[%multiple_of3A_2372] : memref<640000xi32, #tpu.memory_space<hbm>> -> memref<96xi32, #tpu.memory_space<hbm>>
      %dma_wait3A_2378 = tpu.memref_slice %arg5[%multiple_of3A_2372] : memref<640000xi32, #tpu.memory_space<hbm>> -> memref<96xi32, #tpu.memory_space<hbm>>
      tpu.wait_dma2 semaphore(%arg32 : memref<!tpu.dma_semaphore, #tpu.memory_space<semaphore_mem>>) src(%dma_wait3A_2378 : memref<96xi32, #tpu.memory_space<hbm>>) dst(%arg13 : memref<96xi32, #tpu.memory_space<vmem>>)
      %dma_wait3A_2379 = tpu.memref_slice %arg5[%multiple_of3A_2376] : memref<640000xi32, #tpu.memory_space<hbm>> -> memref<96xi32, #tpu.memory_space<hbm>>
      %dma_wait3A_2380 = tpu.memref_slice %arg5[%multiple_of3A_2376] : memref<640000xi32, #tpu.memory_space<hbm>> -> memref<96xi32, #tpu.memory_space<hbm>>
      tpu.wait_dma2 semaphore(%arg32 : memref<!tpu.dma_semaphore, #tpu.memory_space<semaphore_mem>>) src(%dma_wait3A_2380 : memref<96xi32, #tpu.memory_space<hbm>>) dst(%arg16 : memref<96xi32, #tpu.memory_space<vmem>>)
      %dma_start3A_2381 = arith.constant 0 : i32
      %dma_start3A_2382 = arith.constant 0 : i32
      %dma_start3A_2383 = tpu.memref_slice %arg2[%dma_start3A_2381, %dma_start3A_2382] : memref<10000x128xf32, #tpu.memory_space<hbm>> -> memref<10000x128xf32, #tpu.memory_space<hbm>>
      tpu.enqueue_indirect_dma source(%dma_start3A_2383 : memref<10000x128xf32, #tpu.memory_space<hbm>>) target(%arg10 : memref<96x128xf32, #tpu.memory_space<vmem>>) offsets(%arg13 : memref<96xi32, #tpu.memory_space<vmem>>) semaphore(%arg26 : memref<!tpu.dma_semaphore, #tpu.memory_space<semaphore_mem>>)
      %dma_wait3A_2384 = arith.constant 0 : i32
      %dma_wait3A_2385 = arith.constant 0 : i32
      %dma_wait3A_2386 = tpu.memref_slice %arg2[%dma_wait3A_2384, %dma_wait3A_2385] : memref<10000x128xf32, #tpu.memory_space<hbm>> -> memref<10000x128xf32, #tpu.memory_space<hbm>>
      tpu.wait_indirect_dma semaphore(%arg25 : memref<!tpu.dma_semaphore, #tpu.memory_space<semaphore_mem>>) src(%dma_wait3A_2386 : memref<10000x128xf32, #tpu.memory_space<hbm>>) dst(%arg9 : memref<96x128xf32, #tpu.memory_space<vmem>>)
      %get3A_2387 = arith.constant 0 : index
      %get3A_2388 = tpu.vector_load %arg15[%get3A_2387] {strides = array<i32>} : memref<96xi32, #tpu.memory_space<vmem>>, vector<16xi32>,
      tpu.vector_store_idx %arg23[%get3A_2388], %broadcast_in_dim3A_3 {add = true} : memref<10000xf32, #tpu.memory_space<vmem>>[vector<16xi32>], vector<16xf32>,
      %swap3A_2389 = arith.constant 0 : index
      %swap3A_2390 = tpu.vector_load %arg18[%swap3A_2389] {strides = array<i32>} : memref<96xi32, #tpu.memory_space<vmem>>, vector<16xi32>,
      tpu.vector_store %arg18[%swap3A_2389], %get3A_2388 {strides = array<i32>} : memref<96xi32, #tpu.memory_space<vmem>>, vector<16xi32>,
      %get3A_2391 = arith.constant 16 : index
      %get3A_2392 = tpu.vector_load %arg15[%get3A_2391] {strides = array<i32>} : memref<96xi32, #tpu.memory_space<vmem>>, vector<16xi32>,
      tpu.vector_store_idx %arg23[%get3A_2392], %broadcast_in_dim3A_3 {add = true} : memref<10000xf32, #tpu.memory_space<vmem>>[vector<16xi32>], vector<16xf32>,
      %swap3A_2393 = arith.constant 16 : index
      %swap3A_2394 = tpu.vector_load %arg18[%swap3A_2393] {strides = array<i32>} : memref<96xi32, #tpu.memory_space<vmem>>, vector<16xi32>,
      tpu.vector_store %arg18[%swap3A_2393], %get3A_2392 {strides = array<i32>} : memref<96xi32, #tpu.memory_space<vmem>>, vector<16xi32>,
      %get3A_2395 = arith.constant 32 : index
      %get3A_2396 = tpu.vector_load %arg15[%get3A_2395] {strides = array<i32>} : memref<96xi32, #tpu.memory_space<vmem>>, vector<16xi32>,
      tpu.vector_store_idx %arg23[%get3A_2396], %broadcast_in_dim3A_3 {add = true} : memref<10000xf32, #tpu.memory_space<vmem>>[vector<16xi32>], vector<16xf32>,
      %swap3A_2397 = arith.constant 32 : index
      %swap3A_2398 = tpu.vector_load %arg18[%swap3A_2397] {strides = array<i32>} : memref<96xi32, #tpu.memory_space<vmem>>, vector<16xi32>,
      tpu.vector_store %arg18[%swap3A_2397], %get3A_2396 {strides = array<i32>} : memref<96xi32, #tpu.memory_space<vmem>>, vector<16xi32>,
      %get3A_2399 = arith.constant 48 : index
      %get3A_2400 = tpu.vector_load %arg15[%get3A_2399] {strides = array<i32>} : memref<96xi32, #tpu.memory_space<vmem>>, vector<16xi32>,
      tpu.vector_store_idx %arg23[%get3A_2400], %broadcast_in_dim3A_3 {add = true} : memref<10000xf32, #tpu.memory_space<vmem>>[vector<16xi32>], vector<16xf32>,
      %swap3A_2401 = arith.constant 48 : index
      %swap3A_2402 = tpu.vector_load %arg18[%swap3A_2401] {strides = array<i32>} : memref<96xi32, #tpu.memory_space<vmem>>, vector<16xi32>,
      tpu.vector_store %arg18[%swap3A_2401], %get3A_2400 {strides = array<i32>} : memref<96xi32, #tpu.memory_space<vmem>>, vector<16xi32>,
      %get3A_2403 = arith.constant 64 : index
      %get3A_2404 = tpu.vector_load %arg15[%get3A_2403] {strides = array<i32>} : memref<96xi32, #tpu.memory_space<vmem>>, vector<16xi32>,
      tpu.vector_store_idx %arg23[%get3A_2404], %broadcast_in_dim3A_3 {add = true} : memref<10000xf32, #tpu.memory_space<vmem>>[vector<16xi32>], vector<16xf32>,
      %swap3A_2405 = arith.constant 64 : index
      %swap3A_2406 = tpu.vector_load %arg18[%swap3A_2405] {strides = array<i32>} : memref<96xi32, #tpu.memory_space<vmem>>, vector<16xi32>,
      tpu.vector_store %arg18[%swap3A_2405], %get3A_2404 {strides = array<i32>} : memref<96xi32, #tpu.memory_space<vmem>>, vector<16xi32>,
      %get3A_2407 = arith.constant 80 : index
      %get3A_2408 = tpu.vector_load %arg15[%get3A_2407] {strides = array<i32>} : memref<96xi32, #tpu.memory_space<vmem>>, vector<16xi32>,
      tpu.vector_store_idx %arg23[%get3A_2408], %broadcast_in_dim3A_3 {add = true} : memref<10000xf32, #tpu.memory_space<vmem>>[vector<16xi32>], vector<16xf32>,
      %swap3A_2409 = arith.constant 80 : index
      %swap3A_2410 = tpu.vector_load %arg18[%swap3A_2409] {strides = array<i32>} : memref<96xi32, #tpu.memory_space<vmem>>, vector<16xi32>,
      tpu.vector_store %arg18[%swap3A_2409], %get3A_2408 {strides = array<i32>} : memref<96xi32, #tpu.memory_space<vmem>>, vector<16xi32>,
      %dma_start3A_2411 = arith.constant 0 : i32
      %dma_start3A_2412 = arith.constant 0 : i32
      %dma_start3A_2413 = tpu.memref_slice %arg24[%dma_start3A_2411, %dma_start3A_2412] : memref<10000x128xf32, #tpu.memory_space<vmem_shared>> -> memref<10000x128xf32, #tpu.memory_space<vmem_shared>>
      tpu.enqueue_indirect_dma source(%arg9 : memref<96x128xf32, #tpu.memory_space<vmem>>) target(%dma_start3A_2413 : memref<10000x128xf32, #tpu.memory_space<vmem_shared>>) offsets(%arg18 : memref<96xi32, #tpu.memory_space<vmem>>) semaphore(%arg28 : memref<!tpu.dma_semaphore, #tpu.memory_space<semaphore_mem>>) {add = true}
      %add3A_2414 = arith.constant 3 : i32
      %add3A_2415 = arith.addi %add3A_2362, %add3A_2414 : i32
      %mul3A_2416 = arith.constant 96 : i32
      %mul3A_2417 = arith.muli %add3A_2415, %mul3A_2416 : i32
      %add3A_2418 = arith.addi %multiple_of3A_1572, %mul3A_2417 : i32
      %multiple_of3A_2419 = tpu.assume_multiple %add3A_2418, 8 : i32
      %mul3A_2420 = arith.constant 96 : i32
      %mul3A_2421 = arith.muli %add3A_2415, %mul3A_2420 : i32
      %add3A_2422 = arith.addi %multiple_of3A_1577, %mul3A_2421 : i32
      %multiple_of3A_2423 = tpu.assume_multiple %add3A_2422, 8 : i32
      %dma_start3A_2424 = tpu.memref_slice %arg5[%multiple_of3A_2419] : memref<640000xi32, #tpu.memory_space<hbm>> -> memref<96xi32, #tpu.memory_space<hbm>>
      %dma_start3A_2425 = tpu.memref_slice %arg5[%multiple_of3A_2419] : memref<640000xi32, #tpu.memory_space<hbm>> -> memref<96xi32, #tpu.memory_space<hbm>>
      tpu.enqueue_dma source(%dma_start3A_2425 : memref<96xi32, #tpu.memory_space<hbm>>) target(%arg12 : memref<96xi32, #tpu.memory_space<vmem>>) target_semaphore(%arg31 : memref<!tpu.dma_semaphore, #tpu.memory_space<semaphore_mem>>)
      %dma_start3A_2426 = tpu.memref_slice %arg5[%multiple_of3A_2423] : memref<640000xi32, #tpu.memory_space<hbm>> -> memref<96xi32, #tpu.memory_space<hbm>>
      %dma_start3A_2427 = tpu.memref_slice %arg5[%multiple_of3A_2423] : memref<640000xi32, #tpu.memory_space<hbm>> -> memref<96xi32, #tpu.memory_space<hbm>>
      tpu.enqueue_dma source(%dma_start3A_2427 : memref<96xi32, #tpu.memory_space<hbm>>) target(%arg15 : memref<96xi32, #tpu.memory_space<vmem>>) target_semaphore(%arg31 : memref<!tpu.dma_semaphore, #tpu.memory_space<semaphore_mem>>)
      %mul3A_2428 = arith.constant 3 : i32
      %mul3A_2429 = arith.muli %mul3A_2428, %scan3A_2358 : i32
      %add3A_2430 = arith.constant 1 : i32
      %add3A_2431 = arith.addi %mul3A_2429, %add3A_2430 : i32
      %gt3A_2432 = arith.constant 0 : i32
      %gt3A_2433 = arith.cmpi sgt, %scan3A_2358, %gt3A_2432 : i32
      %convert_element_type3A_2434 = arith.extui %gt3A_2433 : i1 to i32
      %cond3A_2435 = arith.constant 0 : i32
      %cond3A_2436 = arith.cmpi ne, %convert_element_type3A_2434, %cond3A_2435 : i32
      scf.if %cond3A_2436 {
        %dma_wait3A_2559 = arith.constant 0 : i32
        %dma_wait3A_2560 = arith.constant 0 : i32
        %dma_wait3A_2561 = tpu.memref_slice %arg24[%dma_wait3A_2559, %dma_wait3A_2560] : memref<10000x128xf32, #tpu.memory_space<vmem_shared>> -> memref<10000x128xf32, #tpu.memory_space<vmem_shared>>
        tpu.wait_indirect_dma semaphore(%arg30 : memref<!tpu.dma_semaphore, #tpu.memory_space<semaphore_mem>>) src(%arg11 : memref<96x128xf32, #tpu.memory_space<vmem>>) dst(%dma_wait3A_2561 : memref<10000x128xf32, #tpu.memory_space<vmem_shared>>)
      } else {
      }
      %add3A_2437 = arith.constant 1 : i32
      %add3A_2438 = arith.addi %add3A_2431, %add3A_2437 : i32
      %mul3A_2439 = arith.constant 96 : i32
      %mul3A_2440 = arith.muli %add3A_2438, %mul3A_2439 : i32
      %add3A_2441 = arith.addi %multiple_of3A_1572, %mul3A_2440 : i32
      %multiple_of3A_2442 = tpu.assume_multiple %add3A_2441, 8 : i32
      %mul3A_2443 = arith.constant 96 : i32
      %mul3A_2444 = arith.muli %add3A_2438, %mul3A_2443 : i32
      %add3A_2445 = arith.addi %multiple_of3A_1577, %mul3A_2444 : i32
      %multiple_of3A_2446 = tpu.assume_multiple %add3A_2445, 8 : i32
      %dma_wait3A_2447 = tpu.memref_slice %arg5[%multiple_of3A_2442] : memref<640000xi32, #tpu.memory_space<hbm>> -> memref<96xi32, #tpu.memory_space<hbm>>
      %dma_wait3A_2448 = tpu.memref_slice %arg5[%multiple_of3A_2442] : memref<640000xi32, #tpu.memory_space<hbm>> -> memref<96xi32, #tpu.memory_space<hbm>>
      tpu.wait_dma2 semaphore(%arg33 : memref<!tpu.dma_semaphore, #tpu.memory_space<semaphore_mem>>) src(%dma_wait3A_2448 : memref<96xi32, #tpu.memory_space<hbm>>) dst(%arg14 : memref<96xi32, #tpu.memory_space<vmem>>)
      %dma_wait3A_2449 = tpu.memref_slice %arg5[%multiple_of3A_2446] : memref<640000xi32, #tpu.memory_space<hbm>> -> memref<96xi32, #tpu.memory_space<hbm>>
      %dma_wait3A_2450 = tpu.memref_slice %arg5[%multiple_of3A_2446] : memref<640000xi32, #tpu.memory_space<hbm>> -> memref<96xi32, #tpu.memory_space<hbm>>
      tpu.wait_dma2 semaphore(%arg33 : memref<!tpu.dma_semaphore, #tpu.memory_space<semaphore_mem>>) src(%dma_wait3A_2450 : memref<96xi32, #tpu.memory_space<hbm>>) dst(%arg17 : memref<96xi32, #tpu.memory_space<vmem>>)
      %dma_start3A_2451 = arith.constant 0 : i32
      %dma_start3A_2452 = arith.constant 0 : i32
      %dma_start3A_2453 = tpu.memref_slice %arg2[%dma_start3A_2451, %dma_start3A_2452] : memref<10000x128xf32, #tpu.memory_space<hbm>> -> memref<10000x128xf32, #tpu.memory_space<hbm>>
      tpu.enqueue_indirect_dma source(%dma_start3A_2453 : memref<10000x128xf32, #tpu.memory_space<hbm>>) target(%arg11 : memref<96x128xf32, #tpu.memory_space<vmem>>) offsets(%arg14 : memref<96xi32, #tpu.memory_space<vmem>>) semaphore(%arg27 : memref<!tpu.dma_semaphore, #tpu.memory_space<semaphore_mem>>)
      %dma_wait3A_2454 = arith.constant 0 : i32
      %dma_wait3A_2455 = arith.constant 0 : i32
      %dma_wait3A_2456 = tpu.memref_slice %arg2[%dma_wait3A_2454, %dma_wait3A_2455] : memref<10000x128xf32, #tpu.memory_space<hbm>> -> memref<10000x128xf32, #tpu.memory_space<hbm>>
      tpu.wait_indirect_dma semaphore(%arg26 : memref<!tpu.dma_semaphore, #tpu.memory_space<semaphore_mem>>) src(%dma_wait3A_2456 : memref<10000x128xf32, #tpu.memory_space<hbm>>) dst(%arg10 : memref<96x128xf32, #tpu.memory_space<vmem>>)
      %get3A_2457 = arith.constant 0 : index
      %get3A_2458 = tpu.vector_load %arg16[%get3A_2457] {strides = array<i32>} : memref<96xi32, #tpu.memory_space<vmem>>, vector<16xi32>,
      tpu.vector_store_idx %arg23[%get3A_2458], %broadcast_in_dim3A_3 {add = true} : memref<10000xf32, #tpu.memory_space<vmem>>[vector<16xi32>], vector<16xf32>,
      %swap3A_2459 = arith.constant 0 : index
      %swap3A_2460 = tpu.vector_load %arg19[%swap3A_2459] {strides = array<i32>} : memref<96xi32, #tpu.memory_space<vmem>>, vector<16xi32>,
      tpu.vector_store %arg19[%swap3A_2459], %get3A_2458 {strides = array<i32>} : memref<96xi32, #tpu.memory_space<vmem>>, vector<16xi32>,
      %get3A_2461 = arith.constant 16 : index
      %get3A_2462 = tpu.vector_load %arg16[%get3A_2461] {strides = array<i32>} : memref<96xi32, #tpu.memory_space<vmem>>, vector<16xi32>,
      tpu.vector_store_idx %arg23[%get3A_2462], %broadcast_in_dim3A_3 {add = true} : memref<10000xf32, #tpu.memory_space<vmem>>[vector<16xi32>], vector<16xf32>,
      %swap3A_2463 = arith.constant 16 : index
      %swap3A_2464 = tpu.vector_load %arg19[%swap3A_2463] {strides = array<i32>} : memref<96xi32, #tpu.memory_space<vmem>>, vector<16xi32>,
      tpu.vector_store %arg19[%swap3A_2463], %get3A_2462 {strides = array<i32>} : memref<96xi32, #tpu.memory_space<vmem>>, vector<16xi32>,
      %get3A_2465 = arith.constant 32 : index
      %get3A_2466 = tpu.vector_load %arg16[%get3A_2465] {strides = array<i32>} : memref<96xi32, #tpu.memory_space<vmem>>, vector<16xi32>,
      tpu.vector_store_idx %arg23[%get3A_2466], %broadcast_in_dim3A_3 {add = true} : memref<10000xf32, #tpu.memory_space<vmem>>[vector<16xi32>], vector<16xf32>,
      %swap3A_2467 = arith.constant 32 : index
      %swap3A_2468 = tpu.vector_load %arg19[%swap3A_2467] {strides = array<i32>} : memref<96xi32, #tpu.memory_space<vmem>>, vector<16xi32>,
      tpu.vector_store %arg19[%swap3A_2467], %get3A_2466 {strides = array<i32>} : memref<96xi32, #tpu.memory_space<vmem>>, vector<16xi32>,
      %get3A_2469 = arith.constant 48 : index
      %get3A_2470 = tpu.vector_load %arg16[%get3A_2469] {strides = array<i32>} : memref<96xi32, #tpu.memory_space<vmem>>, vector<16xi32>,
      tpu.vector_store_idx %arg23[%get3A_2470], %broadcast_in_dim3A_3 {add = true} : memref<10000xf32, #tpu.memory_space<vmem>>[vector<16xi32>], vector<16xf32>,
      %swap3A_2471 = arith.constant 48 : index
      %swap3A_2472 = tpu.vector_load %arg19[%swap3A_2471] {strides = array<i32>} : memref<96xi32, #tpu.memory_space<vmem>>, vector<16xi32>,
      tpu.vector_store %arg19[%swap3A_2471], %get3A_2470 {strides = array<i32>} : memref<96xi32, #tpu.memory_space<vmem>>, vector<16xi32>,
      %get3A_2473 = arith.constant 64 : index
      %get3A_2474 = tpu.vector_load %arg16[%get3A_2473] {strides = array<i32>} : memref<96xi32, #tpu.memory_space<vmem>>, vector<16xi32>,
      tpu.vector_store_idx %arg23[%get3A_2474], %broadcast_in_dim3A_3 {add = true} : memref<10000xf32, #tpu.memory_space<vmem>>[vector<16xi32>], vector<16xf32>,
      %swap3A_2475 = arith.constant 64 : index
      %swap3A_2476 = tpu.vector_load %arg19[%swap3A_2475] {strides = array<i32>} : memref<96xi32, #tpu.memory_space<vmem>>, vector<16xi32>,
      tpu.vector_store %arg19[%swap3A_2475], %get3A_2474 {strides = array<i32>} : memref<96xi32, #tpu.memory_space<vmem>>, vector<16xi32>,
      %get3A_2477 = arith.constant 80 : index
      %get3A_2478 = tpu.vector_load %arg16[%get3A_2477] {strides = array<i32>} : memref<96xi32, #tpu.memory_space<vmem>>, vector<16xi32>,
      tpu.vector_store_idx %arg23[%get3A_2478], %broadcast_in_dim3A_3 {add = true} : memref<10000xf32, #tpu.memory_space<vmem>>[vector<16xi32>], vector<16xf32>,
      %swap3A_2479 = arith.constant 80 : index
      %swap3A_2480 = tpu.vector_load %arg19[%swap3A_2479] {strides = array<i32>} : memref<96xi32, #tpu.memory_space<vmem>>, vector<16xi32>,
      tpu.vector_store %arg19[%swap3A_2479], %get3A_2478 {strides = array<i32>} : memref<96xi32, #tpu.memory_space<vmem>>, vector<16xi32>,
      %dma_start3A_2481 = arith.constant 0 : i32
      %dma_start3A_2482 = arith.constant 0 : i32
      %dma_start3A_2483 = tpu.memref_slice %arg24[%dma_start3A_2481, %dma_start3A_2482] : memref<10000x128xf32, #tpu.memory_space<vmem_shared>> -> memref<10000x128xf32, #tpu.memory_space<vmem_shared>>
      tpu.enqueue_indirect_dma source(%arg10 : memref<96x128xf32, #tpu.memory_space<vmem>>) target(%dma_start3A_2483 : memref<10000x128xf32, #tpu.memory_space<vmem_shared>>) offsets(%arg19 : memref<96xi32, #tpu.memory_space<vmem>>) semaphore(%arg29 : memref<!tpu.dma_semaphore, #tpu.memory_space<semaphore_mem>>) {add = true}
      %add3A_2484 = arith.constant 3 : i32
      %add3A_2485 = arith.addi %add3A_2431, %add3A_2484 : i32
      %mul3A_2486 = arith.constant 96 : i32
      %mul3A_2487 = arith.muli %add3A_2485, %mul3A_2486 : i32
      %add3A_2488 = arith.addi %multiple_of3A_1572, %mul3A_2487 : i32
      %multiple_of3A_2489 = tpu.assume_multiple %add3A_2488, 8 : i32
      %mul3A_2490 = arith.constant 96 : i32
      %mul3A_2491 = arith.muli %add3A_2485, %mul3A_2490 : i32
      %add3A_2492 = arith.addi %multiple_of3A_1577, %mul3A_2491 : i32
      %multiple_of3A_2493 = tpu.assume_multiple %add3A_2492, 8 : i32
      %dma_start3A_2494 = tpu.memref_slice %arg5[%multiple_of3A_2489] : memref<640000xi32, #tpu.memory_space<hbm>> -> memref<96xi32, #tpu.memory_space<hbm>>
      %dma_start3A_2495 = tpu.memref_slice %arg5[%multiple_of3A_2489] : memref<640000xi32, #tpu.memory_space<hbm>> -> memref<96xi32, #tpu.memory_space<hbm>>
      tpu.enqueue_dma source(%dma_start3A_2495 : memref<96xi32, #tpu.memory_space<hbm>>) target(%arg13 : memref<96xi32, #tpu.memory_space<vmem>>) target_semaphore(%arg32 : memref<!tpu.dma_semaphore, #tpu.memory_space<semaphore_mem>>)
      %dma_start3A_2496 = tpu.memref_slice %arg5[%multiple_of3A_2493] : memref<640000xi32, #tpu.memory_space<hbm>> -> memref<96xi32, #tpu.memory_space<hbm>>
      %dma_start3A_2497 = tpu.memref_slice %arg5[%multiple_of3A_2493] : memref<640000xi32, #tpu.memory_space<hbm>> -> memref<96xi32, #tpu.memory_space<hbm>>
      tpu.enqueue_dma source(%dma_start3A_2497 : memref<96xi32, #tpu.memory_space<hbm>>) target(%arg16 : memref<96xi32, #tpu.memory_space<vmem>>) target_semaphore(%arg32 : memref<!tpu.dma_semaphore, #tpu.memory_space<semaphore_mem>>)
      %mul3A_2498 = arith.constant 3 : i32
      %mul3A_2499 = arith.muli %mul3A_2498, %scan3A_2358 : i32
      %add3A_2500 = arith.constant 2 : i32
      %add3A_2501 = arith.addi %mul3A_2499, %add3A_2500 : i32
      %dma_wait3A_2502 = arith.constant 0 : i32
      %dma_wait3A_2503 = arith.constant 0 : i32
      %dma_wait3A_2504 = tpu.memref_slice %arg24[%dma_wait3A_2502, %dma_wait3A_2503] : memref<10000x128xf32, #tpu.memory_space<vmem_shared>> -> memref<10000x128xf32, #tpu.memory_space<vmem_shared>>
      tpu.wait_indirect_dma semaphore(%arg28 : memref<!tpu.dma_semaphore, #tpu.memory_space<semaphore_mem>>) src(%arg9 : memref<96x128xf32, #tpu.memory_space<vmem>>) dst(%dma_wait3A_2504 : memref<10000x128xf32, #tpu.memory_space<vmem_shared>>)
      %add3A_2505 = arith.constant 1 : i32
      %add3A_2506 = arith.addi %add3A_2501, %add3A_2505 : i32
      %mul3A_2507 = arith.constant 96 : i32
      %mul3A_2508 = arith.muli %add3A_2506, %mul3A_2507 : i32
      %add3A_2509 = arith.addi %multiple_of3A_1572, %mul3A_2508 : i32
      %multiple_of3A_2510 = tpu.assume_multiple %add3A_2509, 8 : i32
      %mul3A_2511 = arith.constant 96 : i32
      %mul3A_2512 = arith.muli %add3A_2506, %mul3A_2511 : i32
      %add3A_2513 = arith.addi %multiple_of3A_1577, %mul3A_2512 : i32
      %multiple_of3A_2514 = tpu.assume_multiple %add3A_2513, 8 : i32
      %dma_wait3A_2515 = tpu.memref_slice %arg5[%multiple_of3A_2510] : memref<640000xi32, #tpu.memory_space<hbm>> -> memref<96xi32, #tpu.memory_space<hbm>>
      %dma_wait3A_2516 = tpu.memref_slice %arg5[%multiple_of3A_2510] : memref<640000xi32, #tpu.memory_space<hbm>> -> memref<96xi32, #tpu.memory_space<hbm>>
      tpu.wait_dma2 semaphore(%arg31 : memref<!tpu.dma_semaphore, #tpu.memory_space<semaphore_mem>>) src(%dma_wait3A_2516 : memref<96xi32, #tpu.memory_space<hbm>>) dst(%arg12 : memref<96xi32, #tpu.memory_space<vmem>>)
      %dma_wait3A_2517 = tpu.memref_slice %arg5[%multiple_of3A_2514] : memref<640000xi32, #tpu.memory_space<hbm>> -> memref<96xi32, #tpu.memory_space<hbm>>
      %dma_wait3A_2518 = tpu.memref_slice %arg5[%multiple_of3A_2514] : memref<640000xi32, #tpu.memory_space<hbm>> -> memref<96xi32, #tpu.memory_space<hbm>>
      tpu.wait_dma2 semaphore(%arg31 : memref<!tpu.dma_semaphore, #tpu.memory_space<semaphore_mem>>) src(%dma_wait3A_2518 : memref<96xi32, #tpu.memory_space<hbm>>) dst(%arg15 : memref<96xi32, #tpu.memory_space<vmem>>)
      %dma_start3A_2519 = arith.constant 0 : i32
      %dma_start3A_2520 = arith.constant 0 : i32
      %dma_start3A_2521 = tpu.memref_slice %arg2[%dma_start3A_2519, %dma_start3A_2520] : memref<10000x128xf32, #tpu.memory_space<hbm>> -> memref<10000x128xf32, #tpu.memory_space<hbm>>
      tpu.enqueue_indirect_dma source(%dma_start3A_2521 : memref<10000x128xf32, #tpu.memory_space<hbm>>) target(%arg9 : memref<96x128xf32, #tpu.memory_space<vmem>>) offsets(%arg12 : memref<96xi32, #tpu.memory_space<vmem>>) semaphore(%arg25 : memref<!tpu.dma_semaphore, #tpu.memory_space<semaphore_mem>>)
      %dma_wait3A_2522 = arith.constant 0 : i32
      %dma_wait3A_2523 = arith.constant 0 : i32
      %dma_wait3A_2524 = tpu.memref_slice %arg2[%dma_wait3A_2522, %dma_wait3A_2523] : memref<10000x128xf32, #tpu.memory_space<hbm>> -> memref<10000x128xf32, #tpu.memory_space<hbm>>
      tpu.wait_indirect_dma semaphore(%arg27 : memref<!tpu.dma_semaphore, #tpu.memory_space<semaphore_mem>>) src(%dma_wait3A_2524 : memref<10000x128xf32, #tpu.memory_space<hbm>>) dst(%arg11 : memref<96x128xf32, #tpu.memory_space<vmem>>)
      %get3A_2525 = arith.constant 0 : index
      %get3A_2526 = tpu.vector_load %arg17[%get3A_2525] {strides = array<i32>} : memref<96xi32, #tpu.memory_space<vmem>>, vector<16xi32>,
      tpu.vector_store_idx %arg23[%get3A_2526], %broadcast_in_dim3A_3 {add = true} : memref<10000xf32, #tpu.memory_space<vmem>>[vector<16xi32>], vector<16xf32>,
      %swap3A_2527 = arith.constant 0 : index
      %swap3A_2528 = tpu.vector_load %arg20[%swap3A_2527] {strides = array<i32>} : memref<96xi32, #tpu.memory_space<vmem>>, vector<16xi32>,
      tpu.vector_store %arg20[%swap3A_2527], %get3A_2526 {strides = array<i32>} : memref<96xi32, #tpu.memory_space<vmem>>, vector<16xi32>,
      %get3A_2529 = arith.constant 16 : index
      %get3A_2530 = tpu.vector_load %arg17[%get3A_2529] {strides = array<i32>} : memref<96xi32, #tpu.memory_space<vmem>>, vector<16xi32>,
      tpu.vector_store_idx %arg23[%get3A_2530], %broadcast_in_dim3A_3 {add = true} : memref<10000xf32, #tpu.memory_space<vmem>>[vector<16xi32>], vector<16xf32>,
      %swap3A_2531 = arith.constant 16 : index
      %swap3A_2532 = tpu.vector_load %arg20[%swap3A_2531] {strides = array<i32>} : memref<96xi32, #tpu.memory_space<vmem>>, vector<16xi32>,
      tpu.vector_store %arg20[%swap3A_2531], %get3A_2530 {strides = array<i32>} : memref<96xi32, #tpu.memory_space<vmem>>, vector<16xi32>,
      %get3A_2533 = arith.constant 32 : index
      %get3A_2534 = tpu.vector_load %arg17[%get3A_2533] {strides = array<i32>} : memref<96xi32, #tpu.memory_space<vmem>>, vector<16xi32>,
      tpu.vector_store_idx %arg23[%get3A_2534], %broadcast_in_dim3A_3 {add = true} : memref<10000xf32, #tpu.memory_space<vmem>>[vector<16xi32>], vector<16xf32>,
      %swap3A_2535 = arith.constant 32 : index
      %swap3A_2536 = tpu.vector_load %arg20[%swap3A_2535] {strides = array<i32>} : memref<96xi32, #tpu.memory_space<vmem>>, vector<16xi32>,
      tpu.vector_store %arg20[%swap3A_2535], %get3A_2534 {strides = array<i32>} : memref<96xi32, #tpu.memory_space<vmem>>, vector<16xi32>,
      %get3A_2537 = arith.constant 48 : index
      %get3A_2538 = tpu.vector_load %arg17[%get3A_2537] {strides = array<i32>} : memref<96xi32, #tpu.memory_space<vmem>>, vector<16xi32>,
      tpu.vector_store_idx %arg23[%get3A_2538], %broadcast_in_dim3A_3 {add = true} : memref<10000xf32, #tpu.memory_space<vmem>>[vector<16xi32>], vector<16xf32>,
      %swap3A_2539 = arith.constant 48 : index
      %swap3A_2540 = tpu.vector_load %arg20[%swap3A_2539] {strides = array<i32>} : memref<96xi32, #tpu.memory_space<vmem>>, vector<16xi32>,
      tpu.vector_store %arg20[%swap3A_2539], %get3A_2538 {strides = array<i32>} : memref<96xi32, #tpu.memory_space<vmem>>, vector<16xi32>,
      %get3A_2541 = arith.constant 64 : index
      %get3A_2542 = tpu.vector_load %arg17[%get3A_2541] {strides = array<i32>} : memref<96xi32, #tpu.memory_space<vmem>>, vector<16xi32>,
      tpu.vector_store_idx %arg23[%get3A_2542], %broadcast_in_dim3A_3 {add = true} : memref<10000xf32, #tpu.memory_space<vmem>>[vector<16xi32>], vector<16xf32>,
      %swap3A_2543 = arith.constant 64 : index
      %swap3A_2544 = tpu.vector_load %arg20[%swap3A_2543] {strides = array<i32>} : memref<96xi32, #tpu.memory_space<vmem>>, vector<16xi32>,
      tpu.vector_store %arg20[%swap3A_2543], %get3A_2542 {strides = array<i32>} : memref<96xi32, #tpu.memory_space<vmem>>, vector<16xi32>,
      %get3A_2545 = arith.constant 80 : index
      %get3A_2546 = tpu.vector_load %arg17[%get3A_2545] {strides = array<i32>} : memref<96xi32, #tpu.memory_space<vmem>>, vector<16xi32>,
      tpu.vector_store_idx %arg23[%get3A_2546], %broadcast_in_dim3A_3 {add = true} : memref<10000xf32, #tpu.memory_space<vmem>>[vector<16xi32>], vector<16xf32>,
      %swap3A_2547 = arith.constant 80 : index
      %swap3A_2548 = tpu.vector_load %arg20[%swap3A_2547] {strides = array<i32>} : memref<96xi32, #tpu.memory_space<vmem>>, vector<16xi32>,
      tpu.vector_store %arg20[%swap3A_2547], %get3A_2546 {strides = array<i32>} : memref<96xi32, #tpu.memory_space<vmem>>, vector<16xi32>,
      %dma_start3A_2549 = arith.constant 0 : i32
      %dma_start3A_2550 = arith.constant 0 : i32
      %dma_start3A_2551 = tpu.memref_slice %arg24[%dma_start3A_2549, %dma_start3A_2550] : memref<10000x128xf32, #tpu.memory_space<vmem_shared>> -> memref<10000x128xf32, #tpu.memory_space<vmem_shared>>
      tpu.enqueue_indirect_dma source(%arg11 : memref<96x128xf32, #tpu.memory_space<vmem>>) target(%dma_start3A_2551 : memref<10000x128xf32, #tpu.memory_space<vmem_shared>>) offsets(%arg20 : memref<96xi32, #tpu.memory_space<vmem>>) semaphore(%arg30 : memref<!tpu.dma_semaphore, #tpu.memory_space<semaphore_mem>>) {add = true}
      %add3A_2552 = arith.constant 1 : i32
      %add3A_2553 = arith.addi %scan3A_2358, %add3A_2552 : i32
      %lt3A_2554 = arith.constant 34 : i32
      %lt3A_2555 = arith.cmpi slt, %add3A_2553, %lt3A_2554 : i32
      %convert_element_type3A_2556 = arith.extui %lt3A_2555 : i1 to i32
      %cond3A_2557 = arith.constant 0 : i32
      %cond3A_2558 = arith.cmpi ne, %convert_element_type3A_2556, %cond3A_2557 : i32
      scf.if %cond3A_2558 {
        %add3A_2559 = arith.constant 3 : i32
        %add3A_2560 = arith.addi %add3A_2501, %add3A_2559 : i32
        %mul3A_2561 = arith.constant 96 : i32
        %mul3A_2562 = arith.muli %add3A_2560, %mul3A_2561 : i32
        %add3A_2563 = arith.addi %multiple_of3A_1572, %mul3A_2562 : i32
        %multiple_of3A_2564 = tpu.assume_multiple %add3A_2563, 8 : i32
        %mul3A_2565 = arith.constant 96 : i32
        %mul3A_2566 = arith.muli %add3A_2560, %mul3A_2565 : i32
        %add3A_2567 = arith.addi %multiple_of3A_1577, %mul3A_2566 : i32
        %multiple_of3A_2568 = tpu.assume_multiple %add3A_2567, 8 : i32
        %dma_start3A_2569 = tpu.memref_slice %arg5[%multiple_of3A_2564] : memref<640000xi32, #tpu.memory_space<hbm>> -> memref<96xi32, #tpu.memory_space<hbm>>
        %dma_start3A_2570 = tpu.memref_slice %arg5[%multiple_of3A_2564] : memref<640000xi32, #tpu.memory_space<hbm>> -> memref<96xi32, #tpu.memory_space<hbm>>
        tpu.enqueue_dma source(%dma_start3A_2570 : memref<96xi32, #tpu.memory_space<hbm>>) target(%arg14 : memref<96xi32, #tpu.memory_space<vmem>>) target_semaphore(%arg33 : memref<!tpu.dma_semaphore, #tpu.memory_space<semaphore_mem>>)
        %dma_start3A_2571 = tpu.memref_slice %arg5[%multiple_of3A_2568] : memref<640000xi32, #tpu.memory_space<hbm>> -> memref<96xi32, #tpu.memory_space<hbm>>
        %dma_start3A_2572 = tpu.memref_slice %arg5[%multiple_of3A_2568] : memref<640000xi32, #tpu.memory_space<hbm>> -> memref<96xi32, #tpu.memory_space<hbm>>
        tpu.enqueue_dma source(%dma_start3A_2572 : memref<96xi32, #tpu.memory_space<hbm>>) target(%arg17 : memref<96xi32, #tpu.memory_space<vmem>>) target_semaphore(%arg33 : memref<!tpu.dma_semaphore, #tpu.memory_space<semaphore_mem>>)
      } else {
      }
    }
    %scan3A_1661 = arith.constant 34 : i32
    %dma_wait3A_1662 = arith.constant 0 : i32
    %dma_wait3A_1663 = arith.constant 0 : i32
    %dma_wait3A_1664 = tpu.memref_slice %arg24[%dma_wait3A_1662, %dma_wait3A_1663] : memref<10000x128xf32, #tpu.memory_space<vmem_shared>> -> memref<10000x128xf32, #tpu.memory_space<vmem_shared>>
    tpu.wait_indirect_dma semaphore(%arg29 : memref<!tpu.dma_semaphore, #tpu.memory_space<semaphore_mem>>) src(%arg10 : memref<96x128xf32, #tpu.memory_space<vmem>>) dst(%dma_wait3A_1664 : memref<10000x128xf32, #tpu.memory_space<vmem_shared>>)
    %add3A_1665 = arith.constant 9888 : i32
    %add3A_1666 = arith.addi %multiple_of3A_1572, %add3A_1665 : i32
    %multiple_of3A_1667 = tpu.assume_multiple %add3A_1666, 8 : i32
    %add3A_1668 = arith.constant 9888 : i32
    %add3A_1669 = arith.addi %multiple_of3A_1577, %add3A_1668 : i32
    %multiple_of3A_1670 = tpu.assume_multiple %add3A_1669, 8 : i32
    %dma_wait3A_1671 = tpu.memref_slice %arg5[%multiple_of3A_1667] : memref<640000xi32, #tpu.memory_space<hbm>> -> memref<96xi32, #tpu.memory_space<hbm>>
    %dma_wait3A_1672 = tpu.memref_slice %arg5[%multiple_of3A_1667] : memref<640000xi32, #tpu.memory_space<hbm>> -> memref<96xi32, #tpu.memory_space<hbm>>
    tpu.wait_dma2 semaphore(%arg32 : memref<!tpu.dma_semaphore, #tpu.memory_space<semaphore_mem>>) src(%dma_wait3A_1672 : memref<96xi32, #tpu.memory_space<hbm>>) dst(%arg13 : memref<96xi32, #tpu.memory_space<vmem>>)
    %dma_wait3A_1673 = tpu.memref_slice %arg5[%multiple_of3A_1670] : memref<640000xi32, #tpu.memory_space<hbm>> -> memref<96xi32, #tpu.memory_space<hbm>>
    %dma_wait3A_1674 = tpu.memref_slice %arg5[%multiple_of3A_1670] : memref<640000xi32, #tpu.memory_space<hbm>> -> memref<96xi32, #tpu.memory_space<hbm>>
    tpu.wait_dma2 semaphore(%arg32 : memref<!tpu.dma_semaphore, #tpu.memory_space<semaphore_mem>>) src(%dma_wait3A_1674 : memref<96xi32, #tpu.memory_space<hbm>>) dst(%arg16 : memref<96xi32, #tpu.memory_space<vmem>>)
    %dma_start3A_1675 = arith.constant 0 : i32
    %dma_start3A_1676 = arith.constant 0 : i32
    %dma_start3A_1677 = tpu.memref_slice %arg2[%dma_start3A_1675, %dma_start3A_1676] : memref<10000x128xf32, #tpu.memory_space<hbm>> -> memref<10000x128xf32, #tpu.memory_space<hbm>>
    tpu.enqueue_indirect_dma source(%dma_start3A_1677 : memref<10000x128xf32, #tpu.memory_space<hbm>>) target(%arg10 : memref<96x128xf32, #tpu.memory_space<vmem>>) offsets(%arg13 : memref<96xi32, #tpu.memory_space<vmem>>) semaphore(%arg26 : memref<!tpu.dma_semaphore, #tpu.memory_space<semaphore_mem>>)
    %dma_wait3A_1678 = arith.constant 0 : i32
    %dma_wait3A_1679 = arith.constant 0 : i32
    %dma_wait3A_1680 = tpu.memref_slice %arg2[%dma_wait3A_1678, %dma_wait3A_1679] : memref<10000x128xf32, #tpu.memory_space<hbm>> -> memref<10000x128xf32, #tpu.memory_space<hbm>>
    tpu.wait_indirect_dma semaphore(%arg25 : memref<!tpu.dma_semaphore, #tpu.memory_space<semaphore_mem>>) src(%dma_wait3A_1680 : memref<10000x128xf32, #tpu.memory_space<hbm>>) dst(%arg9 : memref<96x128xf32, #tpu.memory_space<vmem>>)
    %get3A_1681 = arith.constant 0 : index
    %get3A_1682 = tpu.vector_load %arg15[%get3A_1681] {strides = array<i32>} : memref<96xi32, #tpu.memory_space<vmem>>, vector<16xi32>,
    tpu.vector_store_idx %arg23[%get3A_1682], %broadcast_in_dim3A_3 {add = true} : memref<10000xf32, #tpu.memory_space<vmem>>[vector<16xi32>], vector<16xf32>,
    %swap3A_1683 = arith.constant 0 : index
    %swap3A_1684 = tpu.vector_load %arg18[%swap3A_1683] {strides = array<i32>} : memref<96xi32, #tpu.memory_space<vmem>>, vector<16xi32>,
    tpu.vector_store %arg18[%swap3A_1683], %get3A_1682 {strides = array<i32>} : memref<96xi32, #tpu.memory_space<vmem>>, vector<16xi32>,
    %get3A_1685 = arith.constant 16 : index
    %get3A_1686 = tpu.vector_load %arg15[%get3A_1685] {strides = array<i32>} : memref<96xi32, #tpu.memory_space<vmem>>, vector<16xi32>,
    tpu.vector_store_idx %arg23[%get3A_1686], %broadcast_in_dim3A_3 {add = true} : memref<10000xf32, #tpu.memory_space<vmem>>[vector<16xi32>], vector<16xf32>,
    %swap3A_1687 = arith.constant 16 : index
    %swap3A_1688 = tpu.vector_load %arg18[%swap3A_1687] {strides = array<i32>} : memref<96xi32, #tpu.memory_space<vmem>>, vector<16xi32>,
    tpu.vector_store %arg18[%swap3A_1687], %get3A_1686 {strides = array<i32>} : memref<96xi32, #tpu.memory_space<vmem>>, vector<16xi32>,
    %get3A_1689 = arith.constant 32 : index
    %get3A_1690 = tpu.vector_load %arg15[%get3A_1689] {strides = array<i32>} : memref<96xi32, #tpu.memory_space<vmem>>, vector<16xi32>,
    tpu.vector_store_idx %arg23[%get3A_1690], %broadcast_in_dim3A_3 {add = true} : memref<10000xf32, #tpu.memory_space<vmem>>[vector<16xi32>], vector<16xf32>,
    %swap3A_1691 = arith.constant 32 : index
    %swap3A_1692 = tpu.vector_load %arg18[%swap3A_1691] {strides = array<i32>} : memref<96xi32, #tpu.memory_space<vmem>>, vector<16xi32>,
    tpu.vector_store %arg18[%swap3A_1691], %get3A_1690 {strides = array<i32>} : memref<96xi32, #tpu.memory_space<vmem>>, vector<16xi32>,
    %get3A_1693 = arith.constant 48 : index
    %get3A_1694 = tpu.vector_load %arg15[%get3A_1693] {strides = array<i32>} : memref<96xi32, #tpu.memory_space<vmem>>, vector<16xi32>,
    tpu.vector_store_idx %arg23[%get3A_1694], %broadcast_in_dim3A_3 {add = true} : memref<10000xf32, #tpu.memory_space<vmem>>[vector<16xi32>], vector<16xf32>,
    %swap3A_1695 = arith.constant 48 : index
    %swap3A_1696 = tpu.vector_load %arg18[%swap3A_1695] {strides = array<i32>} : memref<96xi32, #tpu.memory_space<vmem>>, vector<16xi32>,
    tpu.vector_store %arg18[%swap3A_1695], %get3A_1694 {strides = array<i32>} : memref<96xi32, #tpu.memory_space<vmem>>, vector<16xi32>,
    %get3A_1697 = arith.constant 64 : index
    %get3A_1698 = tpu.vector_load %arg15[%get3A_1697] {strides = array<i32>} : memref<96xi32, #tpu.memory_space<vmem>>, vector<16xi32>,
    tpu.vector_store_idx %arg23[%get3A_1698], %broadcast_in_dim3A_3 {add = true} : memref<10000xf32, #tpu.memory_space<vmem>>[vector<16xi32>], vector<16xf32>,
    %swap3A_1699 = arith.constant 64 : index
    %swap3A_1700 = tpu.vector_load %arg18[%swap3A_1699] {strides = array<i32>} : memref<96xi32, #tpu.memory_space<vmem>>, vector<16xi32>,
    tpu.vector_store %arg18[%swap3A_1699], %get3A_1698 {strides = array<i32>} : memref<96xi32, #tpu.memory_space<vmem>>, vector<16xi32>,
    %get3A_1701 = arith.constant 80 : index
    %get3A_1702 = tpu.vector_load %arg15[%get3A_1701] {strides = array<i32>} : memref<96xi32, #tpu.memory_space<vmem>>, vector<16xi32>,
    tpu.vector_store_idx %arg23[%get3A_1702], %broadcast_in_dim3A_3 {add = true} : memref<10000xf32, #tpu.memory_space<vmem>>[vector<16xi32>], vector<16xf32>,
    %swap3A_1703 = arith.constant 80 : index
    %swap3A_1704 = tpu.vector_load %arg18[%swap3A_1703] {strides = array<i32>} : memref<96xi32, #tpu.memory_space<vmem>>, vector<16xi32>,
    tpu.vector_store %arg18[%swap3A_1703], %get3A_1702 {strides = array<i32>} : memref<96xi32, #tpu.memory_space<vmem>>, vector<16xi32>,
    %dma_start3A_1705 = arith.constant 0 : i32
    %dma_start3A_1706 = arith.constant 0 : i32
    %dma_start3A_1707 = tpu.memref_slice %arg24[%dma_start3A_1705, %dma_start3A_1706] : memref<10000x128xf32, #tpu.memory_space<vmem_shared>> -> memref<10000x128xf32, #tpu.memory_space<vmem_shared>>
    tpu.enqueue_indirect_dma source(%arg9 : memref<96x128xf32, #tpu.memory_space<vmem>>) target(%dma_start3A_1707 : memref<10000x128xf32, #tpu.memory_space<vmem_shared>>) offsets(%arg18 : memref<96xi32, #tpu.memory_space<vmem>>) semaphore(%arg28 : memref<!tpu.dma_semaphore, #tpu.memory_space<semaphore_mem>>) {add = true}
    %dma_wait3A_1708 = arith.constant 0 : i32
    %dma_wait3A_1709 = arith.constant 0 : i32
    %dma_wait3A_1710 = tpu.memref_slice %arg24[%dma_wait3A_1708, %dma_wait3A_1709] : memref<10000x128xf32, #tpu.memory_space<vmem_shared>> -> memref<10000x128xf32, #tpu.memory_space<vmem_shared>>
    tpu.wait_indirect_dma semaphore(%arg30 : memref<!tpu.dma_semaphore, #tpu.memory_space<semaphore_mem>>) src(%arg11 : memref<96x128xf32, #tpu.memory_space<vmem>>) dst(%dma_wait3A_1710 : memref<10000x128xf32, #tpu.memory_space<vmem_shared>>)
    %dma_wait3A_1711 = arith.constant 0 : i32
    %dma_wait3A_1712 = arith.constant 0 : i32
    %dma_wait3A_1713 = tpu.memref_slice %arg2[%dma_wait3A_1711, %dma_wait3A_1712] : memref<10000x128xf32, #tpu.memory_space<hbm>> -> memref<10000x128xf32, #tpu.memory_space<hbm>>
    tpu.wait_indirect_dma semaphore(%arg26 : memref<!tpu.dma_semaphore, #tpu.memory_space<semaphore_mem>>) src(%dma_wait3A_1713 : memref<10000x128xf32, #tpu.memory_space<hbm>>) dst(%arg10 : memref<96x128xf32, #tpu.memory_space<vmem>>)
    %get3A_1714 = arith.constant 0 : index
    %get3A_1715 = tpu.vector_load %arg16[%get3A_1714] {strides = array<i32>} : memref<96xi32, #tpu.memory_space<vmem>>, vector<16xi32>,
    tpu.vector_store_idx %arg23[%get3A_1715], %broadcast_in_dim3A_3 {add = true} : memref<10000xf32, #tpu.memory_space<vmem>>[vector<16xi32>], vector<16xf32>,
    %swap3A_1716 = arith.constant 0 : index
    %swap3A_1717 = tpu.vector_load %arg19[%swap3A_1716] {strides = array<i32>} : memref<96xi32, #tpu.memory_space<vmem>>, vector<16xi32>,
    tpu.vector_store %arg19[%swap3A_1716], %get3A_1715 {strides = array<i32>} : memref<96xi32, #tpu.memory_space<vmem>>, vector<16xi32>,
    %get3A_1718 = arith.constant 16 : index
    %get3A_1719 = tpu.vector_load %arg16[%get3A_1718] {strides = array<i32>} : memref<96xi32, #tpu.memory_space<vmem>>, vector<16xi32>,
    tpu.vector_store_idx %arg23[%get3A_1719], %broadcast_in_dim3A_3 {add = true} : memref<10000xf32, #tpu.memory_space<vmem>>[vector<16xi32>], vector<16xf32>,
    %swap3A_1720 = arith.constant 16 : index
    %swap3A_1721 = tpu.vector_load %arg19[%swap3A_1720] {strides = array<i32>} : memref<96xi32, #tpu.memory_space<vmem>>, vector<16xi32>,
    tpu.vector_store %arg19[%swap3A_1720], %get3A_1719 {strides = array<i32>} : memref<96xi32, #tpu.memory_space<vmem>>, vector<16xi32>,
    %get3A_1722 = arith.constant 32 : index
    %get3A_1723 = tpu.vector_load %arg16[%get3A_1722] {strides = array<i32>} : memref<96xi32, #tpu.memory_space<vmem>>, vector<16xi32>,
    tpu.vector_store_idx %arg23[%get3A_1723], %broadcast_in_dim3A_3 {add = true} : memref<10000xf32, #tpu.memory_space<vmem>>[vector<16xi32>], vector<16xf32>,
    %swap3A_1724 = arith.constant 32 : index
    %swap3A_1725 = tpu.vector_load %arg19[%swap3A_1724] {strides = array<i32>} : memref<96xi32, #tpu.memory_space<vmem>>, vector<16xi32>,
    tpu.vector_store %arg19[%swap3A_1724], %get3A_1723 {strides = array<i32>} : memref<96xi32, #tpu.memory_space<vmem>>, vector<16xi32>,
    %get3A_1726 = arith.constant 48 : index
    %get3A_1727 = tpu.vector_load %arg16[%get3A_1726] {strides = array<i32>} : memref<96xi32, #tpu.memory_space<vmem>>, vector<16xi32>,
    tpu.vector_store_idx %arg23[%get3A_1727], %broadcast_in_dim3A_3 {add = true} : memref<10000xf32, #tpu.memory_space<vmem>>[vector<16xi32>], vector<16xf32>,
    %swap3A_1728 = arith.constant 48 : index
    %swap3A_1729 = tpu.vector_load %arg19[%swap3A_1728] {strides = array<i32>} : memref<96xi32, #tpu.memory_space<vmem>>, vector<16xi32>,
    tpu.vector_store %arg19[%swap3A_1728], %get3A_1727 {strides = array<i32>} : memref<96xi32, #tpu.memory_space<vmem>>, vector<16xi32>,
    %get3A_1730 = arith.constant 64 : index
    %get3A_1731 = tpu.vector_load %arg16[%get3A_1730] {strides = array<i32>} : memref<96xi32, #tpu.memory_space<vmem>>, vector<16xi32>,
    tpu.vector_store_idx %arg23[%get3A_1731], %broadcast_in_dim3A_3 {add = true} : memref<10000xf32, #tpu.memory_space<vmem>>[vector<16xi32>], vector<16xf32>,
    %swap3A_1732 = arith.constant 64 : index
    %swap3A_1733 = tpu.vector_load %arg19[%swap3A_1732] {strides = array<i32>} : memref<96xi32, #tpu.memory_space<vmem>>, vector<16xi32>,
    tpu.vector_store %arg19[%swap3A_1732], %get3A_1731 {strides = array<i32>} : memref<96xi32, #tpu.memory_space<vmem>>, vector<16xi32>,
    %get3A_1734 = arith.constant 80 : index
    %get3A_1735 = tpu.vector_load %arg16[%get3A_1734] {strides = array<i32>} : memref<96xi32, #tpu.memory_space<vmem>>, vector<16xi32>,
    tpu.vector_store_idx %arg23[%get3A_1735], %broadcast_in_dim3A_3 {add = true} : memref<10000xf32, #tpu.memory_space<vmem>>[vector<16xi32>], vector<16xf32>,
    %swap3A_1736 = arith.constant 80 : index
    %swap3A_1737 = tpu.vector_load %arg19[%swap3A_1736] {strides = array<i32>} : memref<96xi32, #tpu.memory_space<vmem>>, vector<16xi32>,
    tpu.vector_store %arg19[%swap3A_1736], %get3A_1735 {strides = array<i32>} : memref<96xi32, #tpu.memory_space<vmem>>, vector<16xi32>,
    %dma_start3A_1738 = arith.constant 0 : i32
    %dma_start3A_1739 = arith.constant 0 : i32
    %dma_start3A_1740 = tpu.memref_slice %arg24[%dma_start3A_1738, %dma_start3A_1739] : memref<10000x128xf32, #tpu.memory_space<vmem_shared>> -> memref<10000x128xf32, #tpu.memory_space<vmem_shared>>
    tpu.enqueue_indirect_dma source(%arg10 : memref<96x128xf32, #tpu.memory_space<vmem>>) target(%dma_start3A_1740 : memref<10000x128xf32, #tpu.memory_space<vmem_shared>>) offsets(%arg19 : memref<96xi32, #tpu.memory_space<vmem>>) semaphore(%arg29 : memref<!tpu.dma_semaphore, #tpu.memory_space<semaphore_mem>>) {add = true}
    %dma_wait3A_1741 = arith.constant 0 : i32
    %dma_wait3A_1742 = arith.constant 0 : i32
    %dma_wait3A_1743 = tpu.memref_slice %arg24[%dma_wait3A_1741, %dma_wait3A_1742] : memref<10000x128xf32, #tpu.memory_space<vmem_shared>> -> memref<10000x128xf32, #tpu.memory_space<vmem_shared>>
    tpu.wait_indirect_dma semaphore(%arg28 : memref<!tpu.dma_semaphore, #tpu.memory_space<semaphore_mem>>) src(%arg9 : memref<96x128xf32, #tpu.memory_space<vmem>>) dst(%dma_wait3A_1743 : memref<10000x128xf32, #tpu.memory_space<vmem_shared>>)
    %add3A_1744 = arith.constant 9984 : i32
    %add3A_1745 = arith.addi %multiple_of3A_1572, %add3A_1744 : i32
    %multiple_of3A_1746 = tpu.assume_multiple %add3A_1745, 8 : i32
    %add3A_1747 = arith.constant 9984 : i32
    %add3A_1748 = arith.addi %multiple_of3A_1577, %add3A_1747 : i32
    %multiple_of3A_1749 = tpu.assume_multiple %add3A_1748, 8 : i32
    "tpu.region"() ({
      %run_scoped3A = tpu.sem_alloc : memref<!tpu.dma_semaphore, #tpu.memory_space<semaphore_mem>>
      %dma_start3A_2358 = tpu.memref_slice %arg5[%multiple_of3A_1746] : memref<640000xi32, #tpu.memory_space<hbm>> -> memref<16xi32, #tpu.memory_space<hbm>>
      %dma_start3A_2359 = tpu.memref_slice %arg5[%multiple_of3A_1746] : memref<640000xi32, #tpu.memory_space<hbm>> -> memref<16xi32, #tpu.memory_space<hbm>>
      tpu.enqueue_dma source(%dma_start3A_2359 : memref<16xi32, #tpu.memory_space<hbm>>) target(%arg21 : memref<16xi32, #tpu.memory_space<vmem>>) target_semaphore(%run_scoped3A : memref<!tpu.dma_semaphore, #tpu.memory_space<semaphore_mem>>)
      %dma_wait3A_2360 = tpu.memref_slice %arg5[%multiple_of3A_1746] : memref<640000xi32, #tpu.memory_space<hbm>> -> memref<16xi32, #tpu.memory_space<hbm>>
      %dma_wait3A_2361 = tpu.memref_slice %arg5[%multiple_of3A_1746] : memref<640000xi32, #tpu.memory_space<hbm>> -> memref<16xi32, #tpu.memory_space<hbm>>
      tpu.wait_dma2 semaphore(%run_scoped3A : memref<!tpu.dma_semaphore, #tpu.memory_space<semaphore_mem>>) src(%dma_wait3A_2361 : memref<16xi32, #tpu.memory_space<hbm>>) dst(%arg21 : memref<16xi32, #tpu.memory_space<vmem>>)
      tpu.yield
    }) : () -> ()
    "tpu.region"() ({
      %run_scoped3A = tpu.sem_alloc : memref<!tpu.dma_semaphore, #tpu.memory_space<semaphore_mem>>
      %dma_start3A_2358 = tpu.memref_slice %arg5[%multiple_of3A_1749] : memref<640000xi32, #tpu.memory_space<hbm>> -> memref<16xi32, #tpu.memory_space<hbm>>
      %dma_start3A_2359 = tpu.memref_slice %arg5[%multiple_of3A_1749] : memref<640000xi32, #tpu.memory_space<hbm>> -> memref<16xi32, #tpu.memory_space<hbm>>
      tpu.enqueue_dma source(%dma_start3A_2359 : memref<16xi32, #tpu.memory_space<hbm>>) target(%arg22 : memref<16xi32, #tpu.memory_space<vmem>>) target_semaphore(%run_scoped3A : memref<!tpu.dma_semaphore, #tpu.memory_space<semaphore_mem>>)
      %dma_wait3A_2360 = tpu.memref_slice %arg5[%multiple_of3A_1749] : memref<640000xi32, #tpu.memory_space<hbm>> -> memref<16xi32, #tpu.memory_space<hbm>>
      %dma_wait3A_2361 = tpu.memref_slice %arg5[%multiple_of3A_1749] : memref<640000xi32, #tpu.memory_space<hbm>> -> memref<16xi32, #tpu.memory_space<hbm>>
      tpu.wait_dma2 semaphore(%run_scoped3A : memref<!tpu.dma_semaphore, #tpu.memory_space<semaphore_mem>>) src(%dma_wait3A_2361 : memref<16xi32, #tpu.memory_space<hbm>>) dst(%arg22 : memref<16xi32, #tpu.memory_space<vmem>>)
      tpu.yield
    }) : () -> ()
    %dma_start3A_1750 = arith.constant 0 : i32
    %dma_start3A_1751 = arith.constant 0 : i32
    %dma_start3A_1752 = tpu.memref_slice %arg11[%dma_start3A_1750, %dma_start3A_1751] : memref<96x128xf32, #tpu.memory_space<vmem>> -> memref<16x128xf32, #tpu.memory_space<vmem>>
    %dma_start3A_1753 = arith.constant 0 : i32
    %dma_start3A_1754 = arith.constant 0 : i32
    %dma_start3A_1755 = tpu.memref_slice %arg2[%dma_start3A_1753, %dma_start3A_1754] : memref<10000x128xf32, #tpu.memory_space<hbm>> -> memref<10000x128xf32, #tpu.memory_space<hbm>>
    tpu.enqueue_indirect_dma source(%dma_start3A_1755 : memref<10000x128xf32, #tpu.memory_space<hbm>>) target(%dma_start3A_1752 : memref<16x128xf32, #tpu.memory_space<vmem>>) offsets(%arg21 : memref<16xi32, #tpu.memory_space<vmem>>) semaphore(%arg27 : memref<!tpu.dma_semaphore, #tpu.memory_space<semaphore_mem>>)
    %dma_wait3A_1756 = arith.constant 0 : i32
    %dma_wait3A_1757 = arith.constant 0 : i32
    %dma_wait3A_1758 = tpu.memref_slice %arg11[%dma_wait3A_1756, %dma_wait3A_1757] : memref<96x128xf32, #tpu.memory_space<vmem>> -> memref<16x128xf32, #tpu.memory_space<vmem>>
    %dma_wait3A_1759 = arith.constant 0 : i32
    %dma_wait3A_1760 = arith.constant 0 : i32
    %dma_wait3A_1761 = tpu.memref_slice %arg2[%dma_wait3A_1759, %dma_wait3A_1760] : memref<10000x128xf32, #tpu.memory_space<hbm>> -> memref<10000x128xf32, #tpu.memory_space<hbm>>
    tpu.wait_indirect_dma semaphore(%arg27 : memref<!tpu.dma_semaphore, #tpu.memory_space<semaphore_mem>>) src(%dma_wait3A_1761 : memref<10000x128xf32, #tpu.memory_space<hbm>>) dst(%dma_wait3A_1758 : memref<16x128xf32, #tpu.memory_space<vmem>>)
    %get3A_1762 = arith.constant 0 : index
    %get3A_1763 = tpu.vector_load %arg22[%get3A_1762] {strides = array<i32>} : memref<16xi32, #tpu.memory_space<vmem>>, vector<16xi32>,
    tpu.vector_store_idx %arg23[%get3A_1763], %broadcast_in_dim3A_3 {add = true} : memref<10000xf32, #tpu.memory_space<vmem>>[vector<16xi32>], vector<16xf32>,
    %dma_start3A_1764 = arith.constant 0 : i32
    %dma_start3A_1765 = arith.constant 0 : i32
    %dma_start3A_1766 = tpu.memref_slice %arg11[%dma_start3A_1764, %dma_start3A_1765] : memref<96x128xf32, #tpu.memory_space<vmem>> -> memref<16x128xf32, #tpu.memory_space<vmem>>
    %dma_start3A_1767 = arith.constant 0 : i32
    %dma_start3A_1768 = arith.constant 0 : i32
    %dma_start3A_1769 = tpu.memref_slice %arg24[%dma_start3A_1767, %dma_start3A_1768] : memref<10000x128xf32, #tpu.memory_space<vmem_shared>> -> memref<10000x128xf32, #tpu.memory_space<vmem_shared>>
    tpu.enqueue_indirect_dma source(%dma_start3A_1766 : memref<16x128xf32, #tpu.memory_space<vmem>>) target(%dma_start3A_1769 : memref<10000x128xf32, #tpu.memory_space<vmem_shared>>) offsets(%arg22 : memref<16xi32, #tpu.memory_space<vmem>>) semaphore(%arg30 : memref<!tpu.dma_semaphore, #tpu.memory_space<semaphore_mem>>) {add = true}
    %dma_wait3A_1770 = arith.constant 0 : i32
    %dma_wait3A_1771 = arith.constant 0 : i32
    %dma_wait3A_1772 = tpu.memref_slice %arg24[%dma_wait3A_1770, %dma_wait3A_1771] : memref<10000x128xf32, #tpu.memory_space<vmem_shared>> -> memref<10000x128xf32, #tpu.memory_space<vmem_shared>>
    tpu.wait_indirect_dma semaphore(%arg29 : memref<!tpu.dma_semaphore, #tpu.memory_space<semaphore_mem>>) src(%arg10 : memref<96x128xf32, #tpu.memory_space<vmem>>) dst(%dma_wait3A_1772 : memref<10000x128xf32, #tpu.memory_space<vmem_shared>>)
    %dma_wait3A_1773 = arith.constant 0 : i32
    %dma_wait3A_1774 = arith.constant 0 : i32
    %dma_wait3A_1775 = tpu.memref_slice %arg11[%dma_wait3A_1773, %dma_wait3A_1774] : memref<96x128xf32, #tpu.memory_space<vmem>> -> memref<16x128xf32, #tpu.memory_space<vmem>>
    %dma_wait3A_1776 = arith.constant 0 : i32
    %dma_wait3A_1777 = arith.constant 0 : i32
    %dma_wait3A_1778 = tpu.memref_slice %arg24[%dma_wait3A_1776, %dma_wait3A_1777] : memref<10000x128xf32, #tpu.memory_space<vmem_shared>> -> memref<10000x128xf32, #tpu.memory_space<vmem_shared>>
    tpu.wait_indirect_dma semaphore(%arg30 : memref<!tpu.dma_semaphore, #tpu.memory_space<semaphore_mem>>) src(%dma_wait3A_1775 : memref<16x128xf32, #tpu.memory_space<vmem>>) dst(%dma_wait3A_1778 : memref<10000x128xf32, #tpu.memory_space<vmem_shared>>)
    %barrier3A_1779 = arith.constant 0 : index
    tpu.barrier barrier_id(%barrier3A_1779)
    %add3A_1780 = arith.constant 0 : i32
    %add3A_1781 = arith.addi %add3A_1780, %arg1 : i32
    %lt3A_1782 = arith.constant 25 : i32
    %lt3A_1783 = arith.cmpi slt, %add3A_1781, %lt3A_1782 : i32
    %convert_element_type3A_1784 = arith.extui %lt3A_1783 : i1 to i32
    %cond3A_1785 = arith.constant 0 : i32
    %cond3A_1786 = arith.cmpi ne, %convert_element_type3A_1784, %cond3A_1785 : i32
    scf.if %cond3A_1786 {
      %mul3A_2358 = arith.constant 400 : i32
      %mul3A_2359 = arith.muli %add3A_1781, %mul3A_2358 : i32
      %multiple_of3A_2360 = tpu.assume_multiple %mul3A_2359, 400 : i32
      %dma_start3A_2361 = arith.constant 2 : i32
      %dma_start3A_2362 = arith.constant 0 : i32
      %dma_start3A_2363 = tpu.memref_slice %arg7[%dma_start3A_2361, %arg0, %multiple_of3A_2360, %dma_start3A_2362] : memref<3x2x10000x128xf32, #tpu.memory_space<hbm>> -> memref<1x1x400x128xf32, #tpu.memory_space<hbm>>
      %dma_start3A_2364 = tpu.memref_squeeze %dma_start3A_2363 : memref<1x1x400x128xf32, #tpu.memory_space<hbm>> -> memref<400x128xf32, #tpu.memory_space<hbm>>
      %dma_start3A_2365 = arith.constant 0 : i32
      %dma_start3A_2366 = tpu.memref_slice %arg24[%multiple_of3A_2360, %dma_start3A_2365] : memref<10000x128xf32, #tpu.memory_space<vmem_shared>> -> memref<400x128xf32, #tpu.memory_space<vmem_shared>>
      tpu.enqueue_dma source(%dma_start3A_2366 : memref<400x128xf32, #tpu.memory_space<vmem_shared>>) target(%dma_start3A_2364 : memref<400x128xf32, #tpu.memory_space<hbm>>) target_semaphore(%arg34 : memref<!tpu.dma_semaphore, #tpu.memory_space<semaphore_mem>>)
    } else {
    }
    %add3A_1787 = arith.constant 16 : i32
    %add3A_1788 = arith.addi %add3A_1787, %arg1 : i32
    %lt3A_1789 = arith.constant 25 : i32
    %lt3A_1790 = arith.cmpi slt, %add3A_1788, %lt3A_1789 : i32
    %convert_element_type3A_1791 = arith.extui %lt3A_1790 : i1 to i32
    %cond3A_1792 = arith.constant 0 : i32
    %cond3A_1793 = arith.cmpi ne, %convert_element_type3A_1791, %cond3A_1792 : i32
    scf.if %cond3A_1793 {
      %mul3A_2358 = arith.constant 400 : i32
      %mul3A_2359 = arith.muli %add3A_1788, %mul3A_2358 : i32
      %multiple_of3A_2360 = tpu.assume_multiple %mul3A_2359, 400 : i32
      %dma_start3A_2361 = arith.constant 2 : i32
      %dma_start3A_2362 = arith.constant 0 : i32
      %dma_start3A_2363 = tpu.memref_slice %arg7[%dma_start3A_2361, %arg0, %multiple_of3A_2360, %dma_start3A_2362] : memref<3x2x10000x128xf32, #tpu.memory_space<hbm>> -> memref<1x1x400x128xf32, #tpu.memory_space<hbm>>
      %dma_start3A_2364 = tpu.memref_squeeze %dma_start3A_2363 : memref<1x1x400x128xf32, #tpu.memory_space<hbm>> -> memref<400x128xf32, #tpu.memory_space<hbm>>
      %dma_start3A_2365 = arith.constant 0 : i32
      %dma_start3A_2366 = tpu.memref_slice %arg24[%multiple_of3A_2360, %dma_start3A_2365] : memref<10000x128xf32, #tpu.memory_space<vmem_shared>> -> memref<400x128xf32, #tpu.memory_space<vmem_shared>>
      tpu.enqueue_dma source(%dma_start3A_2366 : memref<400x128xf32, #tpu.memory_space<vmem_shared>>) target(%dma_start3A_2364 : memref<400x128xf32, #tpu.memory_space<hbm>>) target_semaphore(%arg34 : memref<!tpu.dma_semaphore, #tpu.memory_space<semaphore_mem>>)
    } else {
    }
    %add3A_1794 = arith.constant 1600 : i32
    %add3A_1795 = arith.addi %add3A_1794, %add3A : i32
    %mul3A_1796 = arith.constant 400 : i32
    %mul3A_1797 = arith.muli %add3A_1795, %mul3A_1796 : i32
    %multiple_of3A_1798 = tpu.assume_multiple %mul3A_1797, 8 : i32
    %dma_start3A_1799 = arith.constant 0 : i32
    %dma_start3A_1800 = tpu.memref_slice %arg23[%dma_start3A_1799] : memref<10000xf32, #tpu.memory_space<vmem>> -> memref<400xf32, #tpu.memory_space<vmem>>
    %dma_start3A_1801 = tpu.memref_slice %arg8[%multiple_of3A_1798] : memref<960000xf32, #tpu.memory_space<hbm>> -> memref<400xf32, #tpu.memory_space<hbm>>
    %dma_start3A_1802 = tpu.memref_slice %arg8[%multiple_of3A_1798] : memref<960000xf32, #tpu.memory_space<hbm>> -> memref<400xf32, #tpu.memory_space<hbm>>
    %dma_start3A_1803 = arith.constant 0 : i32
    %dma_start3A_1804 = tpu.memref_slice %arg23[%dma_start3A_1803] : memref<10000xf32, #tpu.memory_space<vmem>> -> memref<400xf32, #tpu.memory_space<vmem>>
    tpu.enqueue_dma source(%dma_start3A_1804 : memref<400xf32, #tpu.memory_space<vmem>>) target(%dma_start3A_1802 : memref<400xf32, #tpu.memory_space<hbm>>) target_semaphore(%arg34 : memref<!tpu.dma_semaphore, #tpu.memory_space<semaphore_mem>>)
    %add3A_1805 = arith.constant 1632 : i32
    %add3A_1806 = arith.addi %add3A_1805, %add3A : i32
    %mul3A_1807 = arith.constant 400 : i32
    %mul3A_1808 = arith.muli %add3A_1806, %mul3A_1807 : i32
    %multiple_of3A_1809 = tpu.assume_multiple %mul3A_1808, 8 : i32
    %dma_start3A_1810 = arith.constant 400 : i32
    %dma_start3A_1811 = tpu.memref_slice %arg23[%dma_start3A_1810] : memref<10000xf32, #tpu.memory_space<vmem>> -> memref<400xf32, #tpu.memory_space<vmem>>
    %dma_start3A_1812 = tpu.memref_slice %arg8[%multiple_of3A_1809] : memref<960000xf32, #tpu.memory_space<hbm>> -> memref<400xf32, #tpu.memory_space<hbm>>
    %dma_start3A_1813 = tpu.memref_slice %arg8[%multiple_of3A_1809] : memref<960000xf32, #tpu.memory_space<hbm>> -> memref<400xf32, #tpu.memory_space<hbm>>
    %dma_start3A_1814 = arith.constant 400 : i32
    %dma_start3A_1815 = tpu.memref_slice %arg23[%dma_start3A_1814] : memref<10000xf32, #tpu.memory_space<vmem>> -> memref<400xf32, #tpu.memory_space<vmem>>
    tpu.enqueue_dma source(%dma_start3A_1815 : memref<400xf32, #tpu.memory_space<vmem>>) target(%dma_start3A_1813 : memref<400xf32, #tpu.memory_space<hbm>>) target_semaphore(%arg34 : memref<!tpu.dma_semaphore, #tpu.memory_space<semaphore_mem>>)
    %add3A_1816 = arith.constant 1664 : i32
    %add3A_1817 = arith.addi %add3A_1816, %add3A : i32
    %mul3A_1818 = arith.constant 400 : i32
    %mul3A_1819 = arith.muli %add3A_1817, %mul3A_1818 : i32
    %multiple_of3A_1820 = tpu.assume_multiple %mul3A_1819, 8 : i32
    %dma_start3A_1821 = arith.constant 800 : i32
    %dma_start3A_1822 = tpu.memref_slice %arg23[%dma_start3A_1821] : memref<10000xf32, #tpu.memory_space<vmem>> -> memref<400xf32, #tpu.memory_space<vmem>>
    %dma_start3A_1823 = tpu.memref_slice %arg8[%multiple_of3A_1820] : memref<960000xf32, #tpu.memory_space<hbm>> -> memref<400xf32, #tpu.memory_space<hbm>>
    %dma_start3A_1824 = tpu.memref_slice %arg8[%multiple_of3A_1820] : memref<960000xf32, #tpu.memory_space<hbm>> -> memref<400xf32, #tpu.memory_space<hbm>>
    %dma_start3A_1825 = arith.constant 800 : i32
    %dma_start3A_1826 = tpu.memref_slice %arg23[%dma_start3A_1825] : memref<10000xf32, #tpu.memory_space<vmem>> -> memref<400xf32, #tpu.memory_space<vmem>>
    tpu.enqueue_dma source(%dma_start3A_1826 : memref<400xf32, #tpu.memory_space<vmem>>) target(%dma_start3A_1824 : memref<400xf32, #tpu.memory_space<hbm>>) target_semaphore(%arg34 : memref<!tpu.dma_semaphore, #tpu.memory_space<semaphore_mem>>)
    %add3A_1827 = arith.constant 1696 : i32
    %add3A_1828 = arith.addi %add3A_1827, %add3A : i32
    %mul3A_1829 = arith.constant 400 : i32
    %mul3A_1830 = arith.muli %add3A_1828, %mul3A_1829 : i32
    %multiple_of3A_1831 = tpu.assume_multiple %mul3A_1830, 8 : i32
    %dma_start3A_1832 = arith.constant 1200 : i32
    %dma_start3A_1833 = tpu.memref_slice %arg23[%dma_start3A_1832] : memref<10000xf32, #tpu.memory_space<vmem>> -> memref<400xf32, #tpu.memory_space<vmem>>
    %dma_start3A_1834 = tpu.memref_slice %arg8[%multiple_of3A_1831] : memref<960000xf32, #tpu.memory_space<hbm>> -> memref<400xf32, #tpu.memory_space<hbm>>
    %dma_start3A_1835 = tpu.memref_slice %arg8[%multiple_of3A_1831] : memref<960000xf32, #tpu.memory_space<hbm>> -> memref<400xf32, #tpu.memory_space<hbm>>
    %dma_start3A_1836 = arith.constant 1200 : i32
    %dma_start3A_1837 = tpu.memref_slice %arg23[%dma_start3A_1836] : memref<10000xf32, #tpu.memory_space<vmem>> -> memref<400xf32, #tpu.memory_space<vmem>>
    tpu.enqueue_dma source(%dma_start3A_1837 : memref<400xf32, #tpu.memory_space<vmem>>) target(%dma_start3A_1835 : memref<400xf32, #tpu.memory_space<hbm>>) target_semaphore(%arg34 : memref<!tpu.dma_semaphore, #tpu.memory_space<semaphore_mem>>)
    %add3A_1838 = arith.constant 1728 : i32
    %add3A_1839 = arith.addi %add3A_1838, %add3A : i32
    %mul3A_1840 = arith.constant 400 : i32
    %mul3A_1841 = arith.muli %add3A_1839, %mul3A_1840 : i32
    %multiple_of3A_1842 = tpu.assume_multiple %mul3A_1841, 8 : i32
    %dma_start3A_1843 = arith.constant 1600 : i32
    %dma_start3A_1844 = tpu.memref_slice %arg23[%dma_start3A_1843] : memref<10000xf32, #tpu.memory_space<vmem>> -> memref<400xf32, #tpu.memory_space<vmem>>
    %dma_start3A_1845 = tpu.memref_slice %arg8[%multiple_of3A_1842] : memref<960000xf32, #tpu.memory_space<hbm>> -> memref<400xf32, #tpu.memory_space<hbm>>
    %dma_start3A_1846 = tpu.memref_slice %arg8[%multiple_of3A_1842] : memref<960000xf32, #tpu.memory_space<hbm>> -> memref<400xf32, #tpu.memory_space<hbm>>
    %dma_start3A_1847 = arith.constant 1600 : i32
    %dma_start3A_1848 = tpu.memref_slice %arg23[%dma_start3A_1847] : memref<10000xf32, #tpu.memory_space<vmem>> -> memref<400xf32, #tpu.memory_space<vmem>>
    tpu.enqueue_dma source(%dma_start3A_1848 : memref<400xf32, #tpu.memory_space<vmem>>) target(%dma_start3A_1846 : memref<400xf32, #tpu.memory_space<hbm>>) target_semaphore(%arg34 : memref<!tpu.dma_semaphore, #tpu.memory_space<semaphore_mem>>)
    %add3A_1849 = arith.constant 1760 : i32
    %add3A_1850 = arith.addi %add3A_1849, %add3A : i32
    %mul3A_1851 = arith.constant 400 : i32
    %mul3A_1852 = arith.muli %add3A_1850, %mul3A_1851 : i32
    %multiple_of3A_1853 = tpu.assume_multiple %mul3A_1852, 8 : i32
    %dma_start3A_1854 = arith.constant 2000 : i32
    %dma_start3A_1855 = tpu.memref_slice %arg23[%dma_start3A_1854] : memref<10000xf32, #tpu.memory_space<vmem>> -> memref<400xf32, #tpu.memory_space<vmem>>
    %dma_start3A_1856 = tpu.memref_slice %arg8[%multiple_of3A_1853] : memref<960000xf32, #tpu.memory_space<hbm>> -> memref<400xf32, #tpu.memory_space<hbm>>
    %dma_start3A_1857 = tpu.memref_slice %arg8[%multiple_of3A_1853] : memref<960000xf32, #tpu.memory_space<hbm>> -> memref<400xf32, #tpu.memory_space<hbm>>
    %dma_start3A_1858 = arith.constant 2000 : i32
    %dma_start3A_1859 = tpu.memref_slice %arg23[%dma_start3A_1858] : memref<10000xf32, #tpu.memory_space<vmem>> -> memref<400xf32, #tpu.memory_space<vmem>>
    tpu.enqueue_dma source(%dma_start3A_1859 : memref<400xf32, #tpu.memory_space<vmem>>) target(%dma_start3A_1857 : memref<400xf32, #tpu.memory_space<hbm>>) target_semaphore(%arg34 : memref<!tpu.dma_semaphore, #tpu.memory_space<semaphore_mem>>)
    %add3A_1860 = arith.constant 1792 : i32
    %add3A_1861 = arith.addi %add3A_1860, %add3A : i32
    %mul3A_1862 = arith.constant 400 : i32
    %mul3A_1863 = arith.muli %add3A_1861, %mul3A_1862 : i32
    %multiple_of3A_1864 = tpu.assume_multiple %mul3A_1863, 8 : i32
    %dma_start3A_1865 = arith.constant 2400 : i32
    %dma_start3A_1866 = tpu.memref_slice %arg23[%dma_start3A_1865] : memref<10000xf32, #tpu.memory_space<vmem>> -> memref<400xf32, #tpu.memory_space<vmem>>
    %dma_start3A_1867 = tpu.memref_slice %arg8[%multiple_of3A_1864] : memref<960000xf32, #tpu.memory_space<hbm>> -> memref<400xf32, #tpu.memory_space<hbm>>
    %dma_start3A_1868 = tpu.memref_slice %arg8[%multiple_of3A_1864] : memref<960000xf32, #tpu.memory_space<hbm>> -> memref<400xf32, #tpu.memory_space<hbm>>
    %dma_start3A_1869 = arith.constant 2400 : i32
    %dma_start3A_1870 = tpu.memref_slice %arg23[%dma_start3A_1869] : memref<10000xf32, #tpu.memory_space<vmem>> -> memref<400xf32, #tpu.memory_space<vmem>>
    tpu.enqueue_dma source(%dma_start3A_1870 : memref<400xf32, #tpu.memory_space<vmem>>) target(%dma_start3A_1868 : memref<400xf32, #tpu.memory_space<hbm>>) target_semaphore(%arg34 : memref<!tpu.dma_semaphore, #tpu.memory_space<semaphore_mem>>)
    %add3A_1871 = arith.constant 1824 : i32
    %add3A_1872 = arith.addi %add3A_1871, %add3A : i32
    %mul3A_1873 = arith.constant 400 : i32
    %mul3A_1874 = arith.muli %add3A_1872, %mul3A_1873 : i32
    %multiple_of3A_1875 = tpu.assume_multiple %mul3A_1874, 8 : i32
    %dma_start3A_1876 = arith.constant 2800 : i32
    %dma_start3A_1877 = tpu.memref_slice %arg23[%dma_start3A_1876] : memref<10000xf32, #tpu.memory_space<vmem>> -> memref<400xf32, #tpu.memory_space<vmem>>
    %dma_start3A_1878 = tpu.memref_slice %arg8[%multiple_of3A_1875] : memref<960000xf32, #tpu.memory_space<hbm>> -> memref<400xf32, #tpu.memory_space<hbm>>
    %dma_start3A_1879 = tpu.memref_slice %arg8[%multiple_of3A_1875] : memref<960000xf32, #tpu.memory_space<hbm>> -> memref<400xf32, #tpu.memory_space<hbm>>
    %dma_start3A_1880 = arith.constant 2800 : i32
    %dma_start3A_1881 = tpu.memref_slice %arg23[%dma_start3A_1880] : memref<10000xf32, #tpu.memory_space<vmem>> -> memref<400xf32, #tpu.memory_space<vmem>>
    tpu.enqueue_dma source(%dma_start3A_1881 : memref<400xf32, #tpu.memory_space<vmem>>) target(%dma_start3A_1879 : memref<400xf32, #tpu.memory_space<hbm>>) target_semaphore(%arg34 : memref<!tpu.dma_semaphore, #tpu.memory_space<semaphore_mem>>)
    %add3A_1882 = arith.constant 1856 : i32
    %add3A_1883 = arith.addi %add3A_1882, %add3A : i32
    %mul3A_1884 = arith.constant 400 : i32
    %mul3A_1885 = arith.muli %add3A_1883, %mul3A_1884 : i32
    %multiple_of3A_1886 = tpu.assume_multiple %mul3A_1885, 8 : i32
    %dma_start3A_1887 = arith.constant 3200 : i32
    %dma_start3A_1888 = tpu.memref_slice %arg23[%dma_start3A_1887] : memref<10000xf32, #tpu.memory_space<vmem>> -> memref<400xf32, #tpu.memory_space<vmem>>
    %dma_start3A_1889 = tpu.memref_slice %arg8[%multiple_of3A_1886] : memref<960000xf32, #tpu.memory_space<hbm>> -> memref<400xf32, #tpu.memory_space<hbm>>
    %dma_start3A_1890 = tpu.memref_slice %arg8[%multiple_of3A_1886] : memref<960000xf32, #tpu.memory_space<hbm>> -> memref<400xf32, #tpu.memory_space<hbm>>
    %dma_start3A_1891 = arith.constant 3200 : i32
    %dma_start3A_1892 = tpu.memref_slice %arg23[%dma_start3A_1891] : memref<10000xf32, #tpu.memory_space<vmem>> -> memref<400xf32, #tpu.memory_space<vmem>>
    tpu.enqueue_dma source(%dma_start3A_1892 : memref<400xf32, #tpu.memory_space<vmem>>) target(%dma_start3A_1890 : memref<400xf32, #tpu.memory_space<hbm>>) target_semaphore(%arg34 : memref<!tpu.dma_semaphore, #tpu.memory_space<semaphore_mem>>)
    %add3A_1893 = arith.constant 1888 : i32
    %add3A_1894 = arith.addi %add3A_1893, %add3A : i32
    %mul3A_1895 = arith.constant 400 : i32
    %mul3A_1896 = arith.muli %add3A_1894, %mul3A_1895 : i32
    %multiple_of3A_1897 = tpu.assume_multiple %mul3A_1896, 8 : i32
    %dma_start3A_1898 = arith.constant 3600 : i32
    %dma_start3A_1899 = tpu.memref_slice %arg23[%dma_start3A_1898] : memref<10000xf32, #tpu.memory_space<vmem>> -> memref<400xf32, #tpu.memory_space<vmem>>
    %dma_start3A_1900 = tpu.memref_slice %arg8[%multiple_of3A_1897] : memref<960000xf32, #tpu.memory_space<hbm>> -> memref<400xf32, #tpu.memory_space<hbm>>
    %dma_start3A_1901 = tpu.memref_slice %arg8[%multiple_of3A_1897] : memref<960000xf32, #tpu.memory_space<hbm>> -> memref<400xf32, #tpu.memory_space<hbm>>
    %dma_start3A_1902 = arith.constant 3600 : i32
    %dma_start3A_1903 = tpu.memref_slice %arg23[%dma_start3A_1902] : memref<10000xf32, #tpu.memory_space<vmem>> -> memref<400xf32, #tpu.memory_space<vmem>>
    tpu.enqueue_dma source(%dma_start3A_1903 : memref<400xf32, #tpu.memory_space<vmem>>) target(%dma_start3A_1901 : memref<400xf32, #tpu.memory_space<hbm>>) target_semaphore(%arg34 : memref<!tpu.dma_semaphore, #tpu.memory_space<semaphore_mem>>)
    %add3A_1904 = arith.constant 1920 : i32
    %add3A_1905 = arith.addi %add3A_1904, %add3A : i32
    %mul3A_1906 = arith.constant 400 : i32
    %mul3A_1907 = arith.muli %add3A_1905, %mul3A_1906 : i32
    %multiple_of3A_1908 = tpu.assume_multiple %mul3A_1907, 8 : i32
    %dma_start3A_1909 = arith.constant 4000 : i32
    %dma_start3A_1910 = tpu.memref_slice %arg23[%dma_start3A_1909] : memref<10000xf32, #tpu.memory_space<vmem>> -> memref<400xf32, #tpu.memory_space<vmem>>
    %dma_start3A_1911 = tpu.memref_slice %arg8[%multiple_of3A_1908] : memref<960000xf32, #tpu.memory_space<hbm>> -> memref<400xf32, #tpu.memory_space<hbm>>
    %dma_start3A_1912 = tpu.memref_slice %arg8[%multiple_of3A_1908] : memref<960000xf32, #tpu.memory_space<hbm>> -> memref<400xf32, #tpu.memory_space<hbm>>
    %dma_start3A_1913 = arith.constant 4000 : i32
    %dma_start3A_1914 = tpu.memref_slice %arg23[%dma_start3A_1913] : memref<10000xf32, #tpu.memory_space<vmem>> -> memref<400xf32, #tpu.memory_space<vmem>>
    tpu.enqueue_dma source(%dma_start3A_1914 : memref<400xf32, #tpu.memory_space<vmem>>) target(%dma_start3A_1912 : memref<400xf32, #tpu.memory_space<hbm>>) target_semaphore(%arg34 : memref<!tpu.dma_semaphore, #tpu.memory_space<semaphore_mem>>)
    %add3A_1915 = arith.constant 1952 : i32
    %add3A_1916 = arith.addi %add3A_1915, %add3A : i32
    %mul3A_1917 = arith.constant 400 : i32
    %mul3A_1918 = arith.muli %add3A_1916, %mul3A_1917 : i32
    %multiple_of3A_1919 = tpu.assume_multiple %mul3A_1918, 8 : i32
    %dma_start3A_1920 = arith.constant 4400 : i32
    %dma_start3A_1921 = tpu.memref_slice %arg23[%dma_start3A_1920] : memref<10000xf32, #tpu.memory_space<vmem>> -> memref<400xf32, #tpu.memory_space<vmem>>
    %dma_start3A_1922 = tpu.memref_slice %arg8[%multiple_of3A_1919] : memref<960000xf32, #tpu.memory_space<hbm>> -> memref<400xf32, #tpu.memory_space<hbm>>
    %dma_start3A_1923 = tpu.memref_slice %arg8[%multiple_of3A_1919] : memref<960000xf32, #tpu.memory_space<hbm>> -> memref<400xf32, #tpu.memory_space<hbm>>
    %dma_start3A_1924 = arith.constant 4400 : i32
    %dma_start3A_1925 = tpu.memref_slice %arg23[%dma_start3A_1924] : memref<10000xf32, #tpu.memory_space<vmem>> -> memref<400xf32, #tpu.memory_space<vmem>>
    tpu.enqueue_dma source(%dma_start3A_1925 : memref<400xf32, #tpu.memory_space<vmem>>) target(%dma_start3A_1923 : memref<400xf32, #tpu.memory_space<hbm>>) target_semaphore(%arg34 : memref<!tpu.dma_semaphore, #tpu.memory_space<semaphore_mem>>)
    %add3A_1926 = arith.constant 1984 : i32
    %add3A_1927 = arith.addi %add3A_1926, %add3A : i32
    %mul3A_1928 = arith.constant 400 : i32
    %mul3A_1929 = arith.muli %add3A_1927, %mul3A_1928 : i32
    %multiple_of3A_1930 = tpu.assume_multiple %mul3A_1929, 8 : i32
    %dma_start3A_1931 = arith.constant 4800 : i32
    %dma_start3A_1932 = tpu.memref_slice %arg23[%dma_start3A_1931] : memref<10000xf32, #tpu.memory_space<vmem>> -> memref<400xf32, #tpu.memory_space<vmem>>
    %dma_start3A_1933 = tpu.memref_slice %arg8[%multiple_of3A_1930] : memref<960000xf32, #tpu.memory_space<hbm>> -> memref<400xf32, #tpu.memory_space<hbm>>
    %dma_start3A_1934 = tpu.memref_slice %arg8[%multiple_of3A_1930] : memref<960000xf32, #tpu.memory_space<hbm>> -> memref<400xf32, #tpu.memory_space<hbm>>
    %dma_start3A_1935 = arith.constant 4800 : i32
    %dma_start3A_1936 = tpu.memref_slice %arg23[%dma_start3A_1935] : memref<10000xf32, #tpu.memory_space<vmem>> -> memref<400xf32, #tpu.memory_space<vmem>>
    tpu.enqueue_dma source(%dma_start3A_1936 : memref<400xf32, #tpu.memory_space<vmem>>) target(%dma_start3A_1934 : memref<400xf32, #tpu.memory_space<hbm>>) target_semaphore(%arg34 : memref<!tpu.dma_semaphore, #tpu.memory_space<semaphore_mem>>)
    %add3A_1937 = arith.constant 2016 : i32
    %add3A_1938 = arith.addi %add3A_1937, %add3A : i32
    %mul3A_1939 = arith.constant 400 : i32
    %mul3A_1940 = arith.muli %add3A_1938, %mul3A_1939 : i32
    %multiple_of3A_1941 = tpu.assume_multiple %mul3A_1940, 8 : i32
    %dma_start3A_1942 = arith.constant 5200 : i32
    %dma_start3A_1943 = tpu.memref_slice %arg23[%dma_start3A_1942] : memref<10000xf32, #tpu.memory_space<vmem>> -> memref<400xf32, #tpu.memory_space<vmem>>
    %dma_start3A_1944 = tpu.memref_slice %arg8[%multiple_of3A_1941] : memref<960000xf32, #tpu.memory_space<hbm>> -> memref<400xf32, #tpu.memory_space<hbm>>
    %dma_start3A_1945 = tpu.memref_slice %arg8[%multiple_of3A_1941] : memref<960000xf32, #tpu.memory_space<hbm>> -> memref<400xf32, #tpu.memory_space<hbm>>
    %dma_start3A_1946 = arith.constant 5200 : i32
    %dma_start3A_1947 = tpu.memref_slice %arg23[%dma_start3A_1946] : memref<10000xf32, #tpu.memory_space<vmem>> -> memref<400xf32, #tpu.memory_space<vmem>>
    tpu.enqueue_dma source(%dma_start3A_1947 : memref<400xf32, #tpu.memory_space<vmem>>) target(%dma_start3A_1945 : memref<400xf32, #tpu.memory_space<hbm>>) target_semaphore(%arg34 : memref<!tpu.dma_semaphore, #tpu.memory_space<semaphore_mem>>)
    %add3A_1948 = arith.constant 2048 : i32
    %add3A_1949 = arith.addi %add3A_1948, %add3A : i32
    %mul3A_1950 = arith.constant 400 : i32
    %mul3A_1951 = arith.muli %add3A_1949, %mul3A_1950 : i32
    %multiple_of3A_1952 = tpu.assume_multiple %mul3A_1951, 8 : i32
    %dma_start3A_1953 = arith.constant 5600 : i32
    %dma_start3A_1954 = tpu.memref_slice %arg23[%dma_start3A_1953] : memref<10000xf32, #tpu.memory_space<vmem>> -> memref<400xf32, #tpu.memory_space<vmem>>
    %dma_start3A_1955 = tpu.memref_slice %arg8[%multiple_of3A_1952] : memref<960000xf32, #tpu.memory_space<hbm>> -> memref<400xf32, #tpu.memory_space<hbm>>
    %dma_start3A_1956 = tpu.memref_slice %arg8[%multiple_of3A_1952] : memref<960000xf32, #tpu.memory_space<hbm>> -> memref<400xf32, #tpu.memory_space<hbm>>
    %dma_start3A_1957 = arith.constant 5600 : i32
    %dma_start3A_1958 = tpu.memref_slice %arg23[%dma_start3A_1957] : memref<10000xf32, #tpu.memory_space<vmem>> -> memref<400xf32, #tpu.memory_space<vmem>>
    tpu.enqueue_dma source(%dma_start3A_1958 : memref<400xf32, #tpu.memory_space<vmem>>) target(%dma_start3A_1956 : memref<400xf32, #tpu.memory_space<hbm>>) target_semaphore(%arg34 : memref<!tpu.dma_semaphore, #tpu.memory_space<semaphore_mem>>)
    %add3A_1959 = arith.constant 2080 : i32
    %add3A_1960 = arith.addi %add3A_1959, %add3A : i32
    %mul3A_1961 = arith.constant 400 : i32
    %mul3A_1962 = arith.muli %add3A_1960, %mul3A_1961 : i32
    %multiple_of3A_1963 = tpu.assume_multiple %mul3A_1962, 8 : i32
    %dma_start3A_1964 = arith.constant 6000 : i32
    %dma_start3A_1965 = tpu.memref_slice %arg23[%dma_start3A_1964] : memref<10000xf32, #tpu.memory_space<vmem>> -> memref<400xf32, #tpu.memory_space<vmem>>
    %dma_start3A_1966 = tpu.memref_slice %arg8[%multiple_of3A_1963] : memref<960000xf32, #tpu.memory_space<hbm>> -> memref<400xf32, #tpu.memory_space<hbm>>
    %dma_start3A_1967 = tpu.memref_slice %arg8[%multiple_of3A_1963] : memref<960000xf32, #tpu.memory_space<hbm>> -> memref<400xf32, #tpu.memory_space<hbm>>
    %dma_start3A_1968 = arith.constant 6000 : i32
    %dma_start3A_1969 = tpu.memref_slice %arg23[%dma_start3A_1968] : memref<10000xf32, #tpu.memory_space<vmem>> -> memref<400xf32, #tpu.memory_space<vmem>>
    tpu.enqueue_dma source(%dma_start3A_1969 : memref<400xf32, #tpu.memory_space<vmem>>) target(%dma_start3A_1967 : memref<400xf32, #tpu.memory_space<hbm>>) target_semaphore(%arg34 : memref<!tpu.dma_semaphore, #tpu.memory_space<semaphore_mem>>)
    %add3A_1970 = arith.constant 2112 : i32
    %add3A_1971 = arith.addi %add3A_1970, %add3A : i32
    %mul3A_1972 = arith.constant 400 : i32
    %mul3A_1973 = arith.muli %add3A_1971, %mul3A_1972 : i32
    %multiple_of3A_1974 = tpu.assume_multiple %mul3A_1973, 8 : i32
    %dma_start3A_1975 = arith.constant 6400 : i32
    %dma_start3A_1976 = tpu.memref_slice %arg23[%dma_start3A_1975] : memref<10000xf32, #tpu.memory_space<vmem>> -> memref<400xf32, #tpu.memory_space<vmem>>
    %dma_start3A_1977 = tpu.memref_slice %arg8[%multiple_of3A_1974] : memref<960000xf32, #tpu.memory_space<hbm>> -> memref<400xf32, #tpu.memory_space<hbm>>
    %dma_start3A_1978 = tpu.memref_slice %arg8[%multiple_of3A_1974] : memref<960000xf32, #tpu.memory_space<hbm>> -> memref<400xf32, #tpu.memory_space<hbm>>
    %dma_start3A_1979 = arith.constant 6400 : i32
    %dma_start3A_1980 = tpu.memref_slice %arg23[%dma_start3A_1979] : memref<10000xf32, #tpu.memory_space<vmem>> -> memref<400xf32, #tpu.memory_space<vmem>>
    tpu.enqueue_dma source(%dma_start3A_1980 : memref<400xf32, #tpu.memory_space<vmem>>) target(%dma_start3A_1978 : memref<400xf32, #tpu.memory_space<hbm>>) target_semaphore(%arg34 : memref<!tpu.dma_semaphore, #tpu.memory_space<semaphore_mem>>)
    %add3A_1981 = arith.constant 2144 : i32
    %add3A_1982 = arith.addi %add3A_1981, %add3A : i32
    %mul3A_1983 = arith.constant 400 : i32
    %mul3A_1984 = arith.muli %add3A_1982, %mul3A_1983 : i32
    %multiple_of3A_1985 = tpu.assume_multiple %mul3A_1984, 8 : i32
    %dma_start3A_1986 = arith.constant 6800 : i32
    %dma_start3A_1987 = tpu.memref_slice %arg23[%dma_start3A_1986] : memref<10000xf32, #tpu.memory_space<vmem>> -> memref<400xf32, #tpu.memory_space<vmem>>
    %dma_start3A_1988 = tpu.memref_slice %arg8[%multiple_of3A_1985] : memref<960000xf32, #tpu.memory_space<hbm>> -> memref<400xf32, #tpu.memory_space<hbm>>
    %dma_start3A_1989 = tpu.memref_slice %arg8[%multiple_of3A_1985] : memref<960000xf32, #tpu.memory_space<hbm>> -> memref<400xf32, #tpu.memory_space<hbm>>
    %dma_start3A_1990 = arith.constant 6800 : i32
    %dma_start3A_1991 = tpu.memref_slice %arg23[%dma_start3A_1990] : memref<10000xf32, #tpu.memory_space<vmem>> -> memref<400xf32, #tpu.memory_space<vmem>>
    tpu.enqueue_dma source(%dma_start3A_1991 : memref<400xf32, #tpu.memory_space<vmem>>) target(%dma_start3A_1989 : memref<400xf32, #tpu.memory_space<hbm>>) target_semaphore(%arg34 : memref<!tpu.dma_semaphore, #tpu.memory_space<semaphore_mem>>)
    %add3A_1992 = arith.constant 2176 : i32
    %add3A_1993 = arith.addi %add3A_1992, %add3A : i32
    %mul3A_1994 = arith.constant 400 : i32
    %mul3A_1995 = arith.muli %add3A_1993, %mul3A_1994 : i32
    %multiple_of3A_1996 = tpu.assume_multiple %mul3A_1995, 8 : i32
    %dma_start3A_1997 = arith.constant 7200 : i32
    %dma_start3A_1998 = tpu.memref_slice %arg23[%dma_start3A_1997] : memref<10000xf32, #tpu.memory_space<vmem>> -> memref<400xf32, #tpu.memory_space<vmem>>
    %dma_start3A_1999 = tpu.memref_slice %arg8[%multiple_of3A_1996] : memref<960000xf32, #tpu.memory_space<hbm>> -> memref<400xf32, #tpu.memory_space<hbm>>
    %dma_start3A_2000 = tpu.memref_slice %arg8[%multiple_of3A_1996] : memref<960000xf32, #tpu.memory_space<hbm>> -> memref<400xf32, #tpu.memory_space<hbm>>
    %dma_start3A_2001 = arith.constant 7200 : i32
    %dma_start3A_2002 = tpu.memref_slice %arg23[%dma_start3A_2001] : memref<10000xf32, #tpu.memory_space<vmem>> -> memref<400xf32, #tpu.memory_space<vmem>>
    tpu.enqueue_dma source(%dma_start3A_2002 : memref<400xf32, #tpu.memory_space<vmem>>) target(%dma_start3A_2000 : memref<400xf32, #tpu.memory_space<hbm>>) target_semaphore(%arg34 : memref<!tpu.dma_semaphore, #tpu.memory_space<semaphore_mem>>)
    %add3A_2003 = arith.constant 2208 : i32
    %add3A_2004 = arith.addi %add3A_2003, %add3A : i32
    %mul3A_2005 = arith.constant 400 : i32
    %mul3A_2006 = arith.muli %add3A_2004, %mul3A_2005 : i32
    %multiple_of3A_2007 = tpu.assume_multiple %mul3A_2006, 8 : i32
    %dma_start3A_2008 = arith.constant 7600 : i32
    %dma_start3A_2009 = tpu.memref_slice %arg23[%dma_start3A_2008] : memref<10000xf32, #tpu.memory_space<vmem>> -> memref<400xf32, #tpu.memory_space<vmem>>
    %dma_start3A_2010 = tpu.memref_slice %arg8[%multiple_of3A_2007] : memref<960000xf32, #tpu.memory_space<hbm>> -> memref<400xf32, #tpu.memory_space<hbm>>
    %dma_start3A_2011 = tpu.memref_slice %arg8[%multiple_of3A_2007] : memref<960000xf32, #tpu.memory_space<hbm>> -> memref<400xf32, #tpu.memory_space<hbm>>
    %dma_start3A_2012 = arith.constant 7600 : i32
    %dma_start3A_2013 = tpu.memref_slice %arg23[%dma_start3A_2012] : memref<10000xf32, #tpu.memory_space<vmem>> -> memref<400xf32, #tpu.memory_space<vmem>>
    tpu.enqueue_dma source(%dma_start3A_2013 : memref<400xf32, #tpu.memory_space<vmem>>) target(%dma_start3A_2011 : memref<400xf32, #tpu.memory_space<hbm>>) target_semaphore(%arg34 : memref<!tpu.dma_semaphore, #tpu.memory_space<semaphore_mem>>)
    %add3A_2014 = arith.constant 2240 : i32
    %add3A_2015 = arith.addi %add3A_2014, %add3A : i32
    %mul3A_2016 = arith.constant 400 : i32
    %mul3A_2017 = arith.muli %add3A_2015, %mul3A_2016 : i32
    %multiple_of3A_2018 = tpu.assume_multiple %mul3A_2017, 8 : i32
    %dma_start3A_2019 = arith.constant 8000 : i32
    %dma_start3A_2020 = tpu.memref_slice %arg23[%dma_start3A_2019] : memref<10000xf32, #tpu.memory_space<vmem>> -> memref<400xf32, #tpu.memory_space<vmem>>
    %dma_start3A_2021 = tpu.memref_slice %arg8[%multiple_of3A_2018] : memref<960000xf32, #tpu.memory_space<hbm>> -> memref<400xf32, #tpu.memory_space<hbm>>
    %dma_start3A_2022 = tpu.memref_slice %arg8[%multiple_of3A_2018] : memref<960000xf32, #tpu.memory_space<hbm>> -> memref<400xf32, #tpu.memory_space<hbm>>
    %dma_start3A_2023 = arith.constant 8000 : i32
    %dma_start3A_2024 = tpu.memref_slice %arg23[%dma_start3A_2023] : memref<10000xf32, #tpu.memory_space<vmem>> -> memref<400xf32, #tpu.memory_space<vmem>>
    tpu.enqueue_dma source(%dma_start3A_2024 : memref<400xf32, #tpu.memory_space<vmem>>) target(%dma_start3A_2022 : memref<400xf32, #tpu.memory_space<hbm>>) target_semaphore(%arg34 : memref<!tpu.dma_semaphore, #tpu.memory_space<semaphore_mem>>)
    %add3A_2025 = arith.constant 2272 : i32
    %add3A_2026 = arith.addi %add3A_2025, %add3A : i32
    %mul3A_2027 = arith.constant 400 : i32
    %mul3A_2028 = arith.muli %add3A_2026, %mul3A_2027 : i32
    %multiple_of3A_2029 = tpu.assume_multiple %mul3A_2028, 8 : i32
    %dma_start3A_2030 = arith.constant 8400 : i32
    %dma_start3A_2031 = tpu.memref_slice %arg23[%dma_start3A_2030] : memref<10000xf32, #tpu.memory_space<vmem>> -> memref<400xf32, #tpu.memory_space<vmem>>
    %dma_start3A_2032 = tpu.memref_slice %arg8[%multiple_of3A_2029] : memref<960000xf32, #tpu.memory_space<hbm>> -> memref<400xf32, #tpu.memory_space<hbm>>
    %dma_start3A_2033 = tpu.memref_slice %arg8[%multiple_of3A_2029] : memref<960000xf32, #tpu.memory_space<hbm>> -> memref<400xf32, #tpu.memory_space<hbm>>
    %dma_start3A_2034 = arith.constant 8400 : i32
    %dma_start3A_2035 = tpu.memref_slice %arg23[%dma_start3A_2034] : memref<10000xf32, #tpu.memory_space<vmem>> -> memref<400xf32, #tpu.memory_space<vmem>>
    tpu.enqueue_dma source(%dma_start3A_2035 : memref<400xf32, #tpu.memory_space<vmem>>) target(%dma_start3A_2033 : memref<400xf32, #tpu.memory_space<hbm>>) target_semaphore(%arg34 : memref<!tpu.dma_semaphore, #tpu.memory_space<semaphore_mem>>)
    %add3A_2036 = arith.constant 2304 : i32
    %add3A_2037 = arith.addi %add3A_2036, %add3A : i32
    %mul3A_2038 = arith.constant 400 : i32
    %mul3A_2039 = arith.muli %add3A_2037, %mul3A_2038 : i32
    %multiple_of3A_2040 = tpu.assume_multiple %mul3A_2039, 8 : i32
    %dma_start3A_2041 = arith.constant 8800 : i32
    %dma_start3A_2042 = tpu.memref_slice %arg23[%dma_start3A_2041] : memref<10000xf32, #tpu.memory_space<vmem>> -> memref<400xf32, #tpu.memory_space<vmem>>
    %dma_start3A_2043 = tpu.memref_slice %arg8[%multiple_of3A_2040] : memref<960000xf32, #tpu.memory_space<hbm>> -> memref<400xf32, #tpu.memory_space<hbm>>
    %dma_start3A_2044 = tpu.memref_slice %arg8[%multiple_of3A_2040] : memref<960000xf32, #tpu.memory_space<hbm>> -> memref<400xf32, #tpu.memory_space<hbm>>
    %dma_start3A_2045 = arith.constant 8800 : i32
    %dma_start3A_2046 = tpu.memref_slice %arg23[%dma_start3A_2045] : memref<10000xf32, #tpu.memory_space<vmem>> -> memref<400xf32, #tpu.memory_space<vmem>>
    tpu.enqueue_dma source(%dma_start3A_2046 : memref<400xf32, #tpu.memory_space<vmem>>) target(%dma_start3A_2044 : memref<400xf32, #tpu.memory_space<hbm>>) target_semaphore(%arg34 : memref<!tpu.dma_semaphore, #tpu.memory_space<semaphore_mem>>)
    %add3A_2047 = arith.constant 2336 : i32
    %add3A_2048 = arith.addi %add3A_2047, %add3A : i32
    %mul3A_2049 = arith.constant 400 : i32
    %mul3A_2050 = arith.muli %add3A_2048, %mul3A_2049 : i32
    %multiple_of3A_2051 = tpu.assume_multiple %mul3A_2050, 8 : i32
    %dma_start3A_2052 = arith.constant 9200 : i32
    %dma_start3A_2053 = tpu.memref_slice %arg23[%dma_start3A_2052] : memref<10000xf32, #tpu.memory_space<vmem>> -> memref<400xf32, #tpu.memory_space<vmem>>
    %dma_start3A_2054 = tpu.memref_slice %arg8[%multiple_of3A_2051] : memref<960000xf32, #tpu.memory_space<hbm>> -> memref<400xf32, #tpu.memory_space<hbm>>
    %dma_start3A_2055 = tpu.memref_slice %arg8[%multiple_of3A_2051] : memref<960000xf32, #tpu.memory_space<hbm>> -> memref<400xf32, #tpu.memory_space<hbm>>
    %dma_start3A_2056 = arith.constant 9200 : i32
    %dma_start3A_2057 = tpu.memref_slice %arg23[%dma_start3A_2056] : memref<10000xf32, #tpu.memory_space<vmem>> -> memref<400xf32, #tpu.memory_space<vmem>>
    tpu.enqueue_dma source(%dma_start3A_2057 : memref<400xf32, #tpu.memory_space<vmem>>) target(%dma_start3A_2055 : memref<400xf32, #tpu.memory_space<hbm>>) target_semaphore(%arg34 : memref<!tpu.dma_semaphore, #tpu.memory_space<semaphore_mem>>)
    %add3A_2058 = arith.constant 2368 : i32
    %add3A_2059 = arith.addi %add3A_2058, %add3A : i32
    %mul3A_2060 = arith.constant 400 : i32
    %mul3A_2061 = arith.muli %add3A_2059, %mul3A_2060 : i32
    %multiple_of3A_2062 = tpu.assume_multiple %mul3A_2061, 8 : i32
    %dma_start3A_2063 = arith.constant 9600 : i32
    %dma_start3A_2064 = tpu.memref_slice %arg23[%dma_start3A_2063] : memref<10000xf32, #tpu.memory_space<vmem>> -> memref<400xf32, #tpu.memory_space<vmem>>
    %dma_start3A_2065 = tpu.memref_slice %arg8[%multiple_of3A_2062] : memref<960000xf32, #tpu.memory_space<hbm>> -> memref<400xf32, #tpu.memory_space<hbm>>
    %dma_start3A_2066 = tpu.memref_slice %arg8[%multiple_of3A_2062] : memref<960000xf32, #tpu.memory_space<hbm>> -> memref<400xf32, #tpu.memory_space<hbm>>
    %dma_start3A_2067 = arith.constant 9600 : i32
    %dma_start3A_2068 = tpu.memref_slice %arg23[%dma_start3A_2067] : memref<10000xf32, #tpu.memory_space<vmem>> -> memref<400xf32, #tpu.memory_space<vmem>>
    tpu.enqueue_dma source(%dma_start3A_2068 : memref<400xf32, #tpu.memory_space<vmem>>) target(%dma_start3A_2066 : memref<400xf32, #tpu.memory_space<hbm>>) target_semaphore(%arg34 : memref<!tpu.dma_semaphore, #tpu.memory_space<semaphore_mem>>)
    %add3A_2069 = arith.constant 0 : i32
    %add3A_2070 = arith.addi %add3A_2069, %arg1 : i32
    %lt3A_2071 = arith.constant 25 : i32
    %lt3A_2072 = arith.cmpi slt, %add3A_2070, %lt3A_2071 : i32
    %convert_element_type3A_2073 = arith.extui %lt3A_2072 : i1 to i32
    %cond3A_2074 = arith.constant 0 : i32
    %cond3A_2075 = arith.cmpi ne, %convert_element_type3A_2073, %cond3A_2074 : i32
    scf.if %cond3A_2075 {
      %mul3A_2358 = arith.constant 400 : i32
      %mul3A_2359 = arith.muli %add3A_2070, %mul3A_2358 : i32
      %multiple_of3A_2360 = tpu.assume_multiple %mul3A_2359, 400 : i32
      %dma_wait3A_2361 = arith.constant 2 : i32
      %dma_wait3A_2362 = arith.constant 0 : i32
      %dma_wait3A_2363 = tpu.memref_slice %arg7[%dma_wait3A_2361, %arg0, %multiple_of3A_2360, %dma_wait3A_2362] : memref<3x2x10000x128xf32, #tpu.memory_space<hbm>> -> memref<1x1x400x128xf32, #tpu.memory_space<hbm>>
      %dma_wait3A_2364 = tpu.memref_squeeze %dma_wait3A_2363 : memref<1x1x400x128xf32, #tpu.memory_space<hbm>> -> memref<400x128xf32, #tpu.memory_space<hbm>>
      %dma_wait3A_2365 = arith.constant 0 : i32
      %dma_wait3A_2366 = tpu.memref_slice %arg24[%multiple_of3A_2360, %dma_wait3A_2365] : memref<10000x128xf32, #tpu.memory_space<vmem_shared>> -> memref<400x128xf32, #tpu.memory_space<vmem_shared>>
      tpu.wait_dma2 semaphore(%arg34 : memref<!tpu.dma_semaphore, #tpu.memory_space<semaphore_mem>>) src(%dma_wait3A_2366 : memref<400x128xf32, #tpu.memory_space<vmem_shared>>) dst(%dma_wait3A_2364 : memref<400x128xf32, #tpu.memory_space<hbm>>)
    } else {
    }
    %add3A_2076 = arith.constant 16 : i32
    %add3A_2077 = arith.addi %add3A_2076, %arg1 : i32
    %lt3A_2078 = arith.constant 25 : i32
    %lt3A_2079 = arith.cmpi slt, %add3A_2077, %lt3A_2078 : i32
    %convert_element_type3A_2080 = arith.extui %lt3A_2079 : i1 to i32
    %cond3A_2081 = arith.constant 0 : i32
    %cond3A_2082 = arith.cmpi ne, %convert_element_type3A_2080, %cond3A_2081 : i32
    scf.if %cond3A_2082 {
      %mul3A_2358 = arith.constant 400 : i32
      %mul3A_2359 = arith.muli %add3A_2077, %mul3A_2358 : i32
      %multiple_of3A_2360 = tpu.assume_multiple %mul3A_2359, 400 : i32
      %dma_wait3A_2361 = arith.constant 2 : i32
      %dma_wait3A_2362 = arith.constant 0 : i32
      %dma_wait3A_2363 = tpu.memref_slice %arg7[%dma_wait3A_2361, %arg0, %multiple_of3A_2360, %dma_wait3A_2362] : memref<3x2x10000x128xf32, #tpu.memory_space<hbm>> -> memref<1x1x400x128xf32, #tpu.memory_space<hbm>>
      %dma_wait3A_2364 = tpu.memref_squeeze %dma_wait3A_2363 : memref<1x1x400x128xf32, #tpu.memory_space<hbm>> -> memref<400x128xf32, #tpu.memory_space<hbm>>
      %dma_wait3A_2365 = arith.constant 0 : i32
      %dma_wait3A_2366 = tpu.memref_slice %arg24[%multiple_of3A_2360, %dma_wait3A_2365] : memref<10000x128xf32, #tpu.memory_space<vmem_shared>> -> memref<400x128xf32, #tpu.memory_space<vmem_shared>>
      tpu.wait_dma2 semaphore(%arg34 : memref<!tpu.dma_semaphore, #tpu.memory_space<semaphore_mem>>) src(%dma_wait3A_2366 : memref<400x128xf32, #tpu.memory_space<vmem_shared>>) dst(%dma_wait3A_2364 : memref<400x128xf32, #tpu.memory_space<hbm>>)
    } else {
    }
    %add3A_2083 = arith.constant 1600 : i32
    %add3A_2084 = arith.addi %add3A_2083, %add3A : i32
    %mul3A_2085 = arith.constant 400 : i32
    %mul3A_2086 = arith.muli %add3A_2084, %mul3A_2085 : i32
    %multiple_of3A_2087 = tpu.assume_multiple %mul3A_2086, 8 : i32
    %dma_wait3A_2088 = arith.constant 0 : i32
    %dma_wait3A_2089 = tpu.memref_slice %arg23[%dma_wait3A_2088] : memref<10000xf32, #tpu.memory_space<vmem>> -> memref<400xf32, #tpu.memory_space<vmem>>
    %dma_wait3A_2090 = tpu.memref_slice %arg8[%multiple_of3A_2087] : memref<960000xf32, #tpu.memory_space<hbm>> -> memref<400xf32, #tpu.memory_space<hbm>>
    %dma_wait3A_2091 = tpu.memref_slice %arg8[%multiple_of3A_2087] : memref<960000xf32, #tpu.memory_space<hbm>> -> memref<400xf32, #tpu.memory_space<hbm>>
    %dma_wait3A_2092 = arith.constant 0 : i32
    %dma_wait3A_2093 = tpu.memref_slice %arg23[%dma_wait3A_2092] : memref<10000xf32, #tpu.memory_space<vmem>> -> memref<400xf32, #tpu.memory_space<vmem>>
    tpu.wait_dma2 semaphore(%arg34 : memref<!tpu.dma_semaphore, #tpu.memory_space<semaphore_mem>>) src(%dma_wait3A_2093 : memref<400xf32, #tpu.memory_space<vmem>>) dst(%dma_wait3A_2091 : memref<400xf32, #tpu.memory_space<hbm>>)
    %add3A_2094 = arith.constant 1632 : i32
    %add3A_2095 = arith.addi %add3A_2094, %add3A : i32
    %mul3A_2096 = arith.constant 400 : i32
    %mul3A_2097 = arith.muli %add3A_2095, %mul3A_2096 : i32
    %multiple_of3A_2098 = tpu.assume_multiple %mul3A_2097, 8 : i32
    %dma_wait3A_2099 = arith.constant 400 : i32
    %dma_wait3A_2100 = tpu.memref_slice %arg23[%dma_wait3A_2099] : memref<10000xf32, #tpu.memory_space<vmem>> -> memref<400xf32, #tpu.memory_space<vmem>>
    %dma_wait3A_2101 = tpu.memref_slice %arg8[%multiple_of3A_2098] : memref<960000xf32, #tpu.memory_space<hbm>> -> memref<400xf32, #tpu.memory_space<hbm>>
    %dma_wait3A_2102 = tpu.memref_slice %arg8[%multiple_of3A_2098] : memref<960000xf32, #tpu.memory_space<hbm>> -> memref<400xf32, #tpu.memory_space<hbm>>
    %dma_wait3A_2103 = arith.constant 400 : i32
    %dma_wait3A_2104 = tpu.memref_slice %arg23[%dma_wait3A_2103] : memref<10000xf32, #tpu.memory_space<vmem>> -> memref<400xf32, #tpu.memory_space<vmem>>
    tpu.wait_dma2 semaphore(%arg34 : memref<!tpu.dma_semaphore, #tpu.memory_space<semaphore_mem>>) src(%dma_wait3A_2104 : memref<400xf32, #tpu.memory_space<vmem>>) dst(%dma_wait3A_2102 : memref<400xf32, #tpu.memory_space<hbm>>)
    %add3A_2105 = arith.constant 1664 : i32
    %add3A_2106 = arith.addi %add3A_2105, %add3A : i32
    %mul3A_2107 = arith.constant 400 : i32
    %mul3A_2108 = arith.muli %add3A_2106, %mul3A_2107 : i32
    %multiple_of3A_2109 = tpu.assume_multiple %mul3A_2108, 8 : i32
    %dma_wait3A_2110 = arith.constant 800 : i32
    %dma_wait3A_2111 = tpu.memref_slice %arg23[%dma_wait3A_2110] : memref<10000xf32, #tpu.memory_space<vmem>> -> memref<400xf32, #tpu.memory_space<vmem>>
    %dma_wait3A_2112 = tpu.memref_slice %arg8[%multiple_of3A_2109] : memref<960000xf32, #tpu.memory_space<hbm>> -> memref<400xf32, #tpu.memory_space<hbm>>
    %dma_wait3A_2113 = tpu.memref_slice %arg8[%multiple_of3A_2109] : memref<960000xf32, #tpu.memory_space<hbm>> -> memref<400xf32, #tpu.memory_space<hbm>>
    %dma_wait3A_2114 = arith.constant 800 : i32
    %dma_wait3A_2115 = tpu.memref_slice %arg23[%dma_wait3A_2114] : memref<10000xf32, #tpu.memory_space<vmem>> -> memref<400xf32, #tpu.memory_space<vmem>>
    tpu.wait_dma2 semaphore(%arg34 : memref<!tpu.dma_semaphore, #tpu.memory_space<semaphore_mem>>) src(%dma_wait3A_2115 : memref<400xf32, #tpu.memory_space<vmem>>) dst(%dma_wait3A_2113 : memref<400xf32, #tpu.memory_space<hbm>>)
    %add3A_2116 = arith.constant 1696 : i32
    %add3A_2117 = arith.addi %add3A_2116, %add3A : i32
    %mul3A_2118 = arith.constant 400 : i32
    %mul3A_2119 = arith.muli %add3A_2117, %mul3A_2118 : i32
    %multiple_of3A_2120 = tpu.assume_multiple %mul3A_2119, 8 : i32
    %dma_wait3A_2121 = arith.constant 1200 : i32
    %dma_wait3A_2122 = tpu.memref_slice %arg23[%dma_wait3A_2121] : memref<10000xf32, #tpu.memory_space<vmem>> -> memref<400xf32, #tpu.memory_space<vmem>>
    %dma_wait3A_2123 = tpu.memref_slice %arg8[%multiple_of3A_2120] : memref<960000xf32, #tpu.memory_space<hbm>> -> memref<400xf32, #tpu.memory_space<hbm>>
    %dma_wait3A_2124 = tpu.memref_slice %arg8[%multiple_of3A_2120] : memref<960000xf32, #tpu.memory_space<hbm>> -> memref<400xf32, #tpu.memory_space<hbm>>
    %dma_wait3A_2125 = arith.constant 1200 : i32
    %dma_wait3A_2126 = tpu.memref_slice %arg23[%dma_wait3A_2125] : memref<10000xf32, #tpu.memory_space<vmem>> -> memref<400xf32, #tpu.memory_space<vmem>>
    tpu.wait_dma2 semaphore(%arg34 : memref<!tpu.dma_semaphore, #tpu.memory_space<semaphore_mem>>) src(%dma_wait3A_2126 : memref<400xf32, #tpu.memory_space<vmem>>) dst(%dma_wait3A_2124 : memref<400xf32, #tpu.memory_space<hbm>>)
    %add3A_2127 = arith.constant 1728 : i32
    %add3A_2128 = arith.addi %add3A_2127, %add3A : i32
    %mul3A_2129 = arith.constant 400 : i32
    %mul3A_2130 = arith.muli %add3A_2128, %mul3A_2129 : i32
    %multiple_of3A_2131 = tpu.assume_multiple %mul3A_2130, 8 : i32
    %dma_wait3A_2132 = arith.constant 1600 : i32
    %dma_wait3A_2133 = tpu.memref_slice %arg23[%dma_wait3A_2132] : memref<10000xf32, #tpu.memory_space<vmem>> -> memref<400xf32, #tpu.memory_space<vmem>>
    %dma_wait3A_2134 = tpu.memref_slice %arg8[%multiple_of3A_2131] : memref<960000xf32, #tpu.memory_space<hbm>> -> memref<400xf32, #tpu.memory_space<hbm>>
    %dma_wait3A_2135 = tpu.memref_slice %arg8[%multiple_of3A_2131] : memref<960000xf32, #tpu.memory_space<hbm>> -> memref<400xf32, #tpu.memory_space<hbm>>
    %dma_wait3A_2136 = arith.constant 1600 : i32
    %dma_wait3A_2137 = tpu.memref_slice %arg23[%dma_wait3A_2136] : memref<10000xf32, #tpu.memory_space<vmem>> -> memref<400xf32, #tpu.memory_space<vmem>>
    tpu.wait_dma2 semaphore(%arg34 : memref<!tpu.dma_semaphore, #tpu.memory_space<semaphore_mem>>) src(%dma_wait3A_2137 : memref<400xf32, #tpu.memory_space<vmem>>) dst(%dma_wait3A_2135 : memref<400xf32, #tpu.memory_space<hbm>>)
    %add3A_2138 = arith.constant 1760 : i32
    %add3A_2139 = arith.addi %add3A_2138, %add3A : i32
    %mul3A_2140 = arith.constant 400 : i32
    %mul3A_2141 = arith.muli %add3A_2139, %mul3A_2140 : i32
    %multiple_of3A_2142 = tpu.assume_multiple %mul3A_2141, 8 : i32
    %dma_wait3A_2143 = arith.constant 2000 : i32
    %dma_wait3A_2144 = tpu.memref_slice %arg23[%dma_wait3A_2143] : memref<10000xf32, #tpu.memory_space<vmem>> -> memref<400xf32, #tpu.memory_space<vmem>>
    %dma_wait3A_2145 = tpu.memref_slice %arg8[%multiple_of3A_2142] : memref<960000xf32, #tpu.memory_space<hbm>> -> memref<400xf32, #tpu.memory_space<hbm>>
    %dma_wait3A_2146 = tpu.memref_slice %arg8[%multiple_of3A_2142] : memref<960000xf32, #tpu.memory_space<hbm>> -> memref<400xf32, #tpu.memory_space<hbm>>
    %dma_wait3A_2147 = arith.constant 2000 : i32
    %dma_wait3A_2148 = tpu.memref_slice %arg23[%dma_wait3A_2147] : memref<10000xf32, #tpu.memory_space<vmem>> -> memref<400xf32, #tpu.memory_space<vmem>>
    tpu.wait_dma2 semaphore(%arg34 : memref<!tpu.dma_semaphore, #tpu.memory_space<semaphore_mem>>) src(%dma_wait3A_2148 : memref<400xf32, #tpu.memory_space<vmem>>) dst(%dma_wait3A_2146 : memref<400xf32, #tpu.memory_space<hbm>>)
    %add3A_2149 = arith.constant 1792 : i32
    %add3A_2150 = arith.addi %add3A_2149, %add3A : i32
    %mul3A_2151 = arith.constant 400 : i32
    %mul3A_2152 = arith.muli %add3A_2150, %mul3A_2151 : i32
    %multiple_of3A_2153 = tpu.assume_multiple %mul3A_2152, 8 : i32
    %dma_wait3A_2154 = arith.constant 2400 : i32
    %dma_wait3A_2155 = tpu.memref_slice %arg23[%dma_wait3A_2154] : memref<10000xf32, #tpu.memory_space<vmem>> -> memref<400xf32, #tpu.memory_space<vmem>>
    %dma_wait3A_2156 = tpu.memref_slice %arg8[%multiple_of3A_2153] : memref<960000xf32, #tpu.memory_space<hbm>> -> memref<400xf32, #tpu.memory_space<hbm>>
    %dma_wait3A_2157 = tpu.memref_slice %arg8[%multiple_of3A_2153] : memref<960000xf32, #tpu.memory_space<hbm>> -> memref<400xf32, #tpu.memory_space<hbm>>
    %dma_wait3A_2158 = arith.constant 2400 : i32
    %dma_wait3A_2159 = tpu.memref_slice %arg23[%dma_wait3A_2158] : memref<10000xf32, #tpu.memory_space<vmem>> -> memref<400xf32, #tpu.memory_space<vmem>>
    tpu.wait_dma2 semaphore(%arg34 : memref<!tpu.dma_semaphore, #tpu.memory_space<semaphore_mem>>) src(%dma_wait3A_2159 : memref<400xf32, #tpu.memory_space<vmem>>) dst(%dma_wait3A_2157 : memref<400xf32, #tpu.memory_space<hbm>>)
    %add3A_2160 = arith.constant 1824 : i32
    %add3A_2161 = arith.addi %add3A_2160, %add3A : i32
    %mul3A_2162 = arith.constant 400 : i32
    %mul3A_2163 = arith.muli %add3A_2161, %mul3A_2162 : i32
    %multiple_of3A_2164 = tpu.assume_multiple %mul3A_2163, 8 : i32
    %dma_wait3A_2165 = arith.constant 2800 : i32
    %dma_wait3A_2166 = tpu.memref_slice %arg23[%dma_wait3A_2165] : memref<10000xf32, #tpu.memory_space<vmem>> -> memref<400xf32, #tpu.memory_space<vmem>>
    %dma_wait3A_2167 = tpu.memref_slice %arg8[%multiple_of3A_2164] : memref<960000xf32, #tpu.memory_space<hbm>> -> memref<400xf32, #tpu.memory_space<hbm>>
    %dma_wait3A_2168 = tpu.memref_slice %arg8[%multiple_of3A_2164] : memref<960000xf32, #tpu.memory_space<hbm>> -> memref<400xf32, #tpu.memory_space<hbm>>
    %dma_wait3A_2169 = arith.constant 2800 : i32
    %dma_wait3A_2170 = tpu.memref_slice %arg23[%dma_wait3A_2169] : memref<10000xf32, #tpu.memory_space<vmem>> -> memref<400xf32, #tpu.memory_space<vmem>>
    tpu.wait_dma2 semaphore(%arg34 : memref<!tpu.dma_semaphore, #tpu.memory_space<semaphore_mem>>) src(%dma_wait3A_2170 : memref<400xf32, #tpu.memory_space<vmem>>) dst(%dma_wait3A_2168 : memref<400xf32, #tpu.memory_space<hbm>>)
    %add3A_2171 = arith.constant 1856 : i32
    %add3A_2172 = arith.addi %add3A_2171, %add3A : i32
    %mul3A_2173 = arith.constant 400 : i32
    %mul3A_2174 = arith.muli %add3A_2172, %mul3A_2173 : i32
    %multiple_of3A_2175 = tpu.assume_multiple %mul3A_2174, 8 : i32
    %dma_wait3A_2176 = arith.constant 3200 : i32
    %dma_wait3A_2177 = tpu.memref_slice %arg23[%dma_wait3A_2176] : memref<10000xf32, #tpu.memory_space<vmem>> -> memref<400xf32, #tpu.memory_space<vmem>>
    %dma_wait3A_2178 = tpu.memref_slice %arg8[%multiple_of3A_2175] : memref<960000xf32, #tpu.memory_space<hbm>> -> memref<400xf32, #tpu.memory_space<hbm>>
    %dma_wait3A_2179 = tpu.memref_slice %arg8[%multiple_of3A_2175] : memref<960000xf32, #tpu.memory_space<hbm>> -> memref<400xf32, #tpu.memory_space<hbm>>
    %dma_wait3A_2180 = arith.constant 3200 : i32
    %dma_wait3A_2181 = tpu.memref_slice %arg23[%dma_wait3A_2180] : memref<10000xf32, #tpu.memory_space<vmem>> -> memref<400xf32, #tpu.memory_space<vmem>>
    tpu.wait_dma2 semaphore(%arg34 : memref<!tpu.dma_semaphore, #tpu.memory_space<semaphore_mem>>) src(%dma_wait3A_2181 : memref<400xf32, #tpu.memory_space<vmem>>) dst(%dma_wait3A_2179 : memref<400xf32, #tpu.memory_space<hbm>>)
    %add3A_2182 = arith.constant 1888 : i32
    %add3A_2183 = arith.addi %add3A_2182, %add3A : i32
    %mul3A_2184 = arith.constant 400 : i32
    %mul3A_2185 = arith.muli %add3A_2183, %mul3A_2184 : i32
    %multiple_of3A_2186 = tpu.assume_multiple %mul3A_2185, 8 : i32
    %dma_wait3A_2187 = arith.constant 3600 : i32
    %dma_wait3A_2188 = tpu.memref_slice %arg23[%dma_wait3A_2187] : memref<10000xf32, #tpu.memory_space<vmem>> -> memref<400xf32, #tpu.memory_space<vmem>>
    %dma_wait3A_2189 = tpu.memref_slice %arg8[%multiple_of3A_2186] : memref<960000xf32, #tpu.memory_space<hbm>> -> memref<400xf32, #tpu.memory_space<hbm>>
    %dma_wait3A_2190 = tpu.memref_slice %arg8[%multiple_of3A_2186] : memref<960000xf32, #tpu.memory_space<hbm>> -> memref<400xf32, #tpu.memory_space<hbm>>
    %dma_wait3A_2191 = arith.constant 3600 : i32
    %dma_wait3A_2192 = tpu.memref_slice %arg23[%dma_wait3A_2191] : memref<10000xf32, #tpu.memory_space<vmem>> -> memref<400xf32, #tpu.memory_space<vmem>>
    tpu.wait_dma2 semaphore(%arg34 : memref<!tpu.dma_semaphore, #tpu.memory_space<semaphore_mem>>) src(%dma_wait3A_2192 : memref<400xf32, #tpu.memory_space<vmem>>) dst(%dma_wait3A_2190 : memref<400xf32, #tpu.memory_space<hbm>>)
    %add3A_2193 = arith.constant 1920 : i32
    %add3A_2194 = arith.addi %add3A_2193, %add3A : i32
    %mul3A_2195 = arith.constant 400 : i32
    %mul3A_2196 = arith.muli %add3A_2194, %mul3A_2195 : i32
    %multiple_of3A_2197 = tpu.assume_multiple %mul3A_2196, 8 : i32
    %dma_wait3A_2198 = arith.constant 4000 : i32
    %dma_wait3A_2199 = tpu.memref_slice %arg23[%dma_wait3A_2198] : memref<10000xf32, #tpu.memory_space<vmem>> -> memref<400xf32, #tpu.memory_space<vmem>>
    %dma_wait3A_2200 = tpu.memref_slice %arg8[%multiple_of3A_2197] : memref<960000xf32, #tpu.memory_space<hbm>> -> memref<400xf32, #tpu.memory_space<hbm>>
    %dma_wait3A_2201 = tpu.memref_slice %arg8[%multiple_of3A_2197] : memref<960000xf32, #tpu.memory_space<hbm>> -> memref<400xf32, #tpu.memory_space<hbm>>
    %dma_wait3A_2202 = arith.constant 4000 : i32
    %dma_wait3A_2203 = tpu.memref_slice %arg23[%dma_wait3A_2202] : memref<10000xf32, #tpu.memory_space<vmem>> -> memref<400xf32, #tpu.memory_space<vmem>>
    tpu.wait_dma2 semaphore(%arg34 : memref<!tpu.dma_semaphore, #tpu.memory_space<semaphore_mem>>) src(%dma_wait3A_2203 : memref<400xf32, #tpu.memory_space<vmem>>) dst(%dma_wait3A_2201 : memref<400xf32, #tpu.memory_space<hbm>>)
    %add3A_2204 = arith.constant 1952 : i32
    %add3A_2205 = arith.addi %add3A_2204, %add3A : i32
    %mul3A_2206 = arith.constant 400 : i32
    %mul3A_2207 = arith.muli %add3A_2205, %mul3A_2206 : i32
    %multiple_of3A_2208 = tpu.assume_multiple %mul3A_2207, 8 : i32
    %dma_wait3A_2209 = arith.constant 4400 : i32
    %dma_wait3A_2210 = tpu.memref_slice %arg23[%dma_wait3A_2209] : memref<10000xf32, #tpu.memory_space<vmem>> -> memref<400xf32, #tpu.memory_space<vmem>>
    %dma_wait3A_2211 = tpu.memref_slice %arg8[%multiple_of3A_2208] : memref<960000xf32, #tpu.memory_space<hbm>> -> memref<400xf32, #tpu.memory_space<hbm>>
    %dma_wait3A_2212 = tpu.memref_slice %arg8[%multiple_of3A_2208] : memref<960000xf32, #tpu.memory_space<hbm>> -> memref<400xf32, #tpu.memory_space<hbm>>
    %dma_wait3A_2213 = arith.constant 4400 : i32
    %dma_wait3A_2214 = tpu.memref_slice %arg23[%dma_wait3A_2213] : memref<10000xf32, #tpu.memory_space<vmem>> -> memref<400xf32, #tpu.memory_space<vmem>>
    tpu.wait_dma2 semaphore(%arg34 : memref<!tpu.dma_semaphore, #tpu.memory_space<semaphore_mem>>) src(%dma_wait3A_2214 : memref<400xf32, #tpu.memory_space<vmem>>) dst(%dma_wait3A_2212 : memref<400xf32, #tpu.memory_space<hbm>>)
    %add3A_2215 = arith.constant 1984 : i32
    %add3A_2216 = arith.addi %add3A_2215, %add3A : i32
    %mul3A_2217 = arith.constant 400 : i32
    %mul3A_2218 = arith.muli %add3A_2216, %mul3A_2217 : i32
    %multiple_of3A_2219 = tpu.assume_multiple %mul3A_2218, 8 : i32
    %dma_wait3A_2220 = arith.constant 4800 : i32
    %dma_wait3A_2221 = tpu.memref_slice %arg23[%dma_wait3A_2220] : memref<10000xf32, #tpu.memory_space<vmem>> -> memref<400xf32, #tpu.memory_space<vmem>>
    %dma_wait3A_2222 = tpu.memref_slice %arg8[%multiple_of3A_2219] : memref<960000xf32, #tpu.memory_space<hbm>> -> memref<400xf32, #tpu.memory_space<hbm>>
    %dma_wait3A_2223 = tpu.memref_slice %arg8[%multiple_of3A_2219] : memref<960000xf32, #tpu.memory_space<hbm>> -> memref<400xf32, #tpu.memory_space<hbm>>
    %dma_wait3A_2224 = arith.constant 4800 : i32
    %dma_wait3A_2225 = tpu.memref_slice %arg23[%dma_wait3A_2224] : memref<10000xf32, #tpu.memory_space<vmem>> -> memref<400xf32, #tpu.memory_space<vmem>>
    tpu.wait_dma2 semaphore(%arg34 : memref<!tpu.dma_semaphore, #tpu.memory_space<semaphore_mem>>) src(%dma_wait3A_2225 : memref<400xf32, #tpu.memory_space<vmem>>) dst(%dma_wait3A_2223 : memref<400xf32, #tpu.memory_space<hbm>>)
    %add3A_2226 = arith.constant 2016 : i32
    %add3A_2227 = arith.addi %add3A_2226, %add3A : i32
    %mul3A_2228 = arith.constant 400 : i32
    %mul3A_2229 = arith.muli %add3A_2227, %mul3A_2228 : i32
    %multiple_of3A_2230 = tpu.assume_multiple %mul3A_2229, 8 : i32
    %dma_wait3A_2231 = arith.constant 5200 : i32
    %dma_wait3A_2232 = tpu.memref_slice %arg23[%dma_wait3A_2231] : memref<10000xf32, #tpu.memory_space<vmem>> -> memref<400xf32, #tpu.memory_space<vmem>>
    %dma_wait3A_2233 = tpu.memref_slice %arg8[%multiple_of3A_2230] : memref<960000xf32, #tpu.memory_space<hbm>> -> memref<400xf32, #tpu.memory_space<hbm>>
    %dma_wait3A_2234 = tpu.memref_slice %arg8[%multiple_of3A_2230] : memref<960000xf32, #tpu.memory_space<hbm>> -> memref<400xf32, #tpu.memory_space<hbm>>
    %dma_wait3A_2235 = arith.constant 5200 : i32
    %dma_wait3A_2236 = tpu.memref_slice %arg23[%dma_wait3A_2235] : memref<10000xf32, #tpu.memory_space<vmem>> -> memref<400xf32, #tpu.memory_space<vmem>>
    tpu.wait_dma2 semaphore(%arg34 : memref<!tpu.dma_semaphore, #tpu.memory_space<semaphore_mem>>) src(%dma_wait3A_2236 : memref<400xf32, #tpu.memory_space<vmem>>) dst(%dma_wait3A_2234 : memref<400xf32, #tpu.memory_space<hbm>>)
    %add3A_2237 = arith.constant 2048 : i32
    %add3A_2238 = arith.addi %add3A_2237, %add3A : i32
    %mul3A_2239 = arith.constant 400 : i32
    %mul3A_2240 = arith.muli %add3A_2238, %mul3A_2239 : i32
    %multiple_of3A_2241 = tpu.assume_multiple %mul3A_2240, 8 : i32
    %dma_wait3A_2242 = arith.constant 5600 : i32
    %dma_wait3A_2243 = tpu.memref_slice %arg23[%dma_wait3A_2242] : memref<10000xf32, #tpu.memory_space<vmem>> -> memref<400xf32, #tpu.memory_space<vmem>>
    %dma_wait3A_2244 = tpu.memref_slice %arg8[%multiple_of3A_2241] : memref<960000xf32, #tpu.memory_space<hbm>> -> memref<400xf32, #tpu.memory_space<hbm>>
    %dma_wait3A_2245 = tpu.memref_slice %arg8[%multiple_of3A_2241] : memref<960000xf32, #tpu.memory_space<hbm>> -> memref<400xf32, #tpu.memory_space<hbm>>
    %dma_wait3A_2246 = arith.constant 5600 : i32
    %dma_wait3A_2247 = tpu.memref_slice %arg23[%dma_wait3A_2246] : memref<10000xf32, #tpu.memory_space<vmem>> -> memref<400xf32, #tpu.memory_space<vmem>>
    tpu.wait_dma2 semaphore(%arg34 : memref<!tpu.dma_semaphore, #tpu.memory_space<semaphore_mem>>) src(%dma_wait3A_2247 : memref<400xf32, #tpu.memory_space<vmem>>) dst(%dma_wait3A_2245 : memref<400xf32, #tpu.memory_space<hbm>>)
    %add3A_2248 = arith.constant 2080 : i32
    %add3A_2249 = arith.addi %add3A_2248, %add3A : i32
    %mul3A_2250 = arith.constant 400 : i32
    %mul3A_2251 = arith.muli %add3A_2249, %mul3A_2250 : i32
    %multiple_of3A_2252 = tpu.assume_multiple %mul3A_2251, 8 : i32
    %dma_wait3A_2253 = arith.constant 6000 : i32
    %dma_wait3A_2254 = tpu.memref_slice %arg23[%dma_wait3A_2253] : memref<10000xf32, #tpu.memory_space<vmem>> -> memref<400xf32, #tpu.memory_space<vmem>>
    %dma_wait3A_2255 = tpu.memref_slice %arg8[%multiple_of3A_2252] : memref<960000xf32, #tpu.memory_space<hbm>> -> memref<400xf32, #tpu.memory_space<hbm>>
    %dma_wait3A_2256 = tpu.memref_slice %arg8[%multiple_of3A_2252] : memref<960000xf32, #tpu.memory_space<hbm>> -> memref<400xf32, #tpu.memory_space<hbm>>
    %dma_wait3A_2257 = arith.constant 6000 : i32
    %dma_wait3A_2258 = tpu.memref_slice %arg23[%dma_wait3A_2257] : memref<10000xf32, #tpu.memory_space<vmem>> -> memref<400xf32, #tpu.memory_space<vmem>>
    tpu.wait_dma2 semaphore(%arg34 : memref<!tpu.dma_semaphore, #tpu.memory_space<semaphore_mem>>) src(%dma_wait3A_2258 : memref<400xf32, #tpu.memory_space<vmem>>) dst(%dma_wait3A_2256 : memref<400xf32, #tpu.memory_space<hbm>>)
    %add3A_2259 = arith.constant 2112 : i32
    %add3A_2260 = arith.addi %add3A_2259, %add3A : i32
    %mul3A_2261 = arith.constant 400 : i32
    %mul3A_2262 = arith.muli %add3A_2260, %mul3A_2261 : i32
    %multiple_of3A_2263 = tpu.assume_multiple %mul3A_2262, 8 : i32
    %dma_wait3A_2264 = arith.constant 6400 : i32
    %dma_wait3A_2265 = tpu.memref_slice %arg23[%dma_wait3A_2264] : memref<10000xf32, #tpu.memory_space<vmem>> -> memref<400xf32, #tpu.memory_space<vmem>>
    %dma_wait3A_2266 = tpu.memref_slice %arg8[%multiple_of3A_2263] : memref<960000xf32, #tpu.memory_space<hbm>> -> memref<400xf32, #tpu.memory_space<hbm>>
    %dma_wait3A_2267 = tpu.memref_slice %arg8[%multiple_of3A_2263] : memref<960000xf32, #tpu.memory_space<hbm>> -> memref<400xf32, #tpu.memory_space<hbm>>
    %dma_wait3A_2268 = arith.constant 6400 : i32
    %dma_wait3A_2269 = tpu.memref_slice %arg23[%dma_wait3A_2268] : memref<10000xf32, #tpu.memory_space<vmem>> -> memref<400xf32, #tpu.memory_space<vmem>>
    tpu.wait_dma2 semaphore(%arg34 : memref<!tpu.dma_semaphore, #tpu.memory_space<semaphore_mem>>) src(%dma_wait3A_2269 : memref<400xf32, #tpu.memory_space<vmem>>) dst(%dma_wait3A_2267 : memref<400xf32, #tpu.memory_space<hbm>>)
    %add3A_2270 = arith.constant 2144 : i32
    %add3A_2271 = arith.addi %add3A_2270, %add3A : i32
    %mul3A_2272 = arith.constant 400 : i32
    %mul3A_2273 = arith.muli %add3A_2271, %mul3A_2272 : i32
    %multiple_of3A_2274 = tpu.assume_multiple %mul3A_2273, 8 : i32
    %dma_wait3A_2275 = arith.constant 6800 : i32
    %dma_wait3A_2276 = tpu.memref_slice %arg23[%dma_wait3A_2275] : memref<10000xf32, #tpu.memory_space<vmem>> -> memref<400xf32, #tpu.memory_space<vmem>>
    %dma_wait3A_2277 = tpu.memref_slice %arg8[%multiple_of3A_2274] : memref<960000xf32, #tpu.memory_space<hbm>> -> memref<400xf32, #tpu.memory_space<hbm>>
    %dma_wait3A_2278 = tpu.memref_slice %arg8[%multiple_of3A_2274] : memref<960000xf32, #tpu.memory_space<hbm>> -> memref<400xf32, #tpu.memory_space<hbm>>
    %dma_wait3A_2279 = arith.constant 6800 : i32
    %dma_wait3A_2280 = tpu.memref_slice %arg23[%dma_wait3A_2279] : memref<10000xf32, #tpu.memory_space<vmem>> -> memref<400xf32, #tpu.memory_space<vmem>>
    tpu.wait_dma2 semaphore(%arg34 : memref<!tpu.dma_semaphore, #tpu.memory_space<semaphore_mem>>) src(%dma_wait3A_2280 : memref<400xf32, #tpu.memory_space<vmem>>) dst(%dma_wait3A_2278 : memref<400xf32, #tpu.memory_space<hbm>>)
    %add3A_2281 = arith.constant 2176 : i32
    %add3A_2282 = arith.addi %add3A_2281, %add3A : i32
    %mul3A_2283 = arith.constant 400 : i32
    %mul3A_2284 = arith.muli %add3A_2282, %mul3A_2283 : i32
    %multiple_of3A_2285 = tpu.assume_multiple %mul3A_2284, 8 : i32
    %dma_wait3A_2286 = arith.constant 7200 : i32
    %dma_wait3A_2287 = tpu.memref_slice %arg23[%dma_wait3A_2286] : memref<10000xf32, #tpu.memory_space<vmem>> -> memref<400xf32, #tpu.memory_space<vmem>>
    %dma_wait3A_2288 = tpu.memref_slice %arg8[%multiple_of3A_2285] : memref<960000xf32, #tpu.memory_space<hbm>> -> memref<400xf32, #tpu.memory_space<hbm>>
    %dma_wait3A_2289 = tpu.memref_slice %arg8[%multiple_of3A_2285] : memref<960000xf32, #tpu.memory_space<hbm>> -> memref<400xf32, #tpu.memory_space<hbm>>
    %dma_wait3A_2290 = arith.constant 7200 : i32
    %dma_wait3A_2291 = tpu.memref_slice %arg23[%dma_wait3A_2290] : memref<10000xf32, #tpu.memory_space<vmem>> -> memref<400xf32, #tpu.memory_space<vmem>>
    tpu.wait_dma2 semaphore(%arg34 : memref<!tpu.dma_semaphore, #tpu.memory_space<semaphore_mem>>) src(%dma_wait3A_2291 : memref<400xf32, #tpu.memory_space<vmem>>) dst(%dma_wait3A_2289 : memref<400xf32, #tpu.memory_space<hbm>>)
    %add3A_2292 = arith.constant 2208 : i32
    %add3A_2293 = arith.addi %add3A_2292, %add3A : i32
    %mul3A_2294 = arith.constant 400 : i32
    %mul3A_2295 = arith.muli %add3A_2293, %mul3A_2294 : i32
    %multiple_of3A_2296 = tpu.assume_multiple %mul3A_2295, 8 : i32
    %dma_wait3A_2297 = arith.constant 7600 : i32
    %dma_wait3A_2298 = tpu.memref_slice %arg23[%dma_wait3A_2297] : memref<10000xf32, #tpu.memory_space<vmem>> -> memref<400xf32, #tpu.memory_space<vmem>>
    %dma_wait3A_2299 = tpu.memref_slice %arg8[%multiple_of3A_2296] : memref<960000xf32, #tpu.memory_space<hbm>> -> memref<400xf32, #tpu.memory_space<hbm>>
    %dma_wait3A_2300 = tpu.memref_slice %arg8[%multiple_of3A_2296] : memref<960000xf32, #tpu.memory_space<hbm>> -> memref<400xf32, #tpu.memory_space<hbm>>
    %dma_wait3A_2301 = arith.constant 7600 : i32
    %dma_wait3A_2302 = tpu.memref_slice %arg23[%dma_wait3A_2301] : memref<10000xf32, #tpu.memory_space<vmem>> -> memref<400xf32, #tpu.memory_space<vmem>>
    tpu.wait_dma2 semaphore(%arg34 : memref<!tpu.dma_semaphore, #tpu.memory_space<semaphore_mem>>) src(%dma_wait3A_2302 : memref<400xf32, #tpu.memory_space<vmem>>) dst(%dma_wait3A_2300 : memref<400xf32, #tpu.memory_space<hbm>>)
    %add3A_2303 = arith.constant 2240 : i32
    %add3A_2304 = arith.addi %add3A_2303, %add3A : i32
    %mul3A_2305 = arith.constant 400 : i32
    %mul3A_2306 = arith.muli %add3A_2304, %mul3A_2305 : i32
    %multiple_of3A_2307 = tpu.assume_multiple %mul3A_2306, 8 : i32
    %dma_wait3A_2308 = arith.constant 8000 : i32
    %dma_wait3A_2309 = tpu.memref_slice %arg23[%dma_wait3A_2308] : memref<10000xf32, #tpu.memory_space<vmem>> -> memref<400xf32, #tpu.memory_space<vmem>>
    %dma_wait3A_2310 = tpu.memref_slice %arg8[%multiple_of3A_2307] : memref<960000xf32, #tpu.memory_space<hbm>> -> memref<400xf32, #tpu.memory_space<hbm>>
    %dma_wait3A_2311 = tpu.memref_slice %arg8[%multiple_of3A_2307] : memref<960000xf32, #tpu.memory_space<hbm>> -> memref<400xf32, #tpu.memory_space<hbm>>
    %dma_wait3A_2312 = arith.constant 8000 : i32
    %dma_wait3A_2313 = tpu.memref_slice %arg23[%dma_wait3A_2312] : memref<10000xf32, #tpu.memory_space<vmem>> -> memref<400xf32, #tpu.memory_space<vmem>>
    tpu.wait_dma2 semaphore(%arg34 : memref<!tpu.dma_semaphore, #tpu.memory_space<semaphore_mem>>) src(%dma_wait3A_2313 : memref<400xf32, #tpu.memory_space<vmem>>) dst(%dma_wait3A_2311 : memref<400xf32, #tpu.memory_space<hbm>>)
    %add3A_2314 = arith.constant 2272 : i32
    %add3A_2315 = arith.addi %add3A_2314, %add3A : i32
    %mul3A_2316 = arith.constant 400 : i32
    %mul3A_2317 = arith.muli %add3A_2315, %mul3A_2316 : i32
    %multiple_of3A_2318 = tpu.assume_multiple %mul3A_2317, 8 : i32
    %dma_wait3A_2319 = arith.constant 8400 : i32
    %dma_wait3A_2320 = tpu.memref_slice %arg23[%dma_wait3A_2319] : memref<10000xf32, #tpu.memory_space<vmem>> -> memref<400xf32, #tpu.memory_space<vmem>>
    %dma_wait3A_2321 = tpu.memref_slice %arg8[%multiple_of3A_2318] : memref<960000xf32, #tpu.memory_space<hbm>> -> memref<400xf32, #tpu.memory_space<hbm>>
    %dma_wait3A_2322 = tpu.memref_slice %arg8[%multiple_of3A_2318] : memref<960000xf32, #tpu.memory_space<hbm>> -> memref<400xf32, #tpu.memory_space<hbm>>
    %dma_wait3A_2323 = arith.constant 8400 : i32
    %dma_wait3A_2324 = tpu.memref_slice %arg23[%dma_wait3A_2323] : memref<10000xf32, #tpu.memory_space<vmem>> -> memref<400xf32, #tpu.memory_space<vmem>>
    tpu.wait_dma2 semaphore(%arg34 : memref<!tpu.dma_semaphore, #tpu.memory_space<semaphore_mem>>) src(%dma_wait3A_2324 : memref<400xf32, #tpu.memory_space<vmem>>) dst(%dma_wait3A_2322 : memref<400xf32, #tpu.memory_space<hbm>>)
    %add3A_2325 = arith.constant 2304 : i32
    %add3A_2326 = arith.addi %add3A_2325, %add3A : i32
    %mul3A_2327 = arith.constant 400 : i32
    %mul3A_2328 = arith.muli %add3A_2326, %mul3A_2327 : i32
    %multiple_of3A_2329 = tpu.assume_multiple %mul3A_2328, 8 : i32
    %dma_wait3A_2330 = arith.constant 8800 : i32
    %dma_wait3A_2331 = tpu.memref_slice %arg23[%dma_wait3A_2330] : memref<10000xf32, #tpu.memory_space<vmem>> -> memref<400xf32, #tpu.memory_space<vmem>>
    %dma_wait3A_2332 = tpu.memref_slice %arg8[%multiple_of3A_2329] : memref<960000xf32, #tpu.memory_space<hbm>> -> memref<400xf32, #tpu.memory_space<hbm>>
    %dma_wait3A_2333 = tpu.memref_slice %arg8[%multiple_of3A_2329] : memref<960000xf32, #tpu.memory_space<hbm>> -> memref<400xf32, #tpu.memory_space<hbm>>
    %dma_wait3A_2334 = arith.constant 8800 : i32
    %dma_wait3A_2335 = tpu.memref_slice %arg23[%dma_wait3A_2334] : memref<10000xf32, #tpu.memory_space<vmem>> -> memref<400xf32, #tpu.memory_space<vmem>>
    tpu.wait_dma2 semaphore(%arg34 : memref<!tpu.dma_semaphore, #tpu.memory_space<semaphore_mem>>) src(%dma_wait3A_2335 : memref<400xf32, #tpu.memory_space<vmem>>) dst(%dma_wait3A_2333 : memref<400xf32, #tpu.memory_space<hbm>>)
    %add3A_2336 = arith.constant 2336 : i32
    %add3A_2337 = arith.addi %add3A_2336, %add3A : i32
    %mul3A_2338 = arith.constant 400 : i32
    %mul3A_2339 = arith.muli %add3A_2337, %mul3A_2338 : i32
    %multiple_of3A_2340 = tpu.assume_multiple %mul3A_2339, 8 : i32
    %dma_wait3A_2341 = arith.constant 9200 : i32
    %dma_wait3A_2342 = tpu.memref_slice %arg23[%dma_wait3A_2341] : memref<10000xf32, #tpu.memory_space<vmem>> -> memref<400xf32, #tpu.memory_space<vmem>>
    %dma_wait3A_2343 = tpu.memref_slice %arg8[%multiple_of3A_2340] : memref<960000xf32, #tpu.memory_space<hbm>> -> memref<400xf32, #tpu.memory_space<hbm>>
    %dma_wait3A_2344 = tpu.memref_slice %arg8[%multiple_of3A_2340] : memref<960000xf32, #tpu.memory_space<hbm>> -> memref<400xf32, #tpu.memory_space<hbm>>
    %dma_wait3A_2345 = arith.constant 9200 : i32
    %dma_wait3A_2346 = tpu.memref_slice %arg23[%dma_wait3A_2345] : memref<10000xf32, #tpu.memory_space<vmem>> -> memref<400xf32, #tpu.memory_space<vmem>>
    tpu.wait_dma2 semaphore(%arg34 : memref<!tpu.dma_semaphore, #tpu.memory_space<semaphore_mem>>) src(%dma_wait3A_2346 : memref<400xf32, #tpu.memory_space<vmem>>) dst(%dma_wait3A_2344 : memref<400xf32, #tpu.memory_space<hbm>>)
    %add3A_2347 = arith.constant 2368 : i32
    %add3A_2348 = arith.addi %add3A_2347, %add3A : i32
    %mul3A_2349 = arith.constant 400 : i32
    %mul3A_2350 = arith.muli %add3A_2348, %mul3A_2349 : i32
    %multiple_of3A_2351 = tpu.assume_multiple %mul3A_2350, 8 : i32
    %dma_wait3A_2352 = arith.constant 9600 : i32
    %dma_wait3A_2353 = tpu.memref_slice %arg23[%dma_wait3A_2352] : memref<10000xf32, #tpu.memory_space<vmem>> -> memref<400xf32, #tpu.memory_space<vmem>>
    %dma_wait3A_2354 = tpu.memref_slice %arg8[%multiple_of3A_2351] : memref<960000xf32, #tpu.memory_space<hbm>> -> memref<400xf32, #tpu.memory_space<hbm>>
    %dma_wait3A_2355 = tpu.memref_slice %arg8[%multiple_of3A_2351] : memref<960000xf32, #tpu.memory_space<hbm>> -> memref<400xf32, #tpu.memory_space<hbm>>
    %dma_wait3A_2356 = arith.constant 9600 : i32
    %dma_wait3A_2357 = tpu.memref_slice %arg23[%dma_wait3A_2356] : memref<10000xf32, #tpu.memory_space<vmem>> -> memref<400xf32, #tpu.memory_space<vmem>>
    tpu.wait_dma2 semaphore(%arg34 : memref<!tpu.dma_semaphore, #tpu.memory_space<semaphore_mem>>) src(%dma_wait3A_2357 : memref<400xf32, #tpu.memory_space<vmem>>) dst(%dma_wait3A_2355 : memref<400xf32, #tpu.memory_space<hbm>>)
    return
  }
}

module attributes {stable_mosaic.version = 14 : i64} {
  func.func @body(%arg0: i32, %arg1: memref<400x128xf32, #tpu.memory_space<vmem>>, %arg2: memref<3x2x400x128xf32, #tpu.memory_space<vmem>>, %arg3: memref<3x1x32x400xf32, #tpu.memory_space<vmem>>, %arg4: memref<128x128xf32, #tpu.memory_space<vmem>>, %arg5: memref<128x128xf32, #tpu.memory_space<vmem>>, %arg6: memref<128x128xf32, #tpu.memory_space<vmem>>, %arg7: memref<128x128xf32, #tpu.memory_space<vmem>>, %arg8: memref<128x128xf32, #tpu.memory_space<vmem>>, %arg9: memref<128x128xf32, #tpu.memory_space<vmem>>, %arg10: memref<128xf32, #tpu.memory_space<vmem>>, %arg11: memref<128xf32, #tpu.memory_space<vmem>>, %arg12: memref<128xf32, #tpu.memory_space<vmem>>, %arg13: memref<400x128xf32, #tpu.memory_space<vmem>>) attributes {dimension_semantics = [#tpu.dimension_semantics<arbitrary>], iteration_bounds = array<i64: 25>, scalar_prefetch = 0 : i64, scratch_operands = 0 : i64, tpu.core_type = #tpu.core_type<tc>, window_params = [{transform_indices = @transform_0, window_bounds = array<i64: 400, 128>}, {transform_indices = @transform_1, window_bounds = array<i64: 3, 2, 400, 128>}, {transform_indices = @transform_2, window_bounds = array<i64: 3, 1, 32, 400>}, {pipeline_mode = #tpu.pipeline_mode<synchronous>, transform_indices = @transform_3, window_bounds = array<i64: 128, 128>}, {pipeline_mode = #tpu.pipeline_mode<synchronous>, transform_indices = @transform_4, window_bounds = array<i64: 128, 128>}, {pipeline_mode = #tpu.pipeline_mode<synchronous>, transform_indices = @transform_5, window_bounds = array<i64: 128, 128>}, {pipeline_mode = #tpu.pipeline_mode<synchronous>, transform_indices = @transform_6, window_bounds = array<i64: 128, 128>}, {pipeline_mode = #tpu.pipeline_mode<synchronous>, transform_indices = @transform_7, window_bounds = array<i64: 128, 128>}, {pipeline_mode = #tpu.pipeline_mode<synchronous>, transform_indices = @transform_8, window_bounds = array<i64: 128, 128>}, {pipeline_mode = #tpu.pipeline_mode<synchronous>, transform_indices = @transform_9, window_bounds = array<i64: 128>}, {pipeline_mode = #tpu.pipeline_mode<synchronous>, transform_indices = @transform_10, window_bounds = array<i64: 128>}, {pipeline_mode = #tpu.pipeline_mode<synchronous>, transform_indices = @transform_11, window_bounds = array<i64: 128>}, {transform_indices = @transform_12, window_bounds = array<i64: 400, 128>}]} {
    %get3A = arith.constant 0 : index
    %get3A_0 = arith.constant 0 : index
    %get3A_1 = vector.load %arg1[%get3A, %get3A_0] : memref<400x128xf32, #tpu.memory_space<vmem>>, vector<400x128xf32>
    %get3A_2 = arith.constant 0 : index
    %get3A_3 = arith.constant 0 : index
    %get3A_4 = vector.load %arg4[%get3A_2, %get3A_3] : memref<128x128xf32, #tpu.memory_space<vmem>>, vector<128x128xf32>
    %get3A_5 = arith.constant 0 : index
    %get3A_6 = arith.constant 0 : index
    %get3A_7 = vector.load %arg5[%get3A_5, %get3A_6] : memref<128x128xf32, #tpu.memory_space<vmem>>, vector<128x128xf32>
    %add3A = arith.addf %get3A_4, %get3A_7 : vector<128x128xf32>
    %get3A_8 = arith.constant 0 : index
    %get3A_9 = arith.constant 0 : index
    %get3A_10 = vector.load %arg6[%get3A_8, %get3A_9] : memref<128x128xf32, #tpu.memory_space<vmem>>, vector<128x128xf32>
    %add3A_11 = arith.addf %add3A, %get3A_10 : vector<128x128xf32>
    %dot_general3A = arith.constant dense<0.000000e+00> : vector<400x128xf32>
    %dot_general3A_12 = tpu.matmul %get3A_1, %add3A_11, %dot_general3A {dimension_numbers = #tpu.dot_dimension_numbers<[1], [0], [0], [1], [0, 0, 1, 1], [], []>, transpose_lhs_hint = false} : vector<400x128xf32>, vector<128x128xf32>, vector<400x128xf32> -> vector<400x128xf32>
    %get3A_13 = arith.constant 0 : index
    %get3A_14 = arith.constant 0 : index
    %get3A_15 = arith.constant 0 : index
    %get3A_16 = arith.constant 0 : index
    %get3A_17 = vector.load %arg3[%get3A_13, %get3A_14, %get3A_15, %get3A_16] : memref<3x1x32x400xf32, #tpu.memory_space<vmem>>, vector<3x1x32x400xf32>
    %reduce_sum3A = arith.constant dense<0.000000e+00> : vector<3x400xf32>
    %reduce_sum3A_18 = vector.multi_reduction <add>, %get3A_17, %reduce_sum3A [1, 2] : vector<3x1x32x400xf32> to vector<3x400xf32>
    %max3A = arith.constant 1.000000e+00 : f32
    %max3A_19 = vector.broadcast %max3A : f32 to vector<3x400xf32>
    %max3A_20 = arith.maximumf %reduce_sum3A_18, %max3A_19 : vector<3x400xf32>
    %div3A = arith.constant 1.000000e+00 : f32
    %div3A_21 = vector.broadcast %div3A : f32 to vector<3x400xf32>
    %div3A_22 = arith.divf %div3A_21, %max3A_20 : vector<3x400xf32>
    %get3A_23 = arith.constant 0 : index
    %get3A_24 = arith.constant 0 : index
    %get3A_25 = arith.constant 0 : index
    %get3A_26 = arith.constant 0 : index
    %get3A_27 = vector.load %arg2[%get3A_23, %get3A_24, %get3A_25, %get3A_26] : memref<3x2x400x128xf32, #tpu.memory_space<vmem>>, vector<3x2x400x128xf32>
    %slice3A = vector.extract_strided_slice %get3A_27 {offsets = [0, 0, 0, 0], sizes = [1, 1, 400, 128], strides = [1, 1, 1, 1]} : vector<3x2x400x128xf32> to vector<1x1x400x128xf32>
    %squeeze3A = vector.shape_cast %slice3A : vector<1x1x400x128xf32> to vector<400x128xf32>
    %slice3A_28 = vector.extract_strided_slice %get3A_27 {offsets = [0, 1, 0, 0], sizes = [1, 1, 400, 128], strides = [1, 1, 1, 1]} : vector<3x2x400x128xf32> to vector<1x1x400x128xf32>
    %squeeze3A_29 = vector.shape_cast %slice3A_28 : vector<1x1x400x128xf32> to vector<400x128xf32>
    %add3A_30 = arith.addf %squeeze3A, %squeeze3A_29 : vector<400x128xf32>
    %slice3A_31 = vector.extract_strided_slice %div3A_22 {offsets = [0, 0], sizes = [1, 400], strides = [1, 1]} : vector<3x400xf32> to vector<1x400xf32>
    %squeeze3A_32 = vector.shape_cast %slice3A_31 : vector<1x400xf32> to vector<400xf32>
    %broadcast_in_dim3A = vector.shape_cast %squeeze3A_32 : vector<400xf32> to vector<400x1xf32>
    %mul3A = vector.broadcast %broadcast_in_dim3A : vector<400x1xf32> to vector<400x128xf32>
    %mul3A_33 = arith.mulf %add3A_30, %mul3A : vector<400x128xf32>
    %get3A_34 = arith.constant 0 : index
    %get3A_35 = arith.constant 0 : index
    %get3A_36 = vector.load %arg7[%get3A_34, %get3A_35] : memref<128x128xf32, #tpu.memory_space<vmem>>, vector<128x128xf32>
    %dot_general3A_37 = arith.constant dense<0.000000e+00> : vector<400x128xf32>
    %dot_general3A_38 = tpu.matmul %mul3A_33, %get3A_36, %dot_general3A_37 {dimension_numbers = #tpu.dot_dimension_numbers<[1], [0], [0], [1], [0, 0, 1, 1], [], []>, transpose_lhs_hint = false} : vector<400x128xf32>, vector<128x128xf32>, vector<400x128xf32> -> vector<400x128xf32>
    %add3A_39 = arith.addf %dot_general3A_12, %dot_general3A_38 : vector<400x128xf32>
    %slice3A_40 = vector.extract_strided_slice %get3A_27 {offsets = [1, 0, 0, 0], sizes = [1, 1, 400, 128], strides = [1, 1, 1, 1]} : vector<3x2x400x128xf32> to vector<1x1x400x128xf32>
    %squeeze3A_41 = vector.shape_cast %slice3A_40 : vector<1x1x400x128xf32> to vector<400x128xf32>
    %slice3A_42 = vector.extract_strided_slice %get3A_27 {offsets = [1, 1, 0, 0], sizes = [1, 1, 400, 128], strides = [1, 1, 1, 1]} : vector<3x2x400x128xf32> to vector<1x1x400x128xf32>
    %squeeze3A_43 = vector.shape_cast %slice3A_42 : vector<1x1x400x128xf32> to vector<400x128xf32>
    %add3A_44 = arith.addf %squeeze3A_41, %squeeze3A_43 : vector<400x128xf32>
    %slice3A_45 = vector.extract_strided_slice %div3A_22 {offsets = [1, 0], sizes = [1, 400], strides = [1, 1]} : vector<3x400xf32> to vector<1x400xf32>
    %squeeze3A_46 = vector.shape_cast %slice3A_45 : vector<1x400xf32> to vector<400xf32>
    %broadcast_in_dim3A_47 = vector.shape_cast %squeeze3A_46 : vector<400xf32> to vector<400x1xf32>
    %mul3A_48 = vector.broadcast %broadcast_in_dim3A_47 : vector<400x1xf32> to vector<400x128xf32>
    %mul3A_49 = arith.mulf %add3A_44, %mul3A_48 : vector<400x128xf32>
    %get3A_50 = arith.constant 0 : index
    %get3A_51 = arith.constant 0 : index
    %get3A_52 = vector.load %arg8[%get3A_50, %get3A_51] : memref<128x128xf32, #tpu.memory_space<vmem>>, vector<128x128xf32>
    %dot_general3A_53 = arith.constant dense<0.000000e+00> : vector<400x128xf32>
    %dot_general3A_54 = tpu.matmul %mul3A_49, %get3A_52, %dot_general3A_53 {dimension_numbers = #tpu.dot_dimension_numbers<[1], [0], [0], [1], [0, 0, 1, 1], [], []>, transpose_lhs_hint = false} : vector<400x128xf32>, vector<128x128xf32>, vector<400x128xf32> -> vector<400x128xf32>
    %add3A_55 = arith.addf %add3A_39, %dot_general3A_54 : vector<400x128xf32>
    %slice3A_56 = vector.extract_strided_slice %get3A_27 {offsets = [2, 0, 0, 0], sizes = [1, 1, 400, 128], strides = [1, 1, 1, 1]} : vector<3x2x400x128xf32> to vector<1x1x400x128xf32>
    %squeeze3A_57 = vector.shape_cast %slice3A_56 : vector<1x1x400x128xf32> to vector<400x128xf32>
    %slice3A_58 = vector.extract_strided_slice %get3A_27 {offsets = [2, 1, 0, 0], sizes = [1, 1, 400, 128], strides = [1, 1, 1, 1]} : vector<3x2x400x128xf32> to vector<1x1x400x128xf32>
    %squeeze3A_59 = vector.shape_cast %slice3A_58 : vector<1x1x400x128xf32> to vector<400x128xf32>
    %add3A_60 = arith.addf %squeeze3A_57, %squeeze3A_59 : vector<400x128xf32>
    %slice3A_61 = vector.extract_strided_slice %div3A_22 {offsets = [2, 0], sizes = [1, 400], strides = [1, 1]} : vector<3x400xf32> to vector<1x400xf32>
    %squeeze3A_62 = vector.shape_cast %slice3A_61 : vector<1x400xf32> to vector<400xf32>
    %broadcast_in_dim3A_63 = vector.shape_cast %squeeze3A_62 : vector<400xf32> to vector<400x1xf32>
    %mul3A_64 = vector.broadcast %broadcast_in_dim3A_63 : vector<400x1xf32> to vector<400x128xf32>
    %mul3A_65 = arith.mulf %add3A_60, %mul3A_64 : vector<400x128xf32>
    %get3A_66 = arith.constant 0 : index
    %get3A_67 = arith.constant 0 : index
    %get3A_68 = vector.load %arg9[%get3A_66, %get3A_67] : memref<128x128xf32, #tpu.memory_space<vmem>>, vector<128x128xf32>
    %dot_general3A_69 = arith.constant dense<0.000000e+00> : vector<400x128xf32>
    %dot_general3A_70 = tpu.matmul %mul3A_65, %get3A_68, %dot_general3A_69 {dimension_numbers = #tpu.dot_dimension_numbers<[1], [0], [0], [1], [0, 0, 1, 1], [], []>, transpose_lhs_hint = false} : vector<400x128xf32>, vector<128x128xf32>, vector<400x128xf32> -> vector<400x128xf32>
    %add3A_71 = arith.addf %add3A_55, %dot_general3A_70 : vector<400x128xf32>
    %get3A_72 = arith.constant 0 : index
    %get3A_73 = vector.load %arg10[%get3A_72] : memref<128xf32, #tpu.memory_space<vmem>>, vector<128xf32>
    %get3A_74 = arith.constant 0 : index
    %get3A_75 = vector.load %arg11[%get3A_74] : memref<128xf32, #tpu.memory_space<vmem>>, vector<128xf32>
    %add3A_76 = arith.addf %get3A_73, %get3A_75 : vector<128xf32>
    %get3A_77 = arith.constant 0 : index
    %get3A_78 = vector.load %arg12[%get3A_77] : memref<128xf32, #tpu.memory_space<vmem>>, vector<128xf32>
    %add3A_79 = arith.addf %add3A_76, %get3A_78 : vector<128xf32>
    %broadcast_in_dim3A_80 = vector.shape_cast %add3A_79 : vector<128xf32> to vector<1x128xf32>
    %add3A_81 = vector.broadcast %broadcast_in_dim3A_80 : vector<1x128xf32> to vector<400x128xf32>
    %add3A_82 = arith.addf %add3A_71, %add3A_81 : vector<400x128xf32>
    %swap3A = arith.constant 0 : index
    %swap3A_83 = arith.constant 0 : index
    %swap3A_84 = vector.load %arg13[%swap3A, %swap3A_83] : memref<400x128xf32, #tpu.memory_space<vmem>>, vector<400x128xf32>
    tpu.vector_store %arg13[%swap3A, %swap3A_83], %add3A_82 {strides = array<i32>} : memref<400x128xf32, #tpu.memory_space<vmem>>, vector<400x128xf32>,
    return
  }
  func.func @transform_0(%arg0: i32) -> (i32, i32) {
    %c0_i32 = arith.constant 0 : i32
    %c0_i32_0 = arith.constant 0 : i32
    return %arg0, %c0_i32 : i32, i32
  }
  func.func @transform_1(%arg0: i32) -> (i32, i32, i32, i32) {
    %c0_i32 = arith.constant 0 : i32
    %c0_i32_0 = arith.constant 0 : i32
    %c0_i32_1 = arith.constant 0 : i32
    %c0_i32_2 = arith.constant 0 : i32
    return %c0_i32, %c0_i32_0, %arg0, %c0_i32_1 : i32, i32, i32, i32
  }
  func.func @transform_2(%arg0: i32) -> (i32, i32, i32, i32) {
    %c0_i32 = arith.constant 0 : i32
    %c0_i32_0 = arith.constant 0 : i32
    %c0_i32_1 = arith.constant 0 : i32
    %c0_i32_2 = arith.constant 0 : i32
    return %c0_i32, %arg0, %c0_i32_0, %c0_i32_1 : i32, i32, i32, i32
  }
  func.func @transform_3(%arg0: i32) -> (i32, i32) {
    %c0_i32 = arith.constant 0 : i32
    %c0_i32_0 = arith.constant 0 : i32
    %c0_i32_1 = arith.constant 0 : i32
    return %c0_i32, %c0_i32_0 : i32, i32
  }
  func.func @transform_4(%arg0: i32) -> (i32, i32) {
    %c0_i32 = arith.constant 0 : i32
    %c0_i32_0 = arith.constant 0 : i32
    %c0_i32_1 = arith.constant 0 : i32
    return %c0_i32, %c0_i32_0 : i32, i32
  }
  func.func @transform_5(%arg0: i32) -> (i32, i32) {
    %c0_i32 = arith.constant 0 : i32
    %c0_i32_0 = arith.constant 0 : i32
    %c0_i32_1 = arith.constant 0 : i32
    return %c0_i32, %c0_i32_0 : i32, i32
  }
  func.func @transform_6(%arg0: i32) -> (i32, i32) {
    %c0_i32 = arith.constant 0 : i32
    %c0_i32_0 = arith.constant 0 : i32
    %c0_i32_1 = arith.constant 0 : i32
    return %c0_i32, %c0_i32_0 : i32, i32
  }
  func.func @transform_7(%arg0: i32) -> (i32, i32) {
    %c0_i32 = arith.constant 0 : i32
    %c0_i32_0 = arith.constant 0 : i32
    %c0_i32_1 = arith.constant 0 : i32
    return %c0_i32, %c0_i32_0 : i32, i32
  }
  func.func @transform_8(%arg0: i32) -> (i32, i32) {
    %c0_i32 = arith.constant 0 : i32
    %c0_i32_0 = arith.constant 0 : i32
    %c0_i32_1 = arith.constant 0 : i32
    return %c0_i32, %c0_i32_0 : i32, i32
  }
  func.func @transform_9(%arg0: i32) -> i32 {
    %c0_i32 = arith.constant 0 : i32
    %c0_i32_0 = arith.constant 0 : i32
    return %c0_i32 : i32
  }
  func.func @transform_10(%arg0: i32) -> i32 {
    %c0_i32 = arith.constant 0 : i32
    %c0_i32_0 = arith.constant 0 : i32
    return %c0_i32 : i32
  }
  func.func @transform_11(%arg0: i32) -> i32 {
    %c0_i32 = arith.constant 0 : i32
    %c0_i32_0 = arith.constant 0 : i32
    return %c0_i32 : i32
  }
  func.func @transform_12(%arg0: i32) -> (i32, i32) {
    %c0_i32 = arith.constant 0 : i32
    %c0_i32_0 = arith.constant 0 : i32
    return %arg0, %c0_i32 : i32, i32
  }
}

</mosaic_0001>

<sc_bundles>
// kernel: kernel.4.cloned.1.call-start
scs
__scs_entry_jumppad:
0x0: {  	(pc) =	sbr.rel $0x88, $3  }
0x1: {  	(tag) =	ssettag $0x0;
	lr =	simm.s32 $0x1  }
0x2: {  	[smem:$0x3F94] =	sst lr;
	_ =	strace $0xD0000000  }
0x3: {  	_ = 	snop  }
0x4: {  	_ = 	snop  }
0x5: {  	_ = 	snop  }
0x6: {  	_ = 	snop  }
0x7: {  	_ = 	snop  }
__scs_overlays_trampoline_lowered:
0x8: {  	[smem:$0x3FA3] =	sst s0  }
0x9: {  	[smem:$0x3FA4] =	sst s1  }
0xa: {  	[smem:$0x3FA5] =	sst s2  }
0xb: {  	[smem:$0x3FA6] =	sst s3  }
0xc: {  	[smem:$0x3FA7] =	sst s4  }
0xd: {  	[smem:$0x3FA8] =	sst s5  }
0xe: {  	[smem:$0x3FA9] =	sst s6  }
0xf: {  	[smem:$0x3FAA] =	sst s7  }
0x10: {  	[smem:$0x3FAB] =	sst s8  }
0x11: {  	[smem:$0x3FAC] =	sst s9;
	s0 =	simm.s32 @!p0 $0x0  }
0x12: {  	s1 =	sld [smem:$0x3F92];
	s0 =	simm.s32 @p0 $0x1  }
0x13: {  	[smem:$0x3FAD] =	sst s0;
	s0 =	simm.s32 @!p1 $0x0  }
0x14: {  	s2 =	sld [smem:$0x3F91];
	s0 =	simm.s32 @p1 $0x1  }
0x15: {  	[smem:$0x3FAE] =	sst s0;
	s0 =	simm.s32 @!p2 $0x0  }
0x16: {  	s3 =	sld [smem:$0x3FDB];
	s0 =	simm.s32 @p2 $0x1  }
0x17: {  	s4 =	simm.s32 $0x1BF5;
	[smem:$0x3FB0] =	sst s0  }
0x18: {  	s0 =	sld [smem:$0x3F93];
	_ =	swait.ge [sflag:s4], $0x0  }
0x19: {  	s7 =	sld [smem:$0x3F94]  }
0x1a: {  	s8 =	sadd.s32 $0xFFFFE003, lr  }
0x1b: {  	s9 =	sadd.s32 $0xFFFFFEF7, lr;
	s5 =	simm.s32 $0xFFFFFFFF;
	p2 =	slt.u32 s8, $0xFFFFF086  }
0x1c: {  	p1 =	slt.u32 s9, $0xF7A;
	s5 =	simm.s32 @!p2 $0x0  }
0x1d: {  	s5 =	simm.s32 @p1 $0x1;
	p0 =	seq.s32 s7, s2  }
0x1e: {  	s7 =	smul.u32 @!p0 $0xF7A, s2;
	p2 =	seq.s32 @!p0 s5, $0x0  }
0x1f: {  	s9 =	smul.u32 $0xF7A, s1;
	s8 =	simm.s32 @!p0 $0x1BF5;
	p2 =	por !p2, p0  }
0x20: {  	[sflag:s8] =	ssyncset.s32 @!p0 $0xFFFFF086;
	s6 =	sadd.s32 @!p0 s3, s7;
	s7 =	simm.s32 @!p0 $0x108  }
0x21: {  	s3 =	sadd.s32 s3, s9;
	s6 =	sadd.s32 @!p0 $0x88, s6;
	s7 =	simm.s32 @p2 $0x1082  }
0x22: {  	[simem:s7], [sflag:s8] =	dma.local @!p0 [hbm:s6], $0xF7A  }
0x23: {  	s9 =	sor.u32 $0xD0000000, s2;
	s6 =	simm.s32 $0x108;
	_ =	swait.ge @!p0 [sflag:s8], $0x0  }
0x24: {  	s3 =	sadd.s32 $0x88, s3;
	s6 =	simm.s32 @!p1 $0x1082;
	[sflag:s4] =	ssyncset.s32 $0xFFFFF086  }
0x25: {  	[simem:s6], [sflag:s4] =	dma.local [hbm:s3], $0xF7A  }
0x26: {  	[smem:$0x3F94] =	sst s1;
	(tag) =	ssettag s2;
	_ =	strace s9  }
0x27: {  	s1 =	sld [smem:$0x3FA4]  }
0x28: {  	s2 =	sld [smem:$0x3FA5]  }
0x29: {  	s4 =	sld [smem:$0x3FA7]  }
0x2a: {  	p0 =	seq.s32 s5, $0x0;
	s5 =	sld [smem:$0x3FA8]  }
0x2b: {  	s6 =	sld [smem:$0x3FA9]  }
0x2c: {  	s7 =	sld [smem:$0x3FAA]  }
0x2d: {  	s3 =	simm.s32 $0x108;
	s8 =	sld [smem:$0x3FAB]  }
0x2e: {  	s3 =	simm.s32 @!p0 $0x1082;
	s9 =	sld [smem:$0x3FAC]  }
0x2f: {  	lr =	sadd.s32 s0, s3;
	s0 =	sld [smem:$0x3FA3]  }
0x30: {  	s3 =	sld [smem:$0x3FA6]  }
0x31: {  	[smem:$0x3FAF] =	sst s10  }
0x32: {  	s10 =	sld [smem:$0x3FAD];
	_ =	sdelay $0x3  }
0x33: {  	p0 =	seq.s32 s10, $0x1;
	s10 =	sld [smem:$0x3FAF];
	_ =	sdelay $0x3  }
0x34: {  	[smem:$0x3FAF] =	sst s10  }
0x35: {  	s10 =	sld [smem:$0x3FAE];
	_ =	sdelay $0x3  }
0x36: {  	p1 =	seq.s32 s10, $0x1;
	s10 =	sld [smem:$0x3FAF];
	_ =	sdelay $0x3  }
0x37: {  	[smem:$0x3FAF] =	sst s10  }
0x38: {  	s10 =	sld [smem:$0x3FB0]  }
0x39: {  	_ = 	snop;
	(pc) =	sbr.ind lr, $3  }
0x3a: {  	_ = 	snop  }
0x3b: {  	_ = 	snop  }
0x3c: {  	p2 =	seq.s32 s10, $0x1;
	s10 =	sld [smem:$0x3FAF]  }
0x3d: {  	_ =	shalt  }
0x3e: {  	_ =	shalt  }
0x3f: {  	_ =	shalt  }
0x40: {  	_ =	shalt  }
0x41: {  	_ =	shalt  }
0x42: {  	_ =	shalt  }
0x43: {  	_ =	shalt  }
0x44: {  	_ =	shalt  }
0x45: {  	_ =	shalt  }
0x46: {  	_ =	shalt  }
0x47: {  	_ =	shalt  }
0x48: {  	_ =	shalt  }
0x49: {  	_ =	shalt  }
0x4a: {  	_ =	shalt  }
0x4b: {  	_ =	shalt  }
0x4c: {  	_ =	shalt  }
0x4d: {  	_ =	shalt  }
0x4e: {  	_ =	shalt  }
0x4f: {  	_ =	shalt  }
0x50: {  	_ =	shalt  }
0x51: {  	_ =	shalt  }
0x52: {  	_ =	shalt  }
0x53: {  	_ =	shalt  }
0x54: {  	_ =	shalt  }
0x55: {  	_ =	shalt  }
0x56: {  	_ =	shalt  }
0x57: {  	_ =	shalt  }
0x58: {  	_ =	shalt  }
0x59: {  	_ =	shalt  }
0x5a: {  	_ =	shalt  }
0x5b: {  	_ =	shalt  }
0x5c: {  	_ =	shalt  }
0x5d: {  	_ =	shalt  }
0x5e: {  	_ =	shalt  }
0x5f: {  	_ =	shalt  }
0x60: {  	_ =	shalt  }
0x61: {  	_ =	shalt  }
0x62: {  	_ =	shalt  }
0x63: {  	_ =	shalt  }
0x64: {  	_ =	shalt  }
0x65: {  	_ =	shalt  }
0x66: {  	_ =	shalt  }
0x67: {  	_ =	shalt  }
0x68: {  	_ =	shalt  }
0x69: {  	_ =	shalt  }
0x6a: {  	_ =	shalt  }
0x6b: {  	_ =	shalt  }
0x6c: {  	_ =	shalt  }
0x6d: {  	_ =	shalt  }
0x6e: {  	_ =	shalt  }
0x6f: {  	_ =	shalt  }
0x70: {  	_ =	shalt  }
0x71: {  	_ =	shalt  }
0x72: {  	_ =	shalt  }
0x73: {  	_ =	shalt  }
0x74: {  	_ =	shalt  }
0x75: {  	_ =	shalt  }
0x76: {  	_ =	shalt  }
0x77: {  	_ =	shalt  }
0x78: {  	_ =	shalt  }
0x79: {  	_ =	shalt  }
0x7a: {  	_ =	shalt  }
0x7b: {  	_ =	shalt  }
0x7c: {  	_ =	shalt  }
0x7d: {  	_ =	shalt  }
0x7e: {  	_ =	shalt  }
0x7f: {  	_ =	shalt  }
0x80: {  	_ =	shalt  }
0x81: {  	_ =	shalt  }
0x82: {  	_ =	shalt  }
0x83: {  	_ =	shalt  }
0x84: {  	_ =	shalt  }
0x85: {  	_ =	shalt  }
0x86: {  	_ =	shalt  }
0x87: {  	_ =	shalt  }
.Lfunc_end0:
.L_simem_size_0:
called_computation_lowered:
.L_overlay_start_0:
0x88: {  	s2 =	sld [smem:$0x3FD9]  }
0x89: {  	s3 =	sld [smem:$0x3FFE];
	_ =	sdelay $0x1  }
0x8a: {  	s1 =	srdreg.scid  }
0x8b: {  	s0 =	sand.u32 $0x1, s1  }
0x8c: {  	s17 =	sshll.u32 s0, $0xA;
	s2 =	sadd.s32 s3, s2  }
0x8d: {  	s2 =	sadd.s32 s2, s17  }
0x8e: {  	[smem:$0x3FBB] =	sst s2  }
0x8f: {  	_ = 	snop  }
0x90: {  	s2 =	sld [smem:$0x3FC9]  }
0x91: {  	s18 =	sld [smem:$0x3FD0];
	(tm) =	ssettm $0x1  }
0x92: {  	s4 =	sld [smem:$0x3FFB];
	_ =	sdelay $0x3  }
0x93: {  	_ =	strace s4  }
0x94: {  	s4 =	sld [smem:$0x3FFC];
	_ =	sdelay $0x3  }
0x95: {  	_ =	strace s4  }
0x96: {  	s4 =	sld [smem:$0x3FFD];
	_ =	sdelay $0x3  }
0x97: {  	_ =	strace s4  }
0x98: {  	_ =	strace $0x8FFFFFFF  }
0x99: {  	s19 =	sld [smem:$0x3FDB];
	_ =	sdelay $0x1  }
0x9a: {  	s5 =	simm.s32 $_scs_section_size  }
0x9b: {  	s6 =	simm.s32 $_size__tile_overlayer_lowered;
	s7 =	simm.s32 $_tile_overlayer_lowered  }
0x9c: {  	s22 =	simm.s32 $0x1BFF;
	s21 =	sshll.u32 s7, $0x1;
	s4 =	sadd.s32 s5, s19  }
0x9d: {  	s8 =	simm.s32 $0x0;
	s20 =	sshll.u32 s6, $0x1;
	s6 =	sadd.s32 s21, s4  }
0x9e: {  	[timem:s8], [sflag:s22] =	dma.local [hbm:s6], s20  }
0x9f: {  	_ =	swait.ge [sflag:s22], s20  }
0xa0: {  	s5 =	ssub.s32 $0x0, s20;
	[sflag:s22] =	ssyncset.done $0x0  }
0xa1: {  	[sflag:s22] =	ssyncadd.s32 s5;
	_ =	sdelay $0x1  }
0xa2: {  	s23 =	simm.s32 $0x1B8B  }
0xa3: {  	_ =	swait.ge [sflag:s23], $0x1  }
0xa4: {  	[sflag:s23] =	ssyncset.done $0x0  }
0xa5: {  	s25 =	simm.s32 $0x1B8E;
	s24 =	sld [smem:$0x3FFE];
	[sflag:s23] =	ssyncadd.s32 $0xFFFFFFFF  }
0xa6: {  	s26 =	simm.s32 $execute0_lowered;
	[smem:$0x3FD2] =	sst s25  }
0xa7: {  	s6 =	sshll.u32 s26, $0x1;
	_ =	strace $0x80000046;
	[dreg:$0x1] =	wrdreg $0xFFFFFFFF  }
0xa8: {  	s28 =	simm.s32 $_size_execute0_lowered;
	s4 =	sadd.s32 s4, s6;
	[dreg:$0x0] =	wrdreg $0x0  }
0xa9: {  	s6 =	sshll.u32 s28, $0x1;
	[dreg:$0x2] =	wrdreg s4  }
0xaa: {  	[dreg:$0x3] =	wrdreg s6  }
0xab: {  	[dreg:$0x4] =	wrdreg $0xC0  }
0xac: {  	_ =	task [dreg:s8], $0x5FFFF  }
0xad: {  	[dreg:$0x1] =	wrdreg $0xFFFFFFFF  }
0xae: {  	[dreg:$0x0] =	wrdreg $0x60  }
0xaf: {  	[dreg:$0x2] =	wrdreg s2  }
0xb0: {  	[dreg:$0x3] =	wrdreg s24  }
0xb1: {  	[dreg:$0x4] =	wrdreg s18  }
0xb2: {  	[dreg:$0x5] =	wrdreg $0xBD000  }
0xb3: {  	[dreg:$0x6] =	wrdreg $0x9  }
0xb4: {  	_ =	task.clear_ibuf [dreg:s8], $0x7FFFF;
	_ =	strace $0x90000046  }
0xb5: {  	s29 =	simm.s32 $0x9;
	_ =	strace $0x80000048  }
0xb6: {  	_ =	swait.ge [sflag:s29], $0x1  }
0xb7: {  	[sflag:s29] =	ssyncadd.s32 $0xFFFFFFFF  }
0xb8: {  	_ =	strace $0x90000048  }
0xb9: {  	_ =	sfence  }
0xba: {  	s30 =	sld [smem:$0x0];
	_ =	sdelay $0x2  }
0xbb: {  	s31 =	sshll.u32 s1, $0xD;
	s1 =	sshrl.u32 s1, $0x2  }
0xbc: {  	s3 =	sand.u32 $0x4000, s31;
	s1 =	sadd.s32 s1, s30  }
0xbd: {  	s0 =	sor.u32 s3, s0;
	s1 =	sshll.u32 s1, $0x11  }
0xbe: {  	s0 =	sor.u32 s1, s0  }
0xbf: {  	s0 =	sadd.s32 $0x8F2B, s0  }
0xc0: {  	[sflag:s0] =	ssyncadd.remote.s32 $0x1  }
0xc1: {  	_ =	sfence.sel $0xFFFF  }
0xc2: {  	[dreg:$0x0] =	wrdreg $0xFFFFFFFF;
	(pc) =	sbr.abs _section_cstart, $3  }
0xc3: {  	[dreg:$0x1] =	wrdreg $0xFFFFFFFF  }
0xc4: {  	_ =	task.clear_ibuf [dreg:s8], $0x2FFFF;
	_ =	strace $0x9FFFFFFF  }
0xc5: {  	(tm) =	ssettm $0x7FFFFFFF  }
tec
execute0_lowered:
.L_overlay_start_1:
0x0: {  	(tag) =	ssettag $0x1  }
0x1: {  	s1 =	rddreg [dreg:$0x0]  }
0x2: {  	s0 =	rddreg [dreg:$0x1]  }
0x3: {  	s4 =	rddreg [dreg:$0x2]  }
0x4: {  	s2 =	rddreg [dreg:$0x3];
	s3 =	simm.s32 $0x0;
	s5 =	srdreg.scid  }
0x5: {  	s19 =	stileid.u32;
	[smem:$0x7FF] =	sst s3;
	s20 =	sadd.s32 $0x2600, s0  }
0x6: {  	s21 =	sadd.s32 $0x16000, s0;
	s5 =	sand.u32 $0x1, s5;
	s10 =	smul.u32 $0x32000, s19  }
0x7: {  	s31 =	sadd.s32 $0x29A00, s0;
	s11 =	sor.u32 $0x10, s19;
	s16 =	smul.u32 $0xC800, s19  }
0x8: {  	s7 =	sadd.s32 $0x3D400, s0;
	s23 =	sadd.s32 $0x3EE00, s0;
	s25 =	smul.u32 $0x32000, s11  }
0x9: {  	s6 =	sshll.u32 s19, $0x1;
	_ =	strace $0x80000047;
	s13 =	smul.u32 $0x138800, s5  }
0xa: {  	[dreg:$0x7] =	wrdreg s7;
	s6 =	sor.u32 s5, s6;
	s11 =	smul.u32 $0xC800, s11  }
0xb: {  	s24 =	ssub.s32 $0x2, s5;
	[dreg:$0x5] =	wrdreg s21;
	s8 =	smul.u32 $0x2710, s6  }
0xc: {  	[dreg:$0x6] =	wrdreg s31;
	s9 =	sshrl.u32 s24, $0x1;
	s28 =	smul.u32 $0x32, s6  }
0xd: {  	s10 =	sshrl.u32 s10, $0x2;
	s6 =	smul.u32 $0x190, s6;
	s0 =	ssub.s32 s24, s9  }
0xe: {  	s10 =	sadd.s32 s10, s2;
	s9 =	sshrl.u32 s25, $0x2;
	s26 =	sadd.s32 s16, s13  }
0xf: {  	s11 =	sadd.s32 s13, s11;
	s8 =	sshrl.u32 s8, $0x3;
	[dreg:$0x9] =	wrdreg s10  }
0x10: {  	s10 =	sshrl.u32 s26, $0x3;
	s11 =	sshrl.u32 s11, $0x3;
	s9 =	sadd.s32 s9, s2  }
0x11: {  	s6 =	sshrl.u32 s6, $0x3;
	s24 =	sadd.s32 s4, s28;
	s0 =	smax.u32 s0, $0x1  }
0x12: {  	s12 =	sadd.s32 s20, s8;
	s14 =	sadd.s32 $0xC, s8;
	[dreg:$0xc] =	wrdreg s9  }
0x13: {  	s15 =	sadd.s32 $0x9C4C, s8;
	s17 =	sadd.s32 $0x18, s8;
	[dreg:$0xd] =	wrdreg s24  }
0x14: {  	s18 =	sadd.s32 $0x9C58, s8;
	s16 =	sadd.s32 s23, s10;
	[smem:$0x7E9] =	sst s0  }
0x15: {  	s11 =	sadd.s32 s23, s11;
	s25 =	sadd.s32 s21, s8;
	[dreg:$0x8] =	wrdreg s12  }
0x16: {  	s23 =	smul.u32 $0x2710, s5;
	s5 =	sadd.s32 s4, s6;
	[dreg:$0xe] =	wrdreg s25  }
0x17: {  	s6 =	sadd.s32 $0x4E0, s8;
	s7 =	sadd.s32 $0xA120, s8;
	[dreg:$0xa] =	wrdreg s16  }
0x18: {  	s12 =	sadd.s32 $0x9C40, s8;
	s8 =	sadd.s32 s31, s8;
	[dreg:$0xb] =	wrdreg s11  }
0x19: {  	s13 =	sadd.s32 s21, s14;
	[dreg:$0xf] =	wrdreg s8  }
0x1a: {  	s24 =	sadd.s32 s31, s15;
	[dreg:$0x14] =	wrdreg s13  }
0x1b: {  	s25 =	sadd.s32 s20, s17;
	[dreg:$0x18] =	wrdreg s24  }
0x1c: {  	s26 =	sadd.s32 s20, s12;
	[dreg:$0x19] =	wrdreg s25  }
0x1d: {  	s28 =	sadd.s32 s21, s12;
	[dreg:$0x10] =	wrdreg s26  }
0x1e: {  	s9 =	sadd.s32 s31, s12;
	[dreg:$0x11] =	wrdreg s28  }
0x1f: {  	s22 =	smul.u32 $0x4E20, s19;
	s12 =	sadd.s32 s20, s14;
	[dreg:$0x12] =	wrdreg s9  }
0x20: {  	s14 =	sadd.s32 s31, s14;
	[dreg:$0x13] =	wrdreg s12  }
0x21: {  	s4 =	sadd.s32 s23, s22;
	s22 =	sadd.s32 s20, s15;
	[dreg:$0x15] =	wrdreg s14  }
0x22: {  	s23 =	sadd.s32 s21, s15;
	[dreg:$0x16] =	wrdreg s22  }
0x23: {  	s13 =	sadd.s32 s31, s18;
	[dreg:$0x17] =	wrdreg s23  }
0x24: {  	s15 =	sadd.s32 s21, s6;
	[dreg:$0x1e] =	wrdreg s13  }
0x25: {  	s24 =	sadd.s32 $0xC80, s5;
	[smem:$0x79A] =	sst s15  }
0x26: {  	s25 =	sadd.s32 $0x12C0, s5;
	[smem:$0x7A0] =	sst s24  }
0x27: {  	s8 =	sadd.s32 $0x2BC0, s5;
	[smem:$0x7A1] =	sst s25  }
0x28: {  	s26 =	sadd.s32 s21, s17;
	[smem:$0x7A5] =	sst s8  }
0x29: {  	s28 =	sadd.s32 s31, s17;
	[dreg:$0x1a] =	wrdreg s26  }
0x2a: {  	s9 =	sadd.s32 s20, s18;
	[dreg:$0x1b] =	wrdreg s28  }
0x2b: {  	s12 =	sadd.s32 s21, s18;
	[dreg:$0x1c] =	wrdreg s9  }
0x2c: {  	s14 =	sadd.s32 s20, s6;
	[dreg:$0x1d] =	wrdreg s12  }
0x2d: {  	s6 =	sadd.s32 s31, s6;
	[dreg:$0x1f] =	wrdreg s14  }
0x2e: {  	s17 =	sadd.s32 s20, s7;
	[smem:$0x79B] =	sst s6  }
0x2f: {  	s18 =	sadd.s32 s21, s7;
	[smem:$0x79C] =	sst s17  }
0x30: {  	s22 =	sadd.s32 s31, s7;
	[smem:$0x79D] =	sst s18  }
0x31: {  	s23 =	sadd.s32 $0x640, s5;
	[smem:$0x79E] =	sst s22  }
0x32: {  	s7 =	sadd.s32 $0x2580, s5;
	[smem:$0x79F] =	sst s23  }
0x33: {  	s13 =	sadd.s32 $0x3E80, s5;
	[smem:$0x7A4] =	sst s7  }
0x34: {  	s15 =	sadd.s32 $0x4B00, s5;
	[smem:$0x7A8] =	sst s13  }
0x35: {  	s24 =	sadd.s32 $0x6A40, s5;
	[smem:$0x7AA] =	sst s15  }
0x36: {  	s25 =	sadd.s32 $0x7080, s5;
	[smem:$0x7AF] =	sst s24  }
0x37: {  	s8 =	sadd.s32 $0x8980, s5;
	[smem:$0x7B0] =	sst s25  }
0x38: {  	s26 =	sadd.s32 $0x1900, s5;
	[smem:$0x7B4] =	sst s8  }
0x39: {  	s28 =	sadd.s32 $0x1F40, s5;
	[smem:$0x7A2] =	sst s26  }
0x3a: {  	s9 =	sadd.s32 $0x3200, s5;
	[smem:$0x7A3] =	sst s28  }
0x3b: {  	s12 =	sadd.s32 $0x3840, s5;
	[smem:$0x7A6] =	sst s9  }
0x3c: {  	s14 =	sadd.s32 $0x44C0, s5;
	[smem:$0x7A7] =	sst s12  }
0x3d: {  	s17 =	sadd.s32 $0x5140, s5;
	[smem:$0x7A9] =	sst s14  }
0x3e: {  	s18 =	sadd.s32 $0x5780, s5;
	[smem:$0x7AB] =	sst s17  }
0x3f: {  	s22 =	sadd.s32 $0x5DC0, s5;
	[smem:$0x7AC] =	sst s18  }
0x40: {  	s23 =	sadd.s32 $0x6400, s5;
	[smem:$0x7AD] =	sst s22  }
0x41: {  	s7 =	sadd.s32 $0x8340, s5;
	[smem:$0x7AE] =	sst s23  }
0x42: {  	s13 =	sadd.s32 $0x9C40, s5;
	[smem:$0x7B3] =	sst s7  }
0x43: {  	s15 =	sadd.s32 $0xA8C0, s5;
	[smem:$0x7B7] =	sst s13  }
0x44: {  	s24 =	sadd.s32 $0xC800, s5;
	[smem:$0x7B9] =	sst s15  }
0x45: {  	s25 =	sadd.s32 $0xCE40, s5;
	[smem:$0x7BE] =	sst s24  }
0x46: {  	s8 =	sadd.s32 $0xE740, s5;
	[smem:$0x7BF] =	sst s25  }
0x47: {  	s26 =	sadd.s32 $0x76C0, s5;
	[smem:$0x7C3] =	sst s8  }
0x48: {  	s28 =	sadd.s32 $0x7D00, s5;
	[smem:$0x7B1] =	sst s26  }
0x49: {  	s9 =	sadd.s32 $0x8FC0, s5;
	[smem:$0x7B2] =	sst s28  }
0x4a: {  	s12 =	sadd.s32 $0x9600, s5;
	[smem:$0x7B5] =	sst s9  }
0x4b: {  	s14 =	sadd.s32 $0xA280, s5;
	[smem:$0x7B6] =	sst s12  }
0x4c: {  	s17 =	sadd.s32 $0xAF00, s5;
	[smem:$0x7B8] =	sst s14  }
0x4d: {  	s18 =	sadd.s32 $0xB540, s5;
	[smem:$0x7BA] =	sst s17  }
0x4e: {  	s22 =	sadd.s32 $0xBB80, s5;
	[smem:$0x7BB] =	sst s18  }
0x4f: {  	s23 =	sadd.s32 $0xC1C0, s5;
	[smem:$0x7BC] =	sst s22  }
0x50: {  	s7 =	sadd.s32 $0xE100, s5;
	[smem:$0x7BD] =	sst s23  }
0x51: {  	s13 =	sadd.s32 $0xFA00, s5;
	[smem:$0x7C2] =	sst s7  }
0x52: {  	s15 =	sadd.s32 $0x10680, s5;
	[smem:$0x7C6] =	sst s13  }
0x53: {  	s24 =	sadd.s32 $0x125C0, s5;
	[smem:$0x7C8] =	sst s15  }
0x54: {  	s25 =	sadd.s32 $0x12C00, s5;
	[smem:$0x7CD] =	sst s24  }
0x55: {  	s8 =	sadd.s32 $0x14500, s5;
	[smem:$0x7CE] =	sst s25  }
0x56: {  	s26 =	sadd.s32 $0xD480, s5;
	[smem:$0x7D2] =	sst s8  }
0x57: {  	s28 =	sadd.s32 $0xDAC0, s5;
	[smem:$0x7C0] =	sst s26  }
0x58: {  	s9 =	sadd.s32 $0xED80, s5;
	[smem:$0x7C1] =	sst s28  }
0x59: {  	s12 =	sadd.s32 $0xF3C0, s5;
	[smem:$0x7C4] =	sst s9  }
0x5a: {  	s14 =	sadd.s32 $0x10040, s5;
	[smem:$0x7C5] =	sst s12  }
0x5b: {  	s17 =	sadd.s32 $0x10CC0, s5;
	[smem:$0x7C7] =	sst s14  }
0x5c: {  	s18 =	sadd.s32 $0x11300, s5;
	[smem:$0x7C9] =	sst s17  }
0x5d: {  	s22 =	sadd.s32 $0x11940, s5;
	[smem:$0x7CA] =	sst s18  }
0x5e: {  	s23 =	sadd.s32 $0x11F80, s5;
	[smem:$0x7CB] =	sst s22  }
0x5f: {  	s7 =	sadd.s32 $0x13EC0, s5;
	[smem:$0x7CC] =	sst s23  }
0x60: {  	s13 =	sadd.s32 $0x157C0, s5;
	[smem:$0x7D1] =	sst s7  }
0x61: {  	s15 =	sadd.s32 $0x16440, s5;
	[smem:$0x7D5] =	sst s13  }
0x62: {  	s24 =	sadd.s32 $0x18380, s5;
	[smem:$0x7D7] =	sst s15  }
0x63: {  	s25 =	sadd.s32 $0x189C0, s5;
	[smem:$0x7DC] =	sst s24  }
0x64: {  	s8 =	sadd.s32 $0x1A2C0, s5;
	[smem:$0x7DD] =	sst s25  }
0x65: {  	s26 =	sadd.s32 $0x13240, s5;
	[smem:$0x7E1] =	sst s8  }
0x66: {  	s28 =	sadd.s32 $0x13880, s5;
	[smem:$0x7CF] =	sst s26  }
0x67: {  	s9 =	sadd.s32 $0x14B40, s5;
	[smem:$0x7D0] =	sst s28  }
0x68: {  	s12 =	sadd.s32 $0x15180, s5;
	[smem:$0x7D3] =	sst s9  }
0x69: {  	s14 =	sadd.s32 $0x15E00, s5;
	[smem:$0x7D4] =	sst s12  }
0x6a: {  	s17 =	sadd.s32 $0x16A80, s5;
	[smem:$0x7D6] =	sst s14  }
0x6b: {  	s18 =	sadd.s32 $0x170C0, s5;
	[smem:$0x7D8] =	sst s17  }
0x6c: {  	s22 =	sadd.s32 $0x17700, s5;
	[smem:$0x7D9] =	sst s18  }
0x6d: {  	s29 =	simm.s32 $0x4;
	s23 =	sadd.s32 $0x17D40, s5;
	[smem:$0x7DA] =	sst s22  }
0x6e: {  	s30 =	simm.s32 $0x3;
	s7 =	sadd.s32 $0x19C80, s5;
	[smem:$0x7DB] =	sst s23  }
0x6f: {  	p0 =	sgt.u32 s19, $0x8;
	s13 =	sadd.s32 $0x1B580, s5;
	[smem:$0x7E0] =	sst s7  }
0x70: {  	s19 =	simm.s32 $0x9000;
	s15 =	sadd.s32 $0x1C200, s5;
	[smem:$0x7E4] =	sst s13  }
0x71: {  	s10 =	smov.u32 s20;
	s26 =	sadd.s32 $0x19000, s5;
	[smem:$0x7E6] =	sst s15  }
0x72: {  	s24 =	sadd.s32 $0x4E380, s4;
	s28 =	sadd.s32 $0x19640, s5;
	[smem:$0x7DE] =	sst s26  }
0x73: {  	s25 =	sadd.s32 $0x4E320, s4;
	s9 =	sadd.s32 $0x1A900, s5;
	[smem:$0x7DF] =	sst s28  }
0x74: {  	s12 =	sadd.s32 $0x1AF40, s5;
	s14 =	sadd.s32 $0x1BBC0, s5;
	[smem:$0x7E2] =	sst s9  }
0x75: {  	s17 =	sadd.s32 $0x1C840, s5;
	s5 =	sadd.s32 $0x1CE80, s5;
	[smem:$0x7E3] =	sst s12  }
0x76: {  	s18 =	sadd.s32 $0x1E0, s4;
	s22 =	sadd.s32 $0x4E3E0, s4;
	[smem:$0x7E5] =	sst s14  }
0x77: {  	s23 =	sadd.s32 $0x180, s4;
	s7 =	sshrl.u32 s24, $0x3;
	[smem:$0x7E7] =	sst s17  }
0x78: {  	s4 =	sadd.s32 $0x120, s4;
	s24 =	sadd.s32 $0x4E200, s11;
	[smem:$0x7E8] =	sst s5  }
0x79: {  	s0 =	sshrl.u32 s18, $0x3;
	s5 =	sshrl.u32 s22, $0x3;
	[smem:$0x7EA] =	sst s4  }
0x7a: {  	s6 =	sshrl.u32 s23, $0x3;
	s17 =	sadd.s32 s7, s20;
	[smem:$0x7F7] =	sst s24  }
0x7b: {  	s26 =	sshrl.u32 s25, $0x3;
	s18 =	sadd.s32 s7, s21;
	[smem:$0x7F2] =	sst s17  }
0x7c: {  	s23 =	sadd.s32 $0x4E200, s16;
	s25 =	sadd.s32 $0x9C400, s16;
	[smem:$0x7F3] =	sst s18  }
0x7d: {  	s4 =	simm.s32 $0x9180;
	s16 =	simm.s32 $0xA;
	[smem:$0x7F6] =	sst s23  }
0x7e: {  	s24 =	simm.s32 $0x9;
	s28 =	sadd.s32 s0, s20;
	[smem:$0x7F8] =	sst s25  }
0x7f: {  	s13 =	sadd.s32 s0, s21;
	s0 =	sadd.s32 s0, s31;
	[smem:$0x7EB] =	sst s28  }
0x80: {  	s8 =	sadd.s32 s5, s20;
	s9 =	sadd.s32 s5, s21;
	[smem:$0x7EC] =	sst s0  }
0x81: {  	s12 =	sadd.s32 s5, s31;
	s14 =	sadd.s32 s6, s20;
	[smem:$0x7ED] =	sst s8  }
0x82: {  	s15 =	sadd.s32 s6, s31;
	s20 =	sadd.s32 s26, s20;
	[smem:$0x7EE] =	sst s9  }
0x83: {  	s22 =	sadd.s32 s26, s31;
	s17 =	simm.s32 $0x7;
	[smem:$0x7EF] =	sst s12  }
0x84: {  	s18 =	simm.s32 $0x60;
	s23 =	simm.s32 $0x8;
	[smem:$0x7F0] =	sst s14  }
0x85: {  	s5 =	simm.s32 $0x1;
	s25 =	simm.s32 $0x6000;
	[smem:$0x7F1] =	sst s15  }
0x86: {  	s28 =	sadd.s32 s6, s21;
	s14 =	sadd.s32 s7, s31;
	[smem:$0x7F4] =	sst s20  }
0x87: {  	s15 =	sadd.s32 s26, s21;
	[smem:$0x7F5] =	sst s22;
	s26 =	sadd.s32 $0x9C400, s11  }
0x88: {  	s21 =	simm.s32 $0x9080;
	s7 =	simm.s32 $0x9200;
	[smem:$0x7FA] =	sst s13  }
0x89: {  	s9 =	simm.s32 $0x9100;
	s8 =	simm.s32 $0x3000;
	[smem:$0x7F9] =	sst s26  }
0x8a: {  	s6 =	simm.s32 $0x9580;
	s12 =	simm.s32 $0x9300;
	[smem:$0x7FB] =	sst s28  }
0x8b: {  	s20 =	simm.s32 $0x9380;
	s11 =	simm.s32 $0x9400;
	[smem:$0x7FC] =	sst s14  }
0x8c: {  	v0 =	vimm.f32 $0.0e+00;
	v1 =	vimm.f32 $1.000000000e+00;
	s22 =	simm.s32 $0x0;
	s26 =	simm.s32 $0x2;
	[smem:$0x7FD] =	sst s15  }
.LBB2_1:
0x8d: {  	[smem:$0x796] =	sst s22  }
0x8e: {  	s0 =	rddreg [dreg:$0x8]  }
0x8f: {  	[tilespmem:s19], [sflag:$0x7] =	stream.linear.gather [hbm4b:s0+s3], $0x60, $0x38;
	[tilespmem:$0x1F580] =	vst v63  }
0x90: {  	s28 =	rddreg [dreg:$0x10]  }
0x91: {  	[tilespmem:s4], [sflag:$0x7] =	stream.linear.gather [hbm4b:s28+s3], $0x60, $0x38;
	[tilespmem:$0x1F580] =	vst v63  }
0x92: {  	s31 =	rddreg [dreg:$0x13]  }
0x93: {  	[tilespmem:s21], [sflag:$0x8] =	stream.linear.gather [hbm4b:s31+s3], $0x60, $0x38;
	[tilespmem:$0x1F580] =	vst v63  }
0x94: {  	s4 =	rddreg [dreg:$0x16]  }
0x95: {  	[tilespmem:s7], [sflag:$0x8] =	stream.linear.gather [hbm4b:s4+s3], $0x60, $0x38;
	[tilespmem:$0x1F580] =	vst v63  }
0x96: {  	s13 =	rddreg [dreg:$0x19]  }
0x97: {  	[tilespmem:s9], [sflag:$0x9] =	stream.linear.gather [hbm4b:s13+s3], $0x60, $0x38;
	[tilespmem:$0x1F580] =	vst v63  }
0x98: {  	s14 =	rddreg [dreg:$0x1c];
	s15 =	simm.s32 $0x9280  }
0x99: {  	[tilespmem:s15], [sflag:$0x9] =	stream.linear.gather [hbm4b:s14+s3], $0x60, $0x38;
	[tilespmem:$0x1F580] =	vst v63  }
0x9a: {  	_ =	swait.ge [sflag:s17], $0x60  }
0x9b: {  	[sflag:s17] =	ssyncset.done $0x0  }
0x9c: {  	s22 =	stileid.u32;
	[sflag:s17] =	ssyncadd.s32 $0xFFFFFFA0  }
0x9d: {  	s0 =	sshll.u32 s22, $0x6;
	_ =	swait.ge [sflag:s17], $0x60  }
0x9e: {  	s7 =	sor.u32 $0x1C0A, s0;
	[sflag:s17] =	ssyncset.done $0x0;
	s28 =	rddreg [dreg:$0x9]  }
0x9f: {  	s0 =	rddreg [dreg:$0x7];
	[sflag:s17] =	ssyncadd.s32 $0xFFFFFFA0;
	s31 =	sshrl.u32 s28, $0x3  }
0xa0: {  	[tilespmem:s3], [sflag:$0x1] =	stream.indirect.gather [hbm4b:s1+s18], $0x80, s19, s18, $0xb8;
	[tilespmem:$0x1F580] =	vst v63  }
0xa1: {  	[smem:$0x797] =	sst s31  }
0xa2: {  	[spmem:s31], [sflag:s7] =	dma.local [hbm:s0], $0x1900  }
0xa3: {  	s4 =	rddreg [dreg:$0xc]  }
0xa4: {  	[smem:$0x798] =	sst s7;
	s4 =	sshrl.u32 @!p0 s4, $0x3  }
0xa5: {  	[smem:$0x799] =	sst s4  }
0xa6: {  	[spmem:s4], [sflag:s7] =	dma.local @!p0 [hbm:s0], $0x1900  }
0xa7: {  	s0 =	simm.s32 $0x40;
	s4 =	simm.s32 $0x0  }
.LBB2_2:
0xa8: {  	p1 =	sne.s32 s0, $0x9C00;
	[tilespmem:s4+$0x9580] =	vst v0;
	s4 =	smov.u32 s0;
	s0 =	sadd.s32 $0x40, s0  }
.Ltmp0:
0xa9: {  	(pc) =	sbr.rel @p1 .LBB2_2-.Ltmp0, $2  }
0xaa: {  	_ =	sdelay $0x2  }
0xab: {  	s4 =	sshra.s32 s4, $0x2  }
0xac: {  	[tilespmem:s4+$0x9580] =	vst v0  }
0xad: {  	_ =	swait.ge [sflag:s16], $0x1900  }
0xae: {  	[sflag:s16] =	ssyncset.done $0x0  }
0xaf: {  	s0 =	simm.s32 @!p0 $0xA;
	[sflag:s16] =	ssyncadd.s32 $0xFFFFE700  }
0xb0: {  	_ =	swait.ge @!p0 [sflag:s0], $0x1900  }
0xb1: {  	[sflag:s0] =	ssyncset.done @!p0 $0x0  }
0xb2: {  	[sflag:s0] =	ssyncadd.s32 @!p0 $0xFFFFE700  }
0xb3: {  	[bflag:$0x0] =	sbarrier.arrive $0xFFFF  }
0xb4: {  	s4 =	sld [smem:$0x7EA]  }
0xb5: {  	s14 =	sld [smem:$0x7EB]  }
0xb6: {  	s22 =	sld [smem:$0x7F0]  }
0xb7: {  	s7 =	sld [smem:$0x7F4]  }
0xb8: {  	s15 =	sld [smem:$0x7ED]  }
0xb9: {  	s28 =	simm.s32 $0x9180;
	s0 =	simm.s32 $0x0;
	s31 =	sld [smem:$0x7F2]  }
.LBB2_4:
0xba: {  	p1 =	seq.s32 s0, $0x0  }
0xbb: {  	s9 =	simm.s32 @!p1 $0x5  }
0xbc: {  	_ =	swait.ge @!p1 [sflag:s9], $0x3000  }
0xbd: {  	[sflag:s9] =	ssyncset.done @!p1 $0x0  }
0xbe: {  	[sflag:s9] =	ssyncadd.s32 @!p1 $0xFFFFD000  }
0xbf: {  	_ =	swait.ge [sflag:s23], $0x60  }
0xc0: {  	[sflag:s23] =	ssyncset.done $0x0  }
0xc1: {  	[sflag:s23] =	ssyncadd.s32 $0xFFFFFFA0  }
0xc2: {  	_ =	swait.ge [sflag:s23], $0x60  }
0xc3: {  	[sflag:s23] =	ssyncset.done $0x0  }
0xc4: {  	[sflag:s23] =	ssyncadd.s32 $0xFFFFFFA0  }
0xc5: {  	[tilespmem:s8], [sflag:$0x2] =	stream.indirect.gather [hbm4b:s1+s18], $0x80, s21, s18, $0xb8;
	[tilespmem:$0x1F580] =	vst v63  }
0xc6: {  	_ =	swait.ge [sflag:s5], $0x3000  }
0xc7: {  	[sflag:s5] =	ssyncset.done $0x0  }
0xc8: {  	[sflag:s5] =	ssyncadd.s32 $0xFFFFD000  }
0xc9: {  	v2 =	vld [tilespmem:$0x9180];
	_ =	sdelay $0x7  }
0xca: {  	[tilespmem:v2+s6+$0x0] =	vst.idx.add.f32.msk $0xffff, v1  }
0xcb: {  	v3 =	vld [tilespmem:$0x9190];
	_ =	sdelay $0x6  }
0xcc: {  	[tilespmem:$0x9300] =	vst v2  }
0xcd: {  	[tilespmem:v3+s6+$0x0] =	vst.idx.add.f32.msk $0xffff, v1  }
0xce: {  	v2 =	vld [tilespmem:$0x91A0];
	_ =	sdelay $0x6  }
0xcf: {  	[tilespmem:$0x9310] =	vst v3  }
0xd0: {  	[tilespmem:v2+s6+$0x0] =	vst.idx.add.f32.msk $0xffff, v1  }
0xd1: {  	v3 =	vld [tilespmem:$0x91B0];
	_ =	sdelay $0x6  }
0xd2: {  	[tilespmem:$0x9320] =	vst v2  }
0xd3: {  	[tilespmem:v3+s6+$0x0] =	vst.idx.add.f32.msk $0xffff, v1  }
0xd4: {  	v2 =	vld [tilespmem:$0x91C0];
	_ =	sdelay $0x6  }
0xd5: {  	[tilespmem:$0x9330] =	vst v3  }
0xd6: {  	[tilespmem:v2+s6+$0x0] =	vst.idx.add.f32.msk $0xffff, v1  }
0xd7: {  	v3 =	vld [tilespmem:$0x91D0];
	_ =	sdelay $0x6  }
0xd8: {  	[tilespmem:$0x9340] =	vst v2  }
0xd9: {  	[tilespmem:v3+s6+$0x0] =	vst.idx.add.f32.msk $0xffff, v1  }
0xda: {  	s13 =	sshrl.u32 s4, $0x3;
	[tilespmem:$0x9350] =	vst v3  }
0xdb: {  	[spmem:s2] =	stream.indirect.scatter.add.f32 [tilespmem:s3], [sflag:$0x4], $0x80, s12, s18, $0xb8;
	[tilespmem:$0x1F580] =	vst v63  }
0xdc: {  	s9 =	sadd.s32 s10, s13  }
0xdd: {  	[tilespmem:s19], [sflag:$0x7] =	stream.linear.gather [hbm4b:s9+s3], $0x60, $0x38;
	[tilespmem:$0x1F580] =	vst v63  }
0xde: {  	s13 =	sadd.s32 s0, s7;
	s9 =	simm.s32 @!p1 $0x6  }
0xdf: {  	[tilespmem:s28], [sflag:$0x7] =	stream.linear.gather [hbm4b:s13+s3], $0x60, $0x38;
	[tilespmem:$0x1F580] =	vst v63  }
0xe0: {  	_ =	swait.ge @!p1 [sflag:s9], $0x3000  }
0xe1: {  	[sflag:s9] =	ssyncset.done @!p1 $0x0  }
0xe2: {  	[sflag:s9] =	ssyncadd.s32 @!p1 $0xFFFFD000  }
0xe3: {  	_ =	swait.ge [sflag:s24], $0x60  }
0xe4: {  	[sflag:s24] =	ssyncset.done $0x0  }
0xe5: {  	[sflag:s24] =	ssyncadd.s32 $0xFFFFFFA0  }
0xe6: {  	_ =	swait.ge [sflag:s24], $0x60  }
0xe7: {  	[sflag:s24] =	ssyncset.done $0x0  }
0xe8: {  	s13 =	simm.s32 $0x9100;
	[sflag:s24] =	ssyncadd.s32 $0xFFFFFFA0  }
0xe9: {  	[tilespmem:s25], [sflag:$0x3] =	stream.indirect.gather [hbm4b:s1+s18], $0x80, s13, s18, $0xb8;
	[tilespmem:$0x1F580] =	vst v63  }
0xea: {  	_ =	swait.ge [sflag:s26], $0x3000  }
0xeb: {  	[sflag:s26] =	ssyncset.done $0x0  }
0xec: {  	[sflag:s26] =	ssyncadd.s32 $0xFFFFD000  }
0xed: {  	v2 =	vld [tilespmem:$0x9200];
	_ =	sdelay $0x7  }
0xee: {  	[tilespmem:v2+s6+$0x0] =	vst.idx.add.f32.msk $0xffff, v1  }
0xef: {  	v3 =	vld [tilespmem:$0x9210];
	_ =	sdelay $0x6  }
0xf0: {  	[tilespmem:$0x9380] =	vst v2  }
0xf1: {  	[tilespmem:v3+s6+$0x0] =	vst.idx.add.f32.msk $0xffff, v1  }
0xf2: {  	v2 =	vld [tilespmem:$0x9220];
	_ =	sdelay $0x6  }
0xf3: {  	[tilespmem:$0x9390] =	vst v3  }
0xf4: {  	[tilespmem:v2+s6+$0x0] =	vst.idx.add.f32.msk $0xffff, v1  }
0xf5: {  	v3 =	vld [tilespmem:$0x9230];
	_ =	sdelay $0x6  }
0xf6: {  	[tilespmem:$0x93A0] =	vst v2  }
0xf7: {  	[tilespmem:v3+s6+$0x0] =	vst.idx.add.f32.msk $0xffff, v1  }
0xf8: {  	v2 =	vld [tilespmem:$0x9240];
	_ =	sdelay $0x6  }
0xf9: {  	[tilespmem:$0x93B0] =	vst v3  }
0xfa: {  	[tilespmem:v2+s6+$0x0] =	vst.idx.add.f32.msk $0xffff, v1  }
0xfb: {  	v3 =	vld [tilespmem:$0x9250];
	_ =	sdelay $0x6  }
0xfc: {  	[tilespmem:$0x93C0] =	vst v2  }
0xfd: {  	[tilespmem:v3+s6+$0x0] =	vst.idx.add.f32.msk $0xffff, v1  }
0xfe: {  	[tilespmem:$0x93D0] =	vst v3  }
0xff: {  	[spmem:s2] =	stream.indirect.scatter.add.f32 [tilespmem:s8], [sflag:$0x5], $0x80, s20, s18, $0xb8;
	[tilespmem:$0x1F580] =	vst v63  }
0x100: {  	s13 =	sadd.s32 s0, s22  }
0x101: {  	[tilespmem:s21], [sflag:$0x8] =	stream.linear.gather [hbm4b:s13+s3], $0x60, $0x38;
	[tilespmem:$0x1F580] =	vst v63  }
0x102: {  	s9 =	sadd.s32 s0, s31;
	s13 =	simm.s32 $0x9200  }
0x103: {  	[tilespmem:s13], [sflag:$0x8] =	stream.linear.gather [hbm4b:s9+s3], $0x60, $0x38;
	[tilespmem:$0x1F580] =	vst v63  }
0x104: {  	_ =	swait.ge [sflag:s29], $0x3000  }
0x105: {  	[sflag:s29] =	ssyncset.done $0x0  }
0x106: {  	[sflag:s29] =	ssyncadd.s32 $0xFFFFD000  }
0x107: {  	_ =	swait.ge [sflag:s17], $0x60  }
0x108: {  	[sflag:s17] =	ssyncset.done $0x0  }
0x109: {  	[sflag:s17] =	ssyncadd.s32 $0xFFFFFFA0  }
0x10a: {  	_ =	swait.ge [sflag:s17], $0x60  }
0x10b: {  	[sflag:s17] =	ssyncset.done $0x0  }
0x10c: {  	[sflag:s17] =	ssyncadd.s32 $0xFFFFFFA0  }
0x10d: {  	[tilespmem:s3], [sflag:$0x1] =	stream.indirect.gather [hbm4b:s1+s18], $0x80, s19, s18, $0xb8;
	[tilespmem:$0x1F580] =	vst v63  }
0x10e: {  	_ =	swait.ge [sflag:s30], $0x3000  }
0x10f: {  	[sflag:s30] =	ssyncset.done $0x0  }
0x110: {  	[sflag:s30] =	ssyncadd.s32 $0xFFFFD000  }
0x111: {  	v2 =	vld [tilespmem:$0x9280];
	_ =	sdelay $0x7  }
0x112: {  	[tilespmem:v2+s6+$0x0] =	vst.idx.add.f32.msk $0xffff, v1  }
0x113: {  	v3 =	vld [tilespmem:$0x9290];
	_ =	sdelay $0x6  }
0x114: {  	[tilespmem:$0x9400] =	vst v2  }
0x115: {  	[tilespmem:v3+s6+$0x0] =	vst.idx.add.f32.msk $0xffff, v1  }
0x116: {  	v2 =	vld [tilespmem:$0x92A0];
	_ =	sdelay $0x6  }
0x117: {  	[tilespmem:$0x9410] =	vst v3  }
0x118: {  	[tilespmem:v2+s6+$0x0] =	vst.idx.add.f32.msk $0xffff, v1  }
0x119: {  	v3 =	vld [tilespmem:$0x92B0];
	_ =	sdelay $0x6  }
0x11a: {  	[tilespmem:$0x9420] =	vst v2  }
0x11b: {  	[tilespmem:v3+s6+$0x0] =	vst.idx.add.f32.msk $0xffff, v1  }
0x11c: {  	v2 =	vld [tilespmem:$0x92C0];
	_ =	sdelay $0x6  }
0x11d: {  	[tilespmem:$0x9430] =	vst v3  }
0x11e: {  	[tilespmem:v2+s6+$0x0] =	vst.idx.add.f32.msk $0xffff, v1  }
0x11f: {  	v3 =	vld [tilespmem:$0x92D0];
	_ =	sdelay $0x6  }
0x120: {  	[tilespmem:$0x9440] =	vst v2  }
0x121: {  	p1 =	seq.s32 s0, $0x4A4;
	[tilespmem:v3+s6+$0x0] =	vst.idx.add.f32.msk $0xffff, v1  }
0x122: {  	s9 =	sadd.s32 @!p1 s0, s14;
	[tilespmem:$0x9450] =	vst v3  }
0x123: {  	[spmem:s2] =	stream.indirect.scatter.add.f32 [tilespmem:s25], [sflag:$0x6], $0x80, s11, s18, $0xb8;
	[tilespmem:$0x1F580] =	vst v63  }
0x124: {  	s13 =	smov.u32 s10;
	s10 =	simm.s32 @!p1 $0x0;
	s11 =	simm.s32 @!p1 $0x9100  }
0x125: {  	[tilespmem:s11], [sflag:$0x9] =	stream.linear.gather @!p1 [hbm4b:s9+s10], $0x60, $0x38;
	[tilespmem:$0x1F580] =	vst v63  }
0x126: {  	s9 =	sadd.s32 @!p1 s0, s15;
	s0 =	sadd.s32 @!p1 $0x24, s0  }
0x127: {  	p2 =	sne.s32 @!p1 s0, $0x4C8  }
0x128: {  	p2 =	por p1, !p2  }
.Ltmp1:
0x129: {  	_ = 	snop;
	(pc) =	sbr.rel @!p2 .LBB2_4-.Ltmp1, $4  }
0x12a: {  	_ = 	snop  }
0x12b: {  	s11 =	simm.s32 @!p1 $0x9280  }
0x12c: {  	[tilespmem:s11], [sflag:$0x9] =	stream.linear.gather @!p1 [hbm4b:s9+s10], $0x60, $0x38;
	[tilespmem:$0x1F580] =	vst v63  }
0x12d: {  	s4 =	sadd.s32 @!p1 $0x120, s4;
	s11 =	simm.s32 $0x9400;
	s10 =	smov.u32 s13  }
0x12e: {  	s4 =	simm.s32 $0x5  }
0x12f: {  	_ =	swait.ge [sflag:s4], $0x3000  }
0x130: {  	[sflag:s4] =	ssyncset.done $0x0  }
0x131: {  	[sflag:s4] =	ssyncadd.s32 $0xFFFFD000  }
0x132: {  	_ =	swait.ge [sflag:s23], $0x60  }
0x133: {  	[sflag:s23] =	ssyncset.done $0x0  }
0x134: {  	[sflag:s23] =	ssyncadd.s32 $0xFFFFFFA0  }
0x135: {  	_ =	swait.ge [sflag:s23], $0x60  }
0x136: {  	[sflag:s23] =	ssyncset.done $0x0  }
0x137: {  	[sflag:s23] =	ssyncadd.s32 $0xFFFFFFA0  }
0x138: {  	[tilespmem:s8], [sflag:$0x2] =	stream.indirect.gather [hbm4b:s1+s18], $0x80, s21, s18, $0xb8;
	[tilespmem:$0x1F580] =	vst v63  }
0x139: {  	_ =	swait.ge [sflag:s5], $0x3000  }
0x13a: {  	[sflag:s5] =	ssyncset.done $0x0  }
0x13b: {  	[sflag:s5] =	ssyncadd.s32 $0xFFFFD000  }
0x13c: {  	v2 =	vld [tilespmem:$0x9180];
	_ =	sdelay $0x7  }
0x13d: {  	[tilespmem:v2+s6+$0x0] =	vst.idx.add.f32.msk $0xffff, v1  }
0x13e: {  	v3 =	vld [tilespmem:$0x9190];
	_ =	sdelay $0x6  }
0x13f: {  	[tilespmem:$0x9300] =	vst v2  }
0x140: {  	[tilespmem:v3+s6+$0x0] =	vst.idx.add.f32.msk $0xffff, v1  }
0x141: {  	v2 =	vld [tilespmem:$0x91A0];
	_ =	sdelay $0x6  }
0x142: {  	[tilespmem:$0x9310] =	vst v3  }
0x143: {  	[tilespmem:v2+s6+$0x0] =	vst.idx.add.f32.msk $0xffff, v1  }
0x144: {  	v3 =	vld [tilespmem:$0x91B0];
	_ =	sdelay $0x6  }
0x145: {  	[tilespmem:$0x9320] =	vst v2  }
0x146: {  	[tilespmem:v3+s6+$0x0] =	vst.idx.add.f32.msk $0xffff, v1  }
0x147: {  	v2 =	vld [tilespmem:$0x91C0];
	_ =	sdelay $0x6  }
0x148: {  	[tilespmem:$0x9330] =	vst v3  }
0x149: {  	[tilespmem:v2+s6+$0x0] =	vst.idx.add.f32.msk $0xffff, v1  }
0x14a: {  	v3 =	vld [tilespmem:$0x91D0];
	_ =	sdelay $0x6  }
0x14b: {  	[tilespmem:$0x9340] =	vst v2  }
0x14c: {  	[tilespmem:v3+s6+$0x0] =	vst.idx.add.f32.msk $0xffff, v1  }
0x14d: {  	s7 =	simm.s32 $0x6;
	[tilespmem:$0x9350] =	vst v3  }
0x14e: {  	[spmem:s2] =	stream.indirect.scatter.add.f32 [tilespmem:s3], [sflag:$0x4], $0x80, s12, s18, $0xb8;
	[tilespmem:$0x1F580] =	vst v63  }
0x14f: {  	_ =	swait.ge [sflag:s7], $0x3000  }
0x150: {  	[sflag:s7] =	ssyncset.done $0x0  }
0x151: {  	[sflag:s7] =	ssyncadd.s32 $0xFFFFD000  }
0x152: {  	_ =	swait.ge [sflag:s26], $0x3000  }
0x153: {  	[sflag:s26] =	ssyncset.done $0x0  }
0x154: {  	[sflag:s26] =	ssyncadd.s32 $0xFFFFD000  }
0x155: {  	v2 =	vld [tilespmem:$0x9200];
	_ =	sdelay $0x7  }
0x156: {  	[tilespmem:v2+s6+$0x0] =	vst.idx.add.f32.msk $0xffff, v1  }
0x157: {  	v3 =	vld [tilespmem:$0x9210];
	_ =	sdelay $0x6  }
0x158: {  	[tilespmem:$0x9380] =	vst v2  }
0x159: {  	[tilespmem:v3+s6+$0x0] =	vst.idx.add.f32.msk $0xffff, v1  }
0x15a: {  	v2 =	vld [tilespmem:$0x9220];
	_ =	sdelay $0x6  }
0x15b: {  	[tilespmem:$0x9390] =	vst v3  }
0x15c: {  	[tilespmem:v2+s6+$0x0] =	vst.idx.add.f32.msk $0xffff, v1  }
0x15d: {  	v3 =	vld [tilespmem:$0x9230];
	_ =	sdelay $0x6  }
0x15e: {  	[tilespmem:$0x93A0] =	vst v2  }
0x15f: {  	[tilespmem:v3+s6+$0x0] =	vst.idx.add.f32.msk $0xffff, v1  }
0x160: {  	v2 =	vld [tilespmem:$0x9240];
	_ =	sdelay $0x6  }
0x161: {  	[tilespmem:$0x93B0] =	vst v3  }
0x162: {  	[tilespmem:v2+s6+$0x0] =	vst.idx.add.f32.msk $0xffff, v1  }
0x163: {  	v3 =	vld [tilespmem:$0x9250];
	_ =	sdelay $0x6  }
0x164: {  	[tilespmem:$0x93C0] =	vst v2  }
0x165: {  	[tilespmem:v3+s6+$0x0] =	vst.idx.add.f32.msk $0xffff, v1  }
0x166: {  	[tilespmem:$0x93D0] =	vst v3  }
0x167: {  	[spmem:s2] =	stream.indirect.scatter.add.f32 [tilespmem:s8], [sflag:$0x5], $0x80, s20, s18, $0xb8;
	[tilespmem:$0x1F580] =	vst v63  }
0x168: {  	_ =	swait.ge [sflag:s29], $0x3000  }
0x169: {  	s9 =	simm.s32 $0x9480;
	[sflag:s29] =	ssyncset.done $0x0  }
0x16a: {  	s10 =	simm.s32 $0xB;
	s0 =	rddreg [dreg:$0x1f];
	[sflag:s29] =	ssyncadd.s32 $0xFFFFD000  }
0x16b: {  	[tilespmem:s9], [sflag:$0xB] =	stream.linear.gather [hbm4b:s0+s3], $0x10, $0x38;
	[tilespmem:$0x1F580] =	vst v63  }
0x16c: {  	_ =	swait.ge [sflag:s10], $0x10  }
0x16d: {  	s20 =	sld [smem:$0x79C]  }
0x16e: {  	[sflag:s10] =	ssyncset.done $0x0  }
0x16f: {  	s22 =	simm.s32 $0x9500;
	[sflag:s10] =	ssyncadd.s32 $0xFFFFFFF0  }
0x170: {  	[tilespmem:s22], [sflag:$0xB] =	stream.linear.gather [hbm4b:s20+s3], $0x10, $0x38;
	[tilespmem:$0x1F580] =	vst v63  }
0x171: {  	_ =	swait.ge [sflag:s10], $0x10  }
0x172: {  	[sflag:s10] =	ssyncset.done $0x0  }
0x173: {  	s31 =	simm.s32 $0x10;
	[sflag:s10] =	ssyncadd.s32 $0xFFFFFFF0  }
0x174: {  	[tilespmem:s25], [sflag:$0x3] =	stream.indirect.gather [hbm4b:s1+s31], $0x80, s9, s31, $0xb8;
	[tilespmem:$0x1F580] =	vst v63  }
0x175: {  	_ =	swait.ge [sflag:s30], $0x800  }
0x176: {  	[sflag:s30] =	ssyncset.done $0x0  }
0x177: {  	[sflag:s30] =	ssyncadd.s32 $0xFFFFF800  }
0x178: {  	v2 =	vld [tilespmem:$0x9500];
	_ =	sdelay $0x7  }
0x179: {  	[tilespmem:v2+s6+$0x0] =	vst.idx.add.f32.msk $0xffff, v1  }
0x17a: {  	[spmem:s2] =	stream.indirect.scatter.add.f32 [tilespmem:s25], [sflag:$0x6], $0x80, s22, s31, $0xb8;
	[tilespmem:$0x1F580] =	vst v63  }
0x17b: {  	_ =	swait.ge [sflag:s4], $0x3000  }
0x17c: {  	[sflag:s4] =	ssyncset.done $0x0  }
0x17d: {  	[sflag:s4] =	ssyncadd.s32 $0xFFFFD000  }
0x17e: {  	_ =	swait.ge [sflag:s7], $0x800  }
0x17f: {  	[sflag:s7] =	ssyncset.done $0x0  }
0x180: {  	[sflag:s7] =	ssyncadd.s32 $0xFFFFF800  }
0x181: {  	[bflag:$0x0] =	sbarrier.arrive $0xFFFF  }
0x182: {  	s7 =	sld [smem:$0x798]  }
0x183: {  	s9 =	sld [smem:$0x797];
	_ =	sdelay $0x1  }
0x184: {  	s10 =	rddreg [dreg:$0xa]  }
0x185: {  	[hbm:s10], [sflag:s7] =	dma.local [spmem:s9], $0x1900  }
0x186: {  	s10 =	sld [smem:$0x799];
	_ =	sdelay $0x1  }
0x187: {  	s0 =	rddreg [dreg:$0xb]  }
0x188: {  	[hbm:s0], [sflag:s7] =	dma.local @!p0 [spmem:s10], $0x1900  }
0x189: {  	s0 =	rddreg [dreg:$0xd]  }
0x18a: {  	s12 =	sld [smem:$0x79F]  }
0x18b: {  	[hbm4b:s0+s3] =	stream.linear.scatter [tilespmem:s6], [sflag:$0xA], $0x190, $0x38;
	[tilespmem:$0x1F580] =	vst v63  }
0x18c: {  	s14 =	simm.s32 $0x9710;
	s15 =	sld [smem:$0x7A0]  }
0x18d: {  	[hbm4b:s12+s3] =	stream.linear.scatter [tilespmem:s14], [sflag:$0xA], $0x190, $0x38;
	[tilespmem:$0x1F580] =	vst v63  }
0x18e: {  	s20 =	simm.s32 $0x98A0;
	s22 =	sld [smem:$0x7A1]  }
0x18f: {  	[hbm4b:s15+s3] =	stream.linear.scatter [tilespmem:s20], [sflag:$0xA], $0x190, $0x38;
	[tilespmem:$0x1F580] =	vst v63  }
0x190: {  	s31 =	simm.s32 $0x9A30;
	s12 =	sld [smem:$0x7A2]  }
0x191: {  	[hbm4b:s22+s3] =	stream.linear.scatter [tilespmem:s31], [sflag:$0xA], $0x190, $0x38;
	[tilespmem:$0x1F580] =	vst v63  }
0x192: {  	s14 =	simm.s32 $0x9BC0;
	s15 =	sld [smem:$0x7A3]  }
0x193: {  	[hbm4b:s12+s3] =	stream.linear.scatter [tilespmem:s14], [sflag:$0xA], $0x190, $0x38;
	[tilespmem:$0x1F580] =	vst v63  }
0x194: {  	s20 =	simm.s32 $0x9D50;
	s22 =	sld [smem:$0x7A4]  }
0x195: {  	[hbm4b:s15+s3] =	stream.linear.scatter [tilespmem:s20], [sflag:$0xA], $0x190, $0x38;
	[tilespmem:$0x1F580] =	vst v63  }
0x196: {  	s31 =	simm.s32 $0x9EE0;
	s12 =	sld [smem:$0x7A5]  }
0x197: {  	[hbm4b:s22+s3] =	stream.linear.scatter [tilespmem:s31], [sflag:$0xA], $0x190, $0x38;
	[tilespmem:$0x1F580] =	vst v63  }
0x198: {  	s14 =	simm.s32 $0xA070;
	s15 =	sld [smem:$0x7A6]  }
0x199: {  	[hbm4b:s12+s3] =	stream.linear.scatter [tilespmem:s14], [sflag:$0xA], $0x190, $0x38;
	[tilespmem:$0x1F580] =	vst v63  }
0x19a: {  	s20 =	simm.s32 $0xA200;
	s22 =	sld [smem:$0x7A7]  }
0x19b: {  	[hbm4b:s15+s3] =	stream.linear.scatter [tilespmem:s20], [sflag:$0xA], $0x190, $0x38;
	[tilespmem:$0x1F580] =	vst v63  }
0x19c: {  	s31 =	simm.s32 $0xA390;
	s12 =	sld [smem:$0x7A8]  }
0x19d: {  	[hbm4b:s22+s3] =	stream.linear.scatter [tilespmem:s31], [sflag:$0xA], $0x190, $0x38;
	[tilespmem:$0x1F580] =	vst v63  }
0x19e: {  	s14 =	simm.s32 $0xA520;
	s15 =	sld [smem:$0x7A9]  }
0x19f: {  	[hbm4b:s12+s3] =	stream.linear.scatter [tilespmem:s14], [sflag:$0xA], $0x190, $0x38;
	[tilespmem:$0x1F580] =	vst v63  }
0x1a0: {  	s20 =	simm.s32 $0xA6B0;
	s22 =	sld [smem:$0x7AA]  }
0x1a1: {  	[hbm4b:s15+s3] =	stream.linear.scatter [tilespmem:s20], [sflag:$0xA], $0x190, $0x38;
	[tilespmem:$0x1F580] =	vst v63  }
0x1a2: {  	s31 =	simm.s32 $0xA840;
	s12 =	sld [smem:$0x7AB]  }
0x1a3: {  	[hbm4b:s22+s3] =	stream.linear.scatter [tilespmem:s31], [sflag:$0xA], $0x190, $0x38;
	[tilespmem:$0x1F580] =	vst v63  }
0x1a4: {  	s14 =	simm.s32 $0xA9D0;
	s15 =	sld [smem:$0x7AC]  }
0x1a5: {  	[hbm4b:s12+s3] =	stream.linear.scatter [tilespmem:s14], [sflag:$0xA], $0x190, $0x38;
	[tilespmem:$0x1F580] =	vst v63  }
0x1a6: {  	s20 =	simm.s32 $0xAB60;
	s22 =	sld [smem:$0x7AD]  }
0x1a7: {  	[hbm4b:s15+s3] =	stream.linear.scatter [tilespmem:s20], [sflag:$0xA], $0x190, $0x38;
	[tilespmem:$0x1F580] =	vst v63  }
0x1a8: {  	s31 =	simm.s32 $0xACF0;
	s12 =	sld [smem:$0x7AE]  }
0x1a9: {  	[hbm4b:s22+s3] =	stream.linear.scatter [tilespmem:s31], [sflag:$0xA], $0x190, $0x38;
	[tilespmem:$0x1F580] =	vst v63  }
0x1aa: {  	s14 =	simm.s32 $0xAE80;
	s15 =	sld [smem:$0x7AF]  }
0x1ab: {  	[hbm4b:s12+s3] =	stream.linear.scatter [tilespmem:s14], [sflag:$0xA], $0x190, $0x38;
	[tilespmem:$0x1F580] =	vst v63  }
0x1ac: {  	s20 =	simm.s32 $0xB010;
	s22 =	sld [smem:$0x7B0]  }
0x1ad: {  	[hbm4b:s15+s3] =	stream.linear.scatter [tilespmem:s20], [sflag:$0xA], $0x190, $0x38;
	[tilespmem:$0x1F580] =	vst v63  }
0x1ae: {  	s31 =	simm.s32 $0xB1A0;
	s12 =	sld [smem:$0x7B1]  }
0x1af: {  	[hbm4b:s22+s3] =	stream.linear.scatter [tilespmem:s31], [sflag:$0xA], $0x190, $0x38;
	[tilespmem:$0x1F580] =	vst v63  }
0x1b0: {  	s14 =	simm.s32 $0xB330;
	s15 =	sld [smem:$0x7B2]  }
0x1b1: {  	[hbm4b:s12+s3] =	stream.linear.scatter [tilespmem:s14], [sflag:$0xA], $0x190, $0x38;
	[tilespmem:$0x1F580] =	vst v63  }
0x1b2: {  	s20 =	simm.s32 $0xB4C0;
	s22 =	sld [smem:$0x7B3]  }
0x1b3: {  	[hbm4b:s15+s3] =	stream.linear.scatter [tilespmem:s20], [sflag:$0xA], $0x190, $0x38;
	[tilespmem:$0x1F580] =	vst v63  }
0x1b4: {  	s4 =	sld [smem:$0x7B4];
	s31 =	simm.s32 $0xB650  }
0x1b5: {  	[hbm4b:s22+s3] =	stream.linear.scatter [tilespmem:s31], [sflag:$0xA], $0x190, $0x38;
	[tilespmem:$0x1F580] =	vst v63  }
0x1b6: {  	s12 =	simm.s32 $0xB7E0;
	s14 =	sld [smem:$0x7B5]  }
0x1b7: {  	[hbm4b:s4+s3] =	stream.linear.scatter [tilespmem:s12], [sflag:$0xA], $0x190, $0x38;
	[tilespmem:$0x1F580] =	vst v63  }
0x1b8: {  	s15 =	simm.s32 $0xB970;
	s20 =	sld [smem:$0x7B6]  }
0x1b9: {  	[hbm4b:s14+s3] =	stream.linear.scatter [tilespmem:s15], [sflag:$0xA], $0x190, $0x38;
	[tilespmem:$0x1F580] =	vst v63  }
0x1ba: {  	s22 =	simm.s32 $0xBB00  }
0x1bb: {  	[hbm4b:s20+s3] =	stream.linear.scatter [tilespmem:s22], [sflag:$0xA], $0x190, $0x38;
	[tilespmem:$0x1F580] =	vst v63  }
0x1bc: {  	_ =	swait.ge [sflag:s16], $0x1900  }
0x1bd: {  	[sflag:s16] =	ssyncset.done $0x0  }
0x1be: {  	s0 =	simm.s32 @!p0 $0xA;
	[sflag:s16] =	ssyncadd.s32 $0xFFFFE700  }
0x1bf: {  	_ =	swait.ge @!p0 [sflag:s0], $0x1900  }
0x1c0: {  	[sflag:s0] =	ssyncset.done @!p0 $0x0  }
0x1c1: {  	[sflag:s0] =	ssyncadd.s32 @!p0 $0xFFFFE700  }
0x1c2: {  	_ =	swait.ge [sflag:s16], $0x190  }
0x1c3: {  	[sflag:s16] =	ssyncset.done $0x0  }
0x1c4: {  	[sflag:s16] =	ssyncadd.s32 $0xFFFFFE70  }
0x1c5: {  	_ =	swait.ge [sflag:s16], $0x190  }
0x1c6: {  	[sflag:s16] =	ssyncset.done $0x0  }
0x1c7: {  	[sflag:s16] =	ssyncadd.s32 $0xFFFFFE70  }
0x1c8: {  	_ =	swait.ge [sflag:s16], $0x190  }
0x1c9: {  	[sflag:s16] =	ssyncset.done $0x0  }
0x1ca: {  	[sflag:s16] =	ssyncadd.s32 $0xFFFFFE70  }
0x1cb: {  	_ =	swait.ge [sflag:s16], $0x190  }
0x1cc: {  	[sflag:s16] =	ssyncset.done $0x0  }
0x1cd: {  	[sflag:s16] =	ssyncadd.s32 $0xFFFFFE70  }
0x1ce: {  	_ =	swait.ge [sflag:s16], $0x190  }
0x1cf: {  	[sflag:s16] =	ssyncset.done $0x0  }
0x1d0: {  	[sflag:s16] =	ssyncadd.s32 $0xFFFFFE70  }
0x1d1: {  	_ =	swait.ge [sflag:s16], $0x190  }
0x1d2: {  	[sflag:s16] =	ssyncset.done $0x0  }
0x1d3: {  	[sflag:s16] =	ssyncadd.s32 $0xFFFFFE70  }
0x1d4: {  	_ =	swait.ge [sflag:s16], $0x190  }
0x1d5: {  	[sflag:s16] =	ssyncset.done $0x0  }
0x1d6: {  	[sflag:s16] =	ssyncadd.s32 $0xFFFFFE70  }
0x1d7: {  	_ =	swait.ge [sflag:s16], $0x190  }
0x1d8: {  	[sflag:s16] =	ssyncset.done $0x0  }
0x1d9: {  	[sflag:s16] =	ssyncadd.s32 $0xFFFFFE70  }
0x1da: {  	_ =	swait.ge [sflag:s16], $0x190  }
0x1db: {  	[sflag:s16] =	ssyncset.done $0x0  }
0x1dc: {  	[sflag:s16] =	ssyncadd.s32 $0xFFFFFE70  }
0x1dd: {  	_ =	swait.ge [sflag:s16], $0x190  }
0x1de: {  	[sflag:s16] =	ssyncset.done $0x0  }
0x1df: {  	[sflag:s16] =	ssyncadd.s32 $0xFFFFFE70  }
0x1e0: {  	_ =	swait.ge [sflag:s16], $0x190  }
0x1e1: {  	[sflag:s16] =	ssyncset.done $0x0  }
0x1e2: {  	[sflag:s16] =	ssyncadd.s32 $0xFFFFFE70  }
0x1e3: {  	_ =	swait.ge [sflag:s16], $0x190  }
0x1e4: {  	[sflag:s16] =	ssyncset.done $0x0  }
0x1e5: {  	[sflag:s16] =	ssyncadd.s32 $0xFFFFFE70  }
0x1e6: {  	_ =	swait.ge [sflag:s16], $0x190  }
0x1e7: {  	[sflag:s16] =	ssyncset.done $0x0  }
0x1e8: {  	[sflag:s16] =	ssyncadd.s32 $0xFFFFFE70  }
0x1e9: {  	_ =	swait.ge [sflag:s16], $0x190  }
0x1ea: {  	[sflag:s16] =	ssyncset.done $0x0  }
0x1eb: {  	[sflag:s16] =	ssyncadd.s32 $0xFFFFFE70  }
0x1ec: {  	_ =	swait.ge [sflag:s16], $0x190  }
0x1ed: {  	[sflag:s16] =	ssyncset.done $0x0  }
0x1ee: {  	[sflag:s16] =	ssyncadd.s32 $0xFFFFFE70  }
0x1ef: {  	_ =	swait.ge [sflag:s16], $0x190  }
0x1f0: {  	[sflag:s16] =	ssyncset.done $0x0  }
0x1f1: {  	[sflag:s16] =	ssyncadd.s32 $0xFFFFFE70  }
0x1f2: {  	_ =	swait.ge [sflag:s16], $0x190  }
0x1f3: {  	[sflag:s16] =	ssyncset.done $0x0  }
0x1f4: {  	[sflag:s16] =	ssyncadd.s32 $0xFFFFFE70  }
0x1f5: {  	_ =	swait.ge [sflag:s16], $0x190  }
0x1f6: {  	[sflag:s16] =	ssyncset.done $0x0  }
0x1f7: {  	[sflag:s16] =	ssyncadd.s32 $0xFFFFFE70  }
0x1f8: {  	_ =	swait.ge [sflag:s16], $0x190  }
0x1f9: {  	[sflag:s16] =	ssyncset.done $0x0  }
0x1fa: {  	[sflag:s16] =	ssyncadd.s32 $0xFFFFFE70  }
0x1fb: {  	_ =	swait.ge [sflag:s16], $0x190  }
0x1fc: {  	[sflag:s16] =	ssyncset.done $0x0  }
0x1fd: {  	[sflag:s16] =	ssyncadd.s32 $0xFFFFFE70  }
0x1fe: {  	_ =	swait.ge [sflag:s16], $0x190  }
0x1ff: {  	[sflag:s16] =	ssyncset.done $0x0  }
0x200: {  	[sflag:s16] =	ssyncadd.s32 $0xFFFFFE70  }
0x201: {  	_ =	swait.ge [sflag:s16], $0x190  }
0x202: {  	[sflag:s16] =	ssyncset.done $0x0  }
0x203: {  	[sflag:s16] =	ssyncadd.s32 $0xFFFFFE70  }
0x204: {  	_ =	swait.ge [sflag:s16], $0x190  }
0x205: {  	[sflag:s16] =	ssyncset.done $0x0  }
0x206: {  	[sflag:s16] =	ssyncadd.s32 $0xFFFFFE70  }
0x207: {  	_ =	swait.ge [sflag:s16], $0x190  }
0x208: {  	[sflag:s16] =	ssyncset.done $0x0  }
0x209: {  	[sflag:s16] =	ssyncadd.s32 $0xFFFFFE70  }
0x20a: {  	_ =	swait.ge [sflag:s16], $0x190  }
0x20b: {  	[sflag:s16] =	ssyncset.done $0x0  }
0x20c: {  	s31 =	rddreg [dreg:$0xe];
	[sflag:s16] =	ssyncadd.s32 $0xFFFFFE70  }
0x20d: {  	[tilespmem:s19], [sflag:$0x7] =	stream.linear.gather [hbm4b:s31+s3], $0x60, $0x38;
	[tilespmem:$0x1F580] =	vst v63  }
0x20e: {  	s4 =	rddreg [dreg:$0x11]  }
0x20f: {  	[tilespmem:s28], [sflag:$0x7] =	stream.linear.gather [hbm4b:s4+s3], $0x60, $0x38;
	[tilespmem:$0x1F580] =	vst v63  }
0x210: {  	s12 =	rddreg [dreg:$0x14]  }
0x211: {  	[tilespmem:s21], [sflag:$0x8] =	stream.linear.gather [hbm4b:s12+s3], $0x60, $0x38;
	[tilespmem:$0x1F580] =	vst v63  }
0x212: {  	s15 =	simm.s32 $0x9200;
	s14 =	rddreg [dreg:$0x17]  }
0x213: {  	[tilespmem:s15], [sflag:$0x8] =	stream.linear.gather [hbm4b:s14+s3], $0x60, $0x38;
	[tilespmem:$0x1F580] =	vst v63  }
0x214: {  	s22 =	simm.s32 $0x9100;
	s20 =	rddreg [dreg:$0x1a]  }
0x215: {  	[tilespmem:s22], [sflag:$0x9] =	stream.linear.gather [hbm4b:s20+s3], $0x60, $0x38;
	[tilespmem:$0x1F580] =	vst v63  }
0x216: {  	s31 =	simm.s32 $0x9280;
	s28 =	rddreg [dreg:$0x1d]  }
0x217: {  	[tilespmem:s31], [sflag:$0x9] =	stream.linear.gather [hbm4b:s28+s3], $0x60, $0x38;
	[tilespmem:$0x1F580] =	vst v63  }
0x218: {  	_ =	swait.ge [sflag:s17], $0x60  }
0x219: {  	[sflag:s17] =	ssyncset.done $0x0  }
0x21a: {  	[sflag:s17] =	ssyncadd.s32 $0xFFFFFFA0  }
0x21b: {  	_ =	swait.ge [sflag:s17], $0x60  }
0x21c: {  	[sflag:s17] =	ssyncset.done $0x0  }
0x21d: {  	s0 =	rddreg [dreg:$0x7];
	[sflag:s17] =	ssyncadd.s32 $0xFFFFFFA0  }
0x21e: {  	[tilespmem:s3], [sflag:$0x1] =	stream.indirect.gather [hbm4b:s1+s18], $0x80, s19, s18, $0xb8;
	[tilespmem:$0x1F580] =	vst v63  }
0x21f: {  	[spmem:s9], [sflag:s7] =	dma.local [hbm:s0], $0x1900  }
0x220: {  	[spmem:s10], [sflag:s7] =	dma.local @!p0 [hbm:s0], $0x1900  }
0x221: {  	s4 =	simm.s32 $0x0;
	s0 =	simm.s32 $0x40  }
.LBB2_6:
0x222: {  	p1 =	sne.s32 s0, $0x9C00;
	[tilespmem:s4+$0x9580] =	vst v0;
	s4 =	smov.u32 s0;
	s0 =	sadd.s32 $0x40, s0  }
.Ltmp2:
0x223: {  	(pc) =	sbr.rel @p1 .LBB2_6-.Ltmp2, $2  }
0x224: {  	_ =	sdelay $0x2  }
0x225: {  	s4 =	sshra.s32 s4, $0x2  }
0x226: {  	[tilespmem:s4+$0x9580] =	vst v0  }
0x227: {  	_ =	swait.ge [sflag:s16], $0x1900  }
0x228: {  	[sflag:s16] =	ssyncset.done $0x0  }
0x229: {  	s0 =	simm.s32 @!p0 $0xA;
	[sflag:s16] =	ssyncadd.s32 $0xFFFFE700  }
0x22a: {  	_ =	swait.ge @!p0 [sflag:s0], $0x1900  }
0x22b: {  	[sflag:s0] =	ssyncset.done @!p0 $0x0  }
0x22c: {  	[sflag:s0] =	ssyncadd.s32 @!p0 $0xFFFFE700  }
0x22d: {  	[bflag:$0x0] =	sbarrier.arrive $0xFFFF  }
0x22e: {  	s4 =	sld [smem:$0x7EA]  }
0x22f: {  	s12 =	rddreg [dreg:$0x5]  }
0x230: {  	s20 =	sld [smem:$0x7EE]  }
0x231: {  	s14 =	sld [smem:$0x7F3]  }
0x232: {  	s22 =	sld [smem:$0x7FA]  }
0x233: {  	s7 =	simm.s32 $0x9300;
	s31 =	sld [smem:$0x7FB]  }
0x234: {  	s28 =	simm.s32 $0x9380;
	s0 =	simm.s32 $0x0;
	s15 =	sld [smem:$0x7FD]  }
.LBB2_8:
0x235: {  	p1 =	seq.s32 s0, $0x0  }
0x236: {  	s9 =	simm.s32 @!p1 $0x5  }
0x237: {  	_ =	swait.ge @!p1 [sflag:s9], $0x3000  }
0x238: {  	[sflag:s9] =	ssyncset.done @!p1 $0x0  }
0x239: {  	[sflag:s9] =	ssyncadd.s32 @!p1 $0xFFFFD000  }
0x23a: {  	_ =	swait.ge [sflag:s23], $0x60  }
0x23b: {  	[sflag:s23] =	ssyncset.done $0x0  }
0x23c: {  	[sflag:s23] =	ssyncadd.s32 $0xFFFFFFA0  }
0x23d: {  	_ =	swait.ge [sflag:s23], $0x60  }
0x23e: {  	[sflag:s23] =	ssyncset.done $0x0  }
0x23f: {  	[sflag:s23] =	ssyncadd.s32 $0xFFFFFFA0  }
0x240: {  	[tilespmem:s8], [sflag:$0x2] =	stream.indirect.gather [hbm4b:s1+s18], $0x80, s21, s18, $0xb8;
	[tilespmem:$0x1F580] =	vst v63  }
0x241: {  	_ =	swait.ge [sflag:s5], $0x3000  }
0x242: {  	[sflag:s5] =	ssyncset.done $0x0  }
0x243: {  	[sflag:s5] =	ssyncadd.s32 $0xFFFFD000  }
0x244: {  	v2 =	vld [tilespmem:$0x9180];
	_ =	sdelay $0x7  }
0x245: {  	[tilespmem:v2+s6+$0x0] =	vst.idx.add.f32.msk $0xffff, v1  }
0x246: {  	v3 =	vld [tilespmem:$0x9190];
	_ =	sdelay $0x6  }
0x247: {  	[tilespmem:$0x9300] =	vst v2  }
0x248: {  	[tilespmem:v3+s6+$0x0] =	vst.idx.add.f32.msk $0xffff, v1  }
0x249: {  	v2 =	vld [tilespmem:$0x91A0];
	_ =	sdelay $0x6  }
0x24a: {  	[tilespmem:$0x9310] =	vst v3  }
0x24b: {  	[tilespmem:v2+s6+$0x0] =	vst.idx.add.f32.msk $0xffff, v1  }
0x24c: {  	v3 =	vld [tilespmem:$0x91B0];
	_ =	sdelay $0x6  }
0x24d: {  	[tilespmem:$0x9320] =	vst v2  }
0x24e: {  	[tilespmem:v3+s6+$0x0] =	vst.idx.add.f32.msk $0xffff, v1  }
0x24f: {  	v2 =	vld [tilespmem:$0x91C0];
	_ =	sdelay $0x6  }
0x250: {  	[tilespmem:$0x9330] =	vst v3  }
0x251: {  	[tilespmem:v2+s6+$0x0] =	vst.idx.add.f32.msk $0xffff, v1  }
0x252: {  	v3 =	vld [tilespmem:$0x91D0];
	_ =	sdelay $0x6  }
0x253: {  	[tilespmem:$0x9340] =	vst v2  }
0x254: {  	[tilespmem:v3+s6+$0x0] =	vst.idx.add.f32.msk $0xffff, v1  }
0x255: {  	s10 =	sshrl.u32 s4, $0x3;
	[tilespmem:$0x9350] =	vst v3  }
0x256: {  	[spmem:s2] =	stream.indirect.scatter.add.f32 [tilespmem:s3], [sflag:$0x4], $0x80, s7, s18, $0xb8;
	[tilespmem:$0x1F580] =	vst v63  }
0x257: {  	s9 =	sadd.s32 s12, s10  }
0x258: {  	[tilespmem:s19], [sflag:$0x7] =	stream.linear.gather [hbm4b:s9+s3], $0x60, $0x38;
	[tilespmem:$0x1F580] =	vst v63  }
0x259: {  	s10 =	simm.s32 $0x9180;
	s9 =	sadd.s32 s0, s15  }
0x25a: {  	[tilespmem:s10], [sflag:$0x7] =	stream.linear.gather [hbm4b:s9+s3], $0x60, $0x38;
	[tilespmem:$0x1F580] =	vst v63  }
0x25b: {  	s9 =	simm.s32 @!p1 $0x6  }
0x25c: {  	_ =	swait.ge @!p1 [sflag:s9], $0x3000  }
0x25d: {  	[sflag:s9] =	ssyncset.done @!p1 $0x0  }
0x25e: {  	[sflag:s9] =	ssyncadd.s32 @!p1 $0xFFFFD000  }
0x25f: {  	_ =	swait.ge [sflag:s24], $0x60  }
0x260: {  	[sflag:s24] =	ssyncset.done $0x0  }
0x261: {  	[sflag:s24] =	ssyncadd.s32 $0xFFFFFFA0  }
0x262: {  	_ =	swait.ge [sflag:s24], $0x60  }
0x263: {  	[sflag:s24] =	ssyncset.done $0x0  }
0x264: {  	s10 =	simm.s32 $0x9100;
	[sflag:s24] =	ssyncadd.s32 $0xFFFFFFA0  }
0x265: {  	[tilespmem:s25], [sflag:$0x3] =	stream.indirect.gather [hbm4b:s1+s18], $0x80, s10, s18, $0xb8;
	[tilespmem:$0x1F580] =	vst v63  }
0x266: {  	_ =	swait.ge [sflag:s26], $0x3000  }
0x267: {  	[sflag:s26] =	ssyncset.done $0x0  }
0x268: {  	[sflag:s26] =	ssyncadd.s32 $0xFFFFD000  }
0x269: {  	v2 =	vld [tilespmem:$0x9200];
	_ =	sdelay $0x7  }
0x26a: {  	[tilespmem:v2+s6+$0x0] =	vst.idx.add.f32.msk $0xffff, v1  }
0x26b: {  	v3 =	vld [tilespmem:$0x9210];
	_ =	sdelay $0x6  }
0x26c: {  	[tilespmem:$0x9380] =	vst v2  }
0x26d: {  	[tilespmem:v3+s6+$0x0] =	vst.idx.add.f32.msk $0xffff, v1  }
0x26e: {  	v2 =	vld [tilespmem:$0x9220];
	_ =	sdelay $0x6  }
0x26f: {  	[tilespmem:$0x9390] =	vst v3  }
0x270: {  	[tilespmem:v2+s6+$0x0] =	vst.idx.add.f32.msk $0xffff, v1  }
0x271: {  	v3 =	vld [tilespmem:$0x9230];
	_ =	sdelay $0x6  }
0x272: {  	[tilespmem:$0x93A0] =	vst v2  }
0x273: {  	[tilespmem:v3+s6+$0x0] =	vst.idx.add.f32.msk $0xffff, v1  }
0x274: {  	v2 =	vld [tilespmem:$0x9240];
	_ =	sdelay $0x6  }
0x275: {  	[tilespmem:$0x93B0] =	vst v3  }
0x276: {  	[tilespmem:v2+s6+$0x0] =	vst.idx.add.f32.msk $0xffff, v1  }
0x277: {  	v3 =	vld [tilespmem:$0x9250];
	_ =	sdelay $0x6  }
0x278: {  	[tilespmem:$0x93C0] =	vst v2  }
0x279: {  	[tilespmem:v3+s6+$0x0] =	vst.idx.add.f32.msk $0xffff, v1  }
0x27a: {  	[tilespmem:$0x93D0] =	vst v3  }
0x27b: {  	[spmem:s2] =	stream.indirect.scatter.add.f32 [tilespmem:s8], [sflag:$0x5], $0x80, s28, s18, $0xb8;
	[tilespmem:$0x1F580] =	vst v63  }
0x27c: {  	s10 =	sadd.s32 s0, s31  }
0x27d: {  	[tilespmem:s21], [sflag:$0x8] =	stream.linear.gather [hbm4b:s10+s3], $0x60, $0x38;
	[tilespmem:$0x1F580] =	vst v63  }
0x27e: {  	s9 =	sadd.s32 s0, s14;
	s10 =	simm.s32 $0x9200  }
0x27f: {  	[tilespmem:s10], [sflag:$0x8] =	stream.linear.gather [hbm4b:s9+s3], $0x60, $0x38;
	[tilespmem:$0x1F580] =	vst v63  }
0x280: {  	_ =	swait.ge [sflag:s29], $0x3000  }
0x281: {  	[sflag:s29] =	ssyncset.done $0x0  }
0x282: {  	[sflag:s29] =	ssyncadd.s32 $0xFFFFD000  }
0x283: {  	_ =	swait.ge [sflag:s17], $0x60  }
0x284: {  	[sflag:s17] =	ssyncset.done $0x0  }
0x285: {  	[sflag:s17] =	ssyncadd.s32 $0xFFFFFFA0  }
0x286: {  	_ =	swait.ge [sflag:s17], $0x60  }
0x287: {  	[sflag:s17] =	ssyncset.done $0x0  }
0x288: {  	[sflag:s17] =	ssyncadd.s32 $0xFFFFFFA0  }
0x289: {  	[tilespmem:s3], [sflag:$0x1] =	stream.indirect.gather [hbm4b:s1+s18], $0x80, s19, s18, $0xb8;
	[tilespmem:$0x1F580] =	vst v63  }
0x28a: {  	_ =	swait.ge [sflag:s30], $0x3000  }
0x28b: {  	[sflag:s30] =	ssyncset.done $0x0  }
0x28c: {  	[sflag:s30] =	ssyncadd.s32 $0xFFFFD000  }
0x28d: {  	v2 =	vld [tilespmem:$0x9280];
	_ =	sdelay $0x7  }
0x28e: {  	[tilespmem:v2+s6+$0x0] =	vst.idx.add.f32.msk $0xffff, v1  }
0x28f: {  	v3 =	vld [tilespmem:$0x9290];
	_ =	sdelay $0x6  }
0x290: {  	[tilespmem:$0x9400] =	vst v2  }
0x291: {  	[tilespmem:v3+s6+$0x0] =	vst.idx.add.f32.msk $0xffff, v1  }
0x292: {  	v2 =	vld [tilespmem:$0x92A0];
	_ =	sdelay $0x6  }
0x293: {  	[tilespmem:$0x9410] =	vst v3  }
0x294: {  	[tilespmem:v2+s6+$0x0] =	vst.idx.add.f32.msk $0xffff, v1  }
0x295: {  	v3 =	vld [tilespmem:$0x92B0];
	_ =	sdelay $0x6  }
0x296: {  	[tilespmem:$0x9420] =	vst v2  }
0x297: {  	[tilespmem:v3+s6+$0x0] =	vst.idx.add.f32.msk $0xffff, v1  }
0x298: {  	v2 =	vld [tilespmem:$0x92C0];
	_ =	sdelay $0x6  }
0x299: {  	[tilespmem:$0x9430] =	vst v3  }
0x29a: {  	[tilespmem:v2+s6+$0x0] =	vst.idx.add.f32.msk $0xffff, v1  }
0x29b: {  	v3 =	vld [tilespmem:$0x92D0];
	_ =	sdelay $0x6  }
0x29c: {  	[tilespmem:$0x9440] =	vst v2  }
0x29d: {  	[tilespmem:v3+s6+$0x0] =	vst.idx.add.f32.msk $0xffff, v1  }
0x29e: {  	p1 =	seq.s32 s0, $0x4A4;
	[tilespmem:$0x9450] =	vst v3  }
0x29f: {  	[spmem:s2] =	stream.indirect.scatter.add.f32 [tilespmem:s25], [sflag:$0x6], $0x80, s11, s18, $0xb8;
	[tilespmem:$0x1F580] =	vst v63  }
0x2a0: {  	s9 =	sadd.s32 @!p1 s0, s22;
	s10 =	simm.s32 @!p1 $0x0;
	s11 =	simm.s32 @!p1 $0x9100  }
0x2a1: {  	[tilespmem:s11], [sflag:$0x9] =	stream.linear.gather @!p1 [hbm4b:s9+s10], $0x60, $0x38;
	[tilespmem:$0x1F580] =	vst v63  }
0x2a2: {  	s9 =	sadd.s32 @!p1 s0, s20;
	s0 =	sadd.s32 @!p1 $0x24, s0  }
0x2a3: {  	p2 =	sne.s32 @!p1 s0, $0x4C8  }
0x2a4: {  	p2 =	por p1, !p2  }
.Ltmp3:
0x2a5: {  	_ = 	snop;
	(pc) =	sbr.rel @!p2 .LBB2_8-.Ltmp3, $4  }
0x2a6: {  	_ = 	snop  }
0x2a7: {  	s11 =	simm.s32 @!p1 $0x9280  }
0x2a8: {  	[tilespmem:s11], [sflag:$0x9] =	stream.linear.gather @!p1 [hbm4b:s9+s10], $0x60, $0x38;
	[tilespmem:$0x1F580] =	vst v63  }
0x2a9: {  	s4 =	sadd.s32 @!p1 $0x120, s4;
	s11 =	simm.s32 $0x9400  }
0x2aa: {  	s4 =	simm.s32 $0x5  }
0x2ab: {  	_ =	swait.ge [sflag:s4], $0x3000  }
0x2ac: {  	[sflag:s4] =	ssyncset.done $0x0  }
0x2ad: {  	[sflag:s4] =	ssyncadd.s32 $0xFFFFD000  }
0x2ae: {  	_ =	swait.ge [sflag:s23], $0x60  }
0x2af: {  	[sflag:s23] =	ssyncset.done $0x0  }
0x2b0: {  	[sflag:s23] =	ssyncadd.s32 $0xFFFFFFA0  }
0x2b1: {  	_ =	swait.ge [sflag:s23], $0x60  }
0x2b2: {  	[sflag:s23] =	ssyncset.done $0x0  }
0x2b3: {  	[sflag:s23] =	ssyncadd.s32 $0xFFFFFFA0  }
0x2b4: {  	[tilespmem:s8], [sflag:$0x2] =	stream.indirect.gather [hbm4b:s1+s18], $0x80, s21, s18, $0xb8;
	[tilespmem:$0x1F580] =	vst v63  }
0x2b5: {  	_ =	swait.ge [sflag:s5], $0x3000  }
0x2b6: {  	[sflag:s5] =	ssyncset.done $0x0  }
0x2b7: {  	[sflag:s5] =	ssyncadd.s32 $0xFFFFD000  }
0x2b8: {  	v2 =	vld [tilespmem:$0x9180];
	_ =	sdelay $0x7  }
0x2b9: {  	[tilespmem:v2+s6+$0x0] =	vst.idx.add.f32.msk $0xffff, v1  }
0x2ba: {  	v3 =	vld [tilespmem:$0x9190];
	_ =	sdelay $0x6  }
0x2bb: {  	[tilespmem:$0x9300] =	vst v2  }
0x2bc: {  	[tilespmem:v3+s6+$0x0] =	vst.idx.add.f32.msk $0xffff, v1  }
0x2bd: {  	v2 =	vld [tilespmem:$0x91A0];
	_ =	sdelay $0x6  }
0x2be: {  	[tilespmem:$0x9310] =	vst v3  }
0x2bf: {  	[tilespmem:v2+s6+$0x0] =	vst.idx.add.f32.msk $0xffff, v1  }
0x2c0: {  	v3 =	vld [tilespmem:$0x91B0];
	_ =	sdelay $0x6  }
0x2c1: {  	[tilespmem:$0x9320] =	vst v2  }
0x2c2: {  	[tilespmem:v3+s6+$0x0] =	vst.idx.add.f32.msk $0xffff, v1  }
0x2c3: {  	v2 =	vld [tilespmem:$0x91C0];
	_ =	sdelay $0x6  }
0x2c4: {  	[tilespmem:$0x9330] =	vst v3  }
0x2c5: {  	[tilespmem:v2+s6+$0x0] =	vst.idx.add.f32.msk $0xffff, v1  }
0x2c6: {  	v3 =	vld [tilespmem:$0x91D0];
	_ =	sdelay $0x6  }
0x2c7: {  	[tilespmem:$0x9340] =	vst v2  }
0x2c8: {  	[tilespmem:v3+s6+$0x0] =	vst.idx.add.f32.msk $0xffff, v1  }
0x2c9: {  	s22 =	simm.s32 $0x6;
	[tilespmem:$0x9350] =	vst v3  }
0x2ca: {  	[spmem:s2] =	stream.indirect.scatter.add.f32 [tilespmem:s3], [sflag:$0x4], $0x80, s7, s18, $0xb8;
	[tilespmem:$0x1F580] =	vst v63  }
0x2cb: {  	_ =	swait.ge [sflag:s22], $0x3000  }
0x2cc: {  	[sflag:s22] =	ssyncset.done $0x0  }
0x2cd: {  	[sflag:s22] =	ssyncadd.s32 $0xFFFFD000  }
0x2ce: {  	_ =	swait.ge [sflag:s26], $0x3000  }
0x2cf: {  	[sflag:s26] =	ssyncset.done $0x0  }
0x2d0: {  	[sflag:s26] =	ssyncadd.s32 $0xFFFFD000  }
0x2d1: {  	v2 =	vld [tilespmem:$0x9200];
	_ =	sdelay $0x7  }
0x2d2: {  	[tilespmem:v2+s6+$0x0] =	vst.idx.add.f32.msk $0xffff, v1  }
0x2d3: {  	v3 =	vld [tilespmem:$0x9210];
	_ =	sdelay $0x6  }
0x2d4: {  	[tilespmem:$0x9380] =	vst v2  }
0x2d5: {  	[tilespmem:v3+s6+$0x0] =	vst.idx.add.f32.msk $0xffff, v1  }
0x2d6: {  	v2 =	vld [tilespmem:$0x9220];
	_ =	sdelay $0x6  }
0x2d7: {  	[tilespmem:$0x9390] =	vst v3  }
0x2d8: {  	[tilespmem:v2+s6+$0x0] =	vst.idx.add.f32.msk $0xffff, v1  }
0x2d9: {  	v3 =	vld [tilespmem:$0x9230];
	_ =	sdelay $0x6  }
0x2da: {  	[tilespmem:$0x93A0] =	vst v2  }
0x2db: {  	[tilespmem:v3+s6+$0x0] =	vst.idx.add.f32.msk $0xffff, v1  }
0x2dc: {  	v2 =	vld [tilespmem:$0x9240];
	_ =	sdelay $0x6  }
0x2dd: {  	[tilespmem:$0x93B0] =	vst v3  }
0x2de: {  	[tilespmem:v2+s6+$0x0] =	vst.idx.add.f32.msk $0xffff, v1  }
0x2df: {  	v3 =	vld [tilespmem:$0x9250];
	_ =	sdelay $0x6  }
0x2e0: {  	[tilespmem:$0x93C0] =	vst v2  }
0x2e1: {  	[tilespmem:v3+s6+$0x0] =	vst.idx.add.f32.msk $0xffff, v1  }
0x2e2: {  	[tilespmem:$0x93D0] =	vst v3  }
0x2e3: {  	[spmem:s2] =	stream.indirect.scatter.add.f32 [tilespmem:s8], [sflag:$0x5], $0x80, s28, s18, $0xb8;
	[tilespmem:$0x1F580] =	vst v63  }
0x2e4: {  	_ =	swait.ge [sflag:s29], $0x3000  }
0x2e5: {  	s0 =	sld [smem:$0x79A]  }
0x2e6: {  	[sflag:s29] =	ssyncset.done $0x0  }
0x2e7: {  	s9 =	simm.s32 $0x9480;
	s10 =	simm.s32 $0xB;
	[sflag:s29] =	ssyncadd.s32 $0xFFFFD000  }
0x2e8: {  	[tilespmem:s9], [sflag:$0xB] =	stream.linear.gather [hbm4b:s0+s3], $0x10, $0x38;
	[tilespmem:$0x1F580] =	vst v63  }
0x2e9: {  	_ =	swait.ge [sflag:s10], $0x10  }
0x2ea: {  	s31 =	sld [smem:$0x79D]  }
0x2eb: {  	[sflag:s10] =	ssyncset.done $0x0  }
0x2ec: {  	s12 =	simm.s32 $0x9500;
	[sflag:s10] =	ssyncadd.s32 $0xFFFFFFF0  }
0x2ed: {  	[tilespmem:s12], [sflag:$0xB] =	stream.linear.gather [hbm4b:s31+s3], $0x10, $0x38;
	[tilespmem:$0x1F580] =	vst v63  }
0x2ee: {  	_ =	swait.ge [sflag:s10], $0x10  }
0x2ef: {  	[sflag:s10] =	ssyncset.done $0x0  }
0x2f0: {  	s8 =	simm.s32 $0x10;
	[sflag:s10] =	ssyncadd.s32 $0xFFFFFFF0  }
0x2f1: {  	[tilespmem:s25], [sflag:$0x3] =	stream.indirect.gather [hbm4b:s1+s8], $0x80, s9, s8, $0xb8;
	[tilespmem:$0x1F580] =	vst v63  }
0x2f2: {  	_ =	swait.ge [sflag:s30], $0x800  }
0x2f3: {  	[sflag:s30] =	ssyncset.done $0x0  }
0x2f4: {  	[sflag:s30] =	ssyncadd.s32 $0xFFFFF800  }
0x2f5: {  	v2 =	vld [tilespmem:$0x9500];
	_ =	sdelay $0x7  }
0x2f6: {  	[tilespmem:v2+s6+$0x0] =	vst.idx.add.f32.msk $0xffff, v1  }
0x2f7: {  	[spmem:s2] =	stream.indirect.scatter.add.f32 [tilespmem:s25], [sflag:$0x6], $0x80, s12, s8, $0xb8;
	[tilespmem:$0x1F580] =	vst v63  }
0x2f8: {  	_ =	swait.ge [sflag:s4], $0x3000  }
0x2f9: {  	[sflag:s4] =	ssyncset.done $0x0  }
0x2fa: {  	[sflag:s4] =	ssyncadd.s32 $0xFFFFD000  }
0x2fb: {  	_ =	swait.ge [sflag:s22], $0x800  }
0x2fc: {  	[sflag:s22] =	ssyncset.done $0x0  }
0x2fd: {  	[sflag:s22] =	ssyncadd.s32 $0xFFFFF800  }
0x2fe: {  	[bflag:$0x0] =	sbarrier.arrive $0xFFFF  }
0x2ff: {  	s10 =	sld [smem:$0x7F6]  }
0x300: {  	s7 =	sld [smem:$0x798]  }
0x301: {  	s9 =	sld [smem:$0x797];
	_ =	sdelay $0x2  }
0x302: {  	[hbm:s10], [sflag:s7] =	dma.local [spmem:s9], $0x1900  }
0x303: {  	s0 =	sld [smem:$0x7F7]  }
0x304: {  	s10 =	sld [smem:$0x799];
	_ =	sdelay $0x2  }
0x305: {  	[hbm:s0], [sflag:s7] =	dma.local @!p0 [spmem:s10], $0x1900  }
0x306: {  	s0 =	sld [smem:$0x7B7];
	_ =	sdelay $0x1  }
0x307: {  	s12 =	sld [smem:$0x7B8]  }
0x308: {  	[hbm4b:s0+s3] =	stream.linear.scatter [tilespmem:s6], [sflag:$0xA], $0x190, $0x38;
	[tilespmem:$0x1F580] =	vst v63  }
0x309: {  	s14 =	simm.s32 $0x9710;
	s15 =	sld [smem:$0x7B9]  }
0x30a: {  	[hbm4b:s12+s3] =	stream.linear.scatter [tilespmem:s14], [sflag:$0xA], $0x190, $0x38;
	[tilespmem:$0x1F580] =	vst v63  }
0x30b: {  	s20 =	simm.s32 $0x98A0;
	s22 =	sld [smem:$0x7BA]  }
0x30c: {  	[hbm4b:s15+s3] =	stream.linear.scatter [tilespmem:s20], [sflag:$0xA], $0x190, $0x38;
	[tilespmem:$0x1F580] =	vst v63  }
0x30d: {  	s25 =	simm.s32 $0x9A30;
	s28 =	sld [smem:$0x7BB]  }
0x30e: {  	[hbm4b:s22+s3] =	stream.linear.scatter [tilespmem:s25], [sflag:$0xA], $0x190, $0x38;
	[tilespmem:$0x1F580] =	vst v63  }
0x30f: {  	s31 =	simm.s32 $0x9BC0;
	s4 =	sld [smem:$0x7BC]  }
0x310: {  	[hbm4b:s28+s3] =	stream.linear.scatter [tilespmem:s31], [sflag:$0xA], $0x190, $0x38;
	[tilespmem:$0x1F580] =	vst v63  }
0x311: {  	s8 =	simm.s32 $0x9D50;
	s12 =	sld [smem:$0x7BD]  }
0x312: {  	[hbm4b:s4+s3] =	stream.linear.scatter [tilespmem:s8], [sflag:$0xA], $0x190, $0x38;
	[tilespmem:$0x1F580] =	vst v63  }
0x313: {  	s14 =	simm.s32 $0x9EE0;
	s15 =	sld [smem:$0x7BE]  }
0x314: {  	[hbm4b:s12+s3] =	stream.linear.scatter [tilespmem:s14], [sflag:$0xA], $0x190, $0x38;
	[tilespmem:$0x1F580] =	vst v63  }
0x315: {  	s20 =	simm.s32 $0xA070;
	s22 =	sld [smem:$0x7BF]  }
0x316: {  	[hbm4b:s15+s3] =	stream.linear.scatter [tilespmem:s20], [sflag:$0xA], $0x190, $0x38;
	[tilespmem:$0x1F580] =	vst v63  }
0x317: {  	s25 =	simm.s32 $0xA200;
	s28 =	sld [smem:$0x7C0]  }
0x318: {  	[hbm4b:s22+s3] =	stream.linear.scatter [tilespmem:s25], [sflag:$0xA], $0x190, $0x38;
	[tilespmem:$0x1F580] =	vst v63  }
0x319: {  	s31 =	simm.s32 $0xA390;
	s4 =	sld [smem:$0x7C1]  }
0x31a: {  	[hbm4b:s28+s3] =	stream.linear.scatter [tilespmem:s31], [sflag:$0xA], $0x190, $0x38;
	[tilespmem:$0x1F580] =	vst v63  }
0x31b: {  	s8 =	simm.s32 $0xA520;
	s12 =	sld [smem:$0x7C2]  }
0x31c: {  	[hbm4b:s4+s3] =	stream.linear.scatter [tilespmem:s8], [sflag:$0xA], $0x190, $0x38;
	[tilespmem:$0x1F580] =	vst v63  }
0x31d: {  	s14 =	simm.s32 $0xA6B0;
	s15 =	sld [smem:$0x7C3]  }
0x31e: {  	[hbm4b:s12+s3] =	stream.linear.scatter [tilespmem:s14], [sflag:$0xA], $0x190, $0x38;
	[tilespmem:$0x1F580] =	vst v63  }
0x31f: {  	s20 =	simm.s32 $0xA840;
	s22 =	sld [smem:$0x7C4]  }
0x320: {  	[hbm4b:s15+s3] =	stream.linear.scatter [tilespmem:s20], [sflag:$0xA], $0x190, $0x38;
	[tilespmem:$0x1F580] =	vst v63  }
0x321: {  	s25 =	simm.s32 $0xA9D0;
	s28 =	sld [smem:$0x7C5]  }
0x322: {  	[hbm4b:s22+s3] =	stream.linear.scatter [tilespmem:s25], [sflag:$0xA], $0x190, $0x38;
	[tilespmem:$0x1F580] =	vst v63  }
0x323: {  	s31 =	simm.s32 $0xAB60;
	s4 =	sld [smem:$0x7C6]  }
0x324: {  	[hbm4b:s28+s3] =	stream.linear.scatter [tilespmem:s31], [sflag:$0xA], $0x190, $0x38;
	[tilespmem:$0x1F580] =	vst v63  }
0x325: {  	s8 =	simm.s32 $0xACF0;
	s12 =	sld [smem:$0x7C7]  }
0x326: {  	[hbm4b:s4+s3] =	stream.linear.scatter [tilespmem:s8], [sflag:$0xA], $0x190, $0x38;
	[tilespmem:$0x1F580] =	vst v63  }
0x327: {  	s14 =	simm.s32 $0xAE80;
	s15 =	sld [smem:$0x7C8]  }
0x328: {  	[hbm4b:s12+s3] =	stream.linear.scatter [tilespmem:s14], [sflag:$0xA], $0x190, $0x38;
	[tilespmem:$0x1F580] =	vst v63  }
0x329: {  	s20 =	simm.s32 $0xB010;
	s22 =	sld [smem:$0x7C9]  }
0x32a: {  	[hbm4b:s15+s3] =	stream.linear.scatter [tilespmem:s20], [sflag:$0xA], $0x190, $0x38;
	[tilespmem:$0x1F580] =	vst v63  }
0x32b: {  	s25 =	simm.s32 $0xB1A0;
	s28 =	sld [smem:$0x7CA]  }
0x32c: {  	[hbm4b:s22+s3] =	stream.linear.scatter [tilespmem:s25], [sflag:$0xA], $0x190, $0x38;
	[tilespmem:$0x1F580] =	vst v63  }
0x32d: {  	s31 =	simm.s32 $0xB330;
	s4 =	sld [smem:$0x7CB]  }
0x32e: {  	[hbm4b:s28+s3] =	stream.linear.scatter [tilespmem:s31], [sflag:$0xA], $0x190, $0x38;
	[tilespmem:$0x1F580] =	vst v63  }
0x32f: {  	s8 =	simm.s32 $0xB4C0;
	s12 =	sld [smem:$0x7CC]  }
0x330: {  	[hbm4b:s4+s3] =	stream.linear.scatter [tilespmem:s8], [sflag:$0xA], $0x190, $0x38;
	[tilespmem:$0x1F580] =	vst v63  }
0x331: {  	s14 =	simm.s32 $0xB650;
	s15 =	sld [smem:$0x7CD]  }
0x332: {  	[hbm4b:s12+s3] =	stream.linear.scatter [tilespmem:s14], [sflag:$0xA], $0x190, $0x38;
	[tilespmem:$0x1F580] =	vst v63  }
0x333: {  	s20 =	simm.s32 $0xB7E0;
	s22 =	sld [smem:$0x7CE]  }
0x334: {  	[hbm4b:s15+s3] =	stream.linear.scatter [tilespmem:s20], [sflag:$0xA], $0x190, $0x38;
	[tilespmem:$0x1F580] =	vst v63  }
0x335: {  	s25 =	simm.s32 $0xB970;
	s28 =	sld [smem:$0x7CF]  }
0x336: {  	[hbm4b:s22+s3] =	stream.linear.scatter [tilespmem:s25], [sflag:$0xA], $0x190, $0x38;
	[tilespmem:$0x1F580] =	vst v63  }
0x337: {  	s31 =	simm.s32 $0xBB00  }
0x338: {  	[hbm4b:s28+s3] =	stream.linear.scatter [tilespmem:s31], [sflag:$0xA], $0x190, $0x38;
	[tilespmem:$0x1F580] =	vst v63  }
0x339: {  	_ =	swait.ge [sflag:s16], $0x1900  }
0x33a: {  	[sflag:s16] =	ssyncset.done $0x0  }
0x33b: {  	s0 =	simm.s32 @!p0 $0xA;
	[sflag:s16] =	ssyncadd.s32 $0xFFFFE700  }
0x33c: {  	_ =	swait.ge @!p0 [sflag:s0], $0x1900  }
0x33d: {  	[sflag:s0] =	ssyncset.done @!p0 $0x0  }
0x33e: {  	[sflag:s0] =	ssyncadd.s32 @!p0 $0xFFFFE700  }
0x33f: {  	_ =	swait.ge [sflag:s16], $0x190  }
0x340: {  	[sflag:s16] =	ssyncset.done $0x0  }
0x341: {  	[sflag:s16] =	ssyncadd.s32 $0xFFFFFE70  }
0x342: {  	_ =	swait.ge [sflag:s16], $0x190  }
0x343: {  	[sflag:s16] =	ssyncset.done $0x0  }
0x344: {  	[sflag:s16] =	ssyncadd.s32 $0xFFFFFE70  }
0x345: {  	_ =	swait.ge [sflag:s16], $0x190  }
0x346: {  	[sflag:s16] =	ssyncset.done $0x0  }
0x347: {  	[sflag:s16] =	ssyncadd.s32 $0xFFFFFE70  }
0x348: {  	_ =	swait.ge [sflag:s16], $0x190  }
0x349: {  	[sflag:s16] =	ssyncset.done $0x0  }
0x34a: {  	[sflag:s16] =	ssyncadd.s32 $0xFFFFFE70  }
0x34b: {  	_ =	swait.ge [sflag:s16], $0x190  }
0x34c: {  	[sflag:s16] =	ssyncset.done $0x0  }
0x34d: {  	[sflag:s16] =	ssyncadd.s32 $0xFFFFFE70  }
0x34e: {  	_ =	swait.ge [sflag:s16], $0x190  }
0x34f: {  	[sflag:s16] =	ssyncset.done $0x0  }
0x350: {  	[sflag:s16] =	ssyncadd.s32 $0xFFFFFE70  }
0x351: {  	_ =	swait.ge [sflag:s16], $0x190  }
0x352: {  	[sflag:s16] =	ssyncset.done $0x0  }
0x353: {  	[sflag:s16] =	ssyncadd.s32 $0xFFFFFE70  }
0x354: {  	_ =	swait.ge [sflag:s16], $0x190  }
0x355: {  	[sflag:s16] =	ssyncset.done $0x0  }
0x356: {  	[sflag:s16] =	ssyncadd.s32 $0xFFFFFE70  }
0x357: {  	_ =	swait.ge [sflag:s16], $0x190  }
0x358: {  	[sflag:s16] =	ssyncset.done $0x0  }
0x359: {  	[sflag:s16] =	ssyncadd.s32 $0xFFFFFE70  }
0x35a: {  	_ =	swait.ge [sflag:s16], $0x190  }
0x35b: {  	[sflag:s16] =	ssyncset.done $0x0  }
0x35c: {  	[sflag:s16] =	ssyncadd.s32 $0xFFFFFE70  }
0x35d: {  	_ =	swait.ge [sflag:s16], $0x190  }
0x35e: {  	[sflag:s16] =	ssyncset.done $0x0  }
0x35f: {  	[sflag:s16] =	ssyncadd.s32 $0xFFFFFE70  }
0x360: {  	_ =	swait.ge [sflag:s16], $0x190  }
0x361: {  	[sflag:s16] =	ssyncset.done $0x0  }
0x362: {  	[sflag:s16] =	ssyncadd.s32 $0xFFFFFE70  }
0x363: {  	_ =	swait.ge [sflag:s16], $0x190  }
0x364: {  	[sflag:s16] =	ssyncset.done $0x0  }
0x365: {  	[sflag:s16] =	ssyncadd.s32 $0xFFFFFE70  }
0x366: {  	_ =	swait.ge [sflag:s16], $0x190  }
0x367: {  	[sflag:s16] =	ssyncset.done $0x0  }
0x368: {  	[sflag:s16] =	ssyncadd.s32 $0xFFFFFE70  }
0x369: {  	_ =	swait.ge [sflag:s16], $0x190  }
0x36a: {  	[sflag:s16] =	ssyncset.done $0x0  }
0x36b: {  	[sflag:s16] =	ssyncadd.s32 $0xFFFFFE70  }
0x36c: {  	_ =	swait.ge [sflag:s16], $0x190  }
0x36d: {  	[sflag:s16] =	ssyncset.done $0x0  }
0x36e: {  	[sflag:s16] =	ssyncadd.s32 $0xFFFFFE70  }
0x36f: {  	_ =	swait.ge [sflag:s16], $0x190  }
0x370: {  	[sflag:s16] =	ssyncset.done $0x0  }
0x371: {  	[sflag:s16] =	ssyncadd.s32 $0xFFFFFE70  }
0x372: {  	_ =	swait.ge [sflag:s16], $0x190  }
0x373: {  	[sflag:s16] =	ssyncset.done $0x0  }
0x374: {  	[sflag:s16] =	ssyncadd.s32 $0xFFFFFE70  }
0x375: {  	_ =	swait.ge [sflag:s16], $0x190  }
0x376: {  	[sflag:s16] =	ssyncset.done $0x0  }
0x377: {  	[sflag:s16] =	ssyncadd.s32 $0xFFFFFE70  }
0x378: {  	_ =	swait.ge [sflag:s16], $0x190  }
0x379: {  	[sflag:s16] =	ssyncset.done $0x0  }
0x37a: {  	[sflag:s16] =	ssyncadd.s32 $0xFFFFFE70  }
0x37b: {  	_ =	swait.ge [sflag:s16], $0x190  }
0x37c: {  	[sflag:s16] =	ssyncset.done $0x0  }
0x37d: {  	[sflag:s16] =	ssyncadd.s32 $0xFFFFFE70  }
0x37e: {  	_ =	swait.ge [sflag:s16], $0x190  }
0x37f: {  	[sflag:s16] =	ssyncset.done $0x0  }
0x380: {  	[sflag:s16] =	ssyncadd.s32 $0xFFFFFE70  }
0x381: {  	_ =	swait.ge [sflag:s16], $0x190  }
0x382: {  	[sflag:s16] =	ssyncset.done $0x0  }
0x383: {  	[sflag:s16] =	ssyncadd.s32 $0xFFFFFE70  }
0x384: {  	_ =	swait.ge [sflag:s16], $0x190  }
0x385: {  	[sflag:s16] =	ssyncset.done $0x0  }
0x386: {  	[sflag:s16] =	ssyncadd.s32 $0xFFFFFE70  }
0x387: {  	_ =	swait.ge [sflag:s16], $0x190  }
0x388: {  	[sflag:s16] =	ssyncset.done $0x0  }
0x389: {  	s8 =	rddreg [dreg:$0xf];
	[sflag:s16] =	ssyncadd.s32 $0xFFFFFE70  }
0x38a: {  	[tilespmem:s19], [sflag:$0x7] =	stream.linear.gather [hbm4b:s8+s3], $0x60, $0x38;
	[tilespmem:$0x1F580] =	vst v63  }
0x38b: {  	s14 =	simm.s32 $0x9180;
	s12 =	rddreg [dreg:$0x12]  }
0x38c: {  	[tilespmem:s14], [sflag:$0x7] =	stream.linear.gather [hbm4b:s12+s3], $0x60, $0x38;
	[tilespmem:$0x1F580] =	vst v63  }
0x38d: {  	s15 =	rddreg [dreg:$0x15]  }
0x38e: {  	[tilespmem:s21], [sflag:$0x8] =	stream.linear.gather [hbm4b:s15+s3], $0x60, $0x38;
	[tilespmem:$0x1F580] =	vst v63  }
0x38f: {  	s20 =	rddreg [dreg:$0x18];
	s21 =	simm.s32 $0x9200  }
0x390: {  	[tilespmem:s21], [sflag:$0x8] =	stream.linear.gather [hbm4b:s20+s3], $0x60, $0x38;
	[tilespmem:$0x1F580] =	vst v63  }
0x391: {  	s25 =	simm.s32 $0x9100;
	s22 =	rddreg [dreg:$0x1b]  }
0x392: {  	[tilespmem:s25], [sflag:$0x9] =	stream.linear.gather [hbm4b:s22+s3], $0x60, $0x38;
	[tilespmem:$0x1F580] =	vst v63  }
0x393: {  	s31 =	simm.s32 $0x9280;
	s28 =	rddreg [dreg:$0x1e]  }
0x394: {  	[tilespmem:s31], [sflag:$0x9] =	stream.linear.gather [hbm4b:s28+s3], $0x60, $0x38;
	[tilespmem:$0x1F580] =	vst v63  }
0x395: {  	_ =	swait.ge [sflag:s17], $0x60  }
0x396: {  	[sflag:s17] =	ssyncset.done $0x0  }
0x397: {  	[sflag:s17] =	ssyncadd.s32 $0xFFFFFFA0  }
0x398: {  	_ =	swait.ge [sflag:s17], $0x60  }
0x399: {  	[sflag:s17] =	ssyncset.done $0x0  }
0x39a: {  	s0 =	rddreg [dreg:$0x7];
	[sflag:s17] =	ssyncadd.s32 $0xFFFFFFA0  }
0x39b: {  	[tilespmem:s3], [sflag:$0x1] =	stream.indirect.gather [hbm4b:s1+s18], $0x80, s19, s18, $0xb8;
	[tilespmem:$0x1F580] =	vst v63  }
0x39c: {  	[spmem:s9], [sflag:s7] =	dma.local [hbm:s0], $0x1900  }
0x39d: {  	[spmem:s10], [sflag:s7] =	dma.local @!p0 [hbm:s0], $0x1900  }
0x39e: {  	s4 =	simm.s32 $0x0;
	s0 =	simm.s32 $0x40  }
.LBB2_10:
0x39f: {  	p1 =	sne.s32 s0, $0x9C00;
	[tilespmem:s4+$0x9580] =	vst v0;
	s4 =	smov.u32 s0;
	s0 =	sadd.s32 $0x40, s0  }
.Ltmp4:
0x3a0: {  	(pc) =	sbr.rel @p1 .LBB2_10-.Ltmp4, $2  }
0x3a1: {  	_ =	sdelay $0x2  }
0x3a2: {  	s4 =	sshra.s32 s4, $0x2  }
0x3a3: {  	[tilespmem:s4+$0x9580] =	vst v0  }
0x3a4: {  	_ =	swait.ge [sflag:s16], $0x1900  }
0x3a5: {  	[sflag:s16] =	ssyncset.done $0x0  }
0x3a6: {  	s0 =	simm.s32 @!p0 $0xA;
	[sflag:s16] =	ssyncadd.s32 $0xFFFFE700  }
0x3a7: {  	_ =	swait.ge @!p0 [sflag:s0], $0x1900  }
0x3a8: {  	[sflag:s0] =	ssyncset.done @!p0 $0x0  }
0x3a9: {  	[sflag:s0] =	ssyncadd.s32 @!p0 $0xFFFFE700  }
0x3aa: {  	[bflag:$0x0] =	sbarrier.arrive $0xFFFF  }
0x3ab: {  	s4 =	sld [smem:$0x7EA]  }
0x3ac: {  	s14 =	rddreg [dreg:$0x6]  }
0x3ad: {  	s28 =	simm.s32 $0x9180;
	s7 =	simm.s32 $0x9200;
	s31 =	sld [smem:$0x7EC]  }
0x3ae: {  	s12 =	simm.s32 $0x9100;
	s21 =	simm.s32 $0x9000;
	s19 =	sld [smem:$0x7EF]  }
0x3af: {  	s8 =	simm.s32 $0x9080;
	s25 =	simm.s32 $0x3000;
	s15 =	sld [smem:$0x7F1]  }
0x3b0: {  	s20 =	simm.s32 $0x6000;
	s0 =	simm.s32 $0x0;
	s22 =	sld [smem:$0x7F5]  }
.LBB2_12:
0x3b1: {  	p1 =	seq.s32 s0, $0x0  }
0x3b2: {  	s9 =	simm.s32 @!p1 $0x5  }
0x3b3: {  	_ =	swait.ge @!p1 [sflag:s9], $0x3000  }
0x3b4: {  	[sflag:s9] =	ssyncset.done @!p1 $0x0  }
0x3b5: {  	[sflag:s9] =	ssyncadd.s32 @!p1 $0xFFFFD000  }
0x3b6: {  	_ =	swait.ge [sflag:s23], $0x60  }
0x3b7: {  	[sflag:s23] =	ssyncset.done $0x0  }
0x3b8: {  	[sflag:s23] =	ssyncadd.s32 $0xFFFFFFA0  }
0x3b9: {  	_ =	swait.ge [sflag:s23], $0x60  }
0x3ba: {  	[sflag:s23] =	ssyncset.done $0x0  }
0x3bb: {  	[sflag:s23] =	ssyncadd.s32 $0xFFFFFFA0  }
0x3bc: {  	[tilespmem:s25], [sflag:$0x2] =	stream.indirect.gather [hbm4b:s1+s18], $0x80, s8, s18, $0xb8;
	[tilespmem:$0x1F580] =	vst v63  }
0x3bd: {  	_ =	swait.ge [sflag:s5], $0x3000  }
0x3be: {  	[sflag:s5] =	ssyncset.done $0x0  }
0x3bf: {  	[sflag:s5] =	ssyncadd.s32 $0xFFFFD000  }
0x3c0: {  	v2 =	vld [tilespmem:$0x9180];
	_ =	sdelay $0x7  }
0x3c1: {  	[tilespmem:v2+s6+$0x0] =	vst.idx.add.f32.msk $0xffff, v1  }
0x3c2: {  	v3 =	vld [tilespmem:$0x9190];
	_ =	sdelay $0x6  }
0x3c3: {  	[tilespmem:$0x9300] =	vst v2  }
0x3c4: {  	[tilespmem:v3+s6+$0x0] =	vst.idx.add.f32.msk $0xffff, v1  }
0x3c5: {  	v2 =	vld [tilespmem:$0x91A0];
	_ =	sdelay $0x6  }
0x3c6: {  	[tilespmem:$0x9310] =	vst v3  }
0x3c7: {  	[tilespmem:v2+s6+$0x0] =	vst.idx.add.f32.msk $0xffff, v1  }
0x3c8: {  	v3 =	vld [tilespmem:$0x91B0];
	_ =	sdelay $0x6  }
0x3c9: {  	[tilespmem:$0x9320] =	vst v2  }
0x3ca: {  	[tilespmem:v3+s6+$0x0] =	vst.idx.add.f32.msk $0xffff, v1  }
0x3cb: {  	v2 =	vld [tilespmem:$0x91C0];
	_ =	sdelay $0x6  }
0x3cc: {  	[tilespmem:$0x9330] =	vst v3  }
0x3cd: {  	[tilespmem:v2+s6+$0x0] =	vst.idx.add.f32.msk $0xffff, v1  }
0x3ce: {  	v3 =	vld [tilespmem:$0x91D0];
	_ =	sdelay $0x6  }
0x3cf: {  	[tilespmem:$0x9340] =	vst v2  }
0x3d0: {  	[tilespmem:v3+s6+$0x0] =	vst.idx.add.f32.msk $0xffff, v1  }
0x3d1: {  	s10 =	simm.s32 $0x9300;
	[tilespmem:$0x9350] =	vst v3  }
0x3d2: {  	[spmem:s2] =	stream.indirect.scatter.add.f32 [tilespmem:s3], [sflag:$0x4], $0x80, s10, s18, $0xb8;
	[tilespmem:$0x1F580] =	vst v63  }
0x3d3: {  	s10 =	sshrl.u32 s4, $0x3  }
0x3d4: {  	s9 =	sadd.s32 s14, s10  }
0x3d5: {  	[tilespmem:s21], [sflag:$0x7] =	stream.linear.gather [hbm4b:s9+s3], $0x60, $0x38;
	[tilespmem:$0x1F580] =	vst v63  }
0x3d6: {  	s10 =	sadd.s32 s0, s22;
	s9 =	simm.s32 @!p1 $0x6  }
0x3d7: {  	[tilespmem:s28], [sflag:$0x7] =	stream.linear.gather [hbm4b:s10+s3], $0x60, $0x38;
	[tilespmem:$0x1F580] =	vst v63  }
0x3d8: {  	_ =	swait.ge @!p1 [sflag:s9], $0x3000  }
0x3d9: {  	[sflag:s9] =	ssyncset.done @!p1 $0x0  }
0x3da: {  	[sflag:s9] =	ssyncadd.s32 @!p1 $0xFFFFD000  }
0x3db: {  	_ =	swait.ge [sflag:s24], $0x60  }
0x3dc: {  	[sflag:s24] =	ssyncset.done $0x0  }
0x3dd: {  	[sflag:s24] =	ssyncadd.s32 $0xFFFFFFA0  }
0x3de: {  	_ =	swait.ge [sflag:s24], $0x60  }
0x3df: {  	[sflag:s24] =	ssyncset.done $0x0  }
0x3e0: {  	[sflag:s24] =	ssyncadd.s32 $0xFFFFFFA0  }
0x3e1: {  	[tilespmem:s20], [sflag:$0x3] =	stream.indirect.gather [hbm4b:s1+s18], $0x80, s12, s18, $0xb8;
	[tilespmem:$0x1F580] =	vst v63  }
0x3e2: {  	_ =	swait.ge [sflag:s26], $0x3000  }
0x3e3: {  	[sflag:s26] =	ssyncset.done $0x0  }
0x3e4: {  	[sflag:s26] =	ssyncadd.s32 $0xFFFFD000  }
0x3e5: {  	v2 =	vld [tilespmem:$0x9200];
	_ =	sdelay $0x7  }
0x3e6: {  	[tilespmem:v2+s6+$0x0] =	vst.idx.add.f32.msk $0xffff, v1  }
0x3e7: {  	v3 =	vld [tilespmem:$0x9210];
	_ =	sdelay $0x6  }
0x3e8: {  	[tilespmem:$0x9380] =	vst v2  }
0x3e9: {  	[tilespmem:v3+s6+$0x0] =	vst.idx.add.f32.msk $0xffff, v1  }
0x3ea: {  	v2 =	vld [tilespmem:$0x9220];
	_ =	sdelay $0x6  }
0x3eb: {  	[tilespmem:$0x9390] =	vst v3  }
0x3ec: {  	[tilespmem:v2+s6+$0x0] =	vst.idx.add.f32.msk $0xffff, v1  }
0x3ed: {  	v3 =	vld [tilespmem:$0x9230];
	_ =	sdelay $0x6  }
0x3ee: {  	[tilespmem:$0x93A0] =	vst v2  }
0x3ef: {  	[tilespmem:v3+s6+$0x0] =	vst.idx.add.f32.msk $0xffff, v1  }
0x3f0: {  	v2 =	vld [tilespmem:$0x9240];
	_ =	sdelay $0x6  }
0x3f1: {  	[tilespmem:$0x93B0] =	vst v3  }
0x3f2: {  	[tilespmem:v2+s6+$0x0] =	vst.idx.add.f32.msk $0xffff, v1  }
0x3f3: {  	v3 =	vld [tilespmem:$0x9250];
	_ =	sdelay $0x6  }
0x3f4: {  	[tilespmem:$0x93C0] =	vst v2  }
0x3f5: {  	[tilespmem:v3+s6+$0x0] =	vst.idx.add.f32.msk $0xffff, v1  }
0x3f6: {  	s10 =	simm.s32 $0x9380;
	[tilespmem:$0x93D0] =	vst v3  }
0x3f7: {  	[spmem:s2] =	stream.indirect.scatter.add.f32 [tilespmem:s25], [sflag:$0x5], $0x80, s10, s18, $0xb8;
	[tilespmem:$0x1F580] =	vst v63  }
0x3f8: {  	s10 =	sadd.s32 s0, s15  }
0x3f9: {  	[tilespmem:s8], [sflag:$0x8] =	stream.linear.gather [hbm4b:s10+s3], $0x60, $0x38;
	[tilespmem:$0x1F580] =	vst v63  }
0x3fa: {  	s10 =	sld [smem:$0x7FC];
	_ =	sdelay $0x2  }
0x3fb: {  	s9 =	sadd.s32 s0, s10  }
0x3fc: {  	[tilespmem:s7], [sflag:$0x8] =	stream.linear.gather [hbm4b:s9+s3], $0x60, $0x38;
	[tilespmem:$0x1F580] =	vst v63  }
0x3fd: {  	_ =	swait.ge [sflag:s29], $0x3000  }
0x3fe: {  	[sflag:s29] =	ssyncset.done $0x0  }
0x3ff: {  	[sflag:s29] =	ssyncadd.s32 $0xFFFFD000  }
0x400: {  	_ =	swait.ge [sflag:s17], $0x60  }
0x401: {  	[sflag:s17] =	ssyncset.done $0x0  }
0x402: {  	[sflag:s17] =	ssyncadd.s32 $0xFFFFFFA0  }
0x403: {  	_ =	swait.ge [sflag:s17], $0x60  }
0x404: {  	[sflag:s17] =	ssyncset.done $0x0  }
0x405: {  	[sflag:s17] =	ssyncadd.s32 $0xFFFFFFA0  }
0x406: {  	[tilespmem:s3], [sflag:$0x1] =	stream.indirect.gather [hbm4b:s1+s18], $0x80, s21, s18, $0xb8;
	[tilespmem:$0x1F580] =	vst v63  }
0x407: {  	_ =	swait.ge [sflag:s30], $0x3000  }
0x408: {  	[sflag:s30] =	ssyncset.done $0x0  }
0x409: {  	[sflag:s30] =	ssyncadd.s32 $0xFFFFD000  }
0x40a: {  	v2 =	vld [tilespmem:$0x9280];
	_ =	sdelay $0x7  }
0x40b: {  	[tilespmem:v2+s6+$0x0] =	vst.idx.add.f32.msk $0xffff, v1  }
0x40c: {  	v3 =	vld [tilespmem:$0x9290];
	_ =	sdelay $0x6  }
0x40d: {  	[tilespmem:$0x9400] =	vst v2  }
0x40e: {  	[tilespmem:v3+s6+$0x0] =	vst.idx.add.f32.msk $0xffff, v1  }
0x40f: {  	v2 =	vld [tilespmem:$0x92A0];
	_ =	sdelay $0x6  }
0x410: {  	[tilespmem:$0x9410] =	vst v3  }
0x411: {  	[tilespmem:v2+s6+$0x0] =	vst.idx.add.f32.msk $0xffff, v1  }
0x412: {  	v3 =	vld [tilespmem:$0x92B0];
	_ =	sdelay $0x6  }
0x413: {  	[tilespmem:$0x9420] =	vst v2  }
0x414: {  	[tilespmem:v3+s6+$0x0] =	vst.idx.add.f32.msk $0xffff, v1  }
0x415: {  	v2 =	vld [tilespmem:$0x92C0];
	_ =	sdelay $0x6  }
0x416: {  	[tilespmem:$0x9430] =	vst v3  }
0x417: {  	[tilespmem:v2+s6+$0x0] =	vst.idx.add.f32.msk $0xffff, v1  }
0x418: {  	v3 =	vld [tilespmem:$0x92D0];
	_ =	sdelay $0x6  }
0x419: {  	[tilespmem:$0x9440] =	vst v2  }
0x41a: {  	[tilespmem:v3+s6+$0x0] =	vst.idx.add.f32.msk $0xffff, v1  }
0x41b: {  	p1 =	seq.s32 s0, $0x4A4;
	[tilespmem:$0x9450] =	vst v3  }
0x41c: {  	[spmem:s2] =	stream.indirect.scatter.add.f32 [tilespmem:s20], [sflag:$0x6], $0x80, s11, s18, $0xb8;
	[tilespmem:$0x1F580] =	vst v63  }
0x41d: {  	s10 =	simm.s32 @!p1 $0x0;
	s9 =	sadd.s32 @!p1 s0, s31;
	s11 =	simm.s32 @!p1 $0x9100  }
0x41e: {  	[tilespmem:s11], [sflag:$0x9] =	stream.linear.gather @!p1 [hbm4b:s9+s10], $0x60, $0x38;
	[tilespmem:$0x1F580] =	vst v63  }
0x41f: {  	s9 =	sadd.s32 @!p1 s0, s19;
	s0 =	sadd.s32 @!p1 $0x24, s0  }
0x420: {  	p2 =	sne.s32 @!p1 s0, $0x4C8  }
0x421: {  	p2 =	por p1, !p2  }
.Ltmp5:
0x422: {  	_ = 	snop;
	(pc) =	sbr.rel @!p2 .LBB2_12-.Ltmp5, $4  }
0x423: {  	_ = 	snop  }
0x424: {  	s11 =	simm.s32 @!p1 $0x9280  }
0x425: {  	[tilespmem:s11], [sflag:$0x9] =	stream.linear.gather @!p1 [hbm4b:s9+s10], $0x60, $0x38;
	[tilespmem:$0x1F580] =	vst v63  }
0x426: {  	s4 =	sadd.s32 @!p1 $0x120, s4;
	s11 =	simm.s32 $0x9400  }
0x427: {  	s4 =	simm.s32 $0x5  }
0x428: {  	_ =	swait.ge [sflag:s4], $0x3000  }
0x429: {  	[sflag:s4] =	ssyncset.done $0x0  }
0x42a: {  	[sflag:s4] =	ssyncadd.s32 $0xFFFFD000  }
0x42b: {  	_ =	swait.ge [sflag:s23], $0x60  }
0x42c: {  	[sflag:s23] =	ssyncset.done $0x0  }
0x42d: {  	[sflag:s23] =	ssyncadd.s32 $0xFFFFFFA0  }
0x42e: {  	_ =	swait.ge [sflag:s23], $0x60  }
0x42f: {  	[sflag:s23] =	ssyncset.done $0x0  }
0x430: {  	[sflag:s23] =	ssyncadd.s32 $0xFFFFFFA0  }
0x431: {  	[tilespmem:s25], [sflag:$0x2] =	stream.indirect.gather [hbm4b:s1+s18], $0x80, s8, s18, $0xb8;
	[tilespmem:$0x1F580] =	vst v63  }
0x432: {  	_ =	swait.ge [sflag:s5], $0x3000  }
0x433: {  	[sflag:s5] =	ssyncset.done $0x0  }
0x434: {  	[sflag:s5] =	ssyncadd.s32 $0xFFFFD000  }
0x435: {  	v2 =	vld [tilespmem:$0x9180];
	_ =	sdelay $0x7  }
0x436: {  	[tilespmem:v2+s6+$0x0] =	vst.idx.add.f32.msk $0xffff, v1  }
0x437: {  	v3 =	vld [tilespmem:$0x9190];
	_ =	sdelay $0x6  }
0x438: {  	[tilespmem:$0x9300] =	vst v2  }
0x439: {  	[tilespmem:v3+s6+$0x0] =	vst.idx.add.f32.msk $0xffff, v1  }
0x43a: {  	v2 =	vld [tilespmem:$0x91A0];
	_ =	sdelay $0x6  }
0x43b: {  	[tilespmem:$0x9310] =	vst v3  }
0x43c: {  	[tilespmem:v2+s6+$0x0] =	vst.idx.add.f32.msk $0xffff, v1  }
0x43d: {  	v3 =	vld [tilespmem:$0x91B0];
	_ =	sdelay $0x6  }
0x43e: {  	[tilespmem:$0x9320] =	vst v2  }
0x43f: {  	[tilespmem:v3+s6+$0x0] =	vst.idx.add.f32.msk $0xffff, v1  }
0x440: {  	v2 =	vld [tilespmem:$0x91C0];
	_ =	sdelay $0x6  }
0x441: {  	[tilespmem:$0x9330] =	vst v3  }
0x442: {  	[tilespmem:v2+s6+$0x0] =	vst.idx.add.f32.msk $0xffff, v1  }
0x443: {  	v3 =	vld [tilespmem:$0x91D0];
	_ =	sdelay $0x6  }
0x444: {  	[tilespmem:$0x9340] =	vst v2  }
0x445: {  	[tilespmem:v3+s6+$0x0] =	vst.idx.add.f32.msk $0xffff, v1  }
0x446: {  	s0 =	simm.s32 $0x9300;
	s7 =	simm.s32 $0x6;
	[tilespmem:$0x9350] =	vst v3  }
0x447: {  	[spmem:s2] =	stream.indirect.scatter.add.f32 [tilespmem:s3], [sflag:$0x4], $0x80, s0, s18, $0xb8;
	[tilespmem:$0x1F580] =	vst v63  }
0x448: {  	_ =	swait.ge [sflag:s7], $0x3000  }
0x449: {  	[sflag:s7] =	ssyncset.done $0x0  }
0x44a: {  	[sflag:s7] =	ssyncadd.s32 $0xFFFFD000  }
0x44b: {  	_ =	swait.ge [sflag:s26], $0x3000  }
0x44c: {  	[sflag:s26] =	ssyncset.done $0x0  }
0x44d: {  	[sflag:s26] =	ssyncadd.s32 $0xFFFFD000  }
0x44e: {  	v2 =	vld [tilespmem:$0x9200];
	_ =	sdelay $0x7  }
0x44f: {  	[tilespmem:v2+s6+$0x0] =	vst.idx.add.f32.msk $0xffff, v1  }
0x450: {  	v3 =	vld [tilespmem:$0x9210];
	_ =	sdelay $0x6  }
0x451: {  	[tilespmem:$0x9380] =	vst v2  }
0x452: {  	[tilespmem:v3+s6+$0x0] =	vst.idx.add.f32.msk $0xffff, v1  }
0x453: {  	v2 =	vld [tilespmem:$0x9220];
	_ =	sdelay $0x6  }
0x454: {  	[tilespmem:$0x9390] =	vst v3  }
0x455: {  	[tilespmem:v2+s6+$0x0] =	vst.idx.add.f32.msk $0xffff, v1  }
0x456: {  	v3 =	vld [tilespmem:$0x9230];
	_ =	sdelay $0x6  }
0x457: {  	[tilespmem:$0x93A0] =	vst v2  }
0x458: {  	[tilespmem:v3+s6+$0x0] =	vst.idx.add.f32.msk $0xffff, v1  }
0x459: {  	v2 =	vld [tilespmem:$0x9240];
	_ =	sdelay $0x6  }
0x45a: {  	[tilespmem:$0x93B0] =	vst v3  }
0x45b: {  	[tilespmem:v2+s6+$0x0] =	vst.idx.add.f32.msk $0xffff, v1  }
0x45c: {  	v3 =	vld [tilespmem:$0x9250];
	_ =	sdelay $0x6  }
0x45d: {  	[tilespmem:$0x93C0] =	vst v2  }
0x45e: {  	[tilespmem:v3+s6+$0x0] =	vst.idx.add.f32.msk $0xffff, v1  }
0x45f: {  	s22 =	simm.s32 $0x9380;
	[tilespmem:$0x93D0] =	vst v3  }
0x460: {  	[spmem:s2] =	stream.indirect.scatter.add.f32 [tilespmem:s25], [sflag:$0x5], $0x80, s22, s18, $0xb8;
	[tilespmem:$0x1F580] =	vst v63  }
0x461: {  	_ =	swait.ge [sflag:s29], $0x3000  }
0x462: {  	s28 =	sld [smem:$0x79B]  }
0x463: {  	[sflag:s29] =	ssyncset.done $0x0  }
0x464: {  	s10 =	simm.s32 $0x9480;
	s12 =	simm.s32 $0xB;
	[sflag:s29] =	ssyncadd.s32 $0xFFFFD000  }
0x465: {  	[tilespmem:s10], [sflag:$0xB] =	stream.linear.gather [hbm4b:s28+s3], $0x10, $0x38;
	[tilespmem:$0x1F580] =	vst v63  }
0x466: {  	_ =	swait.ge [sflag:s12], $0x10  }
0x467: {  	s31 =	sld [smem:$0x79E]  }
0x468: {  	[sflag:s12] =	ssyncset.done $0x0  }
0x469: {  	s15 =	simm.s32 $0x9500;
	[sflag:s12] =	ssyncadd.s32 $0xFFFFFFF0  }
0x46a: {  	[tilespmem:s15], [sflag:$0xB] =	stream.linear.gather [hbm4b:s31+s3], $0x10, $0x38;
	[tilespmem:$0x1F580] =	vst v63  }
0x46b: {  	_ =	swait.ge [sflag:s12], $0x10  }
0x46c: {  	[sflag:s12] =	ssyncset.done $0x0  }
0x46d: {  	s8 =	simm.s32 $0x10;
	[sflag:s12] =	ssyncadd.s32 $0xFFFFFFF0  }
0x46e: {  	[tilespmem:s20], [sflag:$0x3] =	stream.indirect.gather [hbm4b:s1+s8], $0x80, s10, s8, $0xb8;
	[tilespmem:$0x1F580] =	vst v63  }
0x46f: {  	_ =	swait.ge [sflag:s30], $0x800  }
0x470: {  	[sflag:s30] =	ssyncset.done $0x0  }
0x471: {  	[sflag:s30] =	ssyncadd.s32 $0xFFFFF800  }
0x472: {  	v2 =	vld [tilespmem:$0x9500];
	_ =	sdelay $0x7  }
0x473: {  	[tilespmem:v2+s6+$0x0] =	vst.idx.add.f32.msk $0xffff, v1  }
0x474: {  	[spmem:s2] =	stream.indirect.scatter.add.f32 [tilespmem:s20], [sflag:$0x6], $0x80, s15, s8, $0xb8;
	[tilespmem:$0x1F580] =	vst v63  }
0x475: {  	_ =	swait.ge [sflag:s4], $0x3000  }
0x476: {  	[sflag:s4] =	ssyncset.done $0x0  }
0x477: {  	[sflag:s4] =	ssyncadd.s32 $0xFFFFD000  }
0x478: {  	_ =	swait.ge [sflag:s7], $0x800  }
0x479: {  	[sflag:s7] =	ssyncset.done $0x0  }
0x47a: {  	[sflag:s7] =	ssyncadd.s32 $0xFFFFF800  }
0x47b: {  	[bflag:$0x0] =	sbarrier.arrive $0xFFFF  }
0x47c: {  	s12 =	sld [smem:$0x7F8]  }
0x47d: {  	s4 =	sld [smem:$0x798]  }
0x47e: {  	s14 =	sld [smem:$0x797];
	_ =	sdelay $0x2  }
0x47f: {  	[hbm:s12], [sflag:s4] =	dma.local [spmem:s14], $0x1900  }
0x480: {  	s0 =	sld [smem:$0x7F9]  }
0x481: {  	s7 =	sld [smem:$0x799];
	_ =	sdelay $0x2  }
0x482: {  	[hbm:s0], [sflag:s4] =	dma.local @!p0 [spmem:s7], $0x1900  }
0x483: {  	s0 =	sld [smem:$0x7D0];
	_ =	sdelay $0x1  }
0x484: {  	s15 =	sld [smem:$0x7D1]  }
0x485: {  	[hbm4b:s0+s3] =	stream.linear.scatter [tilespmem:s6], [sflag:$0xA], $0x190, $0x38;
	[tilespmem:$0x1F580] =	vst v63  }
0x486: {  	s19 =	simm.s32 $0x9710;
	s20 =	sld [smem:$0x7D2]  }
0x487: {  	[hbm4b:s15+s3] =	stream.linear.scatter [tilespmem:s19], [sflag:$0xA], $0x190, $0x38;
	[tilespmem:$0x1F580] =	vst v63  }
0x488: {  	s21 =	simm.s32 $0x98A0;
	s22 =	sld [smem:$0x7D3]  }
0x489: {  	[hbm4b:s20+s3] =	stream.linear.scatter [tilespmem:s21], [sflag:$0xA], $0x190, $0x38;
	[tilespmem:$0x1F580] =	vst v63  }
0x48a: {  	s25 =	simm.s32 $0x9A30;
	s28 =	sld [smem:$0x7D4]  }
0x48b: {  	[hbm4b:s22+s3] =	stream.linear.scatter [tilespmem:s25], [sflag:$0xA], $0x190, $0x38;
	[tilespmem:$0x1F580] =	vst v63  }
0x48c: {  	s31 =	simm.s32 $0x9BC0;
	s4 =	sld [smem:$0x7D5]  }
0x48d: {  	[hbm4b:s28+s3] =	stream.linear.scatter [tilespmem:s31], [sflag:$0xA], $0x190, $0x38;
	[tilespmem:$0x1F580] =	vst v63  }
0x48e: {  	s7 =	simm.s32 $0x9D50;
	s8 =	sld [smem:$0x7D6]  }
0x48f: {  	[hbm4b:s4+s3] =	stream.linear.scatter [tilespmem:s7], [sflag:$0xA], $0x190, $0x38;
	[tilespmem:$0x1F580] =	vst v63  }
0x490: {  	s10 =	simm.s32 $0x9EE0;
	s12 =	sld [smem:$0x7D7]  }
0x491: {  	[hbm4b:s8+s3] =	stream.linear.scatter [tilespmem:s10], [sflag:$0xA], $0x190, $0x38;
	[tilespmem:$0x1F580] =	vst v63  }
0x492: {  	s14 =	simm.s32 $0xA070;
	s15 =	sld [smem:$0x7D8]  }
0x493: {  	[hbm4b:s12+s3] =	stream.linear.scatter [tilespmem:s14], [sflag:$0xA], $0x190, $0x38;
	[tilespmem:$0x1F580] =	vst v63  }
0x494: {  	s19 =	simm.s32 $0xA200;
	s20 =	sld [smem:$0x7D9]  }
0x495: {  	[hbm4b:s15+s3] =	stream.linear.scatter [tilespmem:s19], [sflag:$0xA], $0x190, $0x38;
	[tilespmem:$0x1F580] =	vst v63  }
0x496: {  	s21 =	simm.s32 $0xA390;
	s22 =	sld [smem:$0x7DA]  }
0x497: {  	[hbm4b:s20+s3] =	stream.linear.scatter [tilespmem:s21], [sflag:$0xA], $0x190, $0x38;
	[tilespmem:$0x1F580] =	vst v63  }
0x498: {  	s25 =	simm.s32 $0xA520;
	s28 =	sld [smem:$0x7DB]  }
0x499: {  	[hbm4b:s22+s3] =	stream.linear.scatter [tilespmem:s25], [sflag:$0xA], $0x190, $0x38;
	[tilespmem:$0x1F580] =	vst v63  }
0x49a: {  	s31 =	simm.s32 $0xA6B0;
	s4 =	sld [smem:$0x7DC]  }
0x49b: {  	[hbm4b:s28+s3] =	stream.linear.scatter [tilespmem:s31], [sflag:$0xA], $0x190, $0x38;
	[tilespmem:$0x1F580] =	vst v63  }
0x49c: {  	s7 =	simm.s32 $0xA840;
	s8 =	sld [smem:$0x7DD]  }
0x49d: {  	[hbm4b:s4+s3] =	stream.linear.scatter [tilespmem:s7], [sflag:$0xA], $0x190, $0x38;
	[tilespmem:$0x1F580] =	vst v63  }
0x49e: {  	s10 =	simm.s32 $0xA9D0;
	s12 =	sld [smem:$0x7DE]  }
0x49f: {  	[hbm4b:s8+s3] =	stream.linear.scatter [tilespmem:s10], [sflag:$0xA], $0x190, $0x38;
	[tilespmem:$0x1F580] =	vst v63  }
0x4a0: {  	s14 =	simm.s32 $0xAB60;
	s15 =	sld [smem:$0x7DF]  }
0x4a1: {  	[hbm4b:s12+s3] =	stream.linear.scatter [tilespmem:s14], [sflag:$0xA], $0x190, $0x38;
	[tilespmem:$0x1F580] =	vst v63  }
0x4a2: {  	s19 =	simm.s32 $0xACF0;
	s20 =	sld [smem:$0x7E0]  }
0x4a3: {  	[hbm4b:s15+s3] =	stream.linear.scatter [tilespmem:s19], [sflag:$0xA], $0x190, $0x38;
	[tilespmem:$0x1F580] =	vst v63  }
0x4a4: {  	s21 =	simm.s32 $0xAE80;
	s22 =	sld [smem:$0x7E1]  }
0x4a5: {  	[hbm4b:s20+s3] =	stream.linear.scatter [tilespmem:s21], [sflag:$0xA], $0x190, $0x38;
	[tilespmem:$0x1F580] =	vst v63  }
0x4a6: {  	s25 =	simm.s32 $0xB010;
	s28 =	sld [smem:$0x7E2]  }
0x4a7: {  	[hbm4b:s22+s3] =	stream.linear.scatter [tilespmem:s25], [sflag:$0xA], $0x190, $0x38;
	[tilespmem:$0x1F580] =	vst v63  }
0x4a8: {  	s31 =	simm.s32 $0xB1A0;
	s7 =	sld [smem:$0x7E3]  }
0x4a9: {  	[hbm4b:s28+s3] =	stream.linear.scatter [tilespmem:s31], [sflag:$0xA], $0x190, $0x38;
	[tilespmem:$0x1F580] =	vst v63  }
0x4aa: {  	s8 =	simm.s32 $0xB330;
	s10 =	sld [smem:$0x7E4]  }
0x4ab: {  	[hbm4b:s7+s3] =	stream.linear.scatter [tilespmem:s8], [sflag:$0xA], $0x190, $0x38;
	[tilespmem:$0x1F580] =	vst v63  }
0x4ac: {  	s12 =	simm.s32 $0xB4C0;
	s14 =	sld [smem:$0x7E5]  }
0x4ad: {  	[hbm4b:s10+s3] =	stream.linear.scatter [tilespmem:s12], [sflag:$0xA], $0x190, $0x38;
	[tilespmem:$0x1F580] =	vst v63  }
0x4ae: {  	s15 =	simm.s32 $0xB650;
	s19 =	sld [smem:$0x7E6]  }
0x4af: {  	[hbm4b:s14+s3] =	stream.linear.scatter [tilespmem:s15], [sflag:$0xA], $0x190, $0x38;
	[tilespmem:$0x1F580] =	vst v63  }
0x4b0: {  	s20 =	simm.s32 $0xB7E0;
	s21 =	sld [smem:$0x7E7]  }
0x4b1: {  	[hbm4b:s19+s3] =	stream.linear.scatter [tilespmem:s20], [sflag:$0xA], $0x190, $0x38;
	[tilespmem:$0x1F580] =	vst v63  }
0x4b2: {  	s22 =	simm.s32 $0xB970;
	s25 =	sld [smem:$0x7E8]  }
0x4b3: {  	[hbm4b:s21+s3] =	stream.linear.scatter [tilespmem:s22], [sflag:$0xA], $0x190, $0x38;
	[tilespmem:$0x1F580] =	vst v63  }
0x4b4: {  	s28 =	simm.s32 $0xBB00  }
0x4b5: {  	[hbm4b:s25+s3] =	stream.linear.scatter [tilespmem:s28], [sflag:$0xA], $0x190, $0x38;
	[tilespmem:$0x1F580] =	vst v63  }
0x4b6: {  	_ =	swait.ge [sflag:s16], $0x1900  }
0x4b7: {  	[sflag:s16] =	ssyncset.done $0x0  }
0x4b8: {  	s0 =	simm.s32 @!p0 $0xA;
	[sflag:s16] =	ssyncadd.s32 $0xFFFFE700  }
0x4b9: {  	_ =	swait.ge @!p0 [sflag:s0], $0x1900  }
0x4ba: {  	[sflag:s0] =	ssyncset.done @!p0 $0x0  }
0x4bb: {  	[sflag:s0] =	ssyncadd.s32 @!p0 $0xFFFFE700  }
0x4bc: {  	_ =	swait.ge [sflag:s16], $0x190  }
0x4bd: {  	[sflag:s16] =	ssyncset.done $0x0  }
0x4be: {  	[sflag:s16] =	ssyncadd.s32 $0xFFFFFE70  }
0x4bf: {  	_ =	swait.ge [sflag:s16], $0x190  }
0x4c0: {  	[sflag:s16] =	ssyncset.done $0x0  }
0x4c1: {  	[sflag:s16] =	ssyncadd.s32 $0xFFFFFE70  }
0x4c2: {  	_ =	swait.ge [sflag:s16], $0x190  }
0x4c3: {  	[sflag:s16] =	ssyncset.done $0x0  }
0x4c4: {  	[sflag:s16] =	ssyncadd.s32 $0xFFFFFE70  }
0x4c5: {  	_ =	swait.ge [sflag:s16], $0x190  }
0x4c6: {  	[sflag:s16] =	ssyncset.done $0x0  }
0x4c7: {  	[sflag:s16] =	ssyncadd.s32 $0xFFFFFE70  }
0x4c8: {  	_ =	swait.ge [sflag:s16], $0x190  }
0x4c9: {  	[sflag:s16] =	ssyncset.done $0x0  }
0x4ca: {  	[sflag:s16] =	ssyncadd.s32 $0xFFFFFE70  }
0x4cb: {  	_ =	swait.ge [sflag:s16], $0x190  }
0x4cc: {  	[sflag:s16] =	ssyncset.done $0x0  }
0x4cd: {  	[sflag:s16] =	ssyncadd.s32 $0xFFFFFE70  }
0x4ce: {  	_ =	swait.ge [sflag:s16], $0x190  }
0x4cf: {  	[sflag:s16] =	ssyncset.done $0x0  }
0x4d0: {  	[sflag:s16] =	ssyncadd.s32 $0xFFFFFE70  }
0x4d1: {  	_ =	swait.ge [sflag:s16], $0x190  }
0x4d2: {  	[sflag:s16] =	ssyncset.done $0x0  }
0x4d3: {  	[sflag:s16] =	ssyncadd.s32 $0xFFFFFE70  }
0x4d4: {  	_ =	swait.ge [sflag:s16], $0x190  }
0x4d5: {  	[sflag:s16] =	ssyncset.done $0x0  }
0x4d6: {  	[sflag:s16] =	ssyncadd.s32 $0xFFFFFE70  }
0x4d7: {  	_ =	swait.ge [sflag:s16], $0x190  }
0x4d8: {  	[sflag:s16] =	ssyncset.done $0x0  }
0x4d9: {  	[sflag:s16] =	ssyncadd.s32 $0xFFFFFE70  }
0x4da: {  	_ =	swait.ge [sflag:s16], $0x190  }
0x4db: {  	[sflag:s16] =	ssyncset.done $0x0  }
0x4dc: {  	[sflag:s16] =	ssyncadd.s32 $0xFFFFFE70  }
0x4dd: {  	_ =	swait.ge [sflag:s16], $0x190  }
0x4de: {  	[sflag:s16] =	ssyncset.done $0x0  }
0x4df: {  	[sflag:s16] =	ssyncadd.s32 $0xFFFFFE70  }
0x4e0: {  	_ =	swait.ge [sflag:s16], $0x190  }
0x4e1: {  	[sflag:s16] =	ssyncset.done $0x0  }
0x4e2: {  	[sflag:s16] =	ssyncadd.s32 $0xFFFFFE70  }
0x4e3: {  	_ =	swait.ge [sflag:s16], $0x190  }
0x4e4: {  	[sflag:s16] =	ssyncset.done $0x0  }
0x4e5: {  	[sflag:s16] =	ssyncadd.s32 $0xFFFFFE70  }
0x4e6: {  	_ =	swait.ge [sflag:s16], $0x190  }
0x4e7: {  	[sflag:s16] =	ssyncset.done $0x0  }
0x4e8: {  	[sflag:s16] =	ssyncadd.s32 $0xFFFFFE70  }
0x4e9: {  	_ =	swait.ge [sflag:s16], $0x190  }
0x4ea: {  	[sflag:s16] =	ssyncset.done $0x0  }
0x4eb: {  	[sflag:s16] =	ssyncadd.s32 $0xFFFFFE70  }
0x4ec: {  	_ =	swait.ge [sflag:s16], $0x190  }
0x4ed: {  	[sflag:s16] =	ssyncset.done $0x0  }
0x4ee: {  	[sflag:s16] =	ssyncadd.s32 $0xFFFFFE70  }
0x4ef: {  	_ =	swait.ge [sflag:s16], $0x190  }
0x4f0: {  	[sflag:s16] =	ssyncset.done $0x0  }
0x4f1: {  	[sflag:s16] =	ssyncadd.s32 $0xFFFFFE70  }
0x4f2: {  	_ =	swait.ge [sflag:s16], $0x190  }
0x4f3: {  	[sflag:s16] =	ssyncset.done $0x0  }
0x4f4: {  	[sflag:s16] =	ssyncadd.s32 $0xFFFFFE70  }
0x4f5: {  	_ =	swait.ge [sflag:s16], $0x190  }
0x4f6: {  	[sflag:s16] =	ssyncset.done $0x0  }
0x4f7: {  	[sflag:s16] =	ssyncadd.s32 $0xFFFFFE70  }
0x4f8: {  	_ =	swait.ge [sflag:s16], $0x190  }
0x4f9: {  	[sflag:s16] =	ssyncset.done $0x0  }
0x4fa: {  	[sflag:s16] =	ssyncadd.s32 $0xFFFFFE70  }
0x4fb: {  	_ =	swait.ge [sflag:s16], $0x190  }
0x4fc: {  	[sflag:s16] =	ssyncset.done $0x0  }
0x4fd: {  	[sflag:s16] =	ssyncadd.s32 $0xFFFFFE70  }
0x4fe: {  	_ =	swait.ge [sflag:s16], $0x190  }
0x4ff: {  	[sflag:s16] =	ssyncset.done $0x0  }
0x500: {  	[sflag:s16] =	ssyncadd.s32 $0xFFFFFE70  }
0x501: {  	_ =	swait.ge [sflag:s16], $0x190  }
0x502: {  	[sflag:s16] =	ssyncset.done $0x0  }
0x503: {  	[sflag:s16] =	ssyncadd.s32 $0xFFFFFE70  }
0x504: {  	_ =	swait.ge [sflag:s16], $0x190  }
0x505: {  	s22 =	sld [smem:$0x796]  }
0x506: {  	s31 =	sld [smem:$0x7E9];
	_ =	sdelay $0x1  }
0x507: {  	s22 =	sadd.s32 $0x1, s22  }
0x508: {  	p1 =	sne.s32 s22, s31  }
.Ltmp6:
0x509: {  	_ = 	snop;
	(pc) =	sbr.rel @p1 .LBB2_1-.Ltmp6, $4  }
0x50a: {  	s9 =	simm.s32 $0x9100;
	s4 =	simm.s32 $0x9180;
	s7 =	simm.s32 $0x9200  }
0x50b: {  	s8 =	simm.s32 $0x3000;
	s10 =	smov.u32 s13;
	s12 =	simm.s32 $0x9300  }
0x50c: {  	s20 =	simm.s32 $0x9380;
	s19 =	simm.s32 $0x9000;
	[sflag:s16] =	ssyncset.done $0x0  }
0x50d: {  	s21 =	simm.s32 $0x9080;
	s25 =	simm.s32 $0x6000;
	[sflag:s16] =	ssyncadd.s32 $0xFFFFFE70  }
0x50e: {  	_ =	sfence.sel $0x180000  }
0x50f: {  	[bflag:$0x0] =	sbarrier.arrive $0xFFFF  }
0x510: {  	_ =	strace $0x90000047  }
0x511: {  	s0 =	stileid.u32;
	[bflag:$0x2] =	sbarrier.arrive $0xFFFF  }
0x512: {  	p0 =	sne.s32 s0, $0x0;
	s0 =	rddreg [dreg:$0x4]  }
0x513: {  	s0 =	sadd.s32 @!p0 $0x100000, s0  }
0x514: {  	[sflag:s0] =	ssyncadd.tile.s32 @!p0 $0x1;
	_ =	shalt  }
.Lfunc_end2:
_tile_overlayer_lowered:
.L_overlay_start_2:
0x515: {  	(tag) =	ssettag $0x2  }
0x516: {  	s0 =	rddreg [dreg:$0x0];
	s2 =	stileid.u32  }
0x517: {  	s1 =	rddreg [dreg:$0x1];
	p0 =	sne.s32 s2, $0x0  }
0x518: {  	s3 =	rddreg [dreg:$0x2];
	[bflag:$0x3] =	sbarrier.arrive $0xFFFF;
	s2 =	simm.s32 @!p0 $0x1C0B  }
0x519: {  	[timem:s3], [sflag:s2] =	dma.local @!p0 [hbm:s0], s1  }
0x51a: {  	s0 =	simm.s32 @!p0 $0xB  }
0x51b: {  	_ =	swait.ge @!p0 [sflag:s0], s1  }
0x51c: {  	s1 =	ssub.s32 @!p0 $0x0, s1;
	[sflag:s0] =	ssyncset.done @!p0 $0x0  }
0x51d: {  	[sflag:s0] =	ssyncadd.s32 @!p0 s1  }
0x51e: {  	[bflag:$0x3] =	sbarrier.arrive $0xFFFF  }
0x51f: {  	_ =	shalt  }

</sc_bundles>
